<compile_context>
chip_gen: v7x
topology: tpu7x:2x2x1
jax: 0.10.2.dev20260603
libtpu: 0.0.44.dev20260713+nightly
codegen_flags: <defaults>
</compile_context>

<pallas_src>
import functools

import jax
import jax.numpy as jnp
from jax import lax
from jax.experimental import pallas as pl
from jax.experimental.pallas import tpu as pltpu
from jax.experimental.pallas import tpu_sc as plsc

NC, NS = 2, 16
CHUNK = 128
SPLIT = 4
SUB = CHUNK // SPLIT
NBUF = 8
KFAST = 152
KSLOW = 8
FAST_C = 0
STAGE = 40
ROW_BLK = 400


def _sc_segment_sum(x, src_r, dst_r, n_pad, d):
    rows_per_sub = n_pad // NS
    mesh = plsc.VectorSubcoreMesh(core_axis_name="c", subcore_axis_name="s")

    @functools.partial(
        pl.kernel,
        out_type=jax.ShapeDtypeStruct((NC, n_pad, d), jnp.float32),
        mesh=mesh,
        scratch_types=(
            [pltpu.VMEM((STAGE, CHUNK), jnp.int32)] * 2
            + [pltpu.VMEM((SUB, d), jnp.float32)] * NBUF
            + [pltpu.VMEM_SHARED((n_pad, d), jnp.float32)]
            + [pltpu.SemaphoreType.DMA] * NBUF
        ),
    )
    def body(x_hbm, zeros_hbm, src_hbm, dst_hbm, out_hbm, *scr):
        src_v, dst_v = scr[0], scr[1]
        bufs = scr[2:2 + NBUF]
        agg_sh = scr[2 + NBUF]
        sems = scr[3 + NBUF:]
        c = lax.axis_index("c")
        s = lax.axis_index("s")
        base = s * rows_per_sub

        pltpu.sync_copy(zeros_hbm.at[pl.ds(base, rows_per_sub)],
                        agg_sh.at[pl.ds(base, rows_per_sub)])
        plsc.subcore_barrier()

        def edge_pass(row0, nch):
            if nch == 0:
                return
            offs = []
            o = 0
            while o < nch:
                offs.append((o, min(STAGE, nch - o)))
                o += STAGE
            for off, ph in offs:
                nsub = ph * SPLIT
                pltpu.sync_copy(src_hbm.at[pl.ds(row0 + off, ph)],
                                src_v.at[pl.ds(0, ph)])
                pltpu.sync_copy(dst_hbm.at[pl.ds(row0 + off, ph)],
                                dst_v.at[pl.ds(0, ph)])
                for b in range(NBUF):
                    pltpu.async_copy(
                        x_hbm.at[src_v.at[b // SPLIT, pl.ds((b % SPLIT) * SUB, SUB)]],
                        bufs[b], sems[b])

                def step(i, _):
                    for b in range(NBUF):
                        row = (NBUF // SPLIT) * i + b // SPLIT
                        col = (b % SPLIT) * SUB
                        pltpu.make_async_copy(
                            x_hbm.at[src_v.at[row, pl.ds(col, SUB)]],
                            bufs[b], sems[b]).wait()
                        pltpu.sync_copy(
                            bufs[b], agg_sh.at[dst_v.at[row, pl.ds(col, SUB)]],
                            add=True)

                        @pl.when(i < nsub // NBUF - 1)
                        def _():
                            nrow = (NBUF // SPLIT) * (i + 1) + b // SPLIT
                            pltpu.async_copy(
                                x_hbm.at[src_v.at[nrow, pl.ds(col, SUB)]],
                                bufs[b], sems[b])

                    return _

                lax.fori_loop(0, nsub // NBUF, step, None)

        @pl.when(c == FAST_C)
        def _():
            edge_pass(s * KFAST, KFAST)

        @pl.when(c != FAST_C)
        def _():
            edge_pass(NS * KFAST + s * KSLOW, KSLOW)

        plsc.subcore_barrier()

        pltpu.sync_copy(agg_sh.at[pl.ds(base, rows_per_sub)],
                        out_hbm.at[c, pl.ds(base, rows_per_sub)])

    zeros = jnp.zeros((n_pad, d), jnp.float32)
    return body(x, zeros, src_r, dst_r)


def _dot(a, b):
    return jnp.dot(a, b, preferred_element_type=jnp.float32,
                   precision=lax.Precision.HIGHEST)


def _mlp_body(p_ref, x_ref, w1_ref, b1_ref, w2_ref, b2_ref, w3_ref, b3_ref, o_ref):
    d = x_ref.shape[-1]
    agg = p_ref[0] + p_ref[1]
    xb = x_ref[...]
    h = _dot(agg, w1_ref[:d, :]) + _dot(xb, w1_ref[d:, :]) + b1_ref[...]
    h = jnp.maximum(h, 0.0)
    h = jnp.maximum(_dot(h, w2_ref[...]) + b2_ref[...], 0.0)
    o_ref[...] = _dot(h, w3_ref[...]) + b3_ref[...]


def _tc_mlp(partial, x, W1, b1, W2, b2, W3, b3):
    n, d = x.shape
    h1 = W1.shape[1]
    h2 = W2.shape[1]
    nblk = n // ROW_BLK
    return pl.pallas_call(
        _mlp_body,
        grid=(nblk,),
        in_specs=[
            pl.BlockSpec((NC, ROW_BLK, d), lambda i: (0, i, 0)),
            pl.BlockSpec((ROW_BLK, d), lambda i: (i, 0)),
            pl.BlockSpec((2 * d, h1), lambda i: (0, 0)),
            pl.BlockSpec((1, h1), lambda i: (0, 0)),
            pl.BlockSpec((h1, h2), lambda i: (0, 0)),
            pl.BlockSpec((1, h2), lambda i: (0, 0)),
            pl.BlockSpec((h2, d), lambda i: (0, 0)),
            pl.BlockSpec((1, d), lambda i: (0, 0)),
        ],
        out_specs=pl.BlockSpec((ROW_BLK, d), lambda i: (i, 0)),
        out_shape=jax.ShapeDtypeStruct((n, d), jnp.float32),
    )(partial, x, W1, b1.reshape(1, -1), W2, b2.reshape(1, -1),
      W3, b3.reshape(1, -1))


def kernel(node_feature, edge_index, W1, b1, W2, b2, W3, b3):
    n, d = node_feature.shape
    e = edge_index.shape[1]

    nrows = NS * (KFAST + KSLOW)
    e_pad = nrows * CHUNK
    n_pad = -(-(n + 8) // (NS * 8)) * (NS * 8)
    pad = e_pad - e
    src = edge_index[0]
    dst = edge_index[1]
    src_p = jnp.concatenate(
        [src, jnp.zeros((pad,), jnp.int32)]).reshape(nrows, CHUNK)
    dst_pad_vals = n + (jnp.arange(pad, dtype=jnp.int32) % (n_pad - n))
    dst_p = jnp.concatenate([dst, dst_pad_vals]).reshape(nrows, CHUNK)

    partial = _sc_segment_sum(node_feature, src_p, dst_p, n_pad, d)
    return _tc_mlp(partial, node_feature, W1, b1, W2, b2, W3, b3)

# --- scband reference (transcript-rebuilt; emitter-appended) ---
"""Pipeline reference for scband-feed-forward-neighbor-39298950758677 (READ-ONLY COPY).

The authoritative reference and input builder live on the scoring server;
editing this copy changes nothing except your own understanding.
"""

import jax, jax.numpy as jnp
import numpy as np

N, E, D = 10000, 320000, 128
H1, H2 = 128, 128

def setup_inputs(seed: int = 0) -> dict:
    key = jax.random.key(seed)
    ks = jax.random.split(key, 10)
    x = jax.random.normal(ks[0], (N, D), dtype=jnp.float32)
    edge_index = jax.random.randint(ks[1], (2, E), 0, N, dtype=jnp.int32)
    # MLP params: input_dim = (neighbor_degree+1)*model_dim = 2*D; hidden [128,128]; output D
    W1 = jax.random.normal(ks[2], (2 * D, H1), dtype=jnp.float32) * 0.05
    b1 = jnp.zeros((H1,), dtype=jnp.float32)
    W2 = jax.random.normal(ks[3], (H1, H2), dtype=jnp.float32) * 0.05
    b2 = jnp.zeros((H2,), dtype=jnp.float32)
    W3 = jax.random.normal(ks[4], (H2, D), dtype=jnp.float32) * 0.05
    b3 = jnp.zeros((D,), dtype=jnp.float32)
    return {"node_feature": x, "edge_index": edge_index, "W1": W1, "b1": b1, "W2": W2, "b2": b2, "W3": W3, "b3": b3}

def reference(node_feature, edge_index, W1, b1, W2, b2, W3, b3):
    src = edge_index[0]
    dst = edge_index[1]
    # message_function: neighbor_feature = edges.src['node_feature'] (gather)
    msgs = jnp.take(node_feature, src, axis=0)
    # reduce_function: aggregated_message = sum over mailbox (scatter-add / segment_sum)
    agg = jax.ops.segment_sum(msgs, dst, num_segments=node_feature.shape[0])
    # apply_node_function_yes_neighbor: MLP(concat(aggregated_message, node_feature))
    h = jnp.concatenate([agg, node_feature], axis=-1)
    h = jax.nn.relu(jnp.dot(h, W1) + b1)
    h = jax.nn.relu(jnp.dot(h, W2) + b2)
    out = jnp.dot(h, W3) + b3
    return out

if __name__ == "__main__":
    import jax
    _d = setup_inputs()
    print(jax.jit(kernel)(*tuple(_d.values())))

</pallas_src>

<mosaic_0001>
#map = affine_map<(d0, d1) -> (0, 0)>
#map1 = affine_map<(d0, d1) -> (0, 0, 0)>
module attributes {stable_mosaic.version = 14 : i64} {
  func.func @body(%arg0: i32, %arg1: i32, %arg2: memref<10000x128xf32, #tpu.memory_space<hbm>>, %arg3: memref<10112x128xf32, #tpu.memory_space<hbm>>, %arg4: memref<2560x128xi32, #tpu.memory_space<hbm>>, %arg5: memref<2560x128xi32, #tpu.memory_space<hbm>>, %arg6: memref<2x10112x128xf32, #tpu.memory_space<hbm>>, %arg7: memref<40x128xi32, #tpu.memory_space<vmem>>, %arg8: memref<40x128xi32, #tpu.memory_space<vmem>>, %arg9: memref<32x128xf32, #tpu.memory_space<vmem>>, %arg10: memref<32x128xf32, #tpu.memory_space<vmem>>, %arg11: memref<32x128xf32, #tpu.memory_space<vmem>>, %arg12: memref<32x128xf32, #tpu.memory_space<vmem>>, %arg13: memref<32x128xf32, #tpu.memory_space<vmem>>, %arg14: memref<32x128xf32, #tpu.memory_space<vmem>>, %arg15: memref<32x128xf32, #tpu.memory_space<vmem>>, %arg16: memref<32x128xf32, #tpu.memory_space<vmem>>, %arg17: memref<10112x128xf32, #tpu.memory_space<vmem_shared>>, %arg18: memref<!tpu.dma_semaphore, #tpu.memory_space<semaphore_mem>>, %arg19: memref<!tpu.dma_semaphore, #tpu.memory_space<semaphore_mem>>, %arg20: memref<!tpu.dma_semaphore, #tpu.memory_space<semaphore_mem>>, %arg21: memref<!tpu.dma_semaphore, #tpu.memory_space<semaphore_mem>>, %arg22: memref<!tpu.dma_semaphore, #tpu.memory_space<semaphore_mem>>, %arg23: memref<!tpu.dma_semaphore, #tpu.memory_space<semaphore_mem>>, %arg24: memref<!tpu.dma_semaphore, #tpu.memory_space<semaphore_mem>>, %arg25: memref<!tpu.dma_semaphore, #tpu.memory_space<semaphore_mem>>) attributes {dimension_semantics = [#tpu.dimension_semantics<core_parallel>, #tpu.dimension_semantics<subcore_parallel>], iteration_bounds = array<i64: 2, 16>, scalar_prefetch = 0 : i64, scratch_operands = 19 : i64, tpu.core_type = #tpu.core_type<sc_vector_subcore>, window_params = [{transform_indices = #map}, {transform_indices = #map}, {transform_indices = #map}, {transform_indices = #map}, {transform_indices = #map1}]} {
    %mul3A = arith.constant 632 : i32
    %mul3A_0 = arith.muli %arg1, %mul3A : i32
    "tpu.region"() ({
      %run_scoped3A = tpu.sem_alloc : memref<!tpu.dma_semaphore, #tpu.memory_space<semaphore_mem>>
      %dma_start3A = arith.constant 0 : i32
      %dma_start3A_8 = tpu.memref_slice %arg17[%mul3A_0, %dma_start3A] : memref<10112x128xf32, #tpu.memory_space<vmem_shared>> -> memref<632x128xf32, #tpu.memory_space<vmem_shared>>
      %dma_start3A_9 = arith.constant 0 : i32
      %dma_start3A_10 = tpu.memref_slice %arg3[%mul3A_0, %dma_start3A_9] : memref<10112x128xf32, #tpu.memory_space<hbm>> -> memref<632x128xf32, #tpu.memory_space<hbm>>
      tpu.enqueue_dma source(%dma_start3A_10 : memref<632x128xf32, #tpu.memory_space<hbm>>) target(%dma_start3A_8 : memref<632x128xf32, #tpu.memory_space<vmem_shared>>) target_semaphore(%run_scoped3A : memref<!tpu.dma_semaphore, #tpu.memory_space<semaphore_mem>>)
      %dma_wait3A = arith.constant 0 : i32
      %dma_wait3A_11 = tpu.memref_slice %arg17[%mul3A_0, %dma_wait3A] : memref<10112x128xf32, #tpu.memory_space<vmem_shared>> -> memref<632x128xf32, #tpu.memory_space<vmem_shared>>
      %dma_wait3A_12 = arith.constant 0 : i32
      %dma_wait3A_13 = tpu.memref_slice %arg3[%mul3A_0, %dma_wait3A_12] : memref<10112x128xf32, #tpu.memory_space<hbm>> -> memref<632x128xf32, #tpu.memory_space<hbm>>
      tpu.wait_dma2 semaphore(%run_scoped3A : memref<!tpu.dma_semaphore, #tpu.memory_space<semaphore_mem>>) src(%dma_wait3A_13 : memref<632x128xf32, #tpu.memory_space<hbm>>) dst(%dma_wait3A_11 : memref<632x128xf32, #tpu.memory_space<vmem_shared>>)
      tpu.yield
    }) : () -> ()
    %barrier3A = arith.constant 0 : index
    tpu.barrier barrier_id(%barrier3A)
    %eq3A = arith.constant 0 : i32
    %eq3A_1 = arith.cmpi eq, %arg0, %eq3A : i32
    %convert_element_type3A = arith.extui %eq3A_1 : i1 to i32
    %cond3A = arith.constant 0 : i32
    %cond3A_2 = arith.cmpi ne, %convert_element_type3A, %cond3A : i32
    scf.if %cond3A_2 {
      %mul3A_8 = arith.constant 152 : i32
      %mul3A_9 = arith.muli %arg1, %mul3A_8 : i32
      %add3A = arith.constant 0 : i32
      %add3A_10 = arith.addi %mul3A_9, %add3A : i32
      "tpu.region"() ({
        %run_scoped3A = tpu.sem_alloc : memref<!tpu.dma_semaphore, #tpu.memory_space<semaphore_mem>>
        %dma_start3A_267 = arith.constant 0 : i32
        %dma_start3A_268 = arith.constant 0 : i32
        %dma_start3A_269 = tpu.memref_slice %arg7[%dma_start3A_267, %dma_start3A_268] : memref<40x128xi32, #tpu.memory_space<vmem>> -> memref<40x128xi32, #tpu.memory_space<vmem>>
        %dma_start3A_270 = arith.constant 0 : i32
        %dma_start3A_271 = tpu.memref_slice %arg4[%add3A_10, %dma_start3A_270] : memref<2560x128xi32, #tpu.memory_space<hbm>> -> memref<40x128xi32, #tpu.memory_space<hbm>>
        %dma_start3A_272 = arith.constant 0 : i32
        %dma_start3A_273 = arith.constant 0 : i32
        %dma_start3A_274 = tpu.memref_slice %arg7[%dma_start3A_272, %dma_start3A_273] : memref<40x128xi32, #tpu.memory_space<vmem>> -> memref<40x128xi32, #tpu.memory_space<vmem>>
        %dma_start3A_275 = arith.constant 0 : i32
        %dma_start3A_276 = tpu.memref_slice %arg4[%add3A_10, %dma_start3A_275] : memref<2560x128xi32, #tpu.memory_space<hbm>> -> memref<40x128xi32, #tpu.memory_space<hbm>>
        tpu.enqueue_dma source(%dma_start3A_276 : memref<40x128xi32, #tpu.memory_space<hbm>>) target(%dma_start3A_274 : memref<40x128xi32, #tpu.memory_space<vmem>>) target_semaphore(%run_scoped3A : memref<!tpu.dma_semaphore, #tpu.memory_space<semaphore_mem>>)
        %dma_wait3A = arith.constant 0 : i32
        %dma_wait3A_277 = arith.constant 0 : i32
        %dma_wait3A_278 = tpu.memref_slice %arg7[%dma_wait3A, %dma_wait3A_277] : memref<40x128xi32, #tpu.memory_space<vmem>> -> memref<40x128xi32, #tpu.memory_space<vmem>>
        %dma_wait3A_279 = arith.constant 0 : i32
        %dma_wait3A_280 = tpu.memref_slice %arg4[%add3A_10, %dma_wait3A_279] : memref<2560x128xi32, #tpu.memory_space<hbm>> -> memref<40x128xi32, #tpu.memory_space<hbm>>
        %dma_wait3A_281 = arith.constant 0 : i32
        %dma_wait3A_282 = arith.constant 0 : i32
        %dma_wait3A_283 = tpu.memref_slice %arg7[%dma_wait3A_281, %dma_wait3A_282] : memref<40x128xi32, #tpu.memory_space<vmem>> -> memref<40x128xi32, #tpu.memory_space<vmem>>
        %dma_wait3A_284 = arith.constant 0 : i32
        %dma_wait3A_285 = tpu.memref_slice %arg4[%add3A_10, %dma_wait3A_284] : memref<2560x128xi32, #tpu.memory_space<hbm>> -> memref<40x128xi32, #tpu.memory_space<hbm>>
        tpu.wait_dma2 semaphore(%run_scoped3A : memref<!tpu.dma_semaphore, #tpu.memory_space<semaphore_mem>>) src(%dma_wait3A_285 : memref<40x128xi32, #tpu.memory_space<hbm>>) dst(%dma_wait3A_283 : memref<40x128xi32, #tpu.memory_space<vmem>>)
        tpu.yield
      }) : () -> ()
      %add3A_11 = arith.constant 0 : i32
      %add3A_12 = arith.addi %mul3A_9, %add3A_11 : i32
      "tpu.region"() ({
        %run_scoped3A = tpu.sem_alloc : memref<!tpu.dma_semaphore, #tpu.memory_space<semaphore_mem>>
        %dma_start3A_267 = arith.constant 0 : i32
        %dma_start3A_268 = arith.constant 0 : i32
        %dma_start3A_269 = tpu.memref_slice %arg8[%dma_start3A_267, %dma_start3A_268] : memref<40x128xi32, #tpu.memory_space<vmem>> -> memref<40x128xi32, #tpu.memory_space<vmem>>
        %dma_start3A_270 = arith.constant 0 : i32
        %dma_start3A_271 = tpu.memref_slice %arg5[%add3A_12, %dma_start3A_270] : memref<2560x128xi32, #tpu.memory_space<hbm>> -> memref<40x128xi32, #tpu.memory_space<hbm>>
        %dma_start3A_272 = arith.constant 0 : i32
        %dma_start3A_273 = arith.constant 0 : i32
        %dma_start3A_274 = tpu.memref_slice %arg8[%dma_start3A_272, %dma_start3A_273] : memref<40x128xi32, #tpu.memory_space<vmem>> -> memref<40x128xi32, #tpu.memory_space<vmem>>
        %dma_start3A_275 = arith.constant 0 : i32
        %dma_start3A_276 = tpu.memref_slice %arg5[%add3A_12, %dma_start3A_275] : memref<2560x128xi32, #tpu.memory_space<hbm>> -> memref<40x128xi32, #tpu.memory_space<hbm>>
        tpu.enqueue_dma source(%dma_start3A_276 : memref<40x128xi32, #tpu.memory_space<hbm>>) target(%dma_start3A_274 : memref<40x128xi32, #tpu.memory_space<vmem>>) target_semaphore(%run_scoped3A : memref<!tpu.dma_semaphore, #tpu.memory_space<semaphore_mem>>)
        %dma_wait3A = arith.constant 0 : i32
        %dma_wait3A_277 = arith.constant 0 : i32
        %dma_wait3A_278 = tpu.memref_slice %arg8[%dma_wait3A, %dma_wait3A_277] : memref<40x128xi32, #tpu.memory_space<vmem>> -> memref<40x128xi32, #tpu.memory_space<vmem>>
        %dma_wait3A_279 = arith.constant 0 : i32
        %dma_wait3A_280 = tpu.memref_slice %arg5[%add3A_12, %dma_wait3A_279] : memref<2560x128xi32, #tpu.memory_space<hbm>> -> memref<40x128xi32, #tpu.memory_space<hbm>>
        %dma_wait3A_281 = arith.constant 0 : i32
        %dma_wait3A_282 = arith.constant 0 : i32
        %dma_wait3A_283 = tpu.memref_slice %arg8[%dma_wait3A_281, %dma_wait3A_282] : memref<40x128xi32, #tpu.memory_space<vmem>> -> memref<40x128xi32, #tpu.memory_space<vmem>>
        %dma_wait3A_284 = arith.constant 0 : i32
        %dma_wait3A_285 = tpu.memref_slice %arg5[%add3A_12, %dma_wait3A_284] : memref<2560x128xi32, #tpu.memory_space<hbm>> -> memref<40x128xi32, #tpu.memory_space<hbm>>
        tpu.wait_dma2 semaphore(%run_scoped3A : memref<!tpu.dma_semaphore, #tpu.memory_space<semaphore_mem>>) src(%dma_wait3A_285 : memref<40x128xi32, #tpu.memory_space<hbm>>) dst(%dma_wait3A_283 : memref<40x128xi32, #tpu.memory_space<vmem>>)
        tpu.yield
      }) : () -> ()
      %dma_start3A = arith.constant 0 : i32
      %dma_start3A_13 = arith.constant 0 : i32
      %dma_start3A_14 = tpu.memref_slice %arg7[%dma_start3A, %dma_start3A_13] : memref<40x128xi32, #tpu.memory_space<vmem>> -> memref<1x32xi32, #tpu.memory_space<vmem>>
      %dma_start3A_15 = tpu.memref_squeeze %dma_start3A_14 : memref<1x32xi32, #tpu.memory_space<vmem>> -> memref<32xi32, #tpu.memory_space<vmem>>
      %dma_start3A_16 = arith.constant 0 : i32
      %dma_start3A_17 = arith.constant 0 : i32
      %dma_start3A_18 = tpu.memref_slice %arg2[%dma_start3A_16, %dma_start3A_17] : memref<10000x128xf32, #tpu.memory_space<hbm>> -> memref<10000x128xf32, #tpu.memory_space<hbm>>
      tpu.enqueue_indirect_dma source(%dma_start3A_18 : memref<10000x128xf32, #tpu.memory_space<hbm>>) target(%arg9 : memref<32x128xf32, #tpu.memory_space<vmem>>) offsets(%dma_start3A_15 : memref<32xi32, #tpu.memory_space<vmem>>) semaphore(%arg18 : memref<!tpu.dma_semaphore, #tpu.memory_space<semaphore_mem>>)
      %dma_start3A_19 = arith.constant 0 : i32
      %dma_start3A_20 = arith.constant 32 : i32
      %dma_start3A_21 = tpu.memref_slice %arg7[%dma_start3A_19, %dma_start3A_20] : memref<40x128xi32, #tpu.memory_space<vmem>> -> memref<1x32xi32, #tpu.memory_space<vmem>>
      %dma_start3A_22 = tpu.memref_squeeze %dma_start3A_21 : memref<1x32xi32, #tpu.memory_space<vmem>> -> memref<32xi32, #tpu.memory_space<vmem>>
      %dma_start3A_23 = arith.constant 0 : i32
      %dma_start3A_24 = arith.constant 0 : i32
      %dma_start3A_25 = tpu.memref_slice %arg2[%dma_start3A_23, %dma_start3A_24] : memref<10000x128xf32, #tpu.memory_space<hbm>> -> memref<10000x128xf32, #tpu.memory_space<hbm>>
      tpu.enqueue_indirect_dma source(%dma_start3A_25 : memref<10000x128xf32, #tpu.memory_space<hbm>>) target(%arg10 : memref<32x128xf32, #tpu.memory_space<vmem>>) offsets(%dma_start3A_22 : memref<32xi32, #tpu.memory_space<vmem>>) semaphore(%arg19 : memref<!tpu.dma_semaphore, #tpu.memory_space<semaphore_mem>>)
      %dma_start3A_26 = arith.constant 0 : i32
      %dma_start3A_27 = arith.constant 64 : i32
      %dma_start3A_28 = tpu.memref_slice %arg7[%dma_start3A_26, %dma_start3A_27] : memref<40x128xi32, #tpu.memory_space<vmem>> -> memref<1x32xi32, #tpu.memory_space<vmem>>
      %dma_start3A_29 = tpu.memref_squeeze %dma_start3A_28 : memref<1x32xi32, #tpu.memory_space<vmem>> -> memref<32xi32, #tpu.memory_space<vmem>>
      %dma_start3A_30 = arith.constant 0 : i32
      %dma_start3A_31 = arith.constant 0 : i32
      %dma_start3A_32 = tpu.memref_slice %arg2[%dma_start3A_30, %dma_start3A_31] : memref<10000x128xf32, #tpu.memory_space<hbm>> -> memref<10000x128xf32, #tpu.memory_space<hbm>>
      tpu.enqueue_indirect_dma source(%dma_start3A_32 : memref<10000x128xf32, #tpu.memory_space<hbm>>) target(%arg11 : memref<32x128xf32, #tpu.memory_space<vmem>>) offsets(%dma_start3A_29 : memref<32xi32, #tpu.memory_space<vmem>>) semaphore(%arg20 : memref<!tpu.dma_semaphore, #tpu.memory_space<semaphore_mem>>)
      %dma_start3A_33 = arith.constant 0 : i32
      %dma_start3A_34 = arith.constant 96 : i32
      %dma_start3A_35 = tpu.memref_slice %arg7[%dma_start3A_33, %dma_start3A_34] : memref<40x128xi32, #tpu.memory_space<vmem>> -> memref<1x32xi32, #tpu.memory_space<vmem>>
      %dma_start3A_36 = tpu.memref_squeeze %dma_start3A_35 : memref<1x32xi32, #tpu.memory_space<vmem>> -> memref<32xi32, #tpu.memory_space<vmem>>
      %dma_start3A_37 = arith.constant 0 : i32
      %dma_start3A_38 = arith.constant 0 : i32
      %dma_start3A_39 = tpu.memref_slice %arg2[%dma_start3A_37, %dma_start3A_38] : memref<10000x128xf32, #tpu.memory_space<hbm>> -> memref<10000x128xf32, #tpu.memory_space<hbm>>
      tpu.enqueue_indirect_dma source(%dma_start3A_39 : memref<10000x128xf32, #tpu.memory_space<hbm>>) target(%arg12 : memref<32x128xf32, #tpu.memory_space<vmem>>) offsets(%dma_start3A_36 : memref<32xi32, #tpu.memory_space<vmem>>) semaphore(%arg21 : memref<!tpu.dma_semaphore, #tpu.memory_space<semaphore_mem>>)
      %dma_start3A_40 = arith.constant 1 : i32
      %dma_start3A_41 = arith.constant 0 : i32
      %dma_start3A_42 = tpu.memref_slice %arg7[%dma_start3A_40, %dma_start3A_41] : memref<40x128xi32, #tpu.memory_space<vmem>> -> memref<1x32xi32, #tpu.memory_space<vmem>>
      %dma_start3A_43 = tpu.memref_squeeze %dma_start3A_42 : memref<1x32xi32, #tpu.memory_space<vmem>> -> memref<32xi32, #tpu.memory_space<vmem>>
      %dma_start3A_44 = arith.constant 0 : i32
      %dma_start3A_45 = arith.constant 0 : i32
      %dma_start3A_46 = tpu.memref_slice %arg2[%dma_start3A_44, %dma_start3A_45] : memref<10000x128xf32, #tpu.memory_space<hbm>> -> memref<10000x128xf32, #tpu.memory_space<hbm>>
      tpu.enqueue_indirect_dma source(%dma_start3A_46 : memref<10000x128xf32, #tpu.memory_space<hbm>>) target(%arg13 : memref<32x128xf32, #tpu.memory_space<vmem>>) offsets(%dma_start3A_43 : memref<32xi32, #tpu.memory_space<vmem>>) semaphore(%arg22 : memref<!tpu.dma_semaphore, #tpu.memory_space<semaphore_mem>>)
      %dma_start3A_47 = arith.constant 1 : i32
      %dma_start3A_48 = arith.constant 32 : i32
      %dma_start3A_49 = tpu.memref_slice %arg7[%dma_start3A_47, %dma_start3A_48] : memref<40x128xi32, #tpu.memory_space<vmem>> -> memref<1x32xi32, #tpu.memory_space<vmem>>
      %dma_start3A_50 = tpu.memref_squeeze %dma_start3A_49 : memref<1x32xi32, #tpu.memory_space<vmem>> -> memref<32xi32, #tpu.memory_space<vmem>>
      %dma_start3A_51 = arith.constant 0 : i32
      %dma_start3A_52 = arith.constant 0 : i32
      %dma_start3A_53 = tpu.memref_slice %arg2[%dma_start3A_51, %dma_start3A_52] : memref<10000x128xf32, #tpu.memory_space<hbm>> -> memref<10000x128xf32, #tpu.memory_space<hbm>>
      tpu.enqueue_indirect_dma source(%dma_start3A_53 : memref<10000x128xf32, #tpu.memory_space<hbm>>) target(%arg14 : memref<32x128xf32, #tpu.memory_space<vmem>>) offsets(%dma_start3A_50 : memref<32xi32, #tpu.memory_space<vmem>>) semaphore(%arg23 : memref<!tpu.dma_semaphore, #tpu.memory_space<semaphore_mem>>)
      %dma_start3A_54 = arith.constant 1 : i32
      %dma_start3A_55 = arith.constant 64 : i32
      %dma_start3A_56 = tpu.memref_slice %arg7[%dma_start3A_54, %dma_start3A_55] : memref<40x128xi32, #tpu.memory_space<vmem>> -> memref<1x32xi32, #tpu.memory_space<vmem>>
      %dma_start3A_57 = tpu.memref_squeeze %dma_start3A_56 : memref<1x32xi32, #tpu.memory_space<vmem>> -> memref<32xi32, #tpu.memory_space<vmem>>
      %dma_start3A_58 = arith.constant 0 : i32
      %dma_start3A_59 = arith.constant 0 : i32
      %dma_start3A_60 = tpu.memref_slice %arg2[%dma_start3A_58, %dma_start3A_59] : memref<10000x128xf32, #tpu.memory_space<hbm>> -> memref<10000x128xf32, #tpu.memory_space<hbm>>
      tpu.enqueue_indirect_dma source(%dma_start3A_60 : memref<10000x128xf32, #tpu.memory_space<hbm>>) target(%arg15 : memref<32x128xf32, #tpu.memory_space<vmem>>) offsets(%dma_start3A_57 : memref<32xi32, #tpu.memory_space<vmem>>) semaphore(%arg24 : memref<!tpu.dma_semaphore, #tpu.memory_space<semaphore_mem>>)
      %dma_start3A_61 = arith.constant 1 : i32
      %dma_start3A_62 = arith.constant 96 : i32
      %dma_start3A_63 = tpu.memref_slice %arg7[%dma_start3A_61, %dma_start3A_62] : memref<40x128xi32, #tpu.memory_space<vmem>> -> memref<1x32xi32, #tpu.memory_space<vmem>>
      %dma_start3A_64 = tpu.memref_squeeze %dma_start3A_63 : memref<1x32xi32, #tpu.memory_space<vmem>> -> memref<32xi32, #tpu.memory_space<vmem>>
      %dma_start3A_65 = arith.constant 0 : i32
      %dma_start3A_66 = arith.constant 0 : i32
      %dma_start3A_67 = tpu.memref_slice %arg2[%dma_start3A_65, %dma_start3A_66] : memref<10000x128xf32, #tpu.memory_space<hbm>> -> memref<10000x128xf32, #tpu.memory_space<hbm>>
      tpu.enqueue_indirect_dma source(%dma_start3A_67 : memref<10000x128xf32, #tpu.memory_space<hbm>>) target(%arg16 : memref<32x128xf32, #tpu.memory_space<vmem>>) offsets(%dma_start3A_64 : memref<32xi32, #tpu.memory_space<vmem>>) semaphore(%arg25 : memref<!tpu.dma_semaphore, #tpu.memory_space<semaphore_mem>>)
      %scan3A = arith.constant 0 : i32
      %scan3A_68 = arith.constant 20 : i32
      %scan3A_69 = arith.addi %scan3A, %scan3A_68 : i32
      %scan3A_70 = arith.constant 1 : i32
      scf.for %scan3A_267 = %scan3A to %scan3A_69 step %scan3A_70  : i32 {
        %mul3A_268 = arith.constant 2 : i32
        %mul3A_269 = arith.muli %mul3A_268, %scan3A_267 : i32
        %add3A_270 = arith.constant 0 : i32
        %add3A_271 = arith.addi %mul3A_269, %add3A_270 : i32
        %dma_wait3A = arith.constant 0 : i32
        %dma_wait3A_272 = tpu.memref_slice %arg7[%add3A_271, %dma_wait3A] : memref<40x128xi32, #tpu.memory_space<vmem>> -> memref<1x32xi32, #tpu.memory_space<vmem>>
        %dma_wait3A_273 = tpu.memref_squeeze %dma_wait3A_272 : memref<1x32xi32, #tpu.memory_space<vmem>> -> memref<32xi32, #tpu.memory_space<vmem>>
        %dma_wait3A_274 = arith.constant 0 : i32
        %dma_wait3A_275 = arith.constant 0 : i32
        %dma_wait3A_276 = tpu.memref_slice %arg2[%dma_wait3A_274, %dma_wait3A_275] : memref<10000x128xf32, #tpu.memory_space<hbm>> -> memref<10000x128xf32, #tpu.memory_space<hbm>>
        tpu.wait_indirect_dma semaphore(%arg18 : memref<!tpu.dma_semaphore, #tpu.memory_space<semaphore_mem>>) src(%dma_wait3A_276 : memref<10000x128xf32, #tpu.memory_space<hbm>>) dst(%arg9 : memref<32x128xf32, #tpu.memory_space<vmem>>)
        "tpu.region"() ({
          %run_scoped3A = tpu.sem_alloc : memref<!tpu.dma_semaphore, #tpu.memory_space<semaphore_mem>>
          %dma_start3A_386 = arith.constant 0 : i32
          %dma_start3A_387 = tpu.memref_slice %arg8[%add3A_271, %dma_start3A_386] : memref<40x128xi32, #tpu.memory_space<vmem>> -> memref<1x32xi32, #tpu.memory_space<vmem>>
          %dma_start3A_388 = tpu.memref_squeeze %dma_start3A_387 : memref<1x32xi32, #tpu.memory_space<vmem>> -> memref<32xi32, #tpu.memory_space<vmem>>
          %dma_start3A_389 = arith.constant 0 : i32
          %dma_start3A_390 = arith.constant 0 : i32
          %dma_start3A_391 = tpu.memref_slice %arg17[%dma_start3A_389, %dma_start3A_390] : memref<10112x128xf32, #tpu.memory_space<vmem_shared>> -> memref<10112x128xf32, #tpu.memory_space<vmem_shared>>
          tpu.enqueue_indirect_dma source(%arg9 : memref<32x128xf32, #tpu.memory_space<vmem>>) target(%dma_start3A_391 : memref<10112x128xf32, #tpu.memory_space<vmem_shared>>) offsets(%dma_start3A_388 : memref<32xi32, #tpu.memory_space<vmem>>) semaphore(%run_scoped3A : memref<!tpu.dma_semaphore, #tpu.memory_space<semaphore_mem>>) {add = true}
          %dma_wait3A_392 = arith.constant 0 : i32
          %dma_wait3A_393 = tpu.memref_slice %arg8[%add3A_271, %dma_wait3A_392] : memref<40x128xi32, #tpu.memory_space<vmem>> -> memref<1x32xi32, #tpu.memory_space<vmem>>
          %dma_wait3A_394 = tpu.memref_squeeze %dma_wait3A_393 : memref<1x32xi32, #tpu.memory_space<vmem>> -> memref<32xi32, #tpu.memory_space<vmem>>
          %dma_wait3A_395 = arith.constant 0 : i32
          %dma_wait3A_396 = arith.constant 0 : i32
          %dma_wait3A_397 = tpu.memref_slice %arg17[%dma_wait3A_395, %dma_wait3A_396] : memref<10112x128xf32, #tpu.memory_space<vmem_shared>> -> memref<10112x128xf32, #tpu.memory_space<vmem_shared>>
          tpu.wait_indirect_dma semaphore(%run_scoped3A : memref<!tpu.dma_semaphore, #tpu.memory_space<semaphore_mem>>) src(%arg9 : memref<32x128xf32, #tpu.memory_space<vmem>>) dst(%dma_wait3A_397 : memref<10112x128xf32, #tpu.memory_space<vmem_shared>>)
          tpu.yield
        }) : () -> ()
        %lt3A = arith.constant 19 : i32
        %lt3A_277 = arith.cmpi slt, %scan3A_267, %lt3A : i32
        %convert_element_type3A_278 = arith.extui %lt3A_277 : i1 to i32
        %cond3A_279 = arith.constant 0 : i32
        %cond3A_280 = arith.cmpi ne, %convert_element_type3A_278, %cond3A_279 : i32
        scf.if %cond3A_280 {
          %add3A_386 = arith.constant 1 : i32
          %add3A_387 = arith.addi %scan3A_267, %add3A_386 : i32
          %mul3A_388 = arith.constant 2 : i32
          %mul3A_389 = arith.muli %mul3A_388, %add3A_387 : i32
          %add3A_390 = arith.constant 0 : i32
          %add3A_391 = arith.addi %mul3A_389, %add3A_390 : i32
          %dma_start3A_392 = arith.constant 0 : i32
          %dma_start3A_393 = tpu.memref_slice %arg7[%add3A_391, %dma_start3A_392] : memref<40x128xi32, #tpu.memory_space<vmem>> -> memref<1x32xi32, #tpu.memory_space<vmem>>
          %dma_start3A_394 = tpu.memref_squeeze %dma_start3A_393 : memref<1x32xi32, #tpu.memory_space<vmem>> -> memref<32xi32, #tpu.memory_space<vmem>>
          %dma_start3A_395 = arith.constant 0 : i32
          %dma_start3A_396 = arith.constant 0 : i32
          %dma_start3A_397 = tpu.memref_slice %arg2[%dma_start3A_395, %dma_start3A_396] : memref<10000x128xf32, #tpu.memory_space<hbm>> -> memref<10000x128xf32, #tpu.memory_space<hbm>>
          tpu.enqueue_indirect_dma source(%dma_start3A_397 : memref<10000x128xf32, #tpu.memory_space<hbm>>) target(%arg9 : memref<32x128xf32, #tpu.memory_space<vmem>>) offsets(%dma_start3A_394 : memref<32xi32, #tpu.memory_space<vmem>>) semaphore(%arg18 : memref<!tpu.dma_semaphore, #tpu.memory_space<semaphore_mem>>)
        } else {
        }
        %mul3A_281 = arith.constant 2 : i32
        %mul3A_282 = arith.muli %mul3A_281, %scan3A_267 : i32
        %add3A_283 = arith.constant 0 : i32
        %add3A_284 = arith.addi %mul3A_282, %add3A_283 : i32
        %dma_wait3A_285 = arith.constant 32 : i32
        %dma_wait3A_286 = tpu.memref_slice %arg7[%add3A_284, %dma_wait3A_285] : memref<40x128xi32, #tpu.memory_space<vmem>> -> memref<1x32xi32, #tpu.memory_space<vmem>>
        %dma_wait3A_287 = tpu.memref_squeeze %dma_wait3A_286 : memref<1x32xi32, #tpu.memory_space<vmem>> -> memref<32xi32, #tpu.memory_space<vmem>>
        %dma_wait3A_288 = arith.constant 0 : i32
        %dma_wait3A_289 = arith.constant 0 : i32
        %dma_wait3A_290 = tpu.memref_slice %arg2[%dma_wait3A_288, %dma_wait3A_289] : memref<10000x128xf32, #tpu.memory_space<hbm>> -> memref<10000x128xf32, #tpu.memory_space<hbm>>
        tpu.wait_indirect_dma semaphore(%arg19 : memref<!tpu.dma_semaphore, #tpu.memory_space<semaphore_mem>>) src(%dma_wait3A_290 : memref<10000x128xf32, #tpu.memory_space<hbm>>) dst(%arg10 : memref<32x128xf32, #tpu.memory_space<vmem>>)
        "tpu.region"() ({
          %run_scoped3A = tpu.sem_alloc : memref<!tpu.dma_semaphore, #tpu.memory_space<semaphore_mem>>
          %dma_start3A_386 = arith.constant 32 : i32
          %dma_start3A_387 = tpu.memref_slice %arg8[%add3A_284, %dma_start3A_386] : memref<40x128xi32, #tpu.memory_space<vmem>> -> memref<1x32xi32, #tpu.memory_space<vmem>>
          %dma_start3A_388 = tpu.memref_squeeze %dma_start3A_387 : memref<1x32xi32, #tpu.memory_space<vmem>> -> memref<32xi32, #tpu.memory_space<vmem>>
          %dma_start3A_389 = arith.constant 0 : i32
          %dma_start3A_390 = arith.constant 0 : i32
          %dma_start3A_391 = tpu.memref_slice %arg17[%dma_start3A_389, %dma_start3A_390] : memref<10112x128xf32, #tpu.memory_space<vmem_shared>> -> memref<10112x128xf32, #tpu.memory_space<vmem_shared>>
          tpu.enqueue_indirect_dma source(%arg10 : memref<32x128xf32, #tpu.memory_space<vmem>>) target(%dma_start3A_391 : memref<10112x128xf32, #tpu.memory_space<vmem_shared>>) offsets(%dma_start3A_388 : memref<32xi32, #tpu.memory_space<vmem>>) semaphore(%run_scoped3A : memref<!tpu.dma_semaphore, #tpu.memory_space<semaphore_mem>>) {add = true}
          %dma_wait3A_392 = arith.constant 32 : i32
          %dma_wait3A_393 = tpu.memref_slice %arg8[%add3A_284, %dma_wait3A_392] : memref<40x128xi32, #tpu.memory_space<vmem>> -> memref<1x32xi32, #tpu.memory_space<vmem>>
          %dma_wait3A_394 = tpu.memref_squeeze %dma_wait3A_393 : memref<1x32xi32, #tpu.memory_space<vmem>> -> memref<32xi32, #tpu.memory_space<vmem>>
          %dma_wait3A_395 = arith.constant 0 : i32
          %dma_wait3A_396 = arith.constant 0 : i32
          %dma_wait3A_397 = tpu.memref_slice %arg17[%dma_wait3A_395, %dma_wait3A_396] : memref<10112x128xf32, #tpu.memory_space<vmem_shared>> -> memref<10112x128xf32, #tpu.memory_space<vmem_shared>>
          tpu.wait_indirect_dma semaphore(%run_scoped3A : memref<!tpu.dma_semaphore, #tpu.memory_space<semaphore_mem>>) src(%arg10 : memref<32x128xf32, #tpu.memory_space<vmem>>) dst(%dma_wait3A_397 : memref<10112x128xf32, #tpu.memory_space<vmem_shared>>)
          tpu.yield
        }) : () -> ()
        %lt3A_291 = arith.constant 19 : i32
        %lt3A_292 = arith.cmpi slt, %scan3A_267, %lt3A_291 : i32
        %convert_element_type3A_293 = arith.extui %lt3A_292 : i1 to i32
        %cond3A_294 = arith.constant 0 : i32
        %cond3A_295 = arith.cmpi ne, %convert_element_type3A_293, %cond3A_294 : i32
        scf.if %cond3A_295 {
          %add3A_386 = arith.constant 1 : i32
          %add3A_387 = arith.addi %scan3A_267, %add3A_386 : i32
          %mul3A_388 = arith.constant 2 : i32
          %mul3A_389 = arith.muli %mul3A_388, %add3A_387 : i32
          %add3A_390 = arith.constant 0 : i32
          %add3A_391 = arith.addi %mul3A_389, %add3A_390 : i32
          %dma_start3A_392 = arith.constant 32 : i32
          %dma_start3A_393 = tpu.memref_slice %arg7[%add3A_391, %dma_start3A_392] : memref<40x128xi32, #tpu.memory_space<vmem>> -> memref<1x32xi32, #tpu.memory_space<vmem>>
          %dma_start3A_394 = tpu.memref_squeeze %dma_start3A_393 : memref<1x32xi32, #tpu.memory_space<vmem>> -> memref<32xi32, #tpu.memory_space<vmem>>
          %dma_start3A_395 = arith.constant 0 : i32
          %dma_start3A_396 = arith.constant 0 : i32
          %dma_start3A_397 = tpu.memref_slice %arg2[%dma_start3A_395, %dma_start3A_396] : memref<10000x128xf32, #tpu.memory_space<hbm>> -> memref<10000x128xf32, #tpu.memory_space<hbm>>
          tpu.enqueue_indirect_dma source(%dma_start3A_397 : memref<10000x128xf32, #tpu.memory_space<hbm>>) target(%arg10 : memref<32x128xf32, #tpu.memory_space<vmem>>) offsets(%dma_start3A_394 : memref<32xi32, #tpu.memory_space<vmem>>) semaphore(%arg19 : memref<!tpu.dma_semaphore, #tpu.memory_space<semaphore_mem>>)
        } else {
        }
        %mul3A_296 = arith.constant 2 : i32
        %mul3A_297 = arith.muli %mul3A_296, %scan3A_267 : i32
        %add3A_298 = arith.constant 0 : i32
        %add3A_299 = arith.addi %mul3A_297, %add3A_298 : i32
        %dma_wait3A_300 = arith.constant 64 : i32
        %dma_wait3A_301 = tpu.memref_slice %arg7[%add3A_299, %dma_wait3A_300] : memref<40x128xi32, #tpu.memory_space<vmem>> -> memref<1x32xi32, #tpu.memory_space<vmem>>
        %dma_wait3A_302 = tpu.memref_squeeze %dma_wait3A_301 : memref<1x32xi32, #tpu.memory_space<vmem>> -> memref<32xi32, #tpu.memory_space<vmem>>
        %dma_wait3A_303 = arith.constant 0 : i32
        %dma_wait3A_304 = arith.constant 0 : i32
        %dma_wait3A_305 = tpu.memref_slice %arg2[%dma_wait3A_303, %dma_wait3A_304] : memref<10000x128xf32, #tpu.memory_space<hbm>> -> memref<10000x128xf32, #tpu.memory_space<hbm>>
        tpu.wait_indirect_dma semaphore(%arg20 : memref<!tpu.dma_semaphore, #tpu.memory_space<semaphore_mem>>) src(%dma_wait3A_305 : memref<10000x128xf32, #tpu.memory_space<hbm>>) dst(%arg11 : memref<32x128xf32, #tpu.memory_space<vmem>>)
        "tpu.region"() ({
          %run_scoped3A = tpu.sem_alloc : memref<!tpu.dma_semaphore, #tpu.memory_space<semaphore_mem>>
          %dma_start3A_386 = arith.constant 64 : i32
          %dma_start3A_387 = tpu.memref_slice %arg8[%add3A_299, %dma_start3A_386] : memref<40x128xi32, #tpu.memory_space<vmem>> -> memref<1x32xi32, #tpu.memory_space<vmem>>
          %dma_start3A_388 = tpu.memref_squeeze %dma_start3A_387 : memref<1x32xi32, #tpu.memory_space<vmem>> -> memref<32xi32, #tpu.memory_space<vmem>>
          %dma_start3A_389 = arith.constant 0 : i32
          %dma_start3A_390 = arith.constant 0 : i32
          %dma_start3A_391 = tpu.memref_slice %arg17[%dma_start3A_389, %dma_start3A_390] : memref<10112x128xf32, #tpu.memory_space<vmem_shared>> -> memref<10112x128xf32, #tpu.memory_space<vmem_shared>>
          tpu.enqueue_indirect_dma source(%arg11 : memref<32x128xf32, #tpu.memory_space<vmem>>) target(%dma_start3A_391 : memref<10112x128xf32, #tpu.memory_space<vmem_shared>>) offsets(%dma_start3A_388 : memref<32xi32, #tpu.memory_space<vmem>>) semaphore(%run_scoped3A : memref<!tpu.dma_semaphore, #tpu.memory_space<semaphore_mem>>) {add = true}
          %dma_wait3A_392 = arith.constant 64 : i32
          %dma_wait3A_393 = tpu.memref_slice %arg8[%add3A_299, %dma_wait3A_392] : memref<40x128xi32, #tpu.memory_space<vmem>> -> memref<1x32xi32, #tpu.memory_space<vmem>>
          %dma_wait3A_394 = tpu.memref_squeeze %dma_wait3A_393 : memref<1x32xi32, #tpu.memory_space<vmem>> -> memref<32xi32, #tpu.memory_space<vmem>>
          %dma_wait3A_395 = arith.constant 0 : i32
          %dma_wait3A_396 = arith.constant 0 : i32
          %dma_wait3A_397 = tpu.memref_slice %arg17[%dma_wait3A_395, %dma_wait3A_396] : memref<10112x128xf32, #tpu.memory_space<vmem_shared>> -> memref<10112x128xf32, #tpu.memory_space<vmem_shared>>
          tpu.wait_indirect_dma semaphore(%run_scoped3A : memref<!tpu.dma_semaphore, #tpu.memory_space<semaphore_mem>>) src(%arg11 : memref<32x128xf32, #tpu.memory_space<vmem>>) dst(%dma_wait3A_397 : memref<10112x128xf32, #tpu.memory_space<vmem_shared>>)
          tpu.yield
        }) : () -> ()
        %lt3A_306 = arith.constant 19 : i32
        %lt3A_307 = arith.cmpi slt, %scan3A_267, %lt3A_306 : i32
        %convert_element_type3A_308 = arith.extui %lt3A_307 : i1 to i32
        %cond3A_309 = arith.constant 0 : i32
        %cond3A_310 = arith.cmpi ne, %convert_element_type3A_308, %cond3A_309 : i32
        scf.if %cond3A_310 {
          %add3A_386 = arith.constant 1 : i32
          %add3A_387 = arith.addi %scan3A_267, %add3A_386 : i32
          %mul3A_388 = arith.constant 2 : i32
          %mul3A_389 = arith.muli %mul3A_388, %add3A_387 : i32
          %add3A_390 = arith.constant 0 : i32
          %add3A_391 = arith.addi %mul3A_389, %add3A_390 : i32
          %dma_start3A_392 = arith.constant 64 : i32
          %dma_start3A_393 = tpu.memref_slice %arg7[%add3A_391, %dma_start3A_392] : memref<40x128xi32, #tpu.memory_space<vmem>> -> memref<1x32xi32, #tpu.memory_space<vmem>>
          %dma_start3A_394 = tpu.memref_squeeze %dma_start3A_393 : memref<1x32xi32, #tpu.memory_space<vmem>> -> memref<32xi32, #tpu.memory_space<vmem>>
          %dma_start3A_395 = arith.constant 0 : i32
          %dma_start3A_396 = arith.constant 0 : i32
          %dma_start3A_397 = tpu.memref_slice %arg2[%dma_start3A_395, %dma_start3A_396] : memref<10000x128xf32, #tpu.memory_space<hbm>> -> memref<10000x128xf32, #tpu.memory_space<hbm>>
          tpu.enqueue_indirect_dma source(%dma_start3A_397 : memref<10000x128xf32, #tpu.memory_space<hbm>>) target(%arg11 : memref<32x128xf32, #tpu.memory_space<vmem>>) offsets(%dma_start3A_394 : memref<32xi32, #tpu.memory_space<vmem>>) semaphore(%arg20 : memref<!tpu.dma_semaphore, #tpu.memory_space<semaphore_mem>>)
        } else {
        }
        %mul3A_311 = arith.constant 2 : i32
        %mul3A_312 = arith.muli %mul3A_311, %scan3A_267 : i32
        %add3A_313 = arith.constant 0 : i32
        %add3A_314 = arith.addi %mul3A_312, %add3A_313 : i32
        %dma_wait3A_315 = arith.constant 96 : i32
        %dma_wait3A_316 = tpu.memref_slice %arg7[%add3A_314, %dma_wait3A_315] : memref<40x128xi32, #tpu.memory_space<vmem>> -> memref<1x32xi32, #tpu.memory_space<vmem>>
        %dma_wait3A_317 = tpu.memref_squeeze %dma_wait3A_316 : memref<1x32xi32, #tpu.memory_space<vmem>> -> memref<32xi32, #tpu.memory_space<vmem>>
        %dma_wait3A_318 = arith.constant 0 : i32
        %dma_wait3A_319 = arith.constant 0 : i32
        %dma_wait3A_320 = tpu.memref_slice %arg2[%dma_wait3A_318, %dma_wait3A_319] : memref<10000x128xf32, #tpu.memory_space<hbm>> -> memref<10000x128xf32, #tpu.memory_space<hbm>>
        tpu.wait_indirect_dma semaphore(%arg21 : memref<!tpu.dma_semaphore, #tpu.memory_space<semaphore_mem>>) src(%dma_wait3A_320 : memref<10000x128xf32, #tpu.memory_space<hbm>>) dst(%arg12 : memref<32x128xf32, #tpu.memory_space<vmem>>)
        "tpu.region"() ({
          %run_scoped3A = tpu.sem_alloc : memref<!tpu.dma_semaphore, #tpu.memory_space<semaphore_mem>>
          %dma_start3A_386 = arith.constant 96 : i32
          %dma_start3A_387 = tpu.memref_slice %arg8[%add3A_314, %dma_start3A_386] : memref<40x128xi32, #tpu.memory_space<vmem>> -> memref<1x32xi32, #tpu.memory_space<vmem>>
          %dma_start3A_388 = tpu.memref_squeeze %dma_start3A_387 : memref<1x32xi32, #tpu.memory_space<vmem>> -> memref<32xi32, #tpu.memory_space<vmem>>
          %dma_start3A_389 = arith.constant 0 : i32
          %dma_start3A_390 = arith.constant 0 : i32
          %dma_start3A_391 = tpu.memref_slice %arg17[%dma_start3A_389, %dma_start3A_390] : memref<10112x128xf32, #tpu.memory_space<vmem_shared>> -> memref<10112x128xf32, #tpu.memory_space<vmem_shared>>
          tpu.enqueue_indirect_dma source(%arg12 : memref<32x128xf32, #tpu.memory_space<vmem>>) target(%dma_start3A_391 : memref<10112x128xf32, #tpu.memory_space<vmem_shared>>) offsets(%dma_start3A_388 : memref<32xi32, #tpu.memory_space<vmem>>) semaphore(%run_scoped3A : memref<!tpu.dma_semaphore, #tpu.memory_space<semaphore_mem>>) {add = true}
          %dma_wait3A_392 = arith.constant 96 : i32
          %dma_wait3A_393 = tpu.memref_slice %arg8[%add3A_314, %dma_wait3A_392] : memref<40x128xi32, #tpu.memory_space<vmem>> -> memref<1x32xi32, #tpu.memory_space<vmem>>
          %dma_wait3A_394 = tpu.memref_squeeze %dma_wait3A_393 : memref<1x32xi32, #tpu.memory_space<vmem>> -> memref<32xi32, #tpu.memory_space<vmem>>
          %dma_wait3A_395 = arith.constant 0 : i32
          %dma_wait3A_396 = arith.constant 0 : i32
          %dma_wait3A_397 = tpu.memref_slice %arg17[%dma_wait3A_395, %dma_wait3A_396] : memref<10112x128xf32, #tpu.memory_space<vmem_shared>> -> memref<10112x128xf32, #tpu.memory_space<vmem_shared>>
          tpu.wait_indirect_dma semaphore(%run_scoped3A : memref<!tpu.dma_semaphore, #tpu.memory_space<semaphore_mem>>) src(%arg12 : memref<32x128xf32, #tpu.memory_space<vmem>>) dst(%dma_wait3A_397 : memref<10112x128xf32, #tpu.memory_space<vmem_shared>>)
          tpu.yield
        }) : () -> ()
        %lt3A_321 = arith.constant 19 : i32
        %lt3A_322 = arith.cmpi slt, %scan3A_267, %lt3A_321 : i32
        %convert_element_type3A_323 = arith.extui %lt3A_322 : i1 to i32
        %cond3A_324 = arith.constant 0 : i32
        %cond3A_325 = arith.cmpi ne, %convert_element_type3A_323, %cond3A_324 : i32
        scf.if %cond3A_325 {
          %add3A_386 = arith.constant 1 : i32
          %add3A_387 = arith.addi %scan3A_267, %add3A_386 : i32
          %mul3A_388 = arith.constant 2 : i32
          %mul3A_389 = arith.muli %mul3A_388, %add3A_387 : i32
          %add3A_390 = arith.constant 0 : i32
          %add3A_391 = arith.addi %mul3A_389, %add3A_390 : i32
          %dma_start3A_392 = arith.constant 96 : i32
          %dma_start3A_393 = tpu.memref_slice %arg7[%add3A_391, %dma_start3A_392] : memref<40x128xi32, #tpu.memory_space<vmem>> -> memref<1x32xi32, #tpu.memory_space<vmem>>
          %dma_start3A_394 = tpu.memref_squeeze %dma_start3A_393 : memref<1x32xi32, #tpu.memory_space<vmem>> -> memref<32xi32, #tpu.memory_space<vmem>>
          %dma_start3A_395 = arith.constant 0 : i32
          %dma_start3A_396 = arith.constant 0 : i32
          %dma_start3A_397 = tpu.memref_slice %arg2[%dma_start3A_395, %dma_start3A_396] : memref<10000x128xf32, #tpu.memory_space<hbm>> -> memref<10000x128xf32, #tpu.memory_space<hbm>>
          tpu.enqueue_indirect_dma source(%dma_start3A_397 : memref<10000x128xf32, #tpu.memory_space<hbm>>) target(%arg12 : memref<32x128xf32, #tpu.memory_space<vmem>>) offsets(%dma_start3A_394 : memref<32xi32, #tpu.memory_space<vmem>>) semaphore(%arg21 : memref<!tpu.dma_semaphore, #tpu.memory_space<semaphore_mem>>)
        } else {
        }
        %mul3A_326 = arith.constant 2 : i32
        %mul3A_327 = arith.muli %mul3A_326, %scan3A_267 : i32
        %add3A_328 = arith.constant 1 : i32
        %add3A_329 = arith.addi %mul3A_327, %add3A_328 : i32
        %dma_wait3A_330 = arith.constant 0 : i32
        %dma_wait3A_331 = tpu.memref_slice %arg7[%add3A_329, %dma_wait3A_330] : memref<40x128xi32, #tpu.memory_space<vmem>> -> memref<1x32xi32, #tpu.memory_space<vmem>>
        %dma_wait3A_332 = tpu.memref_squeeze %dma_wait3A_331 : memref<1x32xi32, #tpu.memory_space<vmem>> -> memref<32xi32, #tpu.memory_space<vmem>>
        %dma_wait3A_333 = arith.constant 0 : i32
        %dma_wait3A_334 = arith.constant 0 : i32
        %dma_wait3A_335 = tpu.memref_slice %arg2[%dma_wait3A_333, %dma_wait3A_334] : memref<10000x128xf32, #tpu.memory_space<hbm>> -> memref<10000x128xf32, #tpu.memory_space<hbm>>
        tpu.wait_indirect_dma semaphore(%arg22 : memref<!tpu.dma_semaphore, #tpu.memory_space<semaphore_mem>>) src(%dma_wait3A_335 : memref<10000x128xf32, #tpu.memory_space<hbm>>) dst(%arg13 : memref<32x128xf32, #tpu.memory_space<vmem>>)
        "tpu.region"() ({
          %run_scoped3A = tpu.sem_alloc : memref<!tpu.dma_semaphore, #tpu.memory_space<semaphore_mem>>
          %dma_start3A_386 = arith.constant 0 : i32
          %dma_start3A_387 = tpu.memref_slice %arg8[%add3A_329, %dma_start3A_386] : memref<40x128xi32, #tpu.memory_space<vmem>> -> memref<1x32xi32, #tpu.memory_space<vmem>>
          %dma_start3A_388 = tpu.memref_squeeze %dma_start3A_387 : memref<1x32xi32, #tpu.memory_space<vmem>> -> memref<32xi32, #tpu.memory_space<vmem>>
          %dma_start3A_389 = arith.constant 0 : i32
          %dma_start3A_390 = arith.constant 0 : i32
          %dma_start3A_391 = tpu.memref_slice %arg17[%dma_start3A_389, %dma_start3A_390] : memref<10112x128xf32, #tpu.memory_space<vmem_shared>> -> memref<10112x128xf32, #tpu.memory_space<vmem_shared>>
          tpu.enqueue_indirect_dma source(%arg13 : memref<32x128xf32, #tpu.memory_space<vmem>>) target(%dma_start3A_391 : memref<10112x128xf32, #tpu.memory_space<vmem_shared>>) offsets(%dma_start3A_388 : memref<32xi32, #tpu.memory_space<vmem>>) semaphore(%run_scoped3A : memref<!tpu.dma_semaphore, #tpu.memory_space<semaphore_mem>>) {add = true}
          %dma_wait3A_392 = arith.constant 0 : i32
          %dma_wait3A_393 = tpu.memref_slice %arg8[%add3A_329, %dma_wait3A_392] : memref<40x128xi32, #tpu.memory_space<vmem>> -> memref<1x32xi32, #tpu.memory_space<vmem>>
          %dma_wait3A_394 = tpu.memref_squeeze %dma_wait3A_393 : memref<1x32xi32, #tpu.memory_space<vmem>> -> memref<32xi32, #tpu.memory_space<vmem>>
          %dma_wait3A_395 = arith.constant 0 : i32
          %dma_wait3A_396 = arith.constant 0 : i32
          %dma_wait3A_397 = tpu.memref_slice %arg17[%dma_wait3A_395, %dma_wait3A_396] : memref<10112x128xf32, #tpu.memory_space<vmem_shared>> -> memref<10112x128xf32, #tpu.memory_space<vmem_shared>>
          tpu.wait_indirect_dma semaphore(%run_scoped3A : memref<!tpu.dma_semaphore, #tpu.memory_space<semaphore_mem>>) src(%arg13 : memref<32x128xf32, #tpu.memory_space<vmem>>) dst(%dma_wait3A_397 : memref<10112x128xf32, #tpu.memory_space<vmem_shared>>)
          tpu.yield
        }) : () -> ()
        %lt3A_336 = arith.constant 19 : i32
        %lt3A_337 = arith.cmpi slt, %scan3A_267, %lt3A_336 : i32
        %convert_element_type3A_338 = arith.extui %lt3A_337 : i1 to i32
        %cond3A_339 = arith.constant 0 : i32
        %cond3A_340 = arith.cmpi ne, %convert_element_type3A_338, %cond3A_339 : i32
        scf.if %cond3A_340 {
          %add3A_386 = arith.constant 1 : i32
          %add3A_387 = arith.addi %scan3A_267, %add3A_386 : i32
          %mul3A_388 = arith.constant 2 : i32
          %mul3A_389 = arith.muli %mul3A_388, %add3A_387 : i32
          %add3A_390 = arith.constant 1 : i32
          %add3A_391 = arith.addi %mul3A_389, %add3A_390 : i32
          %dma_start3A_392 = arith.constant 0 : i32
          %dma_start3A_393 = tpu.memref_slice %arg7[%add3A_391, %dma_start3A_392] : memref<40x128xi32, #tpu.memory_space<vmem>> -> memref<1x32xi32, #tpu.memory_space<vmem>>
          %dma_start3A_394 = tpu.memref_squeeze %dma_start3A_393 : memref<1x32xi32, #tpu.memory_space<vmem>> -> memref<32xi32, #tpu.memory_space<vmem>>
          %dma_start3A_395 = arith.constant 0 : i32
          %dma_start3A_396 = arith.constant 0 : i32
          %dma_start3A_397 = tpu.memref_slice %arg2[%dma_start3A_395, %dma_start3A_396] : memref<10000x128xf32, #tpu.memory_space<hbm>> -> memref<10000x128xf32, #tpu.memory_space<hbm>>
          tpu.enqueue_indirect_dma source(%dma_start3A_397 : memref<10000x128xf32, #tpu.memory_space<hbm>>) target(%arg13 : memref<32x128xf32, #tpu.memory_space<vmem>>) offsets(%dma_start3A_394 : memref<32xi32, #tpu.memory_space<vmem>>) semaphore(%arg22 : memref<!tpu.dma_semaphore, #tpu.memory_space<semaphore_mem>>)
        } else {
        }
        %mul3A_341 = arith.constant 2 : i32
        %mul3A_342 = arith.muli %mul3A_341, %scan3A_267 : i32
        %add3A_343 = arith.constant 1 : i32
        %add3A_344 = arith.addi %mul3A_342, %add3A_343 : i32
        %dma_wait3A_345 = arith.constant 32 : i32
        %dma_wait3A_346 = tpu.memref_slice %arg7[%add3A_344, %dma_wait3A_345] : memref<40x128xi32, #tpu.memory_space<vmem>> -> memref<1x32xi32, #tpu.memory_space<vmem>>
        %dma_wait3A_347 = tpu.memref_squeeze %dma_wait3A_346 : memref<1x32xi32, #tpu.memory_space<vmem>> -> memref<32xi32, #tpu.memory_space<vmem>>
        %dma_wait3A_348 = arith.constant 0 : i32
        %dma_wait3A_349 = arith.constant 0 : i32
        %dma_wait3A_350 = tpu.memref_slice %arg2[%dma_wait3A_348, %dma_wait3A_349] : memref<10000x128xf32, #tpu.memory_space<hbm>> -> memref<10000x128xf32, #tpu.memory_space<hbm>>
        tpu.wait_indirect_dma semaphore(%arg23 : memref<!tpu.dma_semaphore, #tpu.memory_space<semaphore_mem>>) src(%dma_wait3A_350 : memref<10000x128xf32, #tpu.memory_space<hbm>>) dst(%arg14 : memref<32x128xf32, #tpu.memory_space<vmem>>)
        "tpu.region"() ({
          %run_scoped3A = tpu.sem_alloc : memref<!tpu.dma_semaphore, #tpu.memory_space<semaphore_mem>>
          %dma_start3A_386 = arith.constant 32 : i32
          %dma_start3A_387 = tpu.memref_slice %arg8[%add3A_344, %dma_start3A_386] : memref<40x128xi32, #tpu.memory_space<vmem>> -> memref<1x32xi32, #tpu.memory_space<vmem>>
          %dma_start3A_388 = tpu.memref_squeeze %dma_start3A_387 : memref<1x32xi32, #tpu.memory_space<vmem>> -> memref<32xi32, #tpu.memory_space<vmem>>
          %dma_start3A_389 = arith.constant 0 : i32
          %dma_start3A_390 = arith.constant 0 : i32
          %dma_start3A_391 = tpu.memref_slice %arg17[%dma_start3A_389, %dma_start3A_390] : memref<10112x128xf32, #tpu.memory_space<vmem_shared>> -> memref<10112x128xf32, #tpu.memory_space<vmem_shared>>
          tpu.enqueue_indirect_dma source(%arg14 : memref<32x128xf32, #tpu.memory_space<vmem>>) target(%dma_start3A_391 : memref<10112x128xf32, #tpu.memory_space<vmem_shared>>) offsets(%dma_start3A_388 : memref<32xi32, #tpu.memory_space<vmem>>) semaphore(%run_scoped3A : memref<!tpu.dma_semaphore, #tpu.memory_space<semaphore_mem>>) {add = true}
          %dma_wait3A_392 = arith.constant 32 : i32
          %dma_wait3A_393 = tpu.memref_slice %arg8[%add3A_344, %dma_wait3A_392] : memref<40x128xi32, #tpu.memory_space<vmem>> -> memref<1x32xi32, #tpu.memory_space<vmem>>
          %dma_wait3A_394 = tpu.memref_squeeze %dma_wait3A_393 : memref<1x32xi32, #tpu.memory_space<vmem>> -> memref<32xi32, #tpu.memory_space<vmem>>
          %dma_wait3A_395 = arith.constant 0 : i32
          %dma_wait3A_396 = arith.constant 0 : i32
          %dma_wait3A_397 = tpu.memref_slice %arg17[%dma_wait3A_395, %dma_wait3A_396] : memref<10112x128xf32, #tpu.memory_space<vmem_shared>> -> memref<10112x128xf32, #tpu.memory_space<vmem_shared>>
          tpu.wait_indirect_dma semaphore(%run_scoped3A : memref<!tpu.dma_semaphore, #tpu.memory_space<semaphore_mem>>) src(%arg14 : memref<32x128xf32, #tpu.memory_space<vmem>>) dst(%dma_wait3A_397 : memref<10112x128xf32, #tpu.memory_space<vmem_shared>>)
          tpu.yield
        }) : () -> ()
        %lt3A_351 = arith.constant 19 : i32
        %lt3A_352 = arith.cmpi slt, %scan3A_267, %lt3A_351 : i32
        %convert_element_type3A_353 = arith.extui %lt3A_352 : i1 to i32
        %cond3A_354 = arith.constant 0 : i32
        %cond3A_355 = arith.cmpi ne, %convert_element_type3A_353, %cond3A_354 : i32
        scf.if %cond3A_355 {
          %add3A_386 = arith.constant 1 : i32
          %add3A_387 = arith.addi %scan3A_267, %add3A_386 : i32
          %mul3A_388 = arith.constant 2 : i32
          %mul3A_389 = arith.muli %mul3A_388, %add3A_387 : i32
          %add3A_390 = arith.constant 1 : i32
          %add3A_391 = arith.addi %mul3A_389, %add3A_390 : i32
          %dma_start3A_392 = arith.constant 32 : i32
          %dma_start3A_393 = tpu.memref_slice %arg7[%add3A_391, %dma_start3A_392] : memref<40x128xi32, #tpu.memory_space<vmem>> -> memref<1x32xi32, #tpu.memory_space<vmem>>
          %dma_start3A_394 = tpu.memref_squeeze %dma_start3A_393 : memref<1x32xi32, #tpu.memory_space<vmem>> -> memref<32xi32, #tpu.memory_space<vmem>>
          %dma_start3A_395 = arith.constant 0 : i32
          %dma_start3A_396 = arith.constant 0 : i32
          %dma_start3A_397 = tpu.memref_slice %arg2[%dma_start3A_395, %dma_start3A_396] : memref<10000x128xf32, #tpu.memory_space<hbm>> -> memref<10000x128xf32, #tpu.memory_space<hbm>>
          tpu.enqueue_indirect_dma source(%dma_start3A_397 : memref<10000x128xf32, #tpu.memory_space<hbm>>) target(%arg14 : memref<32x128xf32, #tpu.memory_space<vmem>>) offsets(%dma_start3A_394 : memref<32xi32, #tpu.memory_space<vmem>>) semaphore(%arg23 : memref<!tpu.dma_semaphore, #tpu.memory_space<semaphore_mem>>)
        } else {
        }
        %mul3A_356 = arith.constant 2 : i32
        %mul3A_357 = arith.muli %mul3A_356, %scan3A_267 : i32
        %add3A_358 = arith.constant 1 : i32
        %add3A_359 = arith.addi %mul3A_357, %add3A_358 : i32
        %dma_wait3A_360 = arith.constant 64 : i32
        %dma_wait3A_361 = tpu.memref_slice %arg7[%add3A_359, %dma_wait3A_360] : memref<40x128xi32, #tpu.memory_space<vmem>> -> memref<1x32xi32, #tpu.memory_space<vmem>>
        %dma_wait3A_362 = tpu.memref_squeeze %dma_wait3A_361 : memref<1x32xi32, #tpu.memory_space<vmem>> -> memref<32xi32, #tpu.memory_space<vmem>>
        %dma_wait3A_363 = arith.constant 0 : i32
        %dma_wait3A_364 = arith.constant 0 : i32
        %dma_wait3A_365 = tpu.memref_slice %arg2[%dma_wait3A_363, %dma_wait3A_364] : memref<10000x128xf32, #tpu.memory_space<hbm>> -> memref<10000x128xf32, #tpu.memory_space<hbm>>
        tpu.wait_indirect_dma semaphore(%arg24 : memref<!tpu.dma_semaphore, #tpu.memory_space<semaphore_mem>>) src(%dma_wait3A_365 : memref<10000x128xf32, #tpu.memory_space<hbm>>) dst(%arg15 : memref<32x128xf32, #tpu.memory_space<vmem>>)
        "tpu.region"() ({
          %run_scoped3A = tpu.sem_alloc : memref<!tpu.dma_semaphore, #tpu.memory_space<semaphore_mem>>
          %dma_start3A_386 = arith.constant 64 : i32
          %dma_start3A_387 = tpu.memref_slice %arg8[%add3A_359, %dma_start3A_386] : memref<40x128xi32, #tpu.memory_space<vmem>> -> memref<1x32xi32, #tpu.memory_space<vmem>>
          %dma_start3A_388 = tpu.memref_squeeze %dma_start3A_387 : memref<1x32xi32, #tpu.memory_space<vmem>> -> memref<32xi32, #tpu.memory_space<vmem>>
          %dma_start3A_389 = arith.constant 0 : i32
          %dma_start3A_390 = arith.constant 0 : i32
          %dma_start3A_391 = tpu.memref_slice %arg17[%dma_start3A_389, %dma_start3A_390] : memref<10112x128xf32, #tpu.memory_space<vmem_shared>> -> memref<10112x128xf32, #tpu.memory_space<vmem_shared>>
          tpu.enqueue_indirect_dma source(%arg15 : memref<32x128xf32, #tpu.memory_space<vmem>>) target(%dma_start3A_391 : memref<10112x128xf32, #tpu.memory_space<vmem_shared>>) offsets(%dma_start3A_388 : memref<32xi32, #tpu.memory_space<vmem>>) semaphore(%run_scoped3A : memref<!tpu.dma_semaphore, #tpu.memory_space<semaphore_mem>>) {add = true}
          %dma_wait3A_392 = arith.constant 64 : i32
          %dma_wait3A_393 = tpu.memref_slice %arg8[%add3A_359, %dma_wait3A_392] : memref<40x128xi32, #tpu.memory_space<vmem>> -> memref<1x32xi32, #tpu.memory_space<vmem>>
          %dma_wait3A_394 = tpu.memref_squeeze %dma_wait3A_393 : memref<1x32xi32, #tpu.memory_space<vmem>> -> memref<32xi32, #tpu.memory_space<vmem>>
          %dma_wait3A_395 = arith.constant 0 : i32
          %dma_wait3A_396 = arith.constant 0 : i32
          %dma_wait3A_397 = tpu.memref_slice %arg17[%dma_wait3A_395, %dma_wait3A_396] : memref<10112x128xf32, #tpu.memory_space<vmem_shared>> -> memref<10112x128xf32, #tpu.memory_space<vmem_shared>>
          tpu.wait_indirect_dma semaphore(%run_scoped3A : memref<!tpu.dma_semaphore, #tpu.memory_space<semaphore_mem>>) src(%arg15 : memref<32x128xf32, #tpu.memory_space<vmem>>) dst(%dma_wait3A_397 : memref<10112x128xf32, #tpu.memory_space<vmem_shared>>)
          tpu.yield
        }) : () -> ()
        %lt3A_366 = arith.constant 19 : i32
        %lt3A_367 = arith.cmpi slt, %scan3A_267, %lt3A_366 : i32
        %convert_element_type3A_368 = arith.extui %lt3A_367 : i1 to i32
        %cond3A_369 = arith.constant 0 : i32
        %cond3A_370 = arith.cmpi ne, %convert_element_type3A_368, %cond3A_369 : i32
        scf.if %cond3A_370 {
          %add3A_386 = arith.constant 1 : i32
          %add3A_387 = arith.addi %scan3A_267, %add3A_386 : i32
          %mul3A_388 = arith.constant 2 : i32
          %mul3A_389 = arith.muli %mul3A_388, %add3A_387 : i32
          %add3A_390 = arith.constant 1 : i32
          %add3A_391 = arith.addi %mul3A_389, %add3A_390 : i32
          %dma_start3A_392 = arith.constant 64 : i32
          %dma_start3A_393 = tpu.memref_slice %arg7[%add3A_391, %dma_start3A_392] : memref<40x128xi32, #tpu.memory_space<vmem>> -> memref<1x32xi32, #tpu.memory_space<vmem>>
          %dma_start3A_394 = tpu.memref_squeeze %dma_start3A_393 : memref<1x32xi32, #tpu.memory_space<vmem>> -> memref<32xi32, #tpu.memory_space<vmem>>
          %dma_start3A_395 = arith.constant 0 : i32
          %dma_start3A_396 = arith.constant 0 : i32
          %dma_start3A_397 = tpu.memref_slice %arg2[%dma_start3A_395, %dma_start3A_396] : memref<10000x128xf32, #tpu.memory_space<hbm>> -> memref<10000x128xf32, #tpu.memory_space<hbm>>
          tpu.enqueue_indirect_dma source(%dma_start3A_397 : memref<10000x128xf32, #tpu.memory_space<hbm>>) target(%arg15 : memref<32x128xf32, #tpu.memory_space<vmem>>) offsets(%dma_start3A_394 : memref<32xi32, #tpu.memory_space<vmem>>) semaphore(%arg24 : memref<!tpu.dma_semaphore, #tpu.memory_space<semaphore_mem>>)
        } else {
        }
        %mul3A_371 = arith.constant 2 : i32
        %mul3A_372 = arith.muli %mul3A_371, %scan3A_267 : i32
        %add3A_373 = arith.constant 1 : i32
        %add3A_374 = arith.addi %mul3A_372, %add3A_373 : i32
        %dma_wait3A_375 = arith.constant 96 : i32
        %dma_wait3A_376 = tpu.memref_slice %arg7[%add3A_374, %dma_wait3A_375] : memref<40x128xi32, #tpu.memory_space<vmem>> -> memref<1x32xi32, #tpu.memory_space<vmem>>
        %dma_wait3A_377 = tpu.memref_squeeze %dma_wait3A_376 : memref<1x32xi32, #tpu.memory_space<vmem>> -> memref<32xi32, #tpu.memory_space<vmem>>
        %dma_wait3A_378 = arith.constant 0 : i32
        %dma_wait3A_379 = arith.constant 0 : i32
        %dma_wait3A_380 = tpu.memref_slice %arg2[%dma_wait3A_378, %dma_wait3A_379] : memref<10000x128xf32, #tpu.memory_space<hbm>> -> memref<10000x128xf32, #tpu.memory_space<hbm>>
        tpu.wait_indirect_dma semaphore(%arg25 : memref<!tpu.dma_semaphore, #tpu.memory_space<semaphore_mem>>) src(%dma_wait3A_380 : memref<10000x128xf32, #tpu.memory_space<hbm>>) dst(%arg16 : memref<32x128xf32, #tpu.memory_space<vmem>>)
        "tpu.region"() ({
          %run_scoped3A = tpu.sem_alloc : memref<!tpu.dma_semaphore, #tpu.memory_space<semaphore_mem>>
          %dma_start3A_386 = arith.constant 96 : i32
          %dma_start3A_387 = tpu.memref_slice %arg8[%add3A_374, %dma_start3A_386] : memref<40x128xi32, #tpu.memory_space<vmem>> -> memref<1x32xi32, #tpu.memory_space<vmem>>
          %dma_start3A_388 = tpu.memref_squeeze %dma_start3A_387 : memref<1x32xi32, #tpu.memory_space<vmem>> -> memref<32xi32, #tpu.memory_space<vmem>>
          %dma_start3A_389 = arith.constant 0 : i32
          %dma_start3A_390 = arith.constant 0 : i32
          %dma_start3A_391 = tpu.memref_slice %arg17[%dma_start3A_389, %dma_start3A_390] : memref<10112x128xf32, #tpu.memory_space<vmem_shared>> -> memref<10112x128xf32, #tpu.memory_space<vmem_shared>>
          tpu.enqueue_indirect_dma source(%arg16 : memref<32x128xf32, #tpu.memory_space<vmem>>) target(%dma_start3A_391 : memref<10112x128xf32, #tpu.memory_space<vmem_shared>>) offsets(%dma_start3A_388 : memref<32xi32, #tpu.memory_space<vmem>>) semaphore(%run_scoped3A : memref<!tpu.dma_semaphore, #tpu.memory_space<semaphore_mem>>) {add = true}
          %dma_wait3A_392 = arith.constant 96 : i32
          %dma_wait3A_393 = tpu.memref_slice %arg8[%add3A_374, %dma_wait3A_392] : memref<40x128xi32, #tpu.memory_space<vmem>> -> memref<1x32xi32, #tpu.memory_space<vmem>>
          %dma_wait3A_394 = tpu.memref_squeeze %dma_wait3A_393 : memref<1x32xi32, #tpu.memory_space<vmem>> -> memref<32xi32, #tpu.memory_space<vmem>>
          %dma_wait3A_395 = arith.constant 0 : i32
          %dma_wait3A_396 = arith.constant 0 : i32
          %dma_wait3A_397 = tpu.memref_slice %arg17[%dma_wait3A_395, %dma_wait3A_396] : memref<10112x128xf32, #tpu.memory_space<vmem_shared>> -> memref<10112x128xf32, #tpu.memory_space<vmem_shared>>
          tpu.wait_indirect_dma semaphore(%run_scoped3A : memref<!tpu.dma_semaphore, #tpu.memory_space<semaphore_mem>>) src(%arg16 : memref<32x128xf32, #tpu.memory_space<vmem>>) dst(%dma_wait3A_397 : memref<10112x128xf32, #tpu.memory_space<vmem_shared>>)
          tpu.yield
        }) : () -> ()
        %lt3A_381 = arith.constant 19 : i32
        %lt3A_382 = arith.cmpi slt, %scan3A_267, %lt3A_381 : i32
        %convert_element_type3A_383 = arith.extui %lt3A_382 : i1 to i32
        %cond3A_384 = arith.constant 0 : i32
        %cond3A_385 = arith.cmpi ne, %convert_element_type3A_383, %cond3A_384 : i32
        scf.if %cond3A_385 {
          %add3A_386 = arith.constant 1 : i32
          %add3A_387 = arith.addi %scan3A_267, %add3A_386 : i32
          %mul3A_388 = arith.constant 2 : i32
          %mul3A_389 = arith.muli %mul3A_388, %add3A_387 : i32
          %add3A_390 = arith.constant 1 : i32
          %add3A_391 = arith.addi %mul3A_389, %add3A_390 : i32
          %dma_start3A_392 = arith.constant 96 : i32
          %dma_start3A_393 = tpu.memref_slice %arg7[%add3A_391, %dma_start3A_392] : memref<40x128xi32, #tpu.memory_space<vmem>> -> memref<1x32xi32, #tpu.memory_space<vmem>>
          %dma_start3A_394 = tpu.memref_squeeze %dma_start3A_393 : memref<1x32xi32, #tpu.memory_space<vmem>> -> memref<32xi32, #tpu.memory_space<vmem>>
          %dma_start3A_395 = arith.constant 0 : i32
          %dma_start3A_396 = arith.constant 0 : i32
          %dma_start3A_397 = tpu.memref_slice %arg2[%dma_start3A_395, %dma_start3A_396] : memref<10000x128xf32, #tpu.memory_space<hbm>> -> memref<10000x128xf32, #tpu.memory_space<hbm>>
          tpu.enqueue_indirect_dma source(%dma_start3A_397 : memref<10000x128xf32, #tpu.memory_space<hbm>>) target(%arg16 : memref<32x128xf32, #tpu.memory_space<vmem>>) offsets(%dma_start3A_394 : memref<32xi32, #tpu.memory_space<vmem>>) semaphore(%arg25 : memref<!tpu.dma_semaphore, #tpu.memory_space<semaphore_mem>>)
        } else {
        }
      }
      %scan3A_71 = arith.constant 20 : i32
      %add3A_72 = arith.constant 40 : i32
      %add3A_73 = arith.addi %mul3A_9, %add3A_72 : i32
      "tpu.region"() ({
        %run_scoped3A = tpu.sem_alloc : memref<!tpu.dma_semaphore, #tpu.memory_space<semaphore_mem>>
        %dma_start3A_267 = arith.constant 0 : i32
        %dma_start3A_268 = arith.constant 0 : i32
        %dma_start3A_269 = tpu.memref_slice %arg7[%dma_start3A_267, %dma_start3A_268] : memref<40x128xi32, #tpu.memory_space<vmem>> -> memref<40x128xi32, #tpu.memory_space<vmem>>
        %dma_start3A_270 = arith.constant 0 : i32
        %dma_start3A_271 = tpu.memref_slice %arg4[%add3A_73, %dma_start3A_270] : memref<2560x128xi32, #tpu.memory_space<hbm>> -> memref<40x128xi32, #tpu.memory_space<hbm>>
        %dma_start3A_272 = arith.constant 0 : i32
        %dma_start3A_273 = arith.constant 0 : i32
        %dma_start3A_274 = tpu.memref_slice %arg7[%dma_start3A_272, %dma_start3A_273] : memref<40x128xi32, #tpu.memory_space<vmem>> -> memref<40x128xi32, #tpu.memory_space<vmem>>
        %dma_start3A_275 = arith.constant 0 : i32
        %dma_start3A_276 = tpu.memref_slice %arg4[%add3A_73, %dma_start3A_275] : memref<2560x128xi32, #tpu.memory_space<hbm>> -> memref<40x128xi32, #tpu.memory_space<hbm>>
        tpu.enqueue_dma source(%dma_start3A_276 : memref<40x128xi32, #tpu.memory_space<hbm>>) target(%dma_start3A_274 : memref<40x128xi32, #tpu.memory_space<vmem>>) target_semaphore(%run_scoped3A : memref<!tpu.dma_semaphore, #tpu.memory_space<semaphore_mem>>)
        %dma_wait3A = arith.constant 0 : i32
        %dma_wait3A_277 = arith.constant 0 : i32
        %dma_wait3A_278 = tpu.memref_slice %arg7[%dma_wait3A, %dma_wait3A_277] : memref<40x128xi32, #tpu.memory_space<vmem>> -> memref<40x128xi32, #tpu.memory_space<vmem>>
        %dma_wait3A_279 = arith.constant 0 : i32
        %dma_wait3A_280 = tpu.memref_slice %arg4[%add3A_73, %dma_wait3A_279] : memref<2560x128xi32, #tpu.memory_space<hbm>> -> memref<40x128xi32, #tpu.memory_space<hbm>>
        %dma_wait3A_281 = arith.constant 0 : i32
        %dma_wait3A_282 = arith.constant 0 : i32
        %dma_wait3A_283 = tpu.memref_slice %arg7[%dma_wait3A_281, %dma_wait3A_282] : memref<40x128xi32, #tpu.memory_space<vmem>> -> memref<40x128xi32, #tpu.memory_space<vmem>>
        %dma_wait3A_284 = arith.constant 0 : i32
        %dma_wait3A_285 = tpu.memref_slice %arg4[%add3A_73, %dma_wait3A_284] : memref<2560x128xi32, #tpu.memory_space<hbm>> -> memref<40x128xi32, #tpu.memory_space<hbm>>
        tpu.wait_dma2 semaphore(%run_scoped3A : memref<!tpu.dma_semaphore, #tpu.memory_space<semaphore_mem>>) src(%dma_wait3A_285 : memref<40x128xi32, #tpu.memory_space<hbm>>) dst(%dma_wait3A_283 : memref<40x128xi32, #tpu.memory_space<vmem>>)
        tpu.yield
      }) : () -> ()
      %add3A_74 = arith.constant 40 : i32
      %add3A_75 = arith.addi %mul3A_9, %add3A_74 : i32
      "tpu.region"() ({
        %run_scoped3A = tpu.sem_alloc : memref<!tpu.dma_semaphore, #tpu.memory_space<semaphore_mem>>
        %dma_start3A_267 = arith.constant 0 : i32
        %dma_start3A_268 = arith.constant 0 : i32
        %dma_start3A_269 = tpu.memref_slice %arg8[%dma_start3A_267, %dma_start3A_268] : memref<40x128xi32, #tpu.memory_space<vmem>> -> memref<40x128xi32, #tpu.memory_space<vmem>>
        %dma_start3A_270 = arith.constant 0 : i32
        %dma_start3A_271 = tpu.memref_slice %arg5[%add3A_75, %dma_start3A_270] : memref<2560x128xi32, #tpu.memory_space<hbm>> -> memref<40x128xi32, #tpu.memory_space<hbm>>
        %dma_start3A_272 = arith.constant 0 : i32
        %dma_start3A_273 = arith.constant 0 : i32
        %dma_start3A_274 = tpu.memref_slice %arg8[%dma_start3A_272, %dma_start3A_273] : memref<40x128xi32, #tpu.memory_space<vmem>> -> memref<40x128xi32, #tpu.memory_space<vmem>>
        %dma_start3A_275 = arith.constant 0 : i32
        %dma_start3A_276 = tpu.memref_slice %arg5[%add3A_75, %dma_start3A_275] : memref<2560x128xi32, #tpu.memory_space<hbm>> -> memref<40x128xi32, #tpu.memory_space<hbm>>
        tpu.enqueue_dma source(%dma_start3A_276 : memref<40x128xi32, #tpu.memory_space<hbm>>) target(%dma_start3A_274 : memref<40x128xi32, #tpu.memory_space<vmem>>) target_semaphore(%run_scoped3A : memref<!tpu.dma_semaphore, #tpu.memory_space<semaphore_mem>>)
        %dma_wait3A = arith.constant 0 : i32
        %dma_wait3A_277 = arith.constant 0 : i32
        %dma_wait3A_278 = tpu.memref_slice %arg8[%dma_wait3A, %dma_wait3A_277] : memref<40x128xi32, #tpu.memory_space<vmem>> -> memref<40x128xi32, #tpu.memory_space<vmem>>
        %dma_wait3A_279 = arith.constant 0 : i32
        %dma_wait3A_280 = tpu.memref_slice %arg5[%add3A_75, %dma_wait3A_279] : memref<2560x128xi32, #tpu.memory_space<hbm>> -> memref<40x128xi32, #tpu.memory_space<hbm>>
        %dma_wait3A_281 = arith.constant 0 : i32
        %dma_wait3A_282 = arith.constant 0 : i32
        %dma_wait3A_283 = tpu.memref_slice %arg8[%dma_wait3A_281, %dma_wait3A_282] : memref<40x128xi32, #tpu.memory_space<vmem>> -> memref<40x128xi32, #tpu.memory_space<vmem>>
        %dma_wait3A_284 = arith.constant 0 : i32
        %dma_wait3A_285 = tpu.memref_slice %arg5[%add3A_75, %dma_wait3A_284] : memref<2560x128xi32, #tpu.memory_space<hbm>> -> memref<40x128xi32, #tpu.memory_space<hbm>>
        tpu.wait_dma2 semaphore(%run_scoped3A : memref<!tpu.dma_semaphore, #tpu.memory_space<semaphore_mem>>) src(%dma_wait3A_285 : memref<40x128xi32, #tpu.memory_space<hbm>>) dst(%dma_wait3A_283 : memref<40x128xi32, #tpu.memory_space<vmem>>)
        tpu.yield
      }) : () -> ()
      %dma_start3A_76 = arith.constant 0 : i32
      %dma_start3A_77 = arith.constant 0 : i32
      %dma_start3A_78 = tpu.memref_slice %arg7[%dma_start3A_76, %dma_start3A_77] : memref<40x128xi32, #tpu.memory_space<vmem>> -> memref<1x32xi32, #tpu.memory_space<vmem>>
      %dma_start3A_79 = tpu.memref_squeeze %dma_start3A_78 : memref<1x32xi32, #tpu.memory_space<vmem>> -> memref<32xi32, #tpu.memory_space<vmem>>
      %dma_start3A_80 = arith.constant 0 : i32
      %dma_start3A_81 = arith.constant 0 : i32
      %dma_start3A_82 = tpu.memref_slice %arg2[%dma_start3A_80, %dma_start3A_81] : memref<10000x128xf32, #tpu.memory_space<hbm>> -> memref<10000x128xf32, #tpu.memory_space<hbm>>
      tpu.enqueue_indirect_dma source(%dma_start3A_82 : memref<10000x128xf32, #tpu.memory_space<hbm>>) target(%arg9 : memref<32x128xf32, #tpu.memory_space<vmem>>) offsets(%dma_start3A_79 : memref<32xi32, #tpu.memory_space<vmem>>) semaphore(%arg18 : memref<!tpu.dma_semaphore, #tpu.memory_space<semaphore_mem>>)
      %dma_start3A_83 = arith.constant 0 : i32
      %dma_start3A_84 = arith.constant 32 : i32
      %dma_start3A_85 = tpu.memref_slice %arg7[%dma_start3A_83, %dma_start3A_84] : memref<40x128xi32, #tpu.memory_space<vmem>> -> memref<1x32xi32, #tpu.memory_space<vmem>>
      %dma_start3A_86 = tpu.memref_squeeze %dma_start3A_85 : memref<1x32xi32, #tpu.memory_space<vmem>> -> memref<32xi32, #tpu.memory_space<vmem>>
      %dma_start3A_87 = arith.constant 0 : i32
      %dma_start3A_88 = arith.constant 0 : i32
      %dma_start3A_89 = tpu.memref_slice %arg2[%dma_start3A_87, %dma_start3A_88] : memref<10000x128xf32, #tpu.memory_space<hbm>> -> memref<10000x128xf32, #tpu.memory_space<hbm>>
      tpu.enqueue_indirect_dma source(%dma_start3A_89 : memref<10000x128xf32, #tpu.memory_space<hbm>>) target(%arg10 : memref<32x128xf32, #tpu.memory_space<vmem>>) offsets(%dma_start3A_86 : memref<32xi32, #tpu.memory_space<vmem>>) semaphore(%arg19 : memref<!tpu.dma_semaphore, #tpu.memory_space<semaphore_mem>>)
      %dma_start3A_90 = arith.constant 0 : i32
      %dma_start3A_91 = arith.constant 64 : i32
      %dma_start3A_92 = tpu.memref_slice %arg7[%dma_start3A_90, %dma_start3A_91] : memref<40x128xi32, #tpu.memory_space<vmem>> -> memref<1x32xi32, #tpu.memory_space<vmem>>
      %dma_start3A_93 = tpu.memref_squeeze %dma_start3A_92 : memref<1x32xi32, #tpu.memory_space<vmem>> -> memref<32xi32, #tpu.memory_space<vmem>>
      %dma_start3A_94 = arith.constant 0 : i32
      %dma_start3A_95 = arith.constant 0 : i32
      %dma_start3A_96 = tpu.memref_slice %arg2[%dma_start3A_94, %dma_start3A_95] : memref<10000x128xf32, #tpu.memory_space<hbm>> -> memref<10000x128xf32, #tpu.memory_space<hbm>>
      tpu.enqueue_indirect_dma source(%dma_start3A_96 : memref<10000x128xf32, #tpu.memory_space<hbm>>) target(%arg11 : memref<32x128xf32, #tpu.memory_space<vmem>>) offsets(%dma_start3A_93 : memref<32xi32, #tpu.memory_space<vmem>>) semaphore(%arg20 : memref<!tpu.dma_semaphore, #tpu.memory_space<semaphore_mem>>)
      %dma_start3A_97 = arith.constant 0 : i32
      %dma_start3A_98 = arith.constant 96 : i32
      %dma_start3A_99 = tpu.memref_slice %arg7[%dma_start3A_97, %dma_start3A_98] : memref<40x128xi32, #tpu.memory_space<vmem>> -> memref<1x32xi32, #tpu.memory_space<vmem>>
      %dma_start3A_100 = tpu.memref_squeeze %dma_start3A_99 : memref<1x32xi32, #tpu.memory_space<vmem>> -> memref<32xi32, #tpu.memory_space<vmem>>
      %dma_start3A_101 = arith.constant 0 : i32
      %dma_start3A_102 = arith.constant 0 : i32
      %dma_start3A_103 = tpu.memref_slice %arg2[%dma_start3A_101, %dma_start3A_102] : memref<10000x128xf32, #tpu.memory_space<hbm>> -> memref<10000x128xf32, #tpu.memory_space<hbm>>
      tpu.enqueue_indirect_dma source(%dma_start3A_103 : memref<10000x128xf32, #tpu.memory_space<hbm>>) target(%arg12 : memref<32x128xf32, #tpu.memory_space<vmem>>) offsets(%dma_start3A_100 : memref<32xi32, #tpu.memory_space<vmem>>) semaphore(%arg21 : memref<!tpu.dma_semaphore, #tpu.memory_space<semaphore_mem>>)
      %dma_start3A_104 = arith.constant 1 : i32
      %dma_start3A_105 = arith.constant 0 : i32
      %dma_start3A_106 = tpu.memref_slice %arg7[%dma_start3A_104, %dma_start3A_105] : memref<40x128xi32, #tpu.memory_space<vmem>> -> memref<1x32xi32, #tpu.memory_space<vmem>>
      %dma_start3A_107 = tpu.memref_squeeze %dma_start3A_106 : memref<1x32xi32, #tpu.memory_space<vmem>> -> memref<32xi32, #tpu.memory_space<vmem>>
      %dma_start3A_108 = arith.constant 0 : i32
      %dma_start3A_109 = arith.constant 0 : i32
      %dma_start3A_110 = tpu.memref_slice %arg2[%dma_start3A_108, %dma_start3A_109] : memref<10000x128xf32, #tpu.memory_space<hbm>> -> memref<10000x128xf32, #tpu.memory_space<hbm>>
      tpu.enqueue_indirect_dma source(%dma_start3A_110 : memref<10000x128xf32, #tpu.memory_space<hbm>>) target(%arg13 : memref<32x128xf32, #tpu.memory_space<vmem>>) offsets(%dma_start3A_107 : memref<32xi32, #tpu.memory_space<vmem>>) semaphore(%arg22 : memref<!tpu.dma_semaphore, #tpu.memory_space<semaphore_mem>>)
      %dma_start3A_111 = arith.constant 1 : i32
      %dma_start3A_112 = arith.constant 32 : i32
      %dma_start3A_113 = tpu.memref_slice %arg7[%dma_start3A_111, %dma_start3A_112] : memref<40x128xi32, #tpu.memory_space<vmem>> -> memref<1x32xi32, #tpu.memory_space<vmem>>
      %dma_start3A_114 = tpu.memref_squeeze %dma_start3A_113 : memref<1x32xi32, #tpu.memory_space<vmem>> -> memref<32xi32, #tpu.memory_space<vmem>>
      %dma_start3A_115 = arith.constant 0 : i32
      %dma_start3A_116 = arith.constant 0 : i32
      %dma_start3A_117 = tpu.memref_slice %arg2[%dma_start3A_115, %dma_start3A_116] : memref<10000x128xf32, #tpu.memory_space<hbm>> -> memref<10000x128xf32, #tpu.memory_space<hbm>>
      tpu.enqueue_indirect_dma source(%dma_start3A_117 : memref<10000x128xf32, #tpu.memory_space<hbm>>) target(%arg14 : memref<32x128xf32, #tpu.memory_space<vmem>>) offsets(%dma_start3A_114 : memref<32xi32, #tpu.memory_space<vmem>>) semaphore(%arg23 : memref<!tpu.dma_semaphore, #tpu.memory_space<semaphore_mem>>)
      %dma_start3A_118 = arith.constant 1 : i32
      %dma_start3A_119 = arith.constant 64 : i32
      %dma_start3A_120 = tpu.memref_slice %arg7[%dma_start3A_118, %dma_start3A_119] : memref<40x128xi32, #tpu.memory_space<vmem>> -> memref<1x32xi32, #tpu.memory_space<vmem>>
      %dma_start3A_121 = tpu.memref_squeeze %dma_start3A_120 : memref<1x32xi32, #tpu.memory_space<vmem>> -> memref<32xi32, #tpu.memory_space<vmem>>
      %dma_start3A_122 = arith.constant 0 : i32
      %dma_start3A_123 = arith.constant 0 : i32
      %dma_start3A_124 = tpu.memref_slice %arg2[%dma_start3A_122, %dma_start3A_123] : memref<10000x128xf32, #tpu.memory_space<hbm>> -> memref<10000x128xf32, #tpu.memory_space<hbm>>
      tpu.enqueue_indirect_dma source(%dma_start3A_124 : memref<10000x128xf32, #tpu.memory_space<hbm>>) target(%arg15 : memref<32x128xf32, #tpu.memory_space<vmem>>) offsets(%dma_start3A_121 : memref<32xi32, #tpu.memory_space<vmem>>) semaphore(%arg24 : memref<!tpu.dma_semaphore, #tpu.memory_space<semaphore_mem>>)
      %dma_start3A_125 = arith.constant 1 : i32
      %dma_start3A_126 = arith.constant 96 : i32
      %dma_start3A_127 = tpu.memref_slice %arg7[%dma_start3A_125, %dma_start3A_126] : memref<40x128xi32, #tpu.memory_space<vmem>> -> memref<1x32xi32, #tpu.memory_space<vmem>>
      %dma_start3A_128 = tpu.memref_squeeze %dma_start3A_127 : memref<1x32xi32, #tpu.memory_space<vmem>> -> memref<32xi32, #tpu.memory_space<vmem>>
      %dma_start3A_129 = arith.constant 0 : i32
      %dma_start3A_130 = arith.constant 0 : i32
      %dma_start3A_131 = tpu.memref_slice %arg2[%dma_start3A_129, %dma_start3A_130] : memref<10000x128xf32, #tpu.memory_space<hbm>> -> memref<10000x128xf32, #tpu.memory_space<hbm>>
      tpu.enqueue_indirect_dma source(%dma_start3A_131 : memref<10000x128xf32, #tpu.memory_space<hbm>>) target(%arg16 : memref<32x128xf32, #tpu.memory_space<vmem>>) offsets(%dma_start3A_128 : memref<32xi32, #tpu.memory_space<vmem>>) semaphore(%arg25 : memref<!tpu.dma_semaphore, #tpu.memory_space<semaphore_mem>>)
      %scan3A_132 = arith.constant 0 : i32
      %scan3A_133 = arith.constant 20 : i32
      %scan3A_134 = arith.addi %scan3A_132, %scan3A_133 : i32
      %scan3A_135 = arith.constant 1 : i32
      scf.for %scan3A_267 = %scan3A_132 to %scan3A_134 step %scan3A_135  : i32 {
        %mul3A_268 = arith.constant 2 : i32
        %mul3A_269 = arith.muli %mul3A_268, %scan3A_267 : i32
        %add3A_270 = arith.constant 0 : i32
        %add3A_271 = arith.addi %mul3A_269, %add3A_270 : i32
        %dma_wait3A = arith.constant 0 : i32
        %dma_wait3A_272 = tpu.memref_slice %arg7[%add3A_271, %dma_wait3A] : memref<40x128xi32, #tpu.memory_space<vmem>> -> memref<1x32xi32, #tpu.memory_space<vmem>>
        %dma_wait3A_273 = tpu.memref_squeeze %dma_wait3A_272 : memref<1x32xi32, #tpu.memory_space<vmem>> -> memref<32xi32, #tpu.memory_space<vmem>>
        %dma_wait3A_274 = arith.constant 0 : i32
        %dma_wait3A_275 = arith.constant 0 : i32
        %dma_wait3A_276 = tpu.memref_slice %arg2[%dma_wait3A_274, %dma_wait3A_275] : memref<10000x128xf32, #tpu.memory_space<hbm>> -> memref<10000x128xf32, #tpu.memory_space<hbm>>
        tpu.wait_indirect_dma semaphore(%arg18 : memref<!tpu.dma_semaphore, #tpu.memory_space<semaphore_mem>>) src(%dma_wait3A_276 : memref<10000x128xf32, #tpu.memory_space<hbm>>) dst(%arg9 : memref<32x128xf32, #tpu.memory_space<vmem>>)
        "tpu.region"() ({
          %run_scoped3A = tpu.sem_alloc : memref<!tpu.dma_semaphore, #tpu.memory_space<semaphore_mem>>
          %dma_start3A_386 = arith.constant 0 : i32
          %dma_start3A_387 = tpu.memref_slice %arg8[%add3A_271, %dma_start3A_386] : memref<40x128xi32, #tpu.memory_space<vmem>> -> memref<1x32xi32, #tpu.memory_space<vmem>>
          %dma_start3A_388 = tpu.memref_squeeze %dma_start3A_387 : memref<1x32xi32, #tpu.memory_space<vmem>> -> memref<32xi32, #tpu.memory_space<vmem>>
          %dma_start3A_389 = arith.constant 0 : i32
          %dma_start3A_390 = arith.constant 0 : i32
          %dma_start3A_391 = tpu.memref_slice %arg17[%dma_start3A_389, %dma_start3A_390] : memref<10112x128xf32, #tpu.memory_space<vmem_shared>> -> memref<10112x128xf32, #tpu.memory_space<vmem_shared>>
          tpu.enqueue_indirect_dma source(%arg9 : memref<32x128xf32, #tpu.memory_space<vmem>>) target(%dma_start3A_391 : memref<10112x128xf32, #tpu.memory_space<vmem_shared>>) offsets(%dma_start3A_388 : memref<32xi32, #tpu.memory_space<vmem>>) semaphore(%run_scoped3A : memref<!tpu.dma_semaphore, #tpu.memory_space<semaphore_mem>>) {add = true}
          %dma_wait3A_392 = arith.constant 0 : i32
          %dma_wait3A_393 = tpu.memref_slice %arg8[%add3A_271, %dma_wait3A_392] : memref<40x128xi32, #tpu.memory_space<vmem>> -> memref<1x32xi32, #tpu.memory_space<vmem>>
          %dma_wait3A_394 = tpu.memref_squeeze %dma_wait3A_393 : memref<1x32xi32, #tpu.memory_space<vmem>> -> memref<32xi32, #tpu.memory_space<vmem>>
          %dma_wait3A_395 = arith.constant 0 : i32
          %dma_wait3A_396 = arith.constant 0 : i32
          %dma_wait3A_397 = tpu.memref_slice %arg17[%dma_wait3A_395, %dma_wait3A_396] : memref<10112x128xf32, #tpu.memory_space<vmem_shared>> -> memref<10112x128xf32, #tpu.memory_space<vmem_shared>>
          tpu.wait_indirect_dma semaphore(%run_scoped3A : memref<!tpu.dma_semaphore, #tpu.memory_space<semaphore_mem>>) src(%arg9 : memref<32x128xf32, #tpu.memory_space<vmem>>) dst(%dma_wait3A_397 : memref<10112x128xf32, #tpu.memory_space<vmem_shared>>)
          tpu.yield
        }) : () -> ()
        %lt3A = arith.constant 19 : i32
        %lt3A_277 = arith.cmpi slt, %scan3A_267, %lt3A : i32
        %convert_element_type3A_278 = arith.extui %lt3A_277 : i1 to i32
        %cond3A_279 = arith.constant 0 : i32
        %cond3A_280 = arith.cmpi ne, %convert_element_type3A_278, %cond3A_279 : i32
        scf.if %cond3A_280 {
          %add3A_386 = arith.constant 1 : i32
          %add3A_387 = arith.addi %scan3A_267, %add3A_386 : i32
          %mul3A_388 = arith.constant 2 : i32
          %mul3A_389 = arith.muli %mul3A_388, %add3A_387 : i32
          %add3A_390 = arith.constant 0 : i32
          %add3A_391 = arith.addi %mul3A_389, %add3A_390 : i32
          %dma_start3A_392 = arith.constant 0 : i32
          %dma_start3A_393 = tpu.memref_slice %arg7[%add3A_391, %dma_start3A_392] : memref<40x128xi32, #tpu.memory_space<vmem>> -> memref<1x32xi32, #tpu.memory_space<vmem>>
          %dma_start3A_394 = tpu.memref_squeeze %dma_start3A_393 : memref<1x32xi32, #tpu.memory_space<vmem>> -> memref<32xi32, #tpu.memory_space<vmem>>
          %dma_start3A_395 = arith.constant 0 : i32
          %dma_start3A_396 = arith.constant 0 : i32
          %dma_start3A_397 = tpu.memref_slice %arg2[%dma_start3A_395, %dma_start3A_396] : memref<10000x128xf32, #tpu.memory_space<hbm>> -> memref<10000x128xf32, #tpu.memory_space<hbm>>
          tpu.enqueue_indirect_dma source(%dma_start3A_397 : memref<10000x128xf32, #tpu.memory_space<hbm>>) target(%arg9 : memref<32x128xf32, #tpu.memory_space<vmem>>) offsets(%dma_start3A_394 : memref<32xi32, #tpu.memory_space<vmem>>) semaphore(%arg18 : memref<!tpu.dma_semaphore, #tpu.memory_space<semaphore_mem>>)
        } else {
        }
        %mul3A_281 = arith.constant 2 : i32
        %mul3A_282 = arith.muli %mul3A_281, %scan3A_267 : i32
        %add3A_283 = arith.constant 0 : i32
        %add3A_284 = arith.addi %mul3A_282, %add3A_283 : i32
        %dma_wait3A_285 = arith.constant 32 : i32
        %dma_wait3A_286 = tpu.memref_slice %arg7[%add3A_284, %dma_wait3A_285] : memref<40x128xi32, #tpu.memory_space<vmem>> -> memref<1x32xi32, #tpu.memory_space<vmem>>
        %dma_wait3A_287 = tpu.memref_squeeze %dma_wait3A_286 : memref<1x32xi32, #tpu.memory_space<vmem>> -> memref<32xi32, #tpu.memory_space<vmem>>
        %dma_wait3A_288 = arith.constant 0 : i32
        %dma_wait3A_289 = arith.constant 0 : i32
        %dma_wait3A_290 = tpu.memref_slice %arg2[%dma_wait3A_288, %dma_wait3A_289] : memref<10000x128xf32, #tpu.memory_space<hbm>> -> memref<10000x128xf32, #tpu.memory_space<hbm>>
        tpu.wait_indirect_dma semaphore(%arg19 : memref<!tpu.dma_semaphore, #tpu.memory_space<semaphore_mem>>) src(%dma_wait3A_290 : memref<10000x128xf32, #tpu.memory_space<hbm>>) dst(%arg10 : memref<32x128xf32, #tpu.memory_space<vmem>>)
        "tpu.region"() ({
          %run_scoped3A = tpu.sem_alloc : memref<!tpu.dma_semaphore, #tpu.memory_space<semaphore_mem>>
          %dma_start3A_386 = arith.constant 32 : i32
          %dma_start3A_387 = tpu.memref_slice %arg8[%add3A_284, %dma_start3A_386] : memref<40x128xi32, #tpu.memory_space<vmem>> -> memref<1x32xi32, #tpu.memory_space<vmem>>
          %dma_start3A_388 = tpu.memref_squeeze %dma_start3A_387 : memref<1x32xi32, #tpu.memory_space<vmem>> -> memref<32xi32, #tpu.memory_space<vmem>>
          %dma_start3A_389 = arith.constant 0 : i32
          %dma_start3A_390 = arith.constant 0 : i32
          %dma_start3A_391 = tpu.memref_slice %arg17[%dma_start3A_389, %dma_start3A_390] : memref<10112x128xf32, #tpu.memory_space<vmem_shared>> -> memref<10112x128xf32, #tpu.memory_space<vmem_shared>>
          tpu.enqueue_indirect_dma source(%arg10 : memref<32x128xf32, #tpu.memory_space<vmem>>) target(%dma_start3A_391 : memref<10112x128xf32, #tpu.memory_space<vmem_shared>>) offsets(%dma_start3A_388 : memref<32xi32, #tpu.memory_space<vmem>>) semaphore(%run_scoped3A : memref<!tpu.dma_semaphore, #tpu.memory_space<semaphore_mem>>) {add = true}
          %dma_wait3A_392 = arith.constant 32 : i32
          %dma_wait3A_393 = tpu.memref_slice %arg8[%add3A_284, %dma_wait3A_392] : memref<40x128xi32, #tpu.memory_space<vmem>> -> memref<1x32xi32, #tpu.memory_space<vmem>>
          %dma_wait3A_394 = tpu.memref_squeeze %dma_wait3A_393 : memref<1x32xi32, #tpu.memory_space<vmem>> -> memref<32xi32, #tpu.memory_space<vmem>>
          %dma_wait3A_395 = arith.constant 0 : i32
          %dma_wait3A_396 = arith.constant 0 : i32
          %dma_wait3A_397 = tpu.memref_slice %arg17[%dma_wait3A_395, %dma_wait3A_396] : memref<10112x128xf32, #tpu.memory_space<vmem_shared>> -> memref<10112x128xf32, #tpu.memory_space<vmem_shared>>
          tpu.wait_indirect_dma semaphore(%run_scoped3A : memref<!tpu.dma_semaphore, #tpu.memory_space<semaphore_mem>>) src(%arg10 : memref<32x128xf32, #tpu.memory_space<vmem>>) dst(%dma_wait3A_397 : memref<10112x128xf32, #tpu.memory_space<vmem_shared>>)
          tpu.yield
        }) : () -> ()
        %lt3A_291 = arith.constant 19 : i32
        %lt3A_292 = arith.cmpi slt, %scan3A_267, %lt3A_291 : i32
        %convert_element_type3A_293 = arith.extui %lt3A_292 : i1 to i32
        %cond3A_294 = arith.constant 0 : i32
        %cond3A_295 = arith.cmpi ne, %convert_element_type3A_293, %cond3A_294 : i32
        scf.if %cond3A_295 {
          %add3A_386 = arith.constant 1 : i32
          %add3A_387 = arith.addi %scan3A_267, %add3A_386 : i32
          %mul3A_388 = arith.constant 2 : i32
          %mul3A_389 = arith.muli %mul3A_388, %add3A_387 : i32
          %add3A_390 = arith.constant 0 : i32
          %add3A_391 = arith.addi %mul3A_389, %add3A_390 : i32
          %dma_start3A_392 = arith.constant 32 : i32
          %dma_start3A_393 = tpu.memref_slice %arg7[%add3A_391, %dma_start3A_392] : memref<40x128xi32, #tpu.memory_space<vmem>> -> memref<1x32xi32, #tpu.memory_space<vmem>>
          %dma_start3A_394 = tpu.memref_squeeze %dma_start3A_393 : memref<1x32xi32, #tpu.memory_space<vmem>> -> memref<32xi32, #tpu.memory_space<vmem>>
          %dma_start3A_395 = arith.constant 0 : i32
          %dma_start3A_396 = arith.constant 0 : i32
          %dma_start3A_397 = tpu.memref_slice %arg2[%dma_start3A_395, %dma_start3A_396] : memref<10000x128xf32, #tpu.memory_space<hbm>> -> memref<10000x128xf32, #tpu.memory_space<hbm>>
          tpu.enqueue_indirect_dma source(%dma_start3A_397 : memref<10000x128xf32, #tpu.memory_space<hbm>>) target(%arg10 : memref<32x128xf32, #tpu.memory_space<vmem>>) offsets(%dma_start3A_394 : memref<32xi32, #tpu.memory_space<vmem>>) semaphore(%arg19 : memref<!tpu.dma_semaphore, #tpu.memory_space<semaphore_mem>>)
        } else {
        }
        %mul3A_296 = arith.constant 2 : i32
        %mul3A_297 = arith.muli %mul3A_296, %scan3A_267 : i32
        %add3A_298 = arith.constant 0 : i32
        %add3A_299 = arith.addi %mul3A_297, %add3A_298 : i32
        %dma_wait3A_300 = arith.constant 64 : i32
        %dma_wait3A_301 = tpu.memref_slice %arg7[%add3A_299, %dma_wait3A_300] : memref<40x128xi32, #tpu.memory_space<vmem>> -> memref<1x32xi32, #tpu.memory_space<vmem>>
        %dma_wait3A_302 = tpu.memref_squeeze %dma_wait3A_301 : memref<1x32xi32, #tpu.memory_space<vmem>> -> memref<32xi32, #tpu.memory_space<vmem>>
        %dma_wait3A_303 = arith.constant 0 : i32
        %dma_wait3A_304 = arith.constant 0 : i32
        %dma_wait3A_305 = tpu.memref_slice %arg2[%dma_wait3A_303, %dma_wait3A_304] : memref<10000x128xf32, #tpu.memory_space<hbm>> -> memref<10000x128xf32, #tpu.memory_space<hbm>>
        tpu.wait_indirect_dma semaphore(%arg20 : memref<!tpu.dma_semaphore, #tpu.memory_space<semaphore_mem>>) src(%dma_wait3A_305 : memref<10000x128xf32, #tpu.memory_space<hbm>>) dst(%arg11 : memref<32x128xf32, #tpu.memory_space<vmem>>)
        "tpu.region"() ({
          %run_scoped3A = tpu.sem_alloc : memref<!tpu.dma_semaphore, #tpu.memory_space<semaphore_mem>>
          %dma_start3A_386 = arith.constant 64 : i32
          %dma_start3A_387 = tpu.memref_slice %arg8[%add3A_299, %dma_start3A_386] : memref<40x128xi32, #tpu.memory_space<vmem>> -> memref<1x32xi32, #tpu.memory_space<vmem>>
          %dma_start3A_388 = tpu.memref_squeeze %dma_start3A_387 : memref<1x32xi32, #tpu.memory_space<vmem>> -> memref<32xi32, #tpu.memory_space<vmem>>
          %dma_start3A_389 = arith.constant 0 : i32
          %dma_start3A_390 = arith.constant 0 : i32
          %dma_start3A_391 = tpu.memref_slice %arg17[%dma_start3A_389, %dma_start3A_390] : memref<10112x128xf32, #tpu.memory_space<vmem_shared>> -> memref<10112x128xf32, #tpu.memory_space<vmem_shared>>
          tpu.enqueue_indirect_dma source(%arg11 : memref<32x128xf32, #tpu.memory_space<vmem>>) target(%dma_start3A_391 : memref<10112x128xf32, #tpu.memory_space<vmem_shared>>) offsets(%dma_start3A_388 : memref<32xi32, #tpu.memory_space<vmem>>) semaphore(%run_scoped3A : memref<!tpu.dma_semaphore, #tpu.memory_space<semaphore_mem>>) {add = true}
          %dma_wait3A_392 = arith.constant 64 : i32
          %dma_wait3A_393 = tpu.memref_slice %arg8[%add3A_299, %dma_wait3A_392] : memref<40x128xi32, #tpu.memory_space<vmem>> -> memref<1x32xi32, #tpu.memory_space<vmem>>
          %dma_wait3A_394 = tpu.memref_squeeze %dma_wait3A_393 : memref<1x32xi32, #tpu.memory_space<vmem>> -> memref<32xi32, #tpu.memory_space<vmem>>
          %dma_wait3A_395 = arith.constant 0 : i32
          %dma_wait3A_396 = arith.constant 0 : i32
          %dma_wait3A_397 = tpu.memref_slice %arg17[%dma_wait3A_395, %dma_wait3A_396] : memref<10112x128xf32, #tpu.memory_space<vmem_shared>> -> memref<10112x128xf32, #tpu.memory_space<vmem_shared>>
          tpu.wait_indirect_dma semaphore(%run_scoped3A : memref<!tpu.dma_semaphore, #tpu.memory_space<semaphore_mem>>) src(%arg11 : memref<32x128xf32, #tpu.memory_space<vmem>>) dst(%dma_wait3A_397 : memref<10112x128xf32, #tpu.memory_space<vmem_shared>>)
          tpu.yield
        }) : () -> ()
        %lt3A_306 = arith.constant 19 : i32
        %lt3A_307 = arith.cmpi slt, %scan3A_267, %lt3A_306 : i32
        %convert_element_type3A_308 = arith.extui %lt3A_307 : i1 to i32
        %cond3A_309 = arith.constant 0 : i32
        %cond3A_310 = arith.cmpi ne, %convert_element_type3A_308, %cond3A_309 : i32
        scf.if %cond3A_310 {
          %add3A_386 = arith.constant 1 : i32
          %add3A_387 = arith.addi %scan3A_267, %add3A_386 : i32
          %mul3A_388 = arith.constant 2 : i32
          %mul3A_389 = arith.muli %mul3A_388, %add3A_387 : i32
          %add3A_390 = arith.constant 0 : i32
          %add3A_391 = arith.addi %mul3A_389, %add3A_390 : i32
          %dma_start3A_392 = arith.constant 64 : i32
          %dma_start3A_393 = tpu.memref_slice %arg7[%add3A_391, %dma_start3A_392] : memref<40x128xi32, #tpu.memory_space<vmem>> -> memref<1x32xi32, #tpu.memory_space<vmem>>
          %dma_start3A_394 = tpu.memref_squeeze %dma_start3A_393 : memref<1x32xi32, #tpu.memory_space<vmem>> -> memref<32xi32, #tpu.memory_space<vmem>>
          %dma_start3A_395 = arith.constant 0 : i32
          %dma_start3A_396 = arith.constant 0 : i32
          %dma_start3A_397 = tpu.memref_slice %arg2[%dma_start3A_395, %dma_start3A_396] : memref<10000x128xf32, #tpu.memory_space<hbm>> -> memref<10000x128xf32, #tpu.memory_space<hbm>>
          tpu.enqueue_indirect_dma source(%dma_start3A_397 : memref<10000x128xf32, #tpu.memory_space<hbm>>) target(%arg11 : memref<32x128xf32, #tpu.memory_space<vmem>>) offsets(%dma_start3A_394 : memref<32xi32, #tpu.memory_space<vmem>>) semaphore(%arg20 : memref<!tpu.dma_semaphore, #tpu.memory_space<semaphore_mem>>)
        } else {
        }
        %mul3A_311 = arith.constant 2 : i32
        %mul3A_312 = arith.muli %mul3A_311, %scan3A_267 : i32
        %add3A_313 = arith.constant 0 : i32
        %add3A_314 = arith.addi %mul3A_312, %add3A_313 : i32
        %dma_wait3A_315 = arith.constant 96 : i32
        %dma_wait3A_316 = tpu.memref_slice %arg7[%add3A_314, %dma_wait3A_315] : memref<40x128xi32, #tpu.memory_space<vmem>> -> memref<1x32xi32, #tpu.memory_space<vmem>>
        %dma_wait3A_317 = tpu.memref_squeeze %dma_wait3A_316 : memref<1x32xi32, #tpu.memory_space<vmem>> -> memref<32xi32, #tpu.memory_space<vmem>>
        %dma_wait3A_318 = arith.constant 0 : i32
        %dma_wait3A_319 = arith.constant 0 : i32
        %dma_wait3A_320 = tpu.memref_slice %arg2[%dma_wait3A_318, %dma_wait3A_319] : memref<10000x128xf32, #tpu.memory_space<hbm>> -> memref<10000x128xf32, #tpu.memory_space<hbm>>
        tpu.wait_indirect_dma semaphore(%arg21 : memref<!tpu.dma_semaphore, #tpu.memory_space<semaphore_mem>>) src(%dma_wait3A_320 : memref<10000x128xf32, #tpu.memory_space<hbm>>) dst(%arg12 : memref<32x128xf32, #tpu.memory_space<vmem>>)
        "tpu.region"() ({
          %run_scoped3A = tpu.sem_alloc : memref<!tpu.dma_semaphore, #tpu.memory_space<semaphore_mem>>
          %dma_start3A_386 = arith.constant 96 : i32
          %dma_start3A_387 = tpu.memref_slice %arg8[%add3A_314, %dma_start3A_386] : memref<40x128xi32, #tpu.memory_space<vmem>> -> memref<1x32xi32, #tpu.memory_space<vmem>>
          %dma_start3A_388 = tpu.memref_squeeze %dma_start3A_387 : memref<1x32xi32, #tpu.memory_space<vmem>> -> memref<32xi32, #tpu.memory_space<vmem>>
          %dma_start3A_389 = arith.constant 0 : i32
          %dma_start3A_390 = arith.constant 0 : i32
          %dma_start3A_391 = tpu.memref_slice %arg17[%dma_start3A_389, %dma_start3A_390] : memref<10112x128xf32, #tpu.memory_space<vmem_shared>> -> memref<10112x128xf32, #tpu.memory_space<vmem_shared>>
          tpu.enqueue_indirect_dma source(%arg12 : memref<32x128xf32, #tpu.memory_space<vmem>>) target(%dma_start3A_391 : memref<10112x128xf32, #tpu.memory_space<vmem_shared>>) offsets(%dma_start3A_388 : memref<32xi32, #tpu.memory_space<vmem>>) semaphore(%run_scoped3A : memref<!tpu.dma_semaphore, #tpu.memory_space<semaphore_mem>>) {add = true}
          %dma_wait3A_392 = arith.constant 96 : i32
          %dma_wait3A_393 = tpu.memref_slice %arg8[%add3A_314, %dma_wait3A_392] : memref<40x128xi32, #tpu.memory_space<vmem>> -> memref<1x32xi32, #tpu.memory_space<vmem>>
          %dma_wait3A_394 = tpu.memref_squeeze %dma_wait3A_393 : memref<1x32xi32, #tpu.memory_space<vmem>> -> memref<32xi32, #tpu.memory_space<vmem>>
          %dma_wait3A_395 = arith.constant 0 : i32
          %dma_wait3A_396 = arith.constant 0 : i32
          %dma_wait3A_397 = tpu.memref_slice %arg17[%dma_wait3A_395, %dma_wait3A_396] : memref<10112x128xf32, #tpu.memory_space<vmem_shared>> -> memref<10112x128xf32, #tpu.memory_space<vmem_shared>>
          tpu.wait_indirect_dma semaphore(%run_scoped3A : memref<!tpu.dma_semaphore, #tpu.memory_space<semaphore_mem>>) src(%arg12 : memref<32x128xf32, #tpu.memory_space<vmem>>) dst(%dma_wait3A_397 : memref<10112x128xf32, #tpu.memory_space<vmem_shared>>)
          tpu.yield
        }) : () -> ()
        %lt3A_321 = arith.constant 19 : i32
        %lt3A_322 = arith.cmpi slt, %scan3A_267, %lt3A_321 : i32
        %convert_element_type3A_323 = arith.extui %lt3A_322 : i1 to i32
        %cond3A_324 = arith.constant 0 : i32
        %cond3A_325 = arith.cmpi ne, %convert_element_type3A_323, %cond3A_324 : i32
        scf.if %cond3A_325 {
          %add3A_386 = arith.constant 1 : i32
          %add3A_387 = arith.addi %scan3A_267, %add3A_386 : i32
          %mul3A_388 = arith.constant 2 : i32
          %mul3A_389 = arith.muli %mul3A_388, %add3A_387 : i32
          %add3A_390 = arith.constant 0 : i32
          %add3A_391 = arith.addi %mul3A_389, %add3A_390 : i32
          %dma_start3A_392 = arith.constant 96 : i32
          %dma_start3A_393 = tpu.memref_slice %arg7[%add3A_391, %dma_start3A_392] : memref<40x128xi32, #tpu.memory_space<vmem>> -> memref<1x32xi32, #tpu.memory_space<vmem>>
          %dma_start3A_394 = tpu.memref_squeeze %dma_start3A_393 : memref<1x32xi32, #tpu.memory_space<vmem>> -> memref<32xi32, #tpu.memory_space<vmem>>
          %dma_start3A_395 = arith.constant 0 : i32
          %dma_start3A_396 = arith.constant 0 : i32
          %dma_start3A_397 = tpu.memref_slice %arg2[%dma_start3A_395, %dma_start3A_396] : memref<10000x128xf32, #tpu.memory_space<hbm>> -> memref<10000x128xf32, #tpu.memory_space<hbm>>
          tpu.enqueue_indirect_dma source(%dma_start3A_397 : memref<10000x128xf32, #tpu.memory_space<hbm>>) target(%arg12 : memref<32x128xf32, #tpu.memory_space<vmem>>) offsets(%dma_start3A_394 : memref<32xi32, #tpu.memory_space<vmem>>) semaphore(%arg21 : memref<!tpu.dma_semaphore, #tpu.memory_space<semaphore_mem>>)
        } else {
        }
        %mul3A_326 = arith.constant 2 : i32
        %mul3A_327 = arith.muli %mul3A_326, %scan3A_267 : i32
        %add3A_328 = arith.constant 1 : i32
        %add3A_329 = arith.addi %mul3A_327, %add3A_328 : i32
        %dma_wait3A_330 = arith.constant 0 : i32
        %dma_wait3A_331 = tpu.memref_slice %arg7[%add3A_329, %dma_wait3A_330] : memref<40x128xi32, #tpu.memory_space<vmem>> -> memref<1x32xi32, #tpu.memory_space<vmem>>
        %dma_wait3A_332 = tpu.memref_squeeze %dma_wait3A_331 : memref<1x32xi32, #tpu.memory_space<vmem>> -> memref<32xi32, #tpu.memory_space<vmem>>
        %dma_wait3A_333 = arith.constant 0 : i32
        %dma_wait3A_334 = arith.constant 0 : i32
        %dma_wait3A_335 = tpu.memref_slice %arg2[%dma_wait3A_333, %dma_wait3A_334] : memref<10000x128xf32, #tpu.memory_space<hbm>> -> memref<10000x128xf32, #tpu.memory_space<hbm>>
        tpu.wait_indirect_dma semaphore(%arg22 : memref<!tpu.dma_semaphore, #tpu.memory_space<semaphore_mem>>) src(%dma_wait3A_335 : memref<10000x128xf32, #tpu.memory_space<hbm>>) dst(%arg13 : memref<32x128xf32, #tpu.memory_space<vmem>>)
        "tpu.region"() ({
          %run_scoped3A = tpu.sem_alloc : memref<!tpu.dma_semaphore, #tpu.memory_space<semaphore_mem>>
          %dma_start3A_386 = arith.constant 0 : i32
          %dma_start3A_387 = tpu.memref_slice %arg8[%add3A_329, %dma_start3A_386] : memref<40x128xi32, #tpu.memory_space<vmem>> -> memref<1x32xi32, #tpu.memory_space<vmem>>
          %dma_start3A_388 = tpu.memref_squeeze %dma_start3A_387 : memref<1x32xi32, #tpu.memory_space<vmem>> -> memref<32xi32, #tpu.memory_space<vmem>>
          %dma_start3A_389 = arith.constant 0 : i32
          %dma_start3A_390 = arith.constant 0 : i32
          %dma_start3A_391 = tpu.memref_slice %arg17[%dma_start3A_389, %dma_start3A_390] : memref<10112x128xf32, #tpu.memory_space<vmem_shared>> -> memref<10112x128xf32, #tpu.memory_space<vmem_shared>>
          tpu.enqueue_indirect_dma source(%arg13 : memref<32x128xf32, #tpu.memory_space<vmem>>) target(%dma_start3A_391 : memref<10112x128xf32, #tpu.memory_space<vmem_shared>>) offsets(%dma_start3A_388 : memref<32xi32, #tpu.memory_space<vmem>>) semaphore(%run_scoped3A : memref<!tpu.dma_semaphore, #tpu.memory_space<semaphore_mem>>) {add = true}
          %dma_wait3A_392 = arith.constant 0 : i32
          %dma_wait3A_393 = tpu.memref_slice %arg8[%add3A_329, %dma_wait3A_392] : memref<40x128xi32, #tpu.memory_space<vmem>> -> memref<1x32xi32, #tpu.memory_space<vmem>>
          %dma_wait3A_394 = tpu.memref_squeeze %dma_wait3A_393 : memref<1x32xi32, #tpu.memory_space<vmem>> -> memref<32xi32, #tpu.memory_space<vmem>>
          %dma_wait3A_395 = arith.constant 0 : i32
          %dma_wait3A_396 = arith.constant 0 : i32
          %dma_wait3A_397 = tpu.memref_slice %arg17[%dma_wait3A_395, %dma_wait3A_396] : memref<10112x128xf32, #tpu.memory_space<vmem_shared>> -> memref<10112x128xf32, #tpu.memory_space<vmem_shared>>
          tpu.wait_indirect_dma semaphore(%run_scoped3A : memref<!tpu.dma_semaphore, #tpu.memory_space<semaphore_mem>>) src(%arg13 : memref<32x128xf32, #tpu.memory_space<vmem>>) dst(%dma_wait3A_397 : memref<10112x128xf32, #tpu.memory_space<vmem_shared>>)
          tpu.yield
        }) : () -> ()
        %lt3A_336 = arith.constant 19 : i32
        %lt3A_337 = arith.cmpi slt, %scan3A_267, %lt3A_336 : i32
        %convert_element_type3A_338 = arith.extui %lt3A_337 : i1 to i32
        %cond3A_339 = arith.constant 0 : i32
        %cond3A_340 = arith.cmpi ne, %convert_element_type3A_338, %cond3A_339 : i32
        scf.if %cond3A_340 {
          %add3A_386 = arith.constant 1 : i32
          %add3A_387 = arith.addi %scan3A_267, %add3A_386 : i32
          %mul3A_388 = arith.constant 2 : i32
          %mul3A_389 = arith.muli %mul3A_388, %add3A_387 : i32
          %add3A_390 = arith.constant 1 : i32
          %add3A_391 = arith.addi %mul3A_389, %add3A_390 : i32
          %dma_start3A_392 = arith.constant 0 : i32
          %dma_start3A_393 = tpu.memref_slice %arg7[%add3A_391, %dma_start3A_392] : memref<40x128xi32, #tpu.memory_space<vmem>> -> memref<1x32xi32, #tpu.memory_space<vmem>>
          %dma_start3A_394 = tpu.memref_squeeze %dma_start3A_393 : memref<1x32xi32, #tpu.memory_space<vmem>> -> memref<32xi32, #tpu.memory_space<vmem>>
          %dma_start3A_395 = arith.constant 0 : i32
          %dma_start3A_396 = arith.constant 0 : i32
          %dma_start3A_397 = tpu.memref_slice %arg2[%dma_start3A_395, %dma_start3A_396] : memref<10000x128xf32, #tpu.memory_space<hbm>> -> memref<10000x128xf32, #tpu.memory_space<hbm>>
          tpu.enqueue_indirect_dma source(%dma_start3A_397 : memref<10000x128xf32, #tpu.memory_space<hbm>>) target(%arg13 : memref<32x128xf32, #tpu.memory_space<vmem>>) offsets(%dma_start3A_394 : memref<32xi32, #tpu.memory_space<vmem>>) semaphore(%arg22 : memref<!tpu.dma_semaphore, #tpu.memory_space<semaphore_mem>>)
        } else {
        }
        %mul3A_341 = arith.constant 2 : i32
        %mul3A_342 = arith.muli %mul3A_341, %scan3A_267 : i32
        %add3A_343 = arith.constant 1 : i32
        %add3A_344 = arith.addi %mul3A_342, %add3A_343 : i32
        %dma_wait3A_345 = arith.constant 32 : i32
        %dma_wait3A_346 = tpu.memref_slice %arg7[%add3A_344, %dma_wait3A_345] : memref<40x128xi32, #tpu.memory_space<vmem>> -> memref<1x32xi32, #tpu.memory_space<vmem>>
        %dma_wait3A_347 = tpu.memref_squeeze %dma_wait3A_346 : memref<1x32xi32, #tpu.memory_space<vmem>> -> memref<32xi32, #tpu.memory_space<vmem>>
        %dma_wait3A_348 = arith.constant 0 : i32
        %dma_wait3A_349 = arith.constant 0 : i32
        %dma_wait3A_350 = tpu.memref_slice %arg2[%dma_wait3A_348, %dma_wait3A_349] : memref<10000x128xf32, #tpu.memory_space<hbm>> -> memref<10000x128xf32, #tpu.memory_space<hbm>>
        tpu.wait_indirect_dma semaphore(%arg23 : memref<!tpu.dma_semaphore, #tpu.memory_space<semaphore_mem>>) src(%dma_wait3A_350 : memref<10000x128xf32, #tpu.memory_space<hbm>>) dst(%arg14 : memref<32x128xf32, #tpu.memory_space<vmem>>)
        "tpu.region"() ({
          %run_scoped3A = tpu.sem_alloc : memref<!tpu.dma_semaphore, #tpu.memory_space<semaphore_mem>>
          %dma_start3A_386 = arith.constant 32 : i32
          %dma_start3A_387 = tpu.memref_slice %arg8[%add3A_344, %dma_start3A_386] : memref<40x128xi32, #tpu.memory_space<vmem>> -> memref<1x32xi32, #tpu.memory_space<vmem>>
          %dma_start3A_388 = tpu.memref_squeeze %dma_start3A_387 : memref<1x32xi32, #tpu.memory_space<vmem>> -> memref<32xi32, #tpu.memory_space<vmem>>
          %dma_start3A_389 = arith.constant 0 : i32
          %dma_start3A_390 = arith.constant 0 : i32
          %dma_start3A_391 = tpu.memref_slice %arg17[%dma_start3A_389, %dma_start3A_390] : memref<10112x128xf32, #tpu.memory_space<vmem_shared>> -> memref<10112x128xf32, #tpu.memory_space<vmem_shared>>
          tpu.enqueue_indirect_dma source(%arg14 : memref<32x128xf32, #tpu.memory_space<vmem>>) target(%dma_start3A_391 : memref<10112x128xf32, #tpu.memory_space<vmem_shared>>) offsets(%dma_start3A_388 : memref<32xi32, #tpu.memory_space<vmem>>) semaphore(%run_scoped3A : memref<!tpu.dma_semaphore, #tpu.memory_space<semaphore_mem>>) {add = true}
          %dma_wait3A_392 = arith.constant 32 : i32
          %dma_wait3A_393 = tpu.memref_slice %arg8[%add3A_344, %dma_wait3A_392] : memref<40x128xi32, #tpu.memory_space<vmem>> -> memref<1x32xi32, #tpu.memory_space<vmem>>
          %dma_wait3A_394 = tpu.memref_squeeze %dma_wait3A_393 : memref<1x32xi32, #tpu.memory_space<vmem>> -> memref<32xi32, #tpu.memory_space<vmem>>
          %dma_wait3A_395 = arith.constant 0 : i32
          %dma_wait3A_396 = arith.constant 0 : i32
          %dma_wait3A_397 = tpu.memref_slice %arg17[%dma_wait3A_395, %dma_wait3A_396] : memref<10112x128xf32, #tpu.memory_space<vmem_shared>> -> memref<10112x128xf32, #tpu.memory_space<vmem_shared>>
          tpu.wait_indirect_dma semaphore(%run_scoped3A : memref<!tpu.dma_semaphore, #tpu.memory_space<semaphore_mem>>) src(%arg14 : memref<32x128xf32, #tpu.memory_space<vmem>>) dst(%dma_wait3A_397 : memref<10112x128xf32, #tpu.memory_space<vmem_shared>>)
          tpu.yield
        }) : () -> ()
        %lt3A_351 = arith.constant 19 : i32
        %lt3A_352 = arith.cmpi slt, %scan3A_267, %lt3A_351 : i32
        %convert_element_type3A_353 = arith.extui %lt3A_352 : i1 to i32
        %cond3A_354 = arith.constant 0 : i32
        %cond3A_355 = arith.cmpi ne, %convert_element_type3A_353, %cond3A_354 : i32
        scf.if %cond3A_355 {
          %add3A_386 = arith.constant 1 : i32
          %add3A_387 = arith.addi %scan3A_267, %add3A_386 : i32
          %mul3A_388 = arith.constant 2 : i32
          %mul3A_389 = arith.muli %mul3A_388, %add3A_387 : i32
          %add3A_390 = arith.constant 1 : i32
          %add3A_391 = arith.addi %mul3A_389, %add3A_390 : i32
          %dma_start3A_392 = arith.constant 32 : i32
          %dma_start3A_393 = tpu.memref_slice %arg7[%add3A_391, %dma_start3A_392] : memref<40x128xi32, #tpu.memory_space<vmem>> -> memref<1x32xi32, #tpu.memory_space<vmem>>
          %dma_start3A_394 = tpu.memref_squeeze %dma_start3A_393 : memref<1x32xi32, #tpu.memory_space<vmem>> -> memref<32xi32, #tpu.memory_space<vmem>>
          %dma_start3A_395 = arith.constant 0 : i32
          %dma_start3A_396 = arith.constant 0 : i32
          %dma_start3A_397 = tpu.memref_slice %arg2[%dma_start3A_395, %dma_start3A_396] : memref<10000x128xf32, #tpu.memory_space<hbm>> -> memref<10000x128xf32, #tpu.memory_space<hbm>>
          tpu.enqueue_indirect_dma source(%dma_start3A_397 : memref<10000x128xf32, #tpu.memory_space<hbm>>) target(%arg14 : memref<32x128xf32, #tpu.memory_space<vmem>>) offsets(%dma_start3A_394 : memref<32xi32, #tpu.memory_space<vmem>>) semaphore(%arg23 : memref<!tpu.dma_semaphore, #tpu.memory_space<semaphore_mem>>)
        } else {
        }
        %mul3A_356 = arith.constant 2 : i32
        %mul3A_357 = arith.muli %mul3A_356, %scan3A_267 : i32
        %add3A_358 = arith.constant 1 : i32
        %add3A_359 = arith.addi %mul3A_357, %add3A_358 : i32
        %dma_wait3A_360 = arith.constant 64 : i32
        %dma_wait3A_361 = tpu.memref_slice %arg7[%add3A_359, %dma_wait3A_360] : memref<40x128xi32, #tpu.memory_space<vmem>> -> memref<1x32xi32, #tpu.memory_space<vmem>>
        %dma_wait3A_362 = tpu.memref_squeeze %dma_wait3A_361 : memref<1x32xi32, #tpu.memory_space<vmem>> -> memref<32xi32, #tpu.memory_space<vmem>>
        %dma_wait3A_363 = arith.constant 0 : i32
        %dma_wait3A_364 = arith.constant 0 : i32
        %dma_wait3A_365 = tpu.memref_slice %arg2[%dma_wait3A_363, %dma_wait3A_364] : memref<10000x128xf32, #tpu.memory_space<hbm>> -> memref<10000x128xf32, #tpu.memory_space<hbm>>
        tpu.wait_indirect_dma semaphore(%arg24 : memref<!tpu.dma_semaphore, #tpu.memory_space<semaphore_mem>>) src(%dma_wait3A_365 : memref<10000x128xf32, #tpu.memory_space<hbm>>) dst(%arg15 : memref<32x128xf32, #tpu.memory_space<vmem>>)
        "tpu.region"() ({
          %run_scoped3A = tpu.sem_alloc : memref<!tpu.dma_semaphore, #tpu.memory_space<semaphore_mem>>
          %dma_start3A_386 = arith.constant 64 : i32
          %dma_start3A_387 = tpu.memref_slice %arg8[%add3A_359, %dma_start3A_386] : memref<40x128xi32, #tpu.memory_space<vmem>> -> memref<1x32xi32, #tpu.memory_space<vmem>>
          %dma_start3A_388 = tpu.memref_squeeze %dma_start3A_387 : memref<1x32xi32, #tpu.memory_space<vmem>> -> memref<32xi32, #tpu.memory_space<vmem>>
          %dma_start3A_389 = arith.constant 0 : i32
          %dma_start3A_390 = arith.constant 0 : i32
          %dma_start3A_391 = tpu.memref_slice %arg17[%dma_start3A_389, %dma_start3A_390] : memref<10112x128xf32, #tpu.memory_space<vmem_shared>> -> memref<10112x128xf32, #tpu.memory_space<vmem_shared>>
          tpu.enqueue_indirect_dma source(%arg15 : memref<32x128xf32, #tpu.memory_space<vmem>>) target(%dma_start3A_391 : memref<10112x128xf32, #tpu.memory_space<vmem_shared>>) offsets(%dma_start3A_388 : memref<32xi32, #tpu.memory_space<vmem>>) semaphore(%run_scoped3A : memref<!tpu.dma_semaphore, #tpu.memory_space<semaphore_mem>>) {add = true}
          %dma_wait3A_392 = arith.constant 64 : i32
          %dma_wait3A_393 = tpu.memref_slice %arg8[%add3A_359, %dma_wait3A_392] : memref<40x128xi32, #tpu.memory_space<vmem>> -> memref<1x32xi32, #tpu.memory_space<vmem>>
          %dma_wait3A_394 = tpu.memref_squeeze %dma_wait3A_393 : memref<1x32xi32, #tpu.memory_space<vmem>> -> memref<32xi32, #tpu.memory_space<vmem>>
          %dma_wait3A_395 = arith.constant 0 : i32
          %dma_wait3A_396 = arith.constant 0 : i32
          %dma_wait3A_397 = tpu.memref_slice %arg17[%dma_wait3A_395, %dma_wait3A_396] : memref<10112x128xf32, #tpu.memory_space<vmem_shared>> -> memref<10112x128xf32, #tpu.memory_space<vmem_shared>>
          tpu.wait_indirect_dma semaphore(%run_scoped3A : memref<!tpu.dma_semaphore, #tpu.memory_space<semaphore_mem>>) src(%arg15 : memref<32x128xf32, #tpu.memory_space<vmem>>) dst(%dma_wait3A_397 : memref<10112x128xf32, #tpu.memory_space<vmem_shared>>)
          tpu.yield
        }) : () -> ()
        %lt3A_366 = arith.constant 19 : i32
        %lt3A_367 = arith.cmpi slt, %scan3A_267, %lt3A_366 : i32
        %convert_element_type3A_368 = arith.extui %lt3A_367 : i1 to i32
        %cond3A_369 = arith.constant 0 : i32
        %cond3A_370 = arith.cmpi ne, %convert_element_type3A_368, %cond3A_369 : i32
        scf.if %cond3A_370 {
          %add3A_386 = arith.constant 1 : i32
          %add3A_387 = arith.addi %scan3A_267, %add3A_386 : i32
          %mul3A_388 = arith.constant 2 : i32
          %mul3A_389 = arith.muli %mul3A_388, %add3A_387 : i32
          %add3A_390 = arith.constant 1 : i32
          %add3A_391 = arith.addi %mul3A_389, %add3A_390 : i32
          %dma_start3A_392 = arith.constant 64 : i32
          %dma_start3A_393 = tpu.memref_slice %arg7[%add3A_391, %dma_start3A_392] : memref<40x128xi32, #tpu.memory_space<vmem>> -> memref<1x32xi32, #tpu.memory_space<vmem>>
          %dma_start3A_394 = tpu.memref_squeeze %dma_start3A_393 : memref<1x32xi32, #tpu.memory_space<vmem>> -> memref<32xi32, #tpu.memory_space<vmem>>
          %dma_start3A_395 = arith.constant 0 : i32
          %dma_start3A_396 = arith.constant 0 : i32
          %dma_start3A_397 = tpu.memref_slice %arg2[%dma_start3A_395, %dma_start3A_396] : memref<10000x128xf32, #tpu.memory_space<hbm>> -> memref<10000x128xf32, #tpu.memory_space<hbm>>
          tpu.enqueue_indirect_dma source(%dma_start3A_397 : memref<10000x128xf32, #tpu.memory_space<hbm>>) target(%arg15 : memref<32x128xf32, #tpu.memory_space<vmem>>) offsets(%dma_start3A_394 : memref<32xi32, #tpu.memory_space<vmem>>) semaphore(%arg24 : memref<!tpu.dma_semaphore, #tpu.memory_space<semaphore_mem>>)
        } else {
        }
        %mul3A_371 = arith.constant 2 : i32
        %mul3A_372 = arith.muli %mul3A_371, %scan3A_267 : i32
        %add3A_373 = arith.constant 1 : i32
        %add3A_374 = arith.addi %mul3A_372, %add3A_373 : i32
        %dma_wait3A_375 = arith.constant 96 : i32
        %dma_wait3A_376 = tpu.memref_slice %arg7[%add3A_374, %dma_wait3A_375] : memref<40x128xi32, #tpu.memory_space<vmem>> -> memref<1x32xi32, #tpu.memory_space<vmem>>
        %dma_wait3A_377 = tpu.memref_squeeze %dma_wait3A_376 : memref<1x32xi32, #tpu.memory_space<vmem>> -> memref<32xi32, #tpu.memory_space<vmem>>
        %dma_wait3A_378 = arith.constant 0 : i32
        %dma_wait3A_379 = arith.constant 0 : i32
        %dma_wait3A_380 = tpu.memref_slice %arg2[%dma_wait3A_378, %dma_wait3A_379] : memref<10000x128xf32, #tpu.memory_space<hbm>> -> memref<10000x128xf32, #tpu.memory_space<hbm>>
        tpu.wait_indirect_dma semaphore(%arg25 : memref<!tpu.dma_semaphore, #tpu.memory_space<semaphore_mem>>) src(%dma_wait3A_380 : memref<10000x128xf32, #tpu.memory_space<hbm>>) dst(%arg16 : memref<32x128xf32, #tpu.memory_space<vmem>>)
        "tpu.region"() ({
          %run_scoped3A = tpu.sem_alloc : memref<!tpu.dma_semaphore, #tpu.memory_space<semaphore_mem>>
          %dma_start3A_386 = arith.constant 96 : i32
          %dma_start3A_387 = tpu.memref_slice %arg8[%add3A_374, %dma_start3A_386] : memref<40x128xi32, #tpu.memory_space<vmem>> -> memref<1x32xi32, #tpu.memory_space<vmem>>
          %dma_start3A_388 = tpu.memref_squeeze %dma_start3A_387 : memref<1x32xi32, #tpu.memory_space<vmem>> -> memref<32xi32, #tpu.memory_space<vmem>>
          %dma_start3A_389 = arith.constant 0 : i32
          %dma_start3A_390 = arith.constant 0 : i32
          %dma_start3A_391 = tpu.memref_slice %arg17[%dma_start3A_389, %dma_start3A_390] : memref<10112x128xf32, #tpu.memory_space<vmem_shared>> -> memref<10112x128xf32, #tpu.memory_space<vmem_shared>>
          tpu.enqueue_indirect_dma source(%arg16 : memref<32x128xf32, #tpu.memory_space<vmem>>) target(%dma_start3A_391 : memref<10112x128xf32, #tpu.memory_space<vmem_shared>>) offsets(%dma_start3A_388 : memref<32xi32, #tpu.memory_space<vmem>>) semaphore(%run_scoped3A : memref<!tpu.dma_semaphore, #tpu.memory_space<semaphore_mem>>) {add = true}
          %dma_wait3A_392 = arith.constant 96 : i32
          %dma_wait3A_393 = tpu.memref_slice %arg8[%add3A_374, %dma_wait3A_392] : memref<40x128xi32, #tpu.memory_space<vmem>> -> memref<1x32xi32, #tpu.memory_space<vmem>>
          %dma_wait3A_394 = tpu.memref_squeeze %dma_wait3A_393 : memref<1x32xi32, #tpu.memory_space<vmem>> -> memref<32xi32, #tpu.memory_space<vmem>>
          %dma_wait3A_395 = arith.constant 0 : i32
          %dma_wait3A_396 = arith.constant 0 : i32
          %dma_wait3A_397 = tpu.memref_slice %arg17[%dma_wait3A_395, %dma_wait3A_396] : memref<10112x128xf32, #tpu.memory_space<vmem_shared>> -> memref<10112x128xf32, #tpu.memory_space<vmem_shared>>
          tpu.wait_indirect_dma semaphore(%run_scoped3A : memref<!tpu.dma_semaphore, #tpu.memory_space<semaphore_mem>>) src(%arg16 : memref<32x128xf32, #tpu.memory_space<vmem>>) dst(%dma_wait3A_397 : memref<10112x128xf32, #tpu.memory_space<vmem_shared>>)
          tpu.yield
        }) : () -> ()
        %lt3A_381 = arith.constant 19 : i32
        %lt3A_382 = arith.cmpi slt, %scan3A_267, %lt3A_381 : i32
        %convert_element_type3A_383 = arith.extui %lt3A_382 : i1 to i32
        %cond3A_384 = arith.constant 0 : i32
        %cond3A_385 = arith.cmpi ne, %convert_element_type3A_383, %cond3A_384 : i32
        scf.if %cond3A_385 {
          %add3A_386 = arith.constant 1 : i32
          %add3A_387 = arith.addi %scan3A_267, %add3A_386 : i32
          %mul3A_388 = arith.constant 2 : i32
          %mul3A_389 = arith.muli %mul3A_388, %add3A_387 : i32
          %add3A_390 = arith.constant 1 : i32
          %add3A_391 = arith.addi %mul3A_389, %add3A_390 : i32
          %dma_start3A_392 = arith.constant 96 : i32
          %dma_start3A_393 = tpu.memref_slice %arg7[%add3A_391, %dma_start3A_392] : memref<40x128xi32, #tpu.memory_space<vmem>> -> memref<1x32xi32, #tpu.memory_space<vmem>>
          %dma_start3A_394 = tpu.memref_squeeze %dma_start3A_393 : memref<1x32xi32, #tpu.memory_space<vmem>> -> memref<32xi32, #tpu.memory_space<vmem>>
          %dma_start3A_395 = arith.constant 0 : i32
          %dma_start3A_396 = arith.constant 0 : i32
          %dma_start3A_397 = tpu.memref_slice %arg2[%dma_start3A_395, %dma_start3A_396] : memref<10000x128xf32, #tpu.memory_space<hbm>> -> memref<10000x128xf32, #tpu.memory_space<hbm>>
          tpu.enqueue_indirect_dma source(%dma_start3A_397 : memref<10000x128xf32, #tpu.memory_space<hbm>>) target(%arg16 : memref<32x128xf32, #tpu.memory_space<vmem>>) offsets(%dma_start3A_394 : memref<32xi32, #tpu.memory_space<vmem>>) semaphore(%arg25 : memref<!tpu.dma_semaphore, #tpu.memory_space<semaphore_mem>>)
        } else {
        }
      }
      %scan3A_136 = arith.constant 20 : i32
      %add3A_137 = arith.constant 80 : i32
      %add3A_138 = arith.addi %mul3A_9, %add3A_137 : i32
      "tpu.region"() ({
        %run_scoped3A = tpu.sem_alloc : memref<!tpu.dma_semaphore, #tpu.memory_space<semaphore_mem>>
        %dma_start3A_267 = arith.constant 0 : i32
        %dma_start3A_268 = arith.constant 0 : i32
        %dma_start3A_269 = tpu.memref_slice %arg7[%dma_start3A_267, %dma_start3A_268] : memref<40x128xi32, #tpu.memory_space<vmem>> -> memref<40x128xi32, #tpu.memory_space<vmem>>
        %dma_start3A_270 = arith.constant 0 : i32
        %dma_start3A_271 = tpu.memref_slice %arg4[%add3A_138, %dma_start3A_270] : memref<2560x128xi32, #tpu.memory_space<hbm>> -> memref<40x128xi32, #tpu.memory_space<hbm>>
        %dma_start3A_272 = arith.constant 0 : i32
        %dma_start3A_273 = arith.constant 0 : i32
        %dma_start3A_274 = tpu.memref_slice %arg7[%dma_start3A_272, %dma_start3A_273] : memref<40x128xi32, #tpu.memory_space<vmem>> -> memref<40x128xi32, #tpu.memory_space<vmem>>
        %dma_start3A_275 = arith.constant 0 : i32
        %dma_start3A_276 = tpu.memref_slice %arg4[%add3A_138, %dma_start3A_275] : memref<2560x128xi32, #tpu.memory_space<hbm>> -> memref<40x128xi32, #tpu.memory_space<hbm>>
        tpu.enqueue_dma source(%dma_start3A_276 : memref<40x128xi32, #tpu.memory_space<hbm>>) target(%dma_start3A_274 : memref<40x128xi32, #tpu.memory_space<vmem>>) target_semaphore(%run_scoped3A : memref<!tpu.dma_semaphore, #tpu.memory_space<semaphore_mem>>)
        %dma_wait3A = arith.constant 0 : i32
        %dma_wait3A_277 = arith.constant 0 : i32
        %dma_wait3A_278 = tpu.memref_slice %arg7[%dma_wait3A, %dma_wait3A_277] : memref<40x128xi32, #tpu.memory_space<vmem>> -> memref<40x128xi32, #tpu.memory_space<vmem>>
        %dma_wait3A_279 = arith.constant 0 : i32
        %dma_wait3A_280 = tpu.memref_slice %arg4[%add3A_138, %dma_wait3A_279] : memref<2560x128xi32, #tpu.memory_space<hbm>> -> memref<40x128xi32, #tpu.memory_space<hbm>>
        %dma_wait3A_281 = arith.constant 0 : i32
        %dma_wait3A_282 = arith.constant 0 : i32
        %dma_wait3A_283 = tpu.memref_slice %arg7[%dma_wait3A_281, %dma_wait3A_282] : memref<40x128xi32, #tpu.memory_space<vmem>> -> memref<40x128xi32, #tpu.memory_space<vmem>>
        %dma_wait3A_284 = arith.constant 0 : i32
        %dma_wait3A_285 = tpu.memref_slice %arg4[%add3A_138, %dma_wait3A_284] : memref<2560x128xi32, #tpu.memory_space<hbm>> -> memref<40x128xi32, #tpu.memory_space<hbm>>
        tpu.wait_dma2 semaphore(%run_scoped3A : memref<!tpu.dma_semaphore, #tpu.memory_space<semaphore_mem>>) src(%dma_wait3A_285 : memref<40x128xi32, #tpu.memory_space<hbm>>) dst(%dma_wait3A_283 : memref<40x128xi32, #tpu.memory_space<vmem>>)
        tpu.yield
      }) : () -> ()
      %add3A_139 = arith.constant 80 : i32
      %add3A_140 = arith.addi %mul3A_9, %add3A_139 : i32
      "tpu.region"() ({
        %run_scoped3A = tpu.sem_alloc : memref<!tpu.dma_semaphore, #tpu.memory_space<semaphore_mem>>
        %dma_start3A_267 = arith.constant 0 : i32
        %dma_start3A_268 = arith.constant 0 : i32
        %dma_start3A_269 = tpu.memref_slice %arg8[%dma_start3A_267, %dma_start3A_268] : memref<40x128xi32, #tpu.memory_space<vmem>> -> memref<40x128xi32, #tpu.memory_space<vmem>>
        %dma_start3A_270 = arith.constant 0 : i32
        %dma_start3A_271 = tpu.memref_slice %arg5[%add3A_140, %dma_start3A_270] : memref<2560x128xi32, #tpu.memory_space<hbm>> -> memref<40x128xi32, #tpu.memory_space<hbm>>
        %dma_start3A_272 = arith.constant 0 : i32
        %dma_start3A_273 = arith.constant 0 : i32
        %dma_start3A_274 = tpu.memref_slice %arg8[%dma_start3A_272, %dma_start3A_273] : memref<40x128xi32, #tpu.memory_space<vmem>> -> memref<40x128xi32, #tpu.memory_space<vmem>>
        %dma_start3A_275 = arith.constant 0 : i32
        %dma_start3A_276 = tpu.memref_slice %arg5[%add3A_140, %dma_start3A_275] : memref<2560x128xi32, #tpu.memory_space<hbm>> -> memref<40x128xi32, #tpu.memory_space<hbm>>
        tpu.enqueue_dma source(%dma_start3A_276 : memref<40x128xi32, #tpu.memory_space<hbm>>) target(%dma_start3A_274 : memref<40x128xi32, #tpu.memory_space<vmem>>) target_semaphore(%run_scoped3A : memref<!tpu.dma_semaphore, #tpu.memory_space<semaphore_mem>>)
        %dma_wait3A = arith.constant 0 : i32
        %dma_wait3A_277 = arith.constant 0 : i32
        %dma_wait3A_278 = tpu.memref_slice %arg8[%dma_wait3A, %dma_wait3A_277] : memref<40x128xi32, #tpu.memory_space<vmem>> -> memref<40x128xi32, #tpu.memory_space<vmem>>
        %dma_wait3A_279 = arith.constant 0 : i32
        %dma_wait3A_280 = tpu.memref_slice %arg5[%add3A_140, %dma_wait3A_279] : memref<2560x128xi32, #tpu.memory_space<hbm>> -> memref<40x128xi32, #tpu.memory_space<hbm>>
        %dma_wait3A_281 = arith.constant 0 : i32
        %dma_wait3A_282 = arith.constant 0 : i32
        %dma_wait3A_283 = tpu.memref_slice %arg8[%dma_wait3A_281, %dma_wait3A_282] : memref<40x128xi32, #tpu.memory_space<vmem>> -> memref<40x128xi32, #tpu.memory_space<vmem>>
        %dma_wait3A_284 = arith.constant 0 : i32
        %dma_wait3A_285 = tpu.memref_slice %arg5[%add3A_140, %dma_wait3A_284] : memref<2560x128xi32, #tpu.memory_space<hbm>> -> memref<40x128xi32, #tpu.memory_space<hbm>>
        tpu.wait_dma2 semaphore(%run_scoped3A : memref<!tpu.dma_semaphore, #tpu.memory_space<semaphore_mem>>) src(%dma_wait3A_285 : memref<40x128xi32, #tpu.memory_space<hbm>>) dst(%dma_wait3A_283 : memref<40x128xi32, #tpu.memory_space<vmem>>)
        tpu.yield
      }) : () -> ()
      %dma_start3A_141 = arith.constant 0 : i32
      %dma_start3A_142 = arith.constant 0 : i32
      %dma_start3A_143 = tpu.memref_slice %arg7[%dma_start3A_141, %dma_start3A_142] : memref<40x128xi32, #tpu.memory_space<vmem>> -> memref<1x32xi32, #tpu.memory_space<vmem>>
      %dma_start3A_144 = tpu.memref_squeeze %dma_start3A_143 : memref<1x32xi32, #tpu.memory_space<vmem>> -> memref<32xi32, #tpu.memory_space<vmem>>
      %dma_start3A_145 = arith.constant 0 : i32
      %dma_start3A_146 = arith.constant 0 : i32
      %dma_start3A_147 = tpu.memref_slice %arg2[%dma_start3A_145, %dma_start3A_146] : memref<10000x128xf32, #tpu.memory_space<hbm>> -> memref<10000x128xf32, #tpu.memory_space<hbm>>
      tpu.enqueue_indirect_dma source(%dma_start3A_147 : memref<10000x128xf32, #tpu.memory_space<hbm>>) target(%arg9 : memref<32x128xf32, #tpu.memory_space<vmem>>) offsets(%dma_start3A_144 : memref<32xi32, #tpu.memory_space<vmem>>) semaphore(%arg18 : memref<!tpu.dma_semaphore, #tpu.memory_space<semaphore_mem>>)
      %dma_start3A_148 = arith.constant 0 : i32
      %dma_start3A_149 = arith.constant 32 : i32
      %dma_start3A_150 = tpu.memref_slice %arg7[%dma_start3A_148, %dma_start3A_149] : memref<40x128xi32, #tpu.memory_space<vmem>> -> memref<1x32xi32, #tpu.memory_space<vmem>>
      %dma_start3A_151 = tpu.memref_squeeze %dma_start3A_150 : memref<1x32xi32, #tpu.memory_space<vmem>> -> memref<32xi32, #tpu.memory_space<vmem>>
      %dma_start3A_152 = arith.constant 0 : i32
      %dma_start3A_153 = arith.constant 0 : i32
      %dma_start3A_154 = tpu.memref_slice %arg2[%dma_start3A_152, %dma_start3A_153] : memref<10000x128xf32, #tpu.memory_space<hbm>> -> memref<10000x128xf32, #tpu.memory_space<hbm>>
      tpu.enqueue_indirect_dma source(%dma_start3A_154 : memref<10000x128xf32, #tpu.memory_space<hbm>>) target(%arg10 : memref<32x128xf32, #tpu.memory_space<vmem>>) offsets(%dma_start3A_151 : memref<32xi32, #tpu.memory_space<vmem>>) semaphore(%arg19 : memref<!tpu.dma_semaphore, #tpu.memory_space<semaphore_mem>>)
      %dma_start3A_155 = arith.constant 0 : i32
      %dma_start3A_156 = arith.constant 64 : i32
      %dma_start3A_157 = tpu.memref_slice %arg7[%dma_start3A_155, %dma_start3A_156] : memref<40x128xi32, #tpu.memory_space<vmem>> -> memref<1x32xi32, #tpu.memory_space<vmem>>
      %dma_start3A_158 = tpu.memref_squeeze %dma_start3A_157 : memref<1x32xi32, #tpu.memory_space<vmem>> -> memref<32xi32, #tpu.memory_space<vmem>>
      %dma_start3A_159 = arith.constant 0 : i32
      %dma_start3A_160 = arith.constant 0 : i32
      %dma_start3A_161 = tpu.memref_slice %arg2[%dma_start3A_159, %dma_start3A_160] : memref<10000x128xf32, #tpu.memory_space<hbm>> -> memref<10000x128xf32, #tpu.memory_space<hbm>>
      tpu.enqueue_indirect_dma source(%dma_start3A_161 : memref<10000x128xf32, #tpu.memory_space<hbm>>) target(%arg11 : memref<32x128xf32, #tpu.memory_space<vmem>>) offsets(%dma_start3A_158 : memref<32xi32, #tpu.memory_space<vmem>>) semaphore(%arg20 : memref<!tpu.dma_semaphore, #tpu.memory_space<semaphore_mem>>)
      %dma_start3A_162 = arith.constant 0 : i32
      %dma_start3A_163 = arith.constant 96 : i32
      %dma_start3A_164 = tpu.memref_slice %arg7[%dma_start3A_162, %dma_start3A_163] : memref<40x128xi32, #tpu.memory_space<vmem>> -> memref<1x32xi32, #tpu.memory_space<vmem>>
      %dma_start3A_165 = tpu.memref_squeeze %dma_start3A_164 : memref<1x32xi32, #tpu.memory_space<vmem>> -> memref<32xi32, #tpu.memory_space<vmem>>
      %dma_start3A_166 = arith.constant 0 : i32
      %dma_start3A_167 = arith.constant 0 : i32
      %dma_start3A_168 = tpu.memref_slice %arg2[%dma_start3A_166, %dma_start3A_167] : memref<10000x128xf32, #tpu.memory_space<hbm>> -> memref<10000x128xf32, #tpu.memory_space<hbm>>
      tpu.enqueue_indirect_dma source(%dma_start3A_168 : memref<10000x128xf32, #tpu.memory_space<hbm>>) target(%arg12 : memref<32x128xf32, #tpu.memory_space<vmem>>) offsets(%dma_start3A_165 : memref<32xi32, #tpu.memory_space<vmem>>) semaphore(%arg21 : memref<!tpu.dma_semaphore, #tpu.memory_space<semaphore_mem>>)
      %dma_start3A_169 = arith.constant 1 : i32
      %dma_start3A_170 = arith.constant 0 : i32
      %dma_start3A_171 = tpu.memref_slice %arg7[%dma_start3A_169, %dma_start3A_170] : memref<40x128xi32, #tpu.memory_space<vmem>> -> memref<1x32xi32, #tpu.memory_space<vmem>>
      %dma_start3A_172 = tpu.memref_squeeze %dma_start3A_171 : memref<1x32xi32, #tpu.memory_space<vmem>> -> memref<32xi32, #tpu.memory_space<vmem>>
      %dma_start3A_173 = arith.constant 0 : i32
      %dma_start3A_174 = arith.constant 0 : i32
      %dma_start3A_175 = tpu.memref_slice %arg2[%dma_start3A_173, %dma_start3A_174] : memref<10000x128xf32, #tpu.memory_space<hbm>> -> memref<10000x128xf32, #tpu.memory_space<hbm>>
      tpu.enqueue_indirect_dma source(%dma_start3A_175 : memref<10000x128xf32, #tpu.memory_space<hbm>>) target(%arg13 : memref<32x128xf32, #tpu.memory_space<vmem>>) offsets(%dma_start3A_172 : memref<32xi32, #tpu.memory_space<vmem>>) semaphore(%arg22 : memref<!tpu.dma_semaphore, #tpu.memory_space<semaphore_mem>>)
      %dma_start3A_176 = arith.constant 1 : i32
      %dma_start3A_177 = arith.constant 32 : i32
      %dma_start3A_178 = tpu.memref_slice %arg7[%dma_start3A_176, %dma_start3A_177] : memref<40x128xi32, #tpu.memory_space<vmem>> -> memref<1x32xi32, #tpu.memory_space<vmem>>
      %dma_start3A_179 = tpu.memref_squeeze %dma_start3A_178 : memref<1x32xi32, #tpu.memory_space<vmem>> -> memref<32xi32, #tpu.memory_space<vmem>>
      %dma_start3A_180 = arith.constant 0 : i32
      %dma_start3A_181 = arith.constant 0 : i32
      %dma_start3A_182 = tpu.memref_slice %arg2[%dma_start3A_180, %dma_start3A_181] : memref<10000x128xf32, #tpu.memory_space<hbm>> -> memref<10000x128xf32, #tpu.memory_space<hbm>>
      tpu.enqueue_indirect_dma source(%dma_start3A_182 : memref<10000x128xf32, #tpu.memory_space<hbm>>) target(%arg14 : memref<32x128xf32, #tpu.memory_space<vmem>>) offsets(%dma_start3A_179 : memref<32xi32, #tpu.memory_space<vmem>>) semaphore(%arg23 : memref<!tpu.dma_semaphore, #tpu.memory_space<semaphore_mem>>)
      %dma_start3A_183 = arith.constant 1 : i32
      %dma_start3A_184 = arith.constant 64 : i32
      %dma_start3A_185 = tpu.memref_slice %arg7[%dma_start3A_183, %dma_start3A_184] : memref<40x128xi32, #tpu.memory_space<vmem>> -> memref<1x32xi32, #tpu.memory_space<vmem>>
      %dma_start3A_186 = tpu.memref_squeeze %dma_start3A_185 : memref<1x32xi32, #tpu.memory_space<vmem>> -> memref<32xi32, #tpu.memory_space<vmem>>
      %dma_start3A_187 = arith.constant 0 : i32
      %dma_start3A_188 = arith.constant 0 : i32
      %dma_start3A_189 = tpu.memref_slice %arg2[%dma_start3A_187, %dma_start3A_188] : memref<10000x128xf32, #tpu.memory_space<hbm>> -> memref<10000x128xf32, #tpu.memory_space<hbm>>
      tpu.enqueue_indirect_dma source(%dma_start3A_189 : memref<10000x128xf32, #tpu.memory_space<hbm>>) target(%arg15 : memref<32x128xf32, #tpu.memory_space<vmem>>) offsets(%dma_start3A_186 : memref<32xi32, #tpu.memory_space<vmem>>) semaphore(%arg24 : memref<!tpu.dma_semaphore, #tpu.memory_space<semaphore_mem>>)
      %dma_start3A_190 = arith.constant 1 : i32
      %dma_start3A_191 = arith.constant 96 : i32
      %dma_start3A_192 = tpu.memref_slice %arg7[%dma_start3A_190, %dma_start3A_191] : memref<40x128xi32, #tpu.memory_space<vmem>> -> memref<1x32xi32, #tpu.memory_space<vmem>>
      %dma_start3A_193 = tpu.memref_squeeze %dma_start3A_192 : memref<1x32xi32, #tpu.memory_space<vmem>> -> memref<32xi32, #tpu.memory_space<vmem>>
      %dma_start3A_194 = arith.constant 0 : i32
      %dma_start3A_195 = arith.constant 0 : i32
      %dma_start3A_196 = tpu.memref_slice %arg2[%dma_start3A_194, %dma_start3A_195] : memref<10000x128xf32, #tpu.memory_space<hbm>> -> memref<10000x128xf32, #tpu.memory_space<hbm>>
      tpu.enqueue_indirect_dma source(%dma_start3A_196 : memref<10000x128xf32, #tpu.memory_space<hbm>>) target(%arg16 : memref<32x128xf32, #tpu.memory_space<vmem>>) offsets(%dma_start3A_193 : memref<32xi32, #tpu.memory_space<vmem>>) semaphore(%arg25 : memref<!tpu.dma_semaphore, #tpu.memory_space<semaphore_mem>>)
      %scan3A_197 = arith.constant 0 : i32
      %scan3A_198 = arith.constant 20 : i32
      %scan3A_199 = arith.addi %scan3A_197, %scan3A_198 : i32
      %scan3A_200 = arith.constant 1 : i32
      scf.for %scan3A_267 = %scan3A_197 to %scan3A_199 step %scan3A_200  : i32 {
        %mul3A_268 = arith.constant 2 : i32
        %mul3A_269 = arith.muli %mul3A_268, %scan3A_267 : i32
        %add3A_270 = arith.constant 0 : i32
        %add3A_271 = arith.addi %mul3A_269, %add3A_270 : i32
        %dma_wait3A = arith.constant 0 : i32
        %dma_wait3A_272 = tpu.memref_slice %arg7[%add3A_271, %dma_wait3A] : memref<40x128xi32, #tpu.memory_space<vmem>> -> memref<1x32xi32, #tpu.memory_space<vmem>>
        %dma_wait3A_273 = tpu.memref_squeeze %dma_wait3A_272 : memref<1x32xi32, #tpu.memory_space<vmem>> -> memref<32xi32, #tpu.memory_space<vmem>>
        %dma_wait3A_274 = arith.constant 0 : i32
        %dma_wait3A_275 = arith.constant 0 : i32
        %dma_wait3A_276 = tpu.memref_slice %arg2[%dma_wait3A_274, %dma_wait3A_275] : memref<10000x128xf32, #tpu.memory_space<hbm>> -> memref<10000x128xf32, #tpu.memory_space<hbm>>
        tpu.wait_indirect_dma semaphore(%arg18 : memref<!tpu.dma_semaphore, #tpu.memory_space<semaphore_mem>>) src(%dma_wait3A_276 : memref<10000x128xf32, #tpu.memory_space<hbm>>) dst(%arg9 : memref<32x128xf32, #tpu.memory_space<vmem>>)
        "tpu.region"() ({
          %run_scoped3A = tpu.sem_alloc : memref<!tpu.dma_semaphore, #tpu.memory_space<semaphore_mem>>
          %dma_start3A_386 = arith.constant 0 : i32
          %dma_start3A_387 = tpu.memref_slice %arg8[%add3A_271, %dma_start3A_386] : memref<40x128xi32, #tpu.memory_space<vmem>> -> memref<1x32xi32, #tpu.memory_space<vmem>>
          %dma_start3A_388 = tpu.memref_squeeze %dma_start3A_387 : memref<1x32xi32, #tpu.memory_space<vmem>> -> memref<32xi32, #tpu.memory_space<vmem>>
          %dma_start3A_389 = arith.constant 0 : i32
          %dma_start3A_390 = arith.constant 0 : i32
          %dma_start3A_391 = tpu.memref_slice %arg17[%dma_start3A_389, %dma_start3A_390] : memref<10112x128xf32, #tpu.memory_space<vmem_shared>> -> memref<10112x128xf32, #tpu.memory_space<vmem_shared>>
          tpu.enqueue_indirect_dma source(%arg9 : memref<32x128xf32, #tpu.memory_space<vmem>>) target(%dma_start3A_391 : memref<10112x128xf32, #tpu.memory_space<vmem_shared>>) offsets(%dma_start3A_388 : memref<32xi32, #tpu.memory_space<vmem>>) semaphore(%run_scoped3A : memref<!tpu.dma_semaphore, #tpu.memory_space<semaphore_mem>>) {add = true}
          %dma_wait3A_392 = arith.constant 0 : i32
          %dma_wait3A_393 = tpu.memref_slice %arg8[%add3A_271, %dma_wait3A_392] : memref<40x128xi32, #tpu.memory_space<vmem>> -> memref<1x32xi32, #tpu.memory_space<vmem>>
          %dma_wait3A_394 = tpu.memref_squeeze %dma_wait3A_393 : memref<1x32xi32, #tpu.memory_space<vmem>> -> memref<32xi32, #tpu.memory_space<vmem>>
          %dma_wait3A_395 = arith.constant 0 : i32
          %dma_wait3A_396 = arith.constant 0 : i32
          %dma_wait3A_397 = tpu.memref_slice %arg17[%dma_wait3A_395, %dma_wait3A_396] : memref<10112x128xf32, #tpu.memory_space<vmem_shared>> -> memref<10112x128xf32, #tpu.memory_space<vmem_shared>>
          tpu.wait_indirect_dma semaphore(%run_scoped3A : memref<!tpu.dma_semaphore, #tpu.memory_space<semaphore_mem>>) src(%arg9 : memref<32x128xf32, #tpu.memory_space<vmem>>) dst(%dma_wait3A_397 : memref<10112x128xf32, #tpu.memory_space<vmem_shared>>)
          tpu.yield
        }) : () -> ()
        %lt3A = arith.constant 19 : i32
        %lt3A_277 = arith.cmpi slt, %scan3A_267, %lt3A : i32
        %convert_element_type3A_278 = arith.extui %lt3A_277 : i1 to i32
        %cond3A_279 = arith.constant 0 : i32
        %cond3A_280 = arith.cmpi ne, %convert_element_type3A_278, %cond3A_279 : i32
        scf.if %cond3A_280 {
          %add3A_386 = arith.constant 1 : i32
          %add3A_387 = arith.addi %scan3A_267, %add3A_386 : i32
          %mul3A_388 = arith.constant 2 : i32
          %mul3A_389 = arith.muli %mul3A_388, %add3A_387 : i32
          %add3A_390 = arith.constant 0 : i32
          %add3A_391 = arith.addi %mul3A_389, %add3A_390 : i32
          %dma_start3A_392 = arith.constant 0 : i32
          %dma_start3A_393 = tpu.memref_slice %arg7[%add3A_391, %dma_start3A_392] : memref<40x128xi32, #tpu.memory_space<vmem>> -> memref<1x32xi32, #tpu.memory_space<vmem>>
          %dma_start3A_394 = tpu.memref_squeeze %dma_start3A_393 : memref<1x32xi32, #tpu.memory_space<vmem>> -> memref<32xi32, #tpu.memory_space<vmem>>
          %dma_start3A_395 = arith.constant 0 : i32
          %dma_start3A_396 = arith.constant 0 : i32
          %dma_start3A_397 = tpu.memref_slice %arg2[%dma_start3A_395, %dma_start3A_396] : memref<10000x128xf32, #tpu.memory_space<hbm>> -> memref<10000x128xf32, #tpu.memory_space<hbm>>
          tpu.enqueue_indirect_dma source(%dma_start3A_397 : memref<10000x128xf32, #tpu.memory_space<hbm>>) target(%arg9 : memref<32x128xf32, #tpu.memory_space<vmem>>) offsets(%dma_start3A_394 : memref<32xi32, #tpu.memory_space<vmem>>) semaphore(%arg18 : memref<!tpu.dma_semaphore, #tpu.memory_space<semaphore_mem>>)
        } else {
        }
        %mul3A_281 = arith.constant 2 : i32
        %mul3A_282 = arith.muli %mul3A_281, %scan3A_267 : i32
        %add3A_283 = arith.constant 0 : i32
        %add3A_284 = arith.addi %mul3A_282, %add3A_283 : i32
        %dma_wait3A_285 = arith.constant 32 : i32
        %dma_wait3A_286 = tpu.memref_slice %arg7[%add3A_284, %dma_wait3A_285] : memref<40x128xi32, #tpu.memory_space<vmem>> -> memref<1x32xi32, #tpu.memory_space<vmem>>
        %dma_wait3A_287 = tpu.memref_squeeze %dma_wait3A_286 : memref<1x32xi32, #tpu.memory_space<vmem>> -> memref<32xi32, #tpu.memory_space<vmem>>
        %dma_wait3A_288 = arith.constant 0 : i32
        %dma_wait3A_289 = arith.constant 0 : i32
        %dma_wait3A_290 = tpu.memref_slice %arg2[%dma_wait3A_288, %dma_wait3A_289] : memref<10000x128xf32, #tpu.memory_space<hbm>> -> memref<10000x128xf32, #tpu.memory_space<hbm>>
        tpu.wait_indirect_dma semaphore(%arg19 : memref<!tpu.dma_semaphore, #tpu.memory_space<semaphore_mem>>) src(%dma_wait3A_290 : memref<10000x128xf32, #tpu.memory_space<hbm>>) dst(%arg10 : memref<32x128xf32, #tpu.memory_space<vmem>>)
        "tpu.region"() ({
          %run_scoped3A = tpu.sem_alloc : memref<!tpu.dma_semaphore, #tpu.memory_space<semaphore_mem>>
          %dma_start3A_386 = arith.constant 32 : i32
          %dma_start3A_387 = tpu.memref_slice %arg8[%add3A_284, %dma_start3A_386] : memref<40x128xi32, #tpu.memory_space<vmem>> -> memref<1x32xi32, #tpu.memory_space<vmem>>
          %dma_start3A_388 = tpu.memref_squeeze %dma_start3A_387 : memref<1x32xi32, #tpu.memory_space<vmem>> -> memref<32xi32, #tpu.memory_space<vmem>>
          %dma_start3A_389 = arith.constant 0 : i32
          %dma_start3A_390 = arith.constant 0 : i32
          %dma_start3A_391 = tpu.memref_slice %arg17[%dma_start3A_389, %dma_start3A_390] : memref<10112x128xf32, #tpu.memory_space<vmem_shared>> -> memref<10112x128xf32, #tpu.memory_space<vmem_shared>>
          tpu.enqueue_indirect_dma source(%arg10 : memref<32x128xf32, #tpu.memory_space<vmem>>) target(%dma_start3A_391 : memref<10112x128xf32, #tpu.memory_space<vmem_shared>>) offsets(%dma_start3A_388 : memref<32xi32, #tpu.memory_space<vmem>>) semaphore(%run_scoped3A : memref<!tpu.dma_semaphore, #tpu.memory_space<semaphore_mem>>) {add = true}
          %dma_wait3A_392 = arith.constant 32 : i32
          %dma_wait3A_393 = tpu.memref_slice %arg8[%add3A_284, %dma_wait3A_392] : memref<40x128xi32, #tpu.memory_space<vmem>> -> memref<1x32xi32, #tpu.memory_space<vmem>>
          %dma_wait3A_394 = tpu.memref_squeeze %dma_wait3A_393 : memref<1x32xi32, #tpu.memory_space<vmem>> -> memref<32xi32, #tpu.memory_space<vmem>>
          %dma_wait3A_395 = arith.constant 0 : i32
          %dma_wait3A_396 = arith.constant 0 : i32
          %dma_wait3A_397 = tpu.memref_slice %arg17[%dma_wait3A_395, %dma_wait3A_396] : memref<10112x128xf32, #tpu.memory_space<vmem_shared>> -> memref<10112x128xf32, #tpu.memory_space<vmem_shared>>
          tpu.wait_indirect_dma semaphore(%run_scoped3A : memref<!tpu.dma_semaphore, #tpu.memory_space<semaphore_mem>>) src(%arg10 : memref<32x128xf32, #tpu.memory_space<vmem>>) dst(%dma_wait3A_397 : memref<10112x128xf32, #tpu.memory_space<vmem_shared>>)
          tpu.yield
        }) : () -> ()
        %lt3A_291 = arith.constant 19 : i32
        %lt3A_292 = arith.cmpi slt, %scan3A_267, %lt3A_291 : i32
        %convert_element_type3A_293 = arith.extui %lt3A_292 : i1 to i32
        %cond3A_294 = arith.constant 0 : i32
        %cond3A_295 = arith.cmpi ne, %convert_element_type3A_293, %cond3A_294 : i32
        scf.if %cond3A_295 {
          %add3A_386 = arith.constant 1 : i32
          %add3A_387 = arith.addi %scan3A_267, %add3A_386 : i32
          %mul3A_388 = arith.constant 2 : i32
          %mul3A_389 = arith.muli %mul3A_388, %add3A_387 : i32
          %add3A_390 = arith.constant 0 : i32
          %add3A_391 = arith.addi %mul3A_389, %add3A_390 : i32
          %dma_start3A_392 = arith.constant 32 : i32
          %dma_start3A_393 = tpu.memref_slice %arg7[%add3A_391, %dma_start3A_392] : memref<40x128xi32, #tpu.memory_space<vmem>> -> memref<1x32xi32, #tpu.memory_space<vmem>>
          %dma_start3A_394 = tpu.memref_squeeze %dma_start3A_393 : memref<1x32xi32, #tpu.memory_space<vmem>> -> memref<32xi32, #tpu.memory_space<vmem>>
          %dma_start3A_395 = arith.constant 0 : i32
          %dma_start3A_396 = arith.constant 0 : i32
          %dma_start3A_397 = tpu.memref_slice %arg2[%dma_start3A_395, %dma_start3A_396] : memref<10000x128xf32, #tpu.memory_space<hbm>> -> memref<10000x128xf32, #tpu.memory_space<hbm>>
          tpu.enqueue_indirect_dma source(%dma_start3A_397 : memref<10000x128xf32, #tpu.memory_space<hbm>>) target(%arg10 : memref<32x128xf32, #tpu.memory_space<vmem>>) offsets(%dma_start3A_394 : memref<32xi32, #tpu.memory_space<vmem>>) semaphore(%arg19 : memref<!tpu.dma_semaphore, #tpu.memory_space<semaphore_mem>>)
        } else {
        }
        %mul3A_296 = arith.constant 2 : i32
        %mul3A_297 = arith.muli %mul3A_296, %scan3A_267 : i32
        %add3A_298 = arith.constant 0 : i32
        %add3A_299 = arith.addi %mul3A_297, %add3A_298 : i32
        %dma_wait3A_300 = arith.constant 64 : i32
        %dma_wait3A_301 = tpu.memref_slice %arg7[%add3A_299, %dma_wait3A_300] : memref<40x128xi32, #tpu.memory_space<vmem>> -> memref<1x32xi32, #tpu.memory_space<vmem>>
        %dma_wait3A_302 = tpu.memref_squeeze %dma_wait3A_301 : memref<1x32xi32, #tpu.memory_space<vmem>> -> memref<32xi32, #tpu.memory_space<vmem>>
        %dma_wait3A_303 = arith.constant 0 : i32
        %dma_wait3A_304 = arith.constant 0 : i32
        %dma_wait3A_305 = tpu.memref_slice %arg2[%dma_wait3A_303, %dma_wait3A_304] : memref<10000x128xf32, #tpu.memory_space<hbm>> -> memref<10000x128xf32, #tpu.memory_space<hbm>>
        tpu.wait_indirect_dma semaphore(%arg20 : memref<!tpu.dma_semaphore, #tpu.memory_space<semaphore_mem>>) src(%dma_wait3A_305 : memref<10000x128xf32, #tpu.memory_space<hbm>>) dst(%arg11 : memref<32x128xf32, #tpu.memory_space<vmem>>)
        "tpu.region"() ({
          %run_scoped3A = tpu.sem_alloc : memref<!tpu.dma_semaphore, #tpu.memory_space<semaphore_mem>>
          %dma_start3A_386 = arith.constant 64 : i32
          %dma_start3A_387 = tpu.memref_slice %arg8[%add3A_299, %dma_start3A_386] : memref<40x128xi32, #tpu.memory_space<vmem>> -> memref<1x32xi32, #tpu.memory_space<vmem>>
          %dma_start3A_388 = tpu.memref_squeeze %dma_start3A_387 : memref<1x32xi32, #tpu.memory_space<vmem>> -> memref<32xi32, #tpu.memory_space<vmem>>
          %dma_start3A_389 = arith.constant 0 : i32
          %dma_start3A_390 = arith.constant 0 : i32
          %dma_start3A_391 = tpu.memref_slice %arg17[%dma_start3A_389, %dma_start3A_390] : memref<10112x128xf32, #tpu.memory_space<vmem_shared>> -> memref<10112x128xf32, #tpu.memory_space<vmem_shared>>
          tpu.enqueue_indirect_dma source(%arg11 : memref<32x128xf32, #tpu.memory_space<vmem>>) target(%dma_start3A_391 : memref<10112x128xf32, #tpu.memory_space<vmem_shared>>) offsets(%dma_start3A_388 : memref<32xi32, #tpu.memory_space<vmem>>) semaphore(%run_scoped3A : memref<!tpu.dma_semaphore, #tpu.memory_space<semaphore_mem>>) {add = true}
          %dma_wait3A_392 = arith.constant 64 : i32
          %dma_wait3A_393 = tpu.memref_slice %arg8[%add3A_299, %dma_wait3A_392] : memref<40x128xi32, #tpu.memory_space<vmem>> -> memref<1x32xi32, #tpu.memory_space<vmem>>
          %dma_wait3A_394 = tpu.memref_squeeze %dma_wait3A_393 : memref<1x32xi32, #tpu.memory_space<vmem>> -> memref<32xi32, #tpu.memory_space<vmem>>
          %dma_wait3A_395 = arith.constant 0 : i32
          %dma_wait3A_396 = arith.constant 0 : i32
          %dma_wait3A_397 = tpu.memref_slice %arg17[%dma_wait3A_395, %dma_wait3A_396] : memref<10112x128xf32, #tpu.memory_space<vmem_shared>> -> memref<10112x128xf32, #tpu.memory_space<vmem_shared>>
          tpu.wait_indirect_dma semaphore(%run_scoped3A : memref<!tpu.dma_semaphore, #tpu.memory_space<semaphore_mem>>) src(%arg11 : memref<32x128xf32, #tpu.memory_space<vmem>>) dst(%dma_wait3A_397 : memref<10112x128xf32, #tpu.memory_space<vmem_shared>>)
          tpu.yield
        }) : () -> ()
        %lt3A_306 = arith.constant 19 : i32
        %lt3A_307 = arith.cmpi slt, %scan3A_267, %lt3A_306 : i32
        %convert_element_type3A_308 = arith.extui %lt3A_307 : i1 to i32
        %cond3A_309 = arith.constant 0 : i32
        %cond3A_310 = arith.cmpi ne, %convert_element_type3A_308, %cond3A_309 : i32
        scf.if %cond3A_310 {
          %add3A_386 = arith.constant 1 : i32
          %add3A_387 = arith.addi %scan3A_267, %add3A_386 : i32
          %mul3A_388 = arith.constant 2 : i32
          %mul3A_389 = arith.muli %mul3A_388, %add3A_387 : i32
          %add3A_390 = arith.constant 0 : i32
          %add3A_391 = arith.addi %mul3A_389, %add3A_390 : i32
          %dma_start3A_392 = arith.constant 64 : i32
          %dma_start3A_393 = tpu.memref_slice %arg7[%add3A_391, %dma_start3A_392] : memref<40x128xi32, #tpu.memory_space<vmem>> -> memref<1x32xi32, #tpu.memory_space<vmem>>
          %dma_start3A_394 = tpu.memref_squeeze %dma_start3A_393 : memref<1x32xi32, #tpu.memory_space<vmem>> -> memref<32xi32, #tpu.memory_space<vmem>>
          %dma_start3A_395 = arith.constant 0 : i32
          %dma_start3A_396 = arith.constant 0 : i32
          %dma_start3A_397 = tpu.memref_slice %arg2[%dma_start3A_395, %dma_start3A_396] : memref<10000x128xf32, #tpu.memory_space<hbm>> -> memref<10000x128xf32, #tpu.memory_space<hbm>>
          tpu.enqueue_indirect_dma source(%dma_start3A_397 : memref<10000x128xf32, #tpu.memory_space<hbm>>) target(%arg11 : memref<32x128xf32, #tpu.memory_space<vmem>>) offsets(%dma_start3A_394 : memref<32xi32, #tpu.memory_space<vmem>>) semaphore(%arg20 : memref<!tpu.dma_semaphore, #tpu.memory_space<semaphore_mem>>)
        } else {
        }
        %mul3A_311 = arith.constant 2 : i32
        %mul3A_312 = arith.muli %mul3A_311, %scan3A_267 : i32
        %add3A_313 = arith.constant 0 : i32
        %add3A_314 = arith.addi %mul3A_312, %add3A_313 : i32
        %dma_wait3A_315 = arith.constant 96 : i32
        %dma_wait3A_316 = tpu.memref_slice %arg7[%add3A_314, %dma_wait3A_315] : memref<40x128xi32, #tpu.memory_space<vmem>> -> memref<1x32xi32, #tpu.memory_space<vmem>>
        %dma_wait3A_317 = tpu.memref_squeeze %dma_wait3A_316 : memref<1x32xi32, #tpu.memory_space<vmem>> -> memref<32xi32, #tpu.memory_space<vmem>>
        %dma_wait3A_318 = arith.constant 0 : i32
        %dma_wait3A_319 = arith.constant 0 : i32
        %dma_wait3A_320 = tpu.memref_slice %arg2[%dma_wait3A_318, %dma_wait3A_319] : memref<10000x128xf32, #tpu.memory_space<hbm>> -> memref<10000x128xf32, #tpu.memory_space<hbm>>
        tpu.wait_indirect_dma semaphore(%arg21 : memref<!tpu.dma_semaphore, #tpu.memory_space<semaphore_mem>>) src(%dma_wait3A_320 : memref<10000x128xf32, #tpu.memory_space<hbm>>) dst(%arg12 : memref<32x128xf32, #tpu.memory_space<vmem>>)
        "tpu.region"() ({
          %run_scoped3A = tpu.sem_alloc : memref<!tpu.dma_semaphore, #tpu.memory_space<semaphore_mem>>
          %dma_start3A_386 = arith.constant 96 : i32
          %dma_start3A_387 = tpu.memref_slice %arg8[%add3A_314, %dma_start3A_386] : memref<40x128xi32, #tpu.memory_space<vmem>> -> memref<1x32xi32, #tpu.memory_space<vmem>>
          %dma_start3A_388 = tpu.memref_squeeze %dma_start3A_387 : memref<1x32xi32, #tpu.memory_space<vmem>> -> memref<32xi32, #tpu.memory_space<vmem>>
          %dma_start3A_389 = arith.constant 0 : i32
          %dma_start3A_390 = arith.constant 0 : i32
          %dma_start3A_391 = tpu.memref_slice %arg17[%dma_start3A_389, %dma_start3A_390] : memref<10112x128xf32, #tpu.memory_space<vmem_shared>> -> memref<10112x128xf32, #tpu.memory_space<vmem_shared>>
          tpu.enqueue_indirect_dma source(%arg12 : memref<32x128xf32, #tpu.memory_space<vmem>>) target(%dma_start3A_391 : memref<10112x128xf32, #tpu.memory_space<vmem_shared>>) offsets(%dma_start3A_388 : memref<32xi32, #tpu.memory_space<vmem>>) semaphore(%run_scoped3A : memref<!tpu.dma_semaphore, #tpu.memory_space<semaphore_mem>>) {add = true}
          %dma_wait3A_392 = arith.constant 96 : i32
          %dma_wait3A_393 = tpu.memref_slice %arg8[%add3A_314, %dma_wait3A_392] : memref<40x128xi32, #tpu.memory_space<vmem>> -> memref<1x32xi32, #tpu.memory_space<vmem>>
          %dma_wait3A_394 = tpu.memref_squeeze %dma_wait3A_393 : memref<1x32xi32, #tpu.memory_space<vmem>> -> memref<32xi32, #tpu.memory_space<vmem>>
          %dma_wait3A_395 = arith.constant 0 : i32
          %dma_wait3A_396 = arith.constant 0 : i32
          %dma_wait3A_397 = tpu.memref_slice %arg17[%dma_wait3A_395, %dma_wait3A_396] : memref<10112x128xf32, #tpu.memory_space<vmem_shared>> -> memref<10112x128xf32, #tpu.memory_space<vmem_shared>>
          tpu.wait_indirect_dma semaphore(%run_scoped3A : memref<!tpu.dma_semaphore, #tpu.memory_space<semaphore_mem>>) src(%arg12 : memref<32x128xf32, #tpu.memory_space<vmem>>) dst(%dma_wait3A_397 : memref<10112x128xf32, #tpu.memory_space<vmem_shared>>)
          tpu.yield
        }) : () -> ()
        %lt3A_321 = arith.constant 19 : i32
        %lt3A_322 = arith.cmpi slt, %scan3A_267, %lt3A_321 : i32
        %convert_element_type3A_323 = arith.extui %lt3A_322 : i1 to i32
        %cond3A_324 = arith.constant 0 : i32
        %cond3A_325 = arith.cmpi ne, %convert_element_type3A_323, %cond3A_324 : i32
        scf.if %cond3A_325 {
          %add3A_386 = arith.constant 1 : i32
          %add3A_387 = arith.addi %scan3A_267, %add3A_386 : i32
          %mul3A_388 = arith.constant 2 : i32
          %mul3A_389 = arith.muli %mul3A_388, %add3A_387 : i32
          %add3A_390 = arith.constant 0 : i32
          %add3A_391 = arith.addi %mul3A_389, %add3A_390 : i32
          %dma_start3A_392 = arith.constant 96 : i32
          %dma_start3A_393 = tpu.memref_slice %arg7[%add3A_391, %dma_start3A_392] : memref<40x128xi32, #tpu.memory_space<vmem>> -> memref<1x32xi32, #tpu.memory_space<vmem>>
          %dma_start3A_394 = tpu.memref_squeeze %dma_start3A_393 : memref<1x32xi32, #tpu.memory_space<vmem>> -> memref<32xi32, #tpu.memory_space<vmem>>
          %dma_start3A_395 = arith.constant 0 : i32
          %dma_start3A_396 = arith.constant 0 : i32
          %dma_start3A_397 = tpu.memref_slice %arg2[%dma_start3A_395, %dma_start3A_396] : memref<10000x128xf32, #tpu.memory_space<hbm>> -> memref<10000x128xf32, #tpu.memory_space<hbm>>
          tpu.enqueue_indirect_dma source(%dma_start3A_397 : memref<10000x128xf32, #tpu.memory_space<hbm>>) target(%arg12 : memref<32x128xf32, #tpu.memory_space<vmem>>) offsets(%dma_start3A_394 : memref<32xi32, #tpu.memory_space<vmem>>) semaphore(%arg21 : memref<!tpu.dma_semaphore, #tpu.memory_space<semaphore_mem>>)
        } else {
        }
        %mul3A_326 = arith.constant 2 : i32
        %mul3A_327 = arith.muli %mul3A_326, %scan3A_267 : i32
        %add3A_328 = arith.constant 1 : i32
        %add3A_329 = arith.addi %mul3A_327, %add3A_328 : i32
        %dma_wait3A_330 = arith.constant 0 : i32
        %dma_wait3A_331 = tpu.memref_slice %arg7[%add3A_329, %dma_wait3A_330] : memref<40x128xi32, #tpu.memory_space<vmem>> -> memref<1x32xi32, #tpu.memory_space<vmem>>
        %dma_wait3A_332 = tpu.memref_squeeze %dma_wait3A_331 : memref<1x32xi32, #tpu.memory_space<vmem>> -> memref<32xi32, #tpu.memory_space<vmem>>
        %dma_wait3A_333 = arith.constant 0 : i32
        %dma_wait3A_334 = arith.constant 0 : i32
        %dma_wait3A_335 = tpu.memref_slice %arg2[%dma_wait3A_333, %dma_wait3A_334] : memref<10000x128xf32, #tpu.memory_space<hbm>> -> memref<10000x128xf32, #tpu.memory_space<hbm>>
        tpu.wait_indirect_dma semaphore(%arg22 : memref<!tpu.dma_semaphore, #tpu.memory_space<semaphore_mem>>) src(%dma_wait3A_335 : memref<10000x128xf32, #tpu.memory_space<hbm>>) dst(%arg13 : memref<32x128xf32, #tpu.memory_space<vmem>>)
        "tpu.region"() ({
          %run_scoped3A = tpu.sem_alloc : memref<!tpu.dma_semaphore, #tpu.memory_space<semaphore_mem>>
          %dma_start3A_386 = arith.constant 0 : i32
          %dma_start3A_387 = tpu.memref_slice %arg8[%add3A_329, %dma_start3A_386] : memref<40x128xi32, #tpu.memory_space<vmem>> -> memref<1x32xi32, #tpu.memory_space<vmem>>
          %dma_start3A_388 = tpu.memref_squeeze %dma_start3A_387 : memref<1x32xi32, #tpu.memory_space<vmem>> -> memref<32xi32, #tpu.memory_space<vmem>>
          %dma_start3A_389 = arith.constant 0 : i32
          %dma_start3A_390 = arith.constant 0 : i32
          %dma_start3A_391 = tpu.memref_slice %arg17[%dma_start3A_389, %dma_start3A_390] : memref<10112x128xf32, #tpu.memory_space<vmem_shared>> -> memref<10112x128xf32, #tpu.memory_space<vmem_shared>>
          tpu.enqueue_indirect_dma source(%arg13 : memref<32x128xf32, #tpu.memory_space<vmem>>) target(%dma_start3A_391 : memref<10112x128xf32, #tpu.memory_space<vmem_shared>>) offsets(%dma_start3A_388 : memref<32xi32, #tpu.memory_space<vmem>>) semaphore(%run_scoped3A : memref<!tpu.dma_semaphore, #tpu.memory_space<semaphore_mem>>) {add = true}
          %dma_wait3A_392 = arith.constant 0 : i32
          %dma_wait3A_393 = tpu.memref_slice %arg8[%add3A_329, %dma_wait3A_392] : memref<40x128xi32, #tpu.memory_space<vmem>> -> memref<1x32xi32, #tpu.memory_space<vmem>>
          %dma_wait3A_394 = tpu.memref_squeeze %dma_wait3A_393 : memref<1x32xi32, #tpu.memory_space<vmem>> -> memref<32xi32, #tpu.memory_space<vmem>>
          %dma_wait3A_395 = arith.constant 0 : i32
          %dma_wait3A_396 = arith.constant 0 : i32
          %dma_wait3A_397 = tpu.memref_slice %arg17[%dma_wait3A_395, %dma_wait3A_396] : memref<10112x128xf32, #tpu.memory_space<vmem_shared>> -> memref<10112x128xf32, #tpu.memory_space<vmem_shared>>
          tpu.wait_indirect_dma semaphore(%run_scoped3A : memref<!tpu.dma_semaphore, #tpu.memory_space<semaphore_mem>>) src(%arg13 : memref<32x128xf32, #tpu.memory_space<vmem>>) dst(%dma_wait3A_397 : memref<10112x128xf32, #tpu.memory_space<vmem_shared>>)
          tpu.yield
        }) : () -> ()
        %lt3A_336 = arith.constant 19 : i32
        %lt3A_337 = arith.cmpi slt, %scan3A_267, %lt3A_336 : i32
        %convert_element_type3A_338 = arith.extui %lt3A_337 : i1 to i32
        %cond3A_339 = arith.constant 0 : i32
        %cond3A_340 = arith.cmpi ne, %convert_element_type3A_338, %cond3A_339 : i32
        scf.if %cond3A_340 {
          %add3A_386 = arith.constant 1 : i32
          %add3A_387 = arith.addi %scan3A_267, %add3A_386 : i32
          %mul3A_388 = arith.constant 2 : i32
          %mul3A_389 = arith.muli %mul3A_388, %add3A_387 : i32
          %add3A_390 = arith.constant 1 : i32
          %add3A_391 = arith.addi %mul3A_389, %add3A_390 : i32
          %dma_start3A_392 = arith.constant 0 : i32
          %dma_start3A_393 = tpu.memref_slice %arg7[%add3A_391, %dma_start3A_392] : memref<40x128xi32, #tpu.memory_space<vmem>> -> memref<1x32xi32, #tpu.memory_space<vmem>>
          %dma_start3A_394 = tpu.memref_squeeze %dma_start3A_393 : memref<1x32xi32, #tpu.memory_space<vmem>> -> memref<32xi32, #tpu.memory_space<vmem>>
          %dma_start3A_395 = arith.constant 0 : i32
          %dma_start3A_396 = arith.constant 0 : i32
          %dma_start3A_397 = tpu.memref_slice %arg2[%dma_start3A_395, %dma_start3A_396] : memref<10000x128xf32, #tpu.memory_space<hbm>> -> memref<10000x128xf32, #tpu.memory_space<hbm>>
          tpu.enqueue_indirect_dma source(%dma_start3A_397 : memref<10000x128xf32, #tpu.memory_space<hbm>>) target(%arg13 : memref<32x128xf32, #tpu.memory_space<vmem>>) offsets(%dma_start3A_394 : memref<32xi32, #tpu.memory_space<vmem>>) semaphore(%arg22 : memref<!tpu.dma_semaphore, #tpu.memory_space<semaphore_mem>>)
        } else {
        }
        %mul3A_341 = arith.constant 2 : i32
        %mul3A_342 = arith.muli %mul3A_341, %scan3A_267 : i32
        %add3A_343 = arith.constant 1 : i32
        %add3A_344 = arith.addi %mul3A_342, %add3A_343 : i32
        %dma_wait3A_345 = arith.constant 32 : i32
        %dma_wait3A_346 = tpu.memref_slice %arg7[%add3A_344, %dma_wait3A_345] : memref<40x128xi32, #tpu.memory_space<vmem>> -> memref<1x32xi32, #tpu.memory_space<vmem>>
        %dma_wait3A_347 = tpu.memref_squeeze %dma_wait3A_346 : memref<1x32xi32, #tpu.memory_space<vmem>> -> memref<32xi32, #tpu.memory_space<vmem>>
        %dma_wait3A_348 = arith.constant 0 : i32
        %dma_wait3A_349 = arith.constant 0 : i32
        %dma_wait3A_350 = tpu.memref_slice %arg2[%dma_wait3A_348, %dma_wait3A_349] : memref<10000x128xf32, #tpu.memory_space<hbm>> -> memref<10000x128xf32, #tpu.memory_space<hbm>>
        tpu.wait_indirect_dma semaphore(%arg23 : memref<!tpu.dma_semaphore, #tpu.memory_space<semaphore_mem>>) src(%dma_wait3A_350 : memref<10000x128xf32, #tpu.memory_space<hbm>>) dst(%arg14 : memref<32x128xf32, #tpu.memory_space<vmem>>)
        "tpu.region"() ({
          %run_scoped3A = tpu.sem_alloc : memref<!tpu.dma_semaphore, #tpu.memory_space<semaphore_mem>>
          %dma_start3A_386 = arith.constant 32 : i32
          %dma_start3A_387 = tpu.memref_slice %arg8[%add3A_344, %dma_start3A_386] : memref<40x128xi32, #tpu.memory_space<vmem>> -> memref<1x32xi32, #tpu.memory_space<vmem>>
          %dma_start3A_388 = tpu.memref_squeeze %dma_start3A_387 : memref<1x32xi32, #tpu.memory_space<vmem>> -> memref<32xi32, #tpu.memory_space<vmem>>
          %dma_start3A_389 = arith.constant 0 : i32
          %dma_start3A_390 = arith.constant 0 : i32
          %dma_start3A_391 = tpu.memref_slice %arg17[%dma_start3A_389, %dma_start3A_390] : memref<10112x128xf32, #tpu.memory_space<vmem_shared>> -> memref<10112x128xf32, #tpu.memory_space<vmem_shared>>
          tpu.enqueue_indirect_dma source(%arg14 : memref<32x128xf32, #tpu.memory_space<vmem>>) target(%dma_start3A_391 : memref<10112x128xf32, #tpu.memory_space<vmem_shared>>) offsets(%dma_start3A_388 : memref<32xi32, #tpu.memory_space<vmem>>) semaphore(%run_scoped3A : memref<!tpu.dma_semaphore, #tpu.memory_space<semaphore_mem>>) {add = true}
          %dma_wait3A_392 = arith.constant 32 : i32
          %dma_wait3A_393 = tpu.memref_slice %arg8[%add3A_344, %dma_wait3A_392] : memref<40x128xi32, #tpu.memory_space<vmem>> -> memref<1x32xi32, #tpu.memory_space<vmem>>
          %dma_wait3A_394 = tpu.memref_squeeze %dma_wait3A_393 : memref<1x32xi32, #tpu.memory_space<vmem>> -> memref<32xi32, #tpu.memory_space<vmem>>
          %dma_wait3A_395 = arith.constant 0 : i32
          %dma_wait3A_396 = arith.constant 0 : i32
          %dma_wait3A_397 = tpu.memref_slice %arg17[%dma_wait3A_395, %dma_wait3A_396] : memref<10112x128xf32, #tpu.memory_space<vmem_shared>> -> memref<10112x128xf32, #tpu.memory_space<vmem_shared>>
          tpu.wait_indirect_dma semaphore(%run_scoped3A : memref<!tpu.dma_semaphore, #tpu.memory_space<semaphore_mem>>) src(%arg14 : memref<32x128xf32, #tpu.memory_space<vmem>>) dst(%dma_wait3A_397 : memref<10112x128xf32, #tpu.memory_space<vmem_shared>>)
          tpu.yield
        }) : () -> ()
        %lt3A_351 = arith.constant 19 : i32
        %lt3A_352 = arith.cmpi slt, %scan3A_267, %lt3A_351 : i32
        %convert_element_type3A_353 = arith.extui %lt3A_352 : i1 to i32
        %cond3A_354 = arith.constant 0 : i32
        %cond3A_355 = arith.cmpi ne, %convert_element_type3A_353, %cond3A_354 : i32
        scf.if %cond3A_355 {
          %add3A_386 = arith.constant 1 : i32
          %add3A_387 = arith.addi %scan3A_267, %add3A_386 : i32
          %mul3A_388 = arith.constant 2 : i32
          %mul3A_389 = arith.muli %mul3A_388, %add3A_387 : i32
          %add3A_390 = arith.constant 1 : i32
          %add3A_391 = arith.addi %mul3A_389, %add3A_390 : i32
          %dma_start3A_392 = arith.constant 32 : i32
          %dma_start3A_393 = tpu.memref_slice %arg7[%add3A_391, %dma_start3A_392] : memref<40x128xi32, #tpu.memory_space<vmem>> -> memref<1x32xi32, #tpu.memory_space<vmem>>
          %dma_start3A_394 = tpu.memref_squeeze %dma_start3A_393 : memref<1x32xi32, #tpu.memory_space<vmem>> -> memref<32xi32, #tpu.memory_space<vmem>>
          %dma_start3A_395 = arith.constant 0 : i32
          %dma_start3A_396 = arith.constant 0 : i32
          %dma_start3A_397 = tpu.memref_slice %arg2[%dma_start3A_395, %dma_start3A_396] : memref<10000x128xf32, #tpu.memory_space<hbm>> -> memref<10000x128xf32, #tpu.memory_space<hbm>>
          tpu.enqueue_indirect_dma source(%dma_start3A_397 : memref<10000x128xf32, #tpu.memory_space<hbm>>) target(%arg14 : memref<32x128xf32, #tpu.memory_space<vmem>>) offsets(%dma_start3A_394 : memref<32xi32, #tpu.memory_space<vmem>>) semaphore(%arg23 : memref<!tpu.dma_semaphore, #tpu.memory_space<semaphore_mem>>)
        } else {
        }
        %mul3A_356 = arith.constant 2 : i32
        %mul3A_357 = arith.muli %mul3A_356, %scan3A_267 : i32
        %add3A_358 = arith.constant 1 : i32
        %add3A_359 = arith.addi %mul3A_357, %add3A_358 : i32
        %dma_wait3A_360 = arith.constant 64 : i32
        %dma_wait3A_361 = tpu.memref_slice %arg7[%add3A_359, %dma_wait3A_360] : memref<40x128xi32, #tpu.memory_space<vmem>> -> memref<1x32xi32, #tpu.memory_space<vmem>>
        %dma_wait3A_362 = tpu.memref_squeeze %dma_wait3A_361 : memref<1x32xi32, #tpu.memory_space<vmem>> -> memref<32xi32, #tpu.memory_space<vmem>>
        %dma_wait3A_363 = arith.constant 0 : i32
        %dma_wait3A_364 = arith.constant 0 : i32
        %dma_wait3A_365 = tpu.memref_slice %arg2[%dma_wait3A_363, %dma_wait3A_364] : memref<10000x128xf32, #tpu.memory_space<hbm>> -> memref<10000x128xf32, #tpu.memory_space<hbm>>
        tpu.wait_indirect_dma semaphore(%arg24 : memref<!tpu.dma_semaphore, #tpu.memory_space<semaphore_mem>>) src(%dma_wait3A_365 : memref<10000x128xf32, #tpu.memory_space<hbm>>) dst(%arg15 : memref<32x128xf32, #tpu.memory_space<vmem>>)
        "tpu.region"() ({
          %run_scoped3A = tpu.sem_alloc : memref<!tpu.dma_semaphore, #tpu.memory_space<semaphore_mem>>
          %dma_start3A_386 = arith.constant 64 : i32
          %dma_start3A_387 = tpu.memref_slice %arg8[%add3A_359, %dma_start3A_386] : memref<40x128xi32, #tpu.memory_space<vmem>> -> memref<1x32xi32, #tpu.memory_space<vmem>>
          %dma_start3A_388 = tpu.memref_squeeze %dma_start3A_387 : memref<1x32xi32, #tpu.memory_space<vmem>> -> memref<32xi32, #tpu.memory_space<vmem>>
          %dma_start3A_389 = arith.constant 0 : i32
          %dma_start3A_390 = arith.constant 0 : i32
          %dma_start3A_391 = tpu.memref_slice %arg17[%dma_start3A_389, %dma_start3A_390] : memref<10112x128xf32, #tpu.memory_space<vmem_shared>> -> memref<10112x128xf32, #tpu.memory_space<vmem_shared>>
          tpu.enqueue_indirect_dma source(%arg15 : memref<32x128xf32, #tpu.memory_space<vmem>>) target(%dma_start3A_391 : memref<10112x128xf32, #tpu.memory_space<vmem_shared>>) offsets(%dma_start3A_388 : memref<32xi32, #tpu.memory_space<vmem>>) semaphore(%run_scoped3A : memref<!tpu.dma_semaphore, #tpu.memory_space<semaphore_mem>>) {add = true}
          %dma_wait3A_392 = arith.constant 64 : i32
          %dma_wait3A_393 = tpu.memref_slice %arg8[%add3A_359, %dma_wait3A_392] : memref<40x128xi32, #tpu.memory_space<vmem>> -> memref<1x32xi32, #tpu.memory_space<vmem>>
          %dma_wait3A_394 = tpu.memref_squeeze %dma_wait3A_393 : memref<1x32xi32, #tpu.memory_space<vmem>> -> memref<32xi32, #tpu.memory_space<vmem>>
          %dma_wait3A_395 = arith.constant 0 : i32
          %dma_wait3A_396 = arith.constant 0 : i32
          %dma_wait3A_397 = tpu.memref_slice %arg17[%dma_wait3A_395, %dma_wait3A_396] : memref<10112x128xf32, #tpu.memory_space<vmem_shared>> -> memref<10112x128xf32, #tpu.memory_space<vmem_shared>>
          tpu.wait_indirect_dma semaphore(%run_scoped3A : memref<!tpu.dma_semaphore, #tpu.memory_space<semaphore_mem>>) src(%arg15 : memref<32x128xf32, #tpu.memory_space<vmem>>) dst(%dma_wait3A_397 : memref<10112x128xf32, #tpu.memory_space<vmem_shared>>)
          tpu.yield
        }) : () -> ()
        %lt3A_366 = arith.constant 19 : i32
        %lt3A_367 = arith.cmpi slt, %scan3A_267, %lt3A_366 : i32
        %convert_element_type3A_368 = arith.extui %lt3A_367 : i1 to i32
        %cond3A_369 = arith.constant 0 : i32
        %cond3A_370 = arith.cmpi ne, %convert_element_type3A_368, %cond3A_369 : i32
        scf.if %cond3A_370 {
          %add3A_386 = arith.constant 1 : i32
          %add3A_387 = arith.addi %scan3A_267, %add3A_386 : i32
          %mul3A_388 = arith.constant 2 : i32
          %mul3A_389 = arith.muli %mul3A_388, %add3A_387 : i32
          %add3A_390 = arith.constant 1 : i32
          %add3A_391 = arith.addi %mul3A_389, %add3A_390 : i32
          %dma_start3A_392 = arith.constant 64 : i32
          %dma_start3A_393 = tpu.memref_slice %arg7[%add3A_391, %dma_start3A_392] : memref<40x128xi32, #tpu.memory_space<vmem>> -> memref<1x32xi32, #tpu.memory_space<vmem>>
          %dma_start3A_394 = tpu.memref_squeeze %dma_start3A_393 : memref<1x32xi32, #tpu.memory_space<vmem>> -> memref<32xi32, #tpu.memory_space<vmem>>
          %dma_start3A_395 = arith.constant 0 : i32
          %dma_start3A_396 = arith.constant 0 : i32
          %dma_start3A_397 = tpu.memref_slice %arg2[%dma_start3A_395, %dma_start3A_396] : memref<10000x128xf32, #tpu.memory_space<hbm>> -> memref<10000x128xf32, #tpu.memory_space<hbm>>
          tpu.enqueue_indirect_dma source(%dma_start3A_397 : memref<10000x128xf32, #tpu.memory_space<hbm>>) target(%arg15 : memref<32x128xf32, #tpu.memory_space<vmem>>) offsets(%dma_start3A_394 : memref<32xi32, #tpu.memory_space<vmem>>) semaphore(%arg24 : memref<!tpu.dma_semaphore, #tpu.memory_space<semaphore_mem>>)
        } else {
        }
        %mul3A_371 = arith.constant 2 : i32
        %mul3A_372 = arith.muli %mul3A_371, %scan3A_267 : i32
        %add3A_373 = arith.constant 1 : i32
        %add3A_374 = arith.addi %mul3A_372, %add3A_373 : i32
        %dma_wait3A_375 = arith.constant 96 : i32
        %dma_wait3A_376 = tpu.memref_slice %arg7[%add3A_374, %dma_wait3A_375] : memref<40x128xi32, #tpu.memory_space<vmem>> -> memref<1x32xi32, #tpu.memory_space<vmem>>
        %dma_wait3A_377 = tpu.memref_squeeze %dma_wait3A_376 : memref<1x32xi32, #tpu.memory_space<vmem>> -> memref<32xi32, #tpu.memory_space<vmem>>
        %dma_wait3A_378 = arith.constant 0 : i32
        %dma_wait3A_379 = arith.constant 0 : i32
        %dma_wait3A_380 = tpu.memref_slice %arg2[%dma_wait3A_378, %dma_wait3A_379] : memref<10000x128xf32, #tpu.memory_space<hbm>> -> memref<10000x128xf32, #tpu.memory_space<hbm>>
        tpu.wait_indirect_dma semaphore(%arg25 : memref<!tpu.dma_semaphore, #tpu.memory_space<semaphore_mem>>) src(%dma_wait3A_380 : memref<10000x128xf32, #tpu.memory_space<hbm>>) dst(%arg16 : memref<32x128xf32, #tpu.memory_space<vmem>>)
        "tpu.region"() ({
          %run_scoped3A = tpu.sem_alloc : memref<!tpu.dma_semaphore, #tpu.memory_space<semaphore_mem>>
          %dma_start3A_386 = arith.constant 96 : i32
          %dma_start3A_387 = tpu.memref_slice %arg8[%add3A_374, %dma_start3A_386] : memref<40x128xi32, #tpu.memory_space<vmem>> -> memref<1x32xi32, #tpu.memory_space<vmem>>
          %dma_start3A_388 = tpu.memref_squeeze %dma_start3A_387 : memref<1x32xi32, #tpu.memory_space<vmem>> -> memref<32xi32, #tpu.memory_space<vmem>>
          %dma_start3A_389 = arith.constant 0 : i32
          %dma_start3A_390 = arith.constant 0 : i32
          %dma_start3A_391 = tpu.memref_slice %arg17[%dma_start3A_389, %dma_start3A_390] : memref<10112x128xf32, #tpu.memory_space<vmem_shared>> -> memref<10112x128xf32, #tpu.memory_space<vmem_shared>>
          tpu.enqueue_indirect_dma source(%arg16 : memref<32x128xf32, #tpu.memory_space<vmem>>) target(%dma_start3A_391 : memref<10112x128xf32, #tpu.memory_space<vmem_shared>>) offsets(%dma_start3A_388 : memref<32xi32, #tpu.memory_space<vmem>>) semaphore(%run_scoped3A : memref<!tpu.dma_semaphore, #tpu.memory_space<semaphore_mem>>) {add = true}
          %dma_wait3A_392 = arith.constant 96 : i32
          %dma_wait3A_393 = tpu.memref_slice %arg8[%add3A_374, %dma_wait3A_392] : memref<40x128xi32, #tpu.memory_space<vmem>> -> memref<1x32xi32, #tpu.memory_space<vmem>>
          %dma_wait3A_394 = tpu.memref_squeeze %dma_wait3A_393 : memref<1x32xi32, #tpu.memory_space<vmem>> -> memref<32xi32, #tpu.memory_space<vmem>>
          %dma_wait3A_395 = arith.constant 0 : i32
          %dma_wait3A_396 = arith.constant 0 : i32
          %dma_wait3A_397 = tpu.memref_slice %arg17[%dma_wait3A_395, %dma_wait3A_396] : memref<10112x128xf32, #tpu.memory_space<vmem_shared>> -> memref<10112x128xf32, #tpu.memory_space<vmem_shared>>
          tpu.wait_indirect_dma semaphore(%run_scoped3A : memref<!tpu.dma_semaphore, #tpu.memory_space<semaphore_mem>>) src(%arg16 : memref<32x128xf32, #tpu.memory_space<vmem>>) dst(%dma_wait3A_397 : memref<10112x128xf32, #tpu.memory_space<vmem_shared>>)
          tpu.yield
        }) : () -> ()
        %lt3A_381 = arith.constant 19 : i32
        %lt3A_382 = arith.cmpi slt, %scan3A_267, %lt3A_381 : i32
        %convert_element_type3A_383 = arith.extui %lt3A_382 : i1 to i32
        %cond3A_384 = arith.constant 0 : i32
        %cond3A_385 = arith.cmpi ne, %convert_element_type3A_383, %cond3A_384 : i32
        scf.if %cond3A_385 {
          %add3A_386 = arith.constant 1 : i32
          %add3A_387 = arith.addi %scan3A_267, %add3A_386 : i32
          %mul3A_388 = arith.constant 2 : i32
          %mul3A_389 = arith.muli %mul3A_388, %add3A_387 : i32
          %add3A_390 = arith.constant 1 : i32
          %add3A_391 = arith.addi %mul3A_389, %add3A_390 : i32
          %dma_start3A_392 = arith.constant 96 : i32
          %dma_start3A_393 = tpu.memref_slice %arg7[%add3A_391, %dma_start3A_392] : memref<40x128xi32, #tpu.memory_space<vmem>> -> memref<1x32xi32, #tpu.memory_space<vmem>>
          %dma_start3A_394 = tpu.memref_squeeze %dma_start3A_393 : memref<1x32xi32, #tpu.memory_space<vmem>> -> memref<32xi32, #tpu.memory_space<vmem>>
          %dma_start3A_395 = arith.constant 0 : i32
          %dma_start3A_396 = arith.constant 0 : i32
          %dma_start3A_397 = tpu.memref_slice %arg2[%dma_start3A_395, %dma_start3A_396] : memref<10000x128xf32, #tpu.memory_space<hbm>> -> memref<10000x128xf32, #tpu.memory_space<hbm>>
          tpu.enqueue_indirect_dma source(%dma_start3A_397 : memref<10000x128xf32, #tpu.memory_space<hbm>>) target(%arg16 : memref<32x128xf32, #tpu.memory_space<vmem>>) offsets(%dma_start3A_394 : memref<32xi32, #tpu.memory_space<vmem>>) semaphore(%arg25 : memref<!tpu.dma_semaphore, #tpu.memory_space<semaphore_mem>>)
        } else {
        }
      }
      %scan3A_201 = arith.constant 20 : i32
      %add3A_202 = arith.constant 120 : i32
      %add3A_203 = arith.addi %mul3A_9, %add3A_202 : i32
      "tpu.region"() ({
        %run_scoped3A = tpu.sem_alloc : memref<!tpu.dma_semaphore, #tpu.memory_space<semaphore_mem>>
        %dma_start3A_267 = arith.constant 0 : i32
        %dma_start3A_268 = arith.constant 0 : i32
        %dma_start3A_269 = tpu.memref_slice %arg7[%dma_start3A_267, %dma_start3A_268] : memref<40x128xi32, #tpu.memory_space<vmem>> -> memref<32x128xi32, #tpu.memory_space<vmem>>
        %dma_start3A_270 = arith.constant 0 : i32
        %dma_start3A_271 = tpu.memref_slice %arg4[%add3A_203, %dma_start3A_270] : memref<2560x128xi32, #tpu.memory_space<hbm>> -> memref<32x128xi32, #tpu.memory_space<hbm>>
        %dma_start3A_272 = arith.constant 0 : i32
        %dma_start3A_273 = arith.constant 0 : i32
        %dma_start3A_274 = tpu.memref_slice %arg7[%dma_start3A_272, %dma_start3A_273] : memref<40x128xi32, #tpu.memory_space<vmem>> -> memref<32x128xi32, #tpu.memory_space<vmem>>
        %dma_start3A_275 = arith.constant 0 : i32
        %dma_start3A_276 = tpu.memref_slice %arg4[%add3A_203, %dma_start3A_275] : memref<2560x128xi32, #tpu.memory_space<hbm>> -> memref<32x128xi32, #tpu.memory_space<hbm>>
        tpu.enqueue_dma source(%dma_start3A_276 : memref<32x128xi32, #tpu.memory_space<hbm>>) target(%dma_start3A_274 : memref<32x128xi32, #tpu.memory_space<vmem>>) target_semaphore(%run_scoped3A : memref<!tpu.dma_semaphore, #tpu.memory_space<semaphore_mem>>)
        %dma_wait3A = arith.constant 0 : i32
        %dma_wait3A_277 = arith.constant 0 : i32
        %dma_wait3A_278 = tpu.memref_slice %arg7[%dma_wait3A, %dma_wait3A_277] : memref<40x128xi32, #tpu.memory_space<vmem>> -> memref<32x128xi32, #tpu.memory_space<vmem>>
        %dma_wait3A_279 = arith.constant 0 : i32
        %dma_wait3A_280 = tpu.memref_slice %arg4[%add3A_203, %dma_wait3A_279] : memref<2560x128xi32, #tpu.memory_space<hbm>> -> memref<32x128xi32, #tpu.memory_space<hbm>>
        %dma_wait3A_281 = arith.constant 0 : i32
        %dma_wait3A_282 = arith.constant 0 : i32
        %dma_wait3A_283 = tpu.memref_slice %arg7[%dma_wait3A_281, %dma_wait3A_282] : memref<40x128xi32, #tpu.memory_space<vmem>> -> memref<32x128xi32, #tpu.memory_space<vmem>>
        %dma_wait3A_284 = arith.constant 0 : i32
        %dma_wait3A_285 = tpu.memref_slice %arg4[%add3A_203, %dma_wait3A_284] : memref<2560x128xi32, #tpu.memory_space<hbm>> -> memref<32x128xi32, #tpu.memory_space<hbm>>
        tpu.wait_dma2 semaphore(%run_scoped3A : memref<!tpu.dma_semaphore, #tpu.memory_space<semaphore_mem>>) src(%dma_wait3A_285 : memref<32x128xi32, #tpu.memory_space<hbm>>) dst(%dma_wait3A_283 : memref<32x128xi32, #tpu.memory_space<vmem>>)
        tpu.yield
      }) : () -> ()
      %add3A_204 = arith.constant 120 : i32
      %add3A_205 = arith.addi %mul3A_9, %add3A_204 : i32
      "tpu.region"() ({
        %run_scoped3A = tpu.sem_alloc : memref<!tpu.dma_semaphore, #tpu.memory_space<semaphore_mem>>
        %dma_start3A_267 = arith.constant 0 : i32
        %dma_start3A_268 = arith.constant 0 : i32
        %dma_start3A_269 = tpu.memref_slice %arg8[%dma_start3A_267, %dma_start3A_268] : memref<40x128xi32, #tpu.memory_space<vmem>> -> memref<32x128xi32, #tpu.memory_space<vmem>>
        %dma_start3A_270 = arith.constant 0 : i32
        %dma_start3A_271 = tpu.memref_slice %arg5[%add3A_205, %dma_start3A_270] : memref<2560x128xi32, #tpu.memory_space<hbm>> -> memref<32x128xi32, #tpu.memory_space<hbm>>
        %dma_start3A_272 = arith.constant 0 : i32
        %dma_start3A_273 = arith.constant 0 : i32
        %dma_start3A_274 = tpu.memref_slice %arg8[%dma_start3A_272, %dma_start3A_273] : memref<40x128xi32, #tpu.memory_space<vmem>> -> memref<32x128xi32, #tpu.memory_space<vmem>>
        %dma_start3A_275 = arith.constant 0 : i32
        %dma_start3A_276 = tpu.memref_slice %arg5[%add3A_205, %dma_start3A_275] : memref<2560x128xi32, #tpu.memory_space<hbm>> -> memref<32x128xi32, #tpu.memory_space<hbm>>
        tpu.enqueue_dma source(%dma_start3A_276 : memref<32x128xi32, #tpu.memory_space<hbm>>) target(%dma_start3A_274 : memref<32x128xi32, #tpu.memory_space<vmem>>) target_semaphore(%run_scoped3A : memref<!tpu.dma_semaphore, #tpu.memory_space<semaphore_mem>>)
        %dma_wait3A = arith.constant 0 : i32
        %dma_wait3A_277 = arith.constant 0 : i32
        %dma_wait3A_278 = tpu.memref_slice %arg8[%dma_wait3A, %dma_wait3A_277] : memref<40x128xi32, #tpu.memory_space<vmem>> -> memref<32x128xi32, #tpu.memory_space<vmem>>
        %dma_wait3A_279 = arith.constant 0 : i32
        %dma_wait3A_280 = tpu.memref_slice %arg5[%add3A_205, %dma_wait3A_279] : memref<2560x128xi32, #tpu.memory_space<hbm>> -> memref<32x128xi32, #tpu.memory_space<hbm>>
        %dma_wait3A_281 = arith.constant 0 : i32
        %dma_wait3A_282 = arith.constant 0 : i32
        %dma_wait3A_283 = tpu.memref_slice %arg8[%dma_wait3A_281, %dma_wait3A_282] : memref<40x128xi32, #tpu.memory_space<vmem>> -> memref<32x128xi32, #tpu.memory_space<vmem>>
        %dma_wait3A_284 = arith.constant 0 : i32
        %dma_wait3A_285 = tpu.memref_slice %arg5[%add3A_205, %dma_wait3A_284] : memref<2560x128xi32, #tpu.memory_space<hbm>> -> memref<32x128xi32, #tpu.memory_space<hbm>>
        tpu.wait_dma2 semaphore(%run_scoped3A : memref<!tpu.dma_semaphore, #tpu.memory_space<semaphore_mem>>) src(%dma_wait3A_285 : memref<32x128xi32, #tpu.memory_space<hbm>>) dst(%dma_wait3A_283 : memref<32x128xi32, #tpu.memory_space<vmem>>)
        tpu.yield
      }) : () -> ()
      %dma_start3A_206 = arith.constant 0 : i32
      %dma_start3A_207 = arith.constant 0 : i32
      %dma_start3A_208 = tpu.memref_slice %arg7[%dma_start3A_206, %dma_start3A_207] : memref<40x128xi32, #tpu.memory_space<vmem>> -> memref<1x32xi32, #tpu.memory_space<vmem>>
      %dma_start3A_209 = tpu.memref_squeeze %dma_start3A_208 : memref<1x32xi32, #tpu.memory_space<vmem>> -> memref<32xi32, #tpu.memory_space<vmem>>
      %dma_start3A_210 = arith.constant 0 : i32
      %dma_start3A_211 = arith.constant 0 : i32
      %dma_start3A_212 = tpu.memref_slice %arg2[%dma_start3A_210, %dma_start3A_211] : memref<10000x128xf32, #tpu.memory_space<hbm>> -> memref<10000x128xf32, #tpu.memory_space<hbm>>
      tpu.enqueue_indirect_dma source(%dma_start3A_212 : memref<10000x128xf32, #tpu.memory_space<hbm>>) target(%arg9 : memref<32x128xf32, #tpu.memory_space<vmem>>) offsets(%dma_start3A_209 : memref<32xi32, #tpu.memory_space<vmem>>) semaphore(%arg18 : memref<!tpu.dma_semaphore, #tpu.memory_space<semaphore_mem>>)
      %dma_start3A_213 = arith.constant 0 : i32
      %dma_start3A_214 = arith.constant 32 : i32
      %dma_start3A_215 = tpu.memref_slice %arg7[%dma_start3A_213, %dma_start3A_214] : memref<40x128xi32, #tpu.memory_space<vmem>> -> memref<1x32xi32, #tpu.memory_space<vmem>>
      %dma_start3A_216 = tpu.memref_squeeze %dma_start3A_215 : memref<1x32xi32, #tpu.memory_space<vmem>> -> memref<32xi32, #tpu.memory_space<vmem>>
      %dma_start3A_217 = arith.constant 0 : i32
      %dma_start3A_218 = arith.constant 0 : i32
      %dma_start3A_219 = tpu.memref_slice %arg2[%dma_start3A_217, %dma_start3A_218] : memref<10000x128xf32, #tpu.memory_space<hbm>> -> memref<10000x128xf32, #tpu.memory_space<hbm>>
      tpu.enqueue_indirect_dma source(%dma_start3A_219 : memref<10000x128xf32, #tpu.memory_space<hbm>>) target(%arg10 : memref<32x128xf32, #tpu.memory_space<vmem>>) offsets(%dma_start3A_216 : memref<32xi32, #tpu.memory_space<vmem>>) semaphore(%arg19 : memref<!tpu.dma_semaphore, #tpu.memory_space<semaphore_mem>>)
      %dma_start3A_220 = arith.constant 0 : i32
      %dma_start3A_221 = arith.constant 64 : i32
      %dma_start3A_222 = tpu.memref_slice %arg7[%dma_start3A_220, %dma_start3A_221] : memref<40x128xi32, #tpu.memory_space<vmem>> -> memref<1x32xi32, #tpu.memory_space<vmem>>
      %dma_start3A_223 = tpu.memref_squeeze %dma_start3A_222 : memref<1x32xi32, #tpu.memory_space<vmem>> -> memref<32xi32, #tpu.memory_space<vmem>>
      %dma_start3A_224 = arith.constant 0 : i32
      %dma_start3A_225 = arith.constant 0 : i32
      %dma_start3A_226 = tpu.memref_slice %arg2[%dma_start3A_224, %dma_start3A_225] : memref<10000x128xf32, #tpu.memory_space<hbm>> -> memref<10000x128xf32, #tpu.memory_space<hbm>>
      tpu.enqueue_indirect_dma source(%dma_start3A_226 : memref<10000x128xf32, #tpu.memory_space<hbm>>) target(%arg11 : memref<32x128xf32, #tpu.memory_space<vmem>>) offsets(%dma_start3A_223 : memref<32xi32, #tpu.memory_space<vmem>>) semaphore(%arg20 : memref<!tpu.dma_semaphore, #tpu.memory_space<semaphore_mem>>)
      %dma_start3A_227 = arith.constant 0 : i32
      %dma_start3A_228 = arith.constant 96 : i32
      %dma_start3A_229 = tpu.memref_slice %arg7[%dma_start3A_227, %dma_start3A_228] : memref<40x128xi32, #tpu.memory_space<vmem>> -> memref<1x32xi32, #tpu.memory_space<vmem>>
      %dma_start3A_230 = tpu.memref_squeeze %dma_start3A_229 : memref<1x32xi32, #tpu.memory_space<vmem>> -> memref<32xi32, #tpu.memory_space<vmem>>
      %dma_start3A_231 = arith.constant 0 : i32
      %dma_start3A_232 = arith.constant 0 : i32
      %dma_start3A_233 = tpu.memref_slice %arg2[%dma_start3A_231, %dma_start3A_232] : memref<10000x128xf32, #tpu.memory_space<hbm>> -> memref<10000x128xf32, #tpu.memory_space<hbm>>
      tpu.enqueue_indirect_dma source(%dma_start3A_233 : memref<10000x128xf32, #tpu.memory_space<hbm>>) target(%arg12 : memref<32x128xf32, #tpu.memory_space<vmem>>) offsets(%dma_start3A_230 : memref<32xi32, #tpu.memory_space<vmem>>) semaphore(%arg21 : memref<!tpu.dma_semaphore, #tpu.memory_space<semaphore_mem>>)
      %dma_start3A_234 = arith.constant 1 : i32
      %dma_start3A_235 = arith.constant 0 : i32
      %dma_start3A_236 = tpu.memref_slice %arg7[%dma_start3A_234, %dma_start3A_235] : memref<40x128xi32, #tpu.memory_space<vmem>> -> memref<1x32xi32, #tpu.memory_space<vmem>>
      %dma_start3A_237 = tpu.memref_squeeze %dma_start3A_236 : memref<1x32xi32, #tpu.memory_space<vmem>> -> memref<32xi32, #tpu.memory_space<vmem>>
      %dma_start3A_238 = arith.constant 0 : i32
      %dma_start3A_239 = arith.constant 0 : i32
      %dma_start3A_240 = tpu.memref_slice %arg2[%dma_start3A_238, %dma_start3A_239] : memref<10000x128xf32, #tpu.memory_space<hbm>> -> memref<10000x128xf32, #tpu.memory_space<hbm>>
      tpu.enqueue_indirect_dma source(%dma_start3A_240 : memref<10000x128xf32, #tpu.memory_space<hbm>>) target(%arg13 : memref<32x128xf32, #tpu.memory_space<vmem>>) offsets(%dma_start3A_237 : memref<32xi32, #tpu.memory_space<vmem>>) semaphore(%arg22 : memref<!tpu.dma_semaphore, #tpu.memory_space<semaphore_mem>>)
      %dma_start3A_241 = arith.constant 1 : i32
      %dma_start3A_242 = arith.constant 32 : i32
      %dma_start3A_243 = tpu.memref_slice %arg7[%dma_start3A_241, %dma_start3A_242] : memref<40x128xi32, #tpu.memory_space<vmem>> -> memref<1x32xi32, #tpu.memory_space<vmem>>
      %dma_start3A_244 = tpu.memref_squeeze %dma_start3A_243 : memref<1x32xi32, #tpu.memory_space<vmem>> -> memref<32xi32, #tpu.memory_space<vmem>>
      %dma_start3A_245 = arith.constant 0 : i32
      %dma_start3A_246 = arith.constant 0 : i32
      %dma_start3A_247 = tpu.memref_slice %arg2[%dma_start3A_245, %dma_start3A_246] : memref<10000x128xf32, #tpu.memory_space<hbm>> -> memref<10000x128xf32, #tpu.memory_space<hbm>>
      tpu.enqueue_indirect_dma source(%dma_start3A_247 : memref<10000x128xf32, #tpu.memory_space<hbm>>) target(%arg14 : memref<32x128xf32, #tpu.memory_space<vmem>>) offsets(%dma_start3A_244 : memref<32xi32, #tpu.memory_space<vmem>>) semaphore(%arg23 : memref<!tpu.dma_semaphore, #tpu.memory_space<semaphore_mem>>)
      %dma_start3A_248 = arith.constant 1 : i32
      %dma_start3A_249 = arith.constant 64 : i32
      %dma_start3A_250 = tpu.memref_slice %arg7[%dma_start3A_248, %dma_start3A_249] : memref<40x128xi32, #tpu.memory_space<vmem>> -> memref<1x32xi32, #tpu.memory_space<vmem>>
      %dma_start3A_251 = tpu.memref_squeeze %dma_start3A_250 : memref<1x32xi32, #tpu.memory_space<vmem>> -> memref<32xi32, #tpu.memory_space<vmem>>
      %dma_start3A_252 = arith.constant 0 : i32
      %dma_start3A_253 = arith.constant 0 : i32
      %dma_start3A_254 = tpu.memref_slice %arg2[%dma_start3A_252, %dma_start3A_253] : memref<10000x128xf32, #tpu.memory_space<hbm>> -> memref<10000x128xf32, #tpu.memory_space<hbm>>
      tpu.enqueue_indirect_dma source(%dma_start3A_254 : memref<10000x128xf32, #tpu.memory_space<hbm>>) target(%arg15 : memref<32x128xf32, #tpu.memory_space<vmem>>) offsets(%dma_start3A_251 : memref<32xi32, #tpu.memory_space<vmem>>) semaphore(%arg24 : memref<!tpu.dma_semaphore, #tpu.memory_space<semaphore_mem>>)
      %dma_start3A_255 = arith.constant 1 : i32
      %dma_start3A_256 = arith.constant 96 : i32
      %dma_start3A_257 = tpu.memref_slice %arg7[%dma_start3A_255, %dma_start3A_256] : memref<40x128xi32, #tpu.memory_space<vmem>> -> memref<1x32xi32, #tpu.memory_space<vmem>>
      %dma_start3A_258 = tpu.memref_squeeze %dma_start3A_257 : memref<1x32xi32, #tpu.memory_space<vmem>> -> memref<32xi32, #tpu.memory_space<vmem>>
      %dma_start3A_259 = arith.constant 0 : i32
      %dma_start3A_260 = arith.constant 0 : i32
      %dma_start3A_261 = tpu.memref_slice %arg2[%dma_start3A_259, %dma_start3A_260] : memref<10000x128xf32, #tpu.memory_space<hbm>> -> memref<10000x128xf32, #tpu.memory_space<hbm>>
      tpu.enqueue_indirect_dma source(%dma_start3A_261 : memref<10000x128xf32, #tpu.memory_space<hbm>>) target(%arg16 : memref<32x128xf32, #tpu.memory_space<vmem>>) offsets(%dma_start3A_258 : memref<32xi32, #tpu.memory_space<vmem>>) semaphore(%arg25 : memref<!tpu.dma_semaphore, #tpu.memory_space<semaphore_mem>>)
      %scan3A_262 = arith.constant 0 : i32
      %scan3A_263 = arith.constant 16 : i32
      %scan3A_264 = arith.addi %scan3A_262, %scan3A_263 : i32
      %scan3A_265 = arith.constant 1 : i32
      scf.for %scan3A_267 = %scan3A_262 to %scan3A_264 step %scan3A_265  : i32 {
        %mul3A_268 = arith.constant 2 : i32
        %mul3A_269 = arith.muli %mul3A_268, %scan3A_267 : i32
        %add3A_270 = arith.constant 0 : i32
        %add3A_271 = arith.addi %mul3A_269, %add3A_270 : i32
        %dma_wait3A = arith.constant 0 : i32
        %dma_wait3A_272 = tpu.memref_slice %arg7[%add3A_271, %dma_wait3A] : memref<40x128xi32, #tpu.memory_space<vmem>> -> memref<1x32xi32, #tpu.memory_space<vmem>>
        %dma_wait3A_273 = tpu.memref_squeeze %dma_wait3A_272 : memref<1x32xi32, #tpu.memory_space<vmem>> -> memref<32xi32, #tpu.memory_space<vmem>>
        %dma_wait3A_274 = arith.constant 0 : i32
        %dma_wait3A_275 = arith.constant 0 : i32
        %dma_wait3A_276 = tpu.memref_slice %arg2[%dma_wait3A_274, %dma_wait3A_275] : memref<10000x128xf32, #tpu.memory_space<hbm>> -> memref<10000x128xf32, #tpu.memory_space<hbm>>
        tpu.wait_indirect_dma semaphore(%arg18 : memref<!tpu.dma_semaphore, #tpu.memory_space<semaphore_mem>>) src(%dma_wait3A_276 : memref<10000x128xf32, #tpu.memory_space<hbm>>) dst(%arg9 : memref<32x128xf32, #tpu.memory_space<vmem>>)
        "tpu.region"() ({
          %run_scoped3A = tpu.sem_alloc : memref<!tpu.dma_semaphore, #tpu.memory_space<semaphore_mem>>
          %dma_start3A_386 = arith.constant 0 : i32
          %dma_start3A_387 = tpu.memref_slice %arg8[%add3A_271, %dma_start3A_386] : memref<40x128xi32, #tpu.memory_space<vmem>> -> memref<1x32xi32, #tpu.memory_space<vmem>>
          %dma_start3A_388 = tpu.memref_squeeze %dma_start3A_387 : memref<1x32xi32, #tpu.memory_space<vmem>> -> memref<32xi32, #tpu.memory_space<vmem>>
          %dma_start3A_389 = arith.constant 0 : i32
          %dma_start3A_390 = arith.constant 0 : i32
          %dma_start3A_391 = tpu.memref_slice %arg17[%dma_start3A_389, %dma_start3A_390] : memref<10112x128xf32, #tpu.memory_space<vmem_shared>> -> memref<10112x128xf32, #tpu.memory_space<vmem_shared>>
          tpu.enqueue_indirect_dma source(%arg9 : memref<32x128xf32, #tpu.memory_space<vmem>>) target(%dma_start3A_391 : memref<10112x128xf32, #tpu.memory_space<vmem_shared>>) offsets(%dma_start3A_388 : memref<32xi32, #tpu.memory_space<vmem>>) semaphore(%run_scoped3A : memref<!tpu.dma_semaphore, #tpu.memory_space<semaphore_mem>>) {add = true}
          %dma_wait3A_392 = arith.constant 0 : i32
          %dma_wait3A_393 = tpu.memref_slice %arg8[%add3A_271, %dma_wait3A_392] : memref<40x128xi32, #tpu.memory_space<vmem>> -> memref<1x32xi32, #tpu.memory_space<vmem>>
          %dma_wait3A_394 = tpu.memref_squeeze %dma_wait3A_393 : memref<1x32xi32, #tpu.memory_space<vmem>> -> memref<32xi32, #tpu.memory_space<vmem>>
          %dma_wait3A_395 = arith.constant 0 : i32
          %dma_wait3A_396 = arith.constant 0 : i32
          %dma_wait3A_397 = tpu.memref_slice %arg17[%dma_wait3A_395, %dma_wait3A_396] : memref<10112x128xf32, #tpu.memory_space<vmem_shared>> -> memref<10112x128xf32, #tpu.memory_space<vmem_shared>>
          tpu.wait_indirect_dma semaphore(%run_scoped3A : memref<!tpu.dma_semaphore, #tpu.memory_space<semaphore_mem>>) src(%arg9 : memref<32x128xf32, #tpu.memory_space<vmem>>) dst(%dma_wait3A_397 : memref<10112x128xf32, #tpu.memory_space<vmem_shared>>)
          tpu.yield
        }) : () -> ()
        %lt3A = arith.constant 15 : i32
        %lt3A_277 = arith.cmpi slt, %scan3A_267, %lt3A : i32
        %convert_element_type3A_278 = arith.extui %lt3A_277 : i1 to i32
        %cond3A_279 = arith.constant 0 : i32
        %cond3A_280 = arith.cmpi ne, %convert_element_type3A_278, %cond3A_279 : i32
        scf.if %cond3A_280 {
          %add3A_386 = arith.constant 1 : i32
          %add3A_387 = arith.addi %scan3A_267, %add3A_386 : i32
          %mul3A_388 = arith.constant 2 : i32
          %mul3A_389 = arith.muli %mul3A_388, %add3A_387 : i32
          %add3A_390 = arith.constant 0 : i32
          %add3A_391 = arith.addi %mul3A_389, %add3A_390 : i32
          %dma_start3A_392 = arith.constant 0 : i32
          %dma_start3A_393 = tpu.memref_slice %arg7[%add3A_391, %dma_start3A_392] : memref<40x128xi32, #tpu.memory_space<vmem>> -> memref<1x32xi32, #tpu.memory_space<vmem>>
          %dma_start3A_394 = tpu.memref_squeeze %dma_start3A_393 : memref<1x32xi32, #tpu.memory_space<vmem>> -> memref<32xi32, #tpu.memory_space<vmem>>
          %dma_start3A_395 = arith.constant 0 : i32
          %dma_start3A_396 = arith.constant 0 : i32
          %dma_start3A_397 = tpu.memref_slice %arg2[%dma_start3A_395, %dma_start3A_396] : memref<10000x128xf32, #tpu.memory_space<hbm>> -> memref<10000x128xf32, #tpu.memory_space<hbm>>
          tpu.enqueue_indirect_dma source(%dma_start3A_397 : memref<10000x128xf32, #tpu.memory_space<hbm>>) target(%arg9 : memref<32x128xf32, #tpu.memory_space<vmem>>) offsets(%dma_start3A_394 : memref<32xi32, #tpu.memory_space<vmem>>) semaphore(%arg18 : memref<!tpu.dma_semaphore, #tpu.memory_space<semaphore_mem>>)
        } else {
        }
        %mul3A_281 = arith.constant 2 : i32
        %mul3A_282 = arith.muli %mul3A_281, %scan3A_267 : i32
        %add3A_283 = arith.constant 0 : i32
        %add3A_284 = arith.addi %mul3A_282, %add3A_283 : i32
        %dma_wait3A_285 = arith.constant 32 : i32
        %dma_wait3A_286 = tpu.memref_slice %arg7[%add3A_284, %dma_wait3A_285] : memref<40x128xi32, #tpu.memory_space<vmem>> -> memref<1x32xi32, #tpu.memory_space<vmem>>
        %dma_wait3A_287 = tpu.memref_squeeze %dma_wait3A_286 : memref<1x32xi32, #tpu.memory_space<vmem>> -> memref<32xi32, #tpu.memory_space<vmem>>
        %dma_wait3A_288 = arith.constant 0 : i32
        %dma_wait3A_289 = arith.constant 0 : i32
        %dma_wait3A_290 = tpu.memref_slice %arg2[%dma_wait3A_288, %dma_wait3A_289] : memref<10000x128xf32, #tpu.memory_space<hbm>> -> memref<10000x128xf32, #tpu.memory_space<hbm>>
        tpu.wait_indirect_dma semaphore(%arg19 : memref<!tpu.dma_semaphore, #tpu.memory_space<semaphore_mem>>) src(%dma_wait3A_290 : memref<10000x128xf32, #tpu.memory_space<hbm>>) dst(%arg10 : memref<32x128xf32, #tpu.memory_space<vmem>>)
        "tpu.region"() ({
          %run_scoped3A = tpu.sem_alloc : memref<!tpu.dma_semaphore, #tpu.memory_space<semaphore_mem>>
          %dma_start3A_386 = arith.constant 32 : i32
          %dma_start3A_387 = tpu.memref_slice %arg8[%add3A_284, %dma_start3A_386] : memref<40x128xi32, #tpu.memory_space<vmem>> -> memref<1x32xi32, #tpu.memory_space<vmem>>
          %dma_start3A_388 = tpu.memref_squeeze %dma_start3A_387 : memref<1x32xi32, #tpu.memory_space<vmem>> -> memref<32xi32, #tpu.memory_space<vmem>>
          %dma_start3A_389 = arith.constant 0 : i32
          %dma_start3A_390 = arith.constant 0 : i32
          %dma_start3A_391 = tpu.memref_slice %arg17[%dma_start3A_389, %dma_start3A_390] : memref<10112x128xf32, #tpu.memory_space<vmem_shared>> -> memref<10112x128xf32, #tpu.memory_space<vmem_shared>>
          tpu.enqueue_indirect_dma source(%arg10 : memref<32x128xf32, #tpu.memory_space<vmem>>) target(%dma_start3A_391 : memref<10112x128xf32, #tpu.memory_space<vmem_shared>>) offsets(%dma_start3A_388 : memref<32xi32, #tpu.memory_space<vmem>>) semaphore(%run_scoped3A : memref<!tpu.dma_semaphore, #tpu.memory_space<semaphore_mem>>) {add = true}
          %dma_wait3A_392 = arith.constant 32 : i32
          %dma_wait3A_393 = tpu.memref_slice %arg8[%add3A_284, %dma_wait3A_392] : memref<40x128xi32, #tpu.memory_space<vmem>> -> memref<1x32xi32, #tpu.memory_space<vmem>>
          %dma_wait3A_394 = tpu.memref_squeeze %dma_wait3A_393 : memref<1x32xi32, #tpu.memory_space<vmem>> -> memref<32xi32, #tpu.memory_space<vmem>>
          %dma_wait3A_395 = arith.constant 0 : i32
          %dma_wait3A_396 = arith.constant 0 : i32
          %dma_wait3A_397 = tpu.memref_slice %arg17[%dma_wait3A_395, %dma_wait3A_396] : memref<10112x128xf32, #tpu.memory_space<vmem_shared>> -> memref<10112x128xf32, #tpu.memory_space<vmem_shared>>
          tpu.wait_indirect_dma semaphore(%run_scoped3A : memref<!tpu.dma_semaphore, #tpu.memory_space<semaphore_mem>>) src(%arg10 : memref<32x128xf32, #tpu.memory_space<vmem>>) dst(%dma_wait3A_397 : memref<10112x128xf32, #tpu.memory_space<vmem_shared>>)
          tpu.yield
        }) : () -> ()
        %lt3A_291 = arith.constant 15 : i32
        %lt3A_292 = arith.cmpi slt, %scan3A_267, %lt3A_291 : i32
        %convert_element_type3A_293 = arith.extui %lt3A_292 : i1 to i32
        %cond3A_294 = arith.constant 0 : i32
        %cond3A_295 = arith.cmpi ne, %convert_element_type3A_293, %cond3A_294 : i32
        scf.if %cond3A_295 {
          %add3A_386 = arith.constant 1 : i32
          %add3A_387 = arith.addi %scan3A_267, %add3A_386 : i32
          %mul3A_388 = arith.constant 2 : i32
          %mul3A_389 = arith.muli %mul3A_388, %add3A_387 : i32
          %add3A_390 = arith.constant 0 : i32
          %add3A_391 = arith.addi %mul3A_389, %add3A_390 : i32
          %dma_start3A_392 = arith.constant 32 : i32
          %dma_start3A_393 = tpu.memref_slice %arg7[%add3A_391, %dma_start3A_392] : memref<40x128xi32, #tpu.memory_space<vmem>> -> memref<1x32xi32, #tpu.memory_space<vmem>>
          %dma_start3A_394 = tpu.memref_squeeze %dma_start3A_393 : memref<1x32xi32, #tpu.memory_space<vmem>> -> memref<32xi32, #tpu.memory_space<vmem>>
          %dma_start3A_395 = arith.constant 0 : i32
          %dma_start3A_396 = arith.constant 0 : i32
          %dma_start3A_397 = tpu.memref_slice %arg2[%dma_start3A_395, %dma_start3A_396] : memref<10000x128xf32, #tpu.memory_space<hbm>> -> memref<10000x128xf32, #tpu.memory_space<hbm>>
          tpu.enqueue_indirect_dma source(%dma_start3A_397 : memref<10000x128xf32, #tpu.memory_space<hbm>>) target(%arg10 : memref<32x128xf32, #tpu.memory_space<vmem>>) offsets(%dma_start3A_394 : memref<32xi32, #tpu.memory_space<vmem>>) semaphore(%arg19 : memref<!tpu.dma_semaphore, #tpu.memory_space<semaphore_mem>>)
        } else {
        }
        %mul3A_296 = arith.constant 2 : i32
        %mul3A_297 = arith.muli %mul3A_296, %scan3A_267 : i32
        %add3A_298 = arith.constant 0 : i32
        %add3A_299 = arith.addi %mul3A_297, %add3A_298 : i32
        %dma_wait3A_300 = arith.constant 64 : i32
        %dma_wait3A_301 = tpu.memref_slice %arg7[%add3A_299, %dma_wait3A_300] : memref<40x128xi32, #tpu.memory_space<vmem>> -> memref<1x32xi32, #tpu.memory_space<vmem>>
        %dma_wait3A_302 = tpu.memref_squeeze %dma_wait3A_301 : memref<1x32xi32, #tpu.memory_space<vmem>> -> memref<32xi32, #tpu.memory_space<vmem>>
        %dma_wait3A_303 = arith.constant 0 : i32
        %dma_wait3A_304 = arith.constant 0 : i32
        %dma_wait3A_305 = tpu.memref_slice %arg2[%dma_wait3A_303, %dma_wait3A_304] : memref<10000x128xf32, #tpu.memory_space<hbm>> -> memref<10000x128xf32, #tpu.memory_space<hbm>>
        tpu.wait_indirect_dma semaphore(%arg20 : memref<!tpu.dma_semaphore, #tpu.memory_space<semaphore_mem>>) src(%dma_wait3A_305 : memref<10000x128xf32, #tpu.memory_space<hbm>>) dst(%arg11 : memref<32x128xf32, #tpu.memory_space<vmem>>)
        "tpu.region"() ({
          %run_scoped3A = tpu.sem_alloc : memref<!tpu.dma_semaphore, #tpu.memory_space<semaphore_mem>>
          %dma_start3A_386 = arith.constant 64 : i32
          %dma_start3A_387 = tpu.memref_slice %arg8[%add3A_299, %dma_start3A_386] : memref<40x128xi32, #tpu.memory_space<vmem>> -> memref<1x32xi32, #tpu.memory_space<vmem>>
          %dma_start3A_388 = tpu.memref_squeeze %dma_start3A_387 : memref<1x32xi32, #tpu.memory_space<vmem>> -> memref<32xi32, #tpu.memory_space<vmem>>
          %dma_start3A_389 = arith.constant 0 : i32
          %dma_start3A_390 = arith.constant 0 : i32
          %dma_start3A_391 = tpu.memref_slice %arg17[%dma_start3A_389, %dma_start3A_390] : memref<10112x128xf32, #tpu.memory_space<vmem_shared>> -> memref<10112x128xf32, #tpu.memory_space<vmem_shared>>
          tpu.enqueue_indirect_dma source(%arg11 : memref<32x128xf32, #tpu.memory_space<vmem>>) target(%dma_start3A_391 : memref<10112x128xf32, #tpu.memory_space<vmem_shared>>) offsets(%dma_start3A_388 : memref<32xi32, #tpu.memory_space<vmem>>) semaphore(%run_scoped3A : memref<!tpu.dma_semaphore, #tpu.memory_space<semaphore_mem>>) {add = true}
          %dma_wait3A_392 = arith.constant 64 : i32
          %dma_wait3A_393 = tpu.memref_slice %arg8[%add3A_299, %dma_wait3A_392] : memref<40x128xi32, #tpu.memory_space<vmem>> -> memref<1x32xi32, #tpu.memory_space<vmem>>
          %dma_wait3A_394 = tpu.memref_squeeze %dma_wait3A_393 : memref<1x32xi32, #tpu.memory_space<vmem>> -> memref<32xi32, #tpu.memory_space<vmem>>
          %dma_wait3A_395 = arith.constant 0 : i32
          %dma_wait3A_396 = arith.constant 0 : i32
          %dma_wait3A_397 = tpu.memref_slice %arg17[%dma_wait3A_395, %dma_wait3A_396] : memref<10112x128xf32, #tpu.memory_space<vmem_shared>> -> memref<10112x128xf32, #tpu.memory_space<vmem_shared>>
          tpu.wait_indirect_dma semaphore(%run_scoped3A : memref<!tpu.dma_semaphore, #tpu.memory_space<semaphore_mem>>) src(%arg11 : memref<32x128xf32, #tpu.memory_space<vmem>>) dst(%dma_wait3A_397 : memref<10112x128xf32, #tpu.memory_space<vmem_shared>>)
          tpu.yield
        }) : () -> ()
        %lt3A_306 = arith.constant 15 : i32
        %lt3A_307 = arith.cmpi slt, %scan3A_267, %lt3A_306 : i32
        %convert_element_type3A_308 = arith.extui %lt3A_307 : i1 to i32
        %cond3A_309 = arith.constant 0 : i32
        %cond3A_310 = arith.cmpi ne, %convert_element_type3A_308, %cond3A_309 : i32
        scf.if %cond3A_310 {
          %add3A_386 = arith.constant 1 : i32
          %add3A_387 = arith.addi %scan3A_267, %add3A_386 : i32
          %mul3A_388 = arith.constant 2 : i32
          %mul3A_389 = arith.muli %mul3A_388, %add3A_387 : i32
          %add3A_390 = arith.constant 0 : i32
          %add3A_391 = arith.addi %mul3A_389, %add3A_390 : i32
          %dma_start3A_392 = arith.constant 64 : i32
          %dma_start3A_393 = tpu.memref_slice %arg7[%add3A_391, %dma_start3A_392] : memref<40x128xi32, #tpu.memory_space<vmem>> -> memref<1x32xi32, #tpu.memory_space<vmem>>
          %dma_start3A_394 = tpu.memref_squeeze %dma_start3A_393 : memref<1x32xi32, #tpu.memory_space<vmem>> -> memref<32xi32, #tpu.memory_space<vmem>>
          %dma_start3A_395 = arith.constant 0 : i32
          %dma_start3A_396 = arith.constant 0 : i32
          %dma_start3A_397 = tpu.memref_slice %arg2[%dma_start3A_395, %dma_start3A_396] : memref<10000x128xf32, #tpu.memory_space<hbm>> -> memref<10000x128xf32, #tpu.memory_space<hbm>>
          tpu.enqueue_indirect_dma source(%dma_start3A_397 : memref<10000x128xf32, #tpu.memory_space<hbm>>) target(%arg11 : memref<32x128xf32, #tpu.memory_space<vmem>>) offsets(%dma_start3A_394 : memref<32xi32, #tpu.memory_space<vmem>>) semaphore(%arg20 : memref<!tpu.dma_semaphore, #tpu.memory_space<semaphore_mem>>)
        } else {
        }
        %mul3A_311 = arith.constant 2 : i32
        %mul3A_312 = arith.muli %mul3A_311, %scan3A_267 : i32
        %add3A_313 = arith.constant 0 : i32
        %add3A_314 = arith.addi %mul3A_312, %add3A_313 : i32
        %dma_wait3A_315 = arith.constant 96 : i32
        %dma_wait3A_316 = tpu.memref_slice %arg7[%add3A_314, %dma_wait3A_315] : memref<40x128xi32, #tpu.memory_space<vmem>> -> memref<1x32xi32, #tpu.memory_space<vmem>>
        %dma_wait3A_317 = tpu.memref_squeeze %dma_wait3A_316 : memref<1x32xi32, #tpu.memory_space<vmem>> -> memref<32xi32, #tpu.memory_space<vmem>>
        %dma_wait3A_318 = arith.constant 0 : i32
        %dma_wait3A_319 = arith.constant 0 : i32
        %dma_wait3A_320 = tpu.memref_slice %arg2[%dma_wait3A_318, %dma_wait3A_319] : memref<10000x128xf32, #tpu.memory_space<hbm>> -> memref<10000x128xf32, #tpu.memory_space<hbm>>
        tpu.wait_indirect_dma semaphore(%arg21 : memref<!tpu.dma_semaphore, #tpu.memory_space<semaphore_mem>>) src(%dma_wait3A_320 : memref<10000x128xf32, #tpu.memory_space<hbm>>) dst(%arg12 : memref<32x128xf32, #tpu.memory_space<vmem>>)
        "tpu.region"() ({
          %run_scoped3A = tpu.sem_alloc : memref<!tpu.dma_semaphore, #tpu.memory_space<semaphore_mem>>
          %dma_start3A_386 = arith.constant 96 : i32
          %dma_start3A_387 = tpu.memref_slice %arg8[%add3A_314, %dma_start3A_386] : memref<40x128xi32, #tpu.memory_space<vmem>> -> memref<1x32xi32, #tpu.memory_space<vmem>>
          %dma_start3A_388 = tpu.memref_squeeze %dma_start3A_387 : memref<1x32xi32, #tpu.memory_space<vmem>> -> memref<32xi32, #tpu.memory_space<vmem>>
          %dma_start3A_389 = arith.constant 0 : i32
          %dma_start3A_390 = arith.constant 0 : i32
          %dma_start3A_391 = tpu.memref_slice %arg17[%dma_start3A_389, %dma_start3A_390] : memref<10112x128xf32, #tpu.memory_space<vmem_shared>> -> memref<10112x128xf32, #tpu.memory_space<vmem_shared>>
          tpu.enqueue_indirect_dma source(%arg12 : memref<32x128xf32, #tpu.memory_space<vmem>>) target(%dma_start3A_391 : memref<10112x128xf32, #tpu.memory_space<vmem_shared>>) offsets(%dma_start3A_388 : memref<32xi32, #tpu.memory_space<vmem>>) semaphore(%run_scoped3A : memref<!tpu.dma_semaphore, #tpu.memory_space<semaphore_mem>>) {add = true}
          %dma_wait3A_392 = arith.constant 96 : i32
          %dma_wait3A_393 = tpu.memref_slice %arg8[%add3A_314, %dma_wait3A_392] : memref<40x128xi32, #tpu.memory_space<vmem>> -> memref<1x32xi32, #tpu.memory_space<vmem>>
          %dma_wait3A_394 = tpu.memref_squeeze %dma_wait3A_393 : memref<1x32xi32, #tpu.memory_space<vmem>> -> memref<32xi32, #tpu.memory_space<vmem>>
          %dma_wait3A_395 = arith.constant 0 : i32
          %dma_wait3A_396 = arith.constant 0 : i32
          %dma_wait3A_397 = tpu.memref_slice %arg17[%dma_wait3A_395, %dma_wait3A_396] : memref<10112x128xf32, #tpu.memory_space<vmem_shared>> -> memref<10112x128xf32, #tpu.memory_space<vmem_shared>>
          tpu.wait_indirect_dma semaphore(%run_scoped3A : memref<!tpu.dma_semaphore, #tpu.memory_space<semaphore_mem>>) src(%arg12 : memref<32x128xf32, #tpu.memory_space<vmem>>) dst(%dma_wait3A_397 : memref<10112x128xf32, #tpu.memory_space<vmem_shared>>)
          tpu.yield
        }) : () -> ()
        %lt3A_321 = arith.constant 15 : i32
        %lt3A_322 = arith.cmpi slt, %scan3A_267, %lt3A_321 : i32
        %convert_element_type3A_323 = arith.extui %lt3A_322 : i1 to i32
        %cond3A_324 = arith.constant 0 : i32
        %cond3A_325 = arith.cmpi ne, %convert_element_type3A_323, %cond3A_324 : i32
        scf.if %cond3A_325 {
          %add3A_386 = arith.constant 1 : i32
          %add3A_387 = arith.addi %scan3A_267, %add3A_386 : i32
          %mul3A_388 = arith.constant 2 : i32
          %mul3A_389 = arith.muli %mul3A_388, %add3A_387 : i32
          %add3A_390 = arith.constant 0 : i32
          %add3A_391 = arith.addi %mul3A_389, %add3A_390 : i32
          %dma_start3A_392 = arith.constant 96 : i32
          %dma_start3A_393 = tpu.memref_slice %arg7[%add3A_391, %dma_start3A_392] : memref<40x128xi32, #tpu.memory_space<vmem>> -> memref<1x32xi32, #tpu.memory_space<vmem>>
          %dma_start3A_394 = tpu.memref_squeeze %dma_start3A_393 : memref<1x32xi32, #tpu.memory_space<vmem>> -> memref<32xi32, #tpu.memory_space<vmem>>
          %dma_start3A_395 = arith.constant 0 : i32
          %dma_start3A_396 = arith.constant 0 : i32
          %dma_start3A_397 = tpu.memref_slice %arg2[%dma_start3A_395, %dma_start3A_396] : memref<10000x128xf32, #tpu.memory_space<hbm>> -> memref<10000x128xf32, #tpu.memory_space<hbm>>
          tpu.enqueue_indirect_dma source(%dma_start3A_397 : memref<10000x128xf32, #tpu.memory_space<hbm>>) target(%arg12 : memref<32x128xf32, #tpu.memory_space<vmem>>) offsets(%dma_start3A_394 : memref<32xi32, #tpu.memory_space<vmem>>) semaphore(%arg21 : memref<!tpu.dma_semaphore, #tpu.memory_space<semaphore_mem>>)
        } else {
        }
        %mul3A_326 = arith.constant 2 : i32
        %mul3A_327 = arith.muli %mul3A_326, %scan3A_267 : i32
        %add3A_328 = arith.constant 1 : i32
        %add3A_329 = arith.addi %mul3A_327, %add3A_328 : i32
        %dma_wait3A_330 = arith.constant 0 : i32
        %dma_wait3A_331 = tpu.memref_slice %arg7[%add3A_329, %dma_wait3A_330] : memref<40x128xi32, #tpu.memory_space<vmem>> -> memref<1x32xi32, #tpu.memory_space<vmem>>
        %dma_wait3A_332 = tpu.memref_squeeze %dma_wait3A_331 : memref<1x32xi32, #tpu.memory_space<vmem>> -> memref<32xi32, #tpu.memory_space<vmem>>
        %dma_wait3A_333 = arith.constant 0 : i32
        %dma_wait3A_334 = arith.constant 0 : i32
        %dma_wait3A_335 = tpu.memref_slice %arg2[%dma_wait3A_333, %dma_wait3A_334] : memref<10000x128xf32, #tpu.memory_space<hbm>> -> memref<10000x128xf32, #tpu.memory_space<hbm>>
        tpu.wait_indirect_dma semaphore(%arg22 : memref<!tpu.dma_semaphore, #tpu.memory_space<semaphore_mem>>) src(%dma_wait3A_335 : memref<10000x128xf32, #tpu.memory_space<hbm>>) dst(%arg13 : memref<32x128xf32, #tpu.memory_space<vmem>>)
        "tpu.region"() ({
          %run_scoped3A = tpu.sem_alloc : memref<!tpu.dma_semaphore, #tpu.memory_space<semaphore_mem>>
          %dma_start3A_386 = arith.constant 0 : i32
          %dma_start3A_387 = tpu.memref_slice %arg8[%add3A_329, %dma_start3A_386] : memref<40x128xi32, #tpu.memory_space<vmem>> -> memref<1x32xi32, #tpu.memory_space<vmem>>
          %dma_start3A_388 = tpu.memref_squeeze %dma_start3A_387 : memref<1x32xi32, #tpu.memory_space<vmem>> -> memref<32xi32, #tpu.memory_space<vmem>>
          %dma_start3A_389 = arith.constant 0 : i32
          %dma_start3A_390 = arith.constant 0 : i32
          %dma_start3A_391 = tpu.memref_slice %arg17[%dma_start3A_389, %dma_start3A_390] : memref<10112x128xf32, #tpu.memory_space<vmem_shared>> -> memref<10112x128xf32, #tpu.memory_space<vmem_shared>>
          tpu.enqueue_indirect_dma source(%arg13 : memref<32x128xf32, #tpu.memory_space<vmem>>) target(%dma_start3A_391 : memref<10112x128xf32, #tpu.memory_space<vmem_shared>>) offsets(%dma_start3A_388 : memref<32xi32, #tpu.memory_space<vmem>>) semaphore(%run_scoped3A : memref<!tpu.dma_semaphore, #tpu.memory_space<semaphore_mem>>) {add = true}
          %dma_wait3A_392 = arith.constant 0 : i32
          %dma_wait3A_393 = tpu.memref_slice %arg8[%add3A_329, %dma_wait3A_392] : memref<40x128xi32, #tpu.memory_space<vmem>> -> memref<1x32xi32, #tpu.memory_space<vmem>>
          %dma_wait3A_394 = tpu.memref_squeeze %dma_wait3A_393 : memref<1x32xi32, #tpu.memory_space<vmem>> -> memref<32xi32, #tpu.memory_space<vmem>>
          %dma_wait3A_395 = arith.constant 0 : i32
          %dma_wait3A_396 = arith.constant 0 : i32
          %dma_wait3A_397 = tpu.memref_slice %arg17[%dma_wait3A_395, %dma_wait3A_396] : memref<10112x128xf32, #tpu.memory_space<vmem_shared>> -> memref<10112x128xf32, #tpu.memory_space<vmem_shared>>
          tpu.wait_indirect_dma semaphore(%run_scoped3A : memref<!tpu.dma_semaphore, #tpu.memory_space<semaphore_mem>>) src(%arg13 : memref<32x128xf32, #tpu.memory_space<vmem>>) dst(%dma_wait3A_397 : memref<10112x128xf32, #tpu.memory_space<vmem_shared>>)
          tpu.yield
        }) : () -> ()
        %lt3A_336 = arith.constant 15 : i32
        %lt3A_337 = arith.cmpi slt, %scan3A_267, %lt3A_336 : i32
        %convert_element_type3A_338 = arith.extui %lt3A_337 : i1 to i32
        %cond3A_339 = arith.constant 0 : i32
        %cond3A_340 = arith.cmpi ne, %convert_element_type3A_338, %cond3A_339 : i32
        scf.if %cond3A_340 {
          %add3A_386 = arith.constant 1 : i32
          %add3A_387 = arith.addi %scan3A_267, %add3A_386 : i32
          %mul3A_388 = arith.constant 2 : i32
          %mul3A_389 = arith.muli %mul3A_388, %add3A_387 : i32
          %add3A_390 = arith.constant 1 : i32
          %add3A_391 = arith.addi %mul3A_389, %add3A_390 : i32
          %dma_start3A_392 = arith.constant 0 : i32
          %dma_start3A_393 = tpu.memref_slice %arg7[%add3A_391, %dma_start3A_392] : memref<40x128xi32, #tpu.memory_space<vmem>> -> memref<1x32xi32, #tpu.memory_space<vmem>>
          %dma_start3A_394 = tpu.memref_squeeze %dma_start3A_393 : memref<1x32xi32, #tpu.memory_space<vmem>> -> memref<32xi32, #tpu.memory_space<vmem>>
          %dma_start3A_395 = arith.constant 0 : i32
          %dma_start3A_396 = arith.constant 0 : i32
          %dma_start3A_397 = tpu.memref_slice %arg2[%dma_start3A_395, %dma_start3A_396] : memref<10000x128xf32, #tpu.memory_space<hbm>> -> memref<10000x128xf32, #tpu.memory_space<hbm>>
          tpu.enqueue_indirect_dma source(%dma_start3A_397 : memref<10000x128xf32, #tpu.memory_space<hbm>>) target(%arg13 : memref<32x128xf32, #tpu.memory_space<vmem>>) offsets(%dma_start3A_394 : memref<32xi32, #tpu.memory_space<vmem>>) semaphore(%arg22 : memref<!tpu.dma_semaphore, #tpu.memory_space<semaphore_mem>>)
        } else {
        }
        %mul3A_341 = arith.constant 2 : i32
        %mul3A_342 = arith.muli %mul3A_341, %scan3A_267 : i32
        %add3A_343 = arith.constant 1 : i32
        %add3A_344 = arith.addi %mul3A_342, %add3A_343 : i32
        %dma_wait3A_345 = arith.constant 32 : i32
        %dma_wait3A_346 = tpu.memref_slice %arg7[%add3A_344, %dma_wait3A_345] : memref<40x128xi32, #tpu.memory_space<vmem>> -> memref<1x32xi32, #tpu.memory_space<vmem>>
        %dma_wait3A_347 = tpu.memref_squeeze %dma_wait3A_346 : memref<1x32xi32, #tpu.memory_space<vmem>> -> memref<32xi32, #tpu.memory_space<vmem>>
        %dma_wait3A_348 = arith.constant 0 : i32
        %dma_wait3A_349 = arith.constant 0 : i32
        %dma_wait3A_350 = tpu.memref_slice %arg2[%dma_wait3A_348, %dma_wait3A_349] : memref<10000x128xf32, #tpu.memory_space<hbm>> -> memref<10000x128xf32, #tpu.memory_space<hbm>>
        tpu.wait_indirect_dma semaphore(%arg23 : memref<!tpu.dma_semaphore, #tpu.memory_space<semaphore_mem>>) src(%dma_wait3A_350 : memref<10000x128xf32, #tpu.memory_space<hbm>>) dst(%arg14 : memref<32x128xf32, #tpu.memory_space<vmem>>)
        "tpu.region"() ({
          %run_scoped3A = tpu.sem_alloc : memref<!tpu.dma_semaphore, #tpu.memory_space<semaphore_mem>>
          %dma_start3A_386 = arith.constant 32 : i32
          %dma_start3A_387 = tpu.memref_slice %arg8[%add3A_344, %dma_start3A_386] : memref<40x128xi32, #tpu.memory_space<vmem>> -> memref<1x32xi32, #tpu.memory_space<vmem>>
          %dma_start3A_388 = tpu.memref_squeeze %dma_start3A_387 : memref<1x32xi32, #tpu.memory_space<vmem>> -> memref<32xi32, #tpu.memory_space<vmem>>
          %dma_start3A_389 = arith.constant 0 : i32
          %dma_start3A_390 = arith.constant 0 : i32
          %dma_start3A_391 = tpu.memref_slice %arg17[%dma_start3A_389, %dma_start3A_390] : memref<10112x128xf32, #tpu.memory_space<vmem_shared>> -> memref<10112x128xf32, #tpu.memory_space<vmem_shared>>
          tpu.enqueue_indirect_dma source(%arg14 : memref<32x128xf32, #tpu.memory_space<vmem>>) target(%dma_start3A_391 : memref<10112x128xf32, #tpu.memory_space<vmem_shared>>) offsets(%dma_start3A_388 : memref<32xi32, #tpu.memory_space<vmem>>) semaphore(%run_scoped3A : memref<!tpu.dma_semaphore, #tpu.memory_space<semaphore_mem>>) {add = true}
          %dma_wait3A_392 = arith.constant 32 : i32
          %dma_wait3A_393 = tpu.memref_slice %arg8[%add3A_344, %dma_wait3A_392] : memref<40x128xi32, #tpu.memory_space<vmem>> -> memref<1x32xi32, #tpu.memory_space<vmem>>
          %dma_wait3A_394 = tpu.memref_squeeze %dma_wait3A_393 : memref<1x32xi32, #tpu.memory_space<vmem>> -> memref<32xi32, #tpu.memory_space<vmem>>
          %dma_wait3A_395 = arith.constant 0 : i32
          %dma_wait3A_396 = arith.constant 0 : i32
          %dma_wait3A_397 = tpu.memref_slice %arg17[%dma_wait3A_395, %dma_wait3A_396] : memref<10112x128xf32, #tpu.memory_space<vmem_shared>> -> memref<10112x128xf32, #tpu.memory_space<vmem_shared>>
          tpu.wait_indirect_dma semaphore(%run_scoped3A : memref<!tpu.dma_semaphore, #tpu.memory_space<semaphore_mem>>) src(%arg14 : memref<32x128xf32, #tpu.memory_space<vmem>>) dst(%dma_wait3A_397 : memref<10112x128xf32, #tpu.memory_space<vmem_shared>>)
          tpu.yield
        }) : () -> ()
        %lt3A_351 = arith.constant 15 : i32
        %lt3A_352 = arith.cmpi slt, %scan3A_267, %lt3A_351 : i32
        %convert_element_type3A_353 = arith.extui %lt3A_352 : i1 to i32
        %cond3A_354 = arith.constant 0 : i32
        %cond3A_355 = arith.cmpi ne, %convert_element_type3A_353, %cond3A_354 : i32
        scf.if %cond3A_355 {
          %add3A_386 = arith.constant 1 : i32
          %add3A_387 = arith.addi %scan3A_267, %add3A_386 : i32
          %mul3A_388 = arith.constant 2 : i32
          %mul3A_389 = arith.muli %mul3A_388, %add3A_387 : i32
          %add3A_390 = arith.constant 1 : i32
          %add3A_391 = arith.addi %mul3A_389, %add3A_390 : i32
          %dma_start3A_392 = arith.constant 32 : i32
          %dma_start3A_393 = tpu.memref_slice %arg7[%add3A_391, %dma_start3A_392] : memref<40x128xi32, #tpu.memory_space<vmem>> -> memref<1x32xi32, #tpu.memory_space<vmem>>
          %dma_start3A_394 = tpu.memref_squeeze %dma_start3A_393 : memref<1x32xi32, #tpu.memory_space<vmem>> -> memref<32xi32, #tpu.memory_space<vmem>>
          %dma_start3A_395 = arith.constant 0 : i32
          %dma_start3A_396 = arith.constant 0 : i32
          %dma_start3A_397 = tpu.memref_slice %arg2[%dma_start3A_395, %dma_start3A_396] : memref<10000x128xf32, #tpu.memory_space<hbm>> -> memref<10000x128xf32, #tpu.memory_space<hbm>>
          tpu.enqueue_indirect_dma source(%dma_start3A_397 : memref<10000x128xf32, #tpu.memory_space<hbm>>) target(%arg14 : memref<32x128xf32, #tpu.memory_space<vmem>>) offsets(%dma_start3A_394 : memref<32xi32, #tpu.memory_space<vmem>>) semaphore(%arg23 : memref<!tpu.dma_semaphore, #tpu.memory_space<semaphore_mem>>)
        } else {
        }
        %mul3A_356 = arith.constant 2 : i32
        %mul3A_357 = arith.muli %mul3A_356, %scan3A_267 : i32
        %add3A_358 = arith.constant 1 : i32
        %add3A_359 = arith.addi %mul3A_357, %add3A_358 : i32
        %dma_wait3A_360 = arith.constant 64 : i32
        %dma_wait3A_361 = tpu.memref_slice %arg7[%add3A_359, %dma_wait3A_360] : memref<40x128xi32, #tpu.memory_space<vmem>> -> memref<1x32xi32, #tpu.memory_space<vmem>>
        %dma_wait3A_362 = tpu.memref_squeeze %dma_wait3A_361 : memref<1x32xi32, #tpu.memory_space<vmem>> -> memref<32xi32, #tpu.memory_space<vmem>>
        %dma_wait3A_363 = arith.constant 0 : i32
        %dma_wait3A_364 = arith.constant 0 : i32
        %dma_wait3A_365 = tpu.memref_slice %arg2[%dma_wait3A_363, %dma_wait3A_364] : memref<10000x128xf32, #tpu.memory_space<hbm>> -> memref<10000x128xf32, #tpu.memory_space<hbm>>
        tpu.wait_indirect_dma semaphore(%arg24 : memref<!tpu.dma_semaphore, #tpu.memory_space<semaphore_mem>>) src(%dma_wait3A_365 : memref<10000x128xf32, #tpu.memory_space<hbm>>) dst(%arg15 : memref<32x128xf32, #tpu.memory_space<vmem>>)
        "tpu.region"() ({
          %run_scoped3A = tpu.sem_alloc : memref<!tpu.dma_semaphore, #tpu.memory_space<semaphore_mem>>
          %dma_start3A_386 = arith.constant 64 : i32
          %dma_start3A_387 = tpu.memref_slice %arg8[%add3A_359, %dma_start3A_386] : memref<40x128xi32, #tpu.memory_space<vmem>> -> memref<1x32xi32, #tpu.memory_space<vmem>>
          %dma_start3A_388 = tpu.memref_squeeze %dma_start3A_387 : memref<1x32xi32, #tpu.memory_space<vmem>> -> memref<32xi32, #tpu.memory_space<vmem>>
          %dma_start3A_389 = arith.constant 0 : i32
          %dma_start3A_390 = arith.constant 0 : i32
          %dma_start3A_391 = tpu.memref_slice %arg17[%dma_start3A_389, %dma_start3A_390] : memref<10112x128xf32, #tpu.memory_space<vmem_shared>> -> memref<10112x128xf32, #tpu.memory_space<vmem_shared>>
          tpu.enqueue_indirect_dma source(%arg15 : memref<32x128xf32, #tpu.memory_space<vmem>>) target(%dma_start3A_391 : memref<10112x128xf32, #tpu.memory_space<vmem_shared>>) offsets(%dma_start3A_388 : memref<32xi32, #tpu.memory_space<vmem>>) semaphore(%run_scoped3A : memref<!tpu.dma_semaphore, #tpu.memory_space<semaphore_mem>>) {add = true}
          %dma_wait3A_392 = arith.constant 64 : i32
          %dma_wait3A_393 = tpu.memref_slice %arg8[%add3A_359, %dma_wait3A_392] : memref<40x128xi32, #tpu.memory_space<vmem>> -> memref<1x32xi32, #tpu.memory_space<vmem>>
          %dma_wait3A_394 = tpu.memref_squeeze %dma_wait3A_393 : memref<1x32xi32, #tpu.memory_space<vmem>> -> memref<32xi32, #tpu.memory_space<vmem>>
          %dma_wait3A_395 = arith.constant 0 : i32
          %dma_wait3A_396 = arith.constant 0 : i32
          %dma_wait3A_397 = tpu.memref_slice %arg17[%dma_wait3A_395, %dma_wait3A_396] : memref<10112x128xf32, #tpu.memory_space<vmem_shared>> -> memref<10112x128xf32, #tpu.memory_space<vmem_shared>>
          tpu.wait_indirect_dma semaphore(%run_scoped3A : memref<!tpu.dma_semaphore, #tpu.memory_space<semaphore_mem>>) src(%arg15 : memref<32x128xf32, #tpu.memory_space<vmem>>) dst(%dma_wait3A_397 : memref<10112x128xf32, #tpu.memory_space<vmem_shared>>)
          tpu.yield
        }) : () -> ()
        %lt3A_366 = arith.constant 15 : i32
        %lt3A_367 = arith.cmpi slt, %scan3A_267, %lt3A_366 : i32
        %convert_element_type3A_368 = arith.extui %lt3A_367 : i1 to i32
        %cond3A_369 = arith.constant 0 : i32
        %cond3A_370 = arith.cmpi ne, %convert_element_type3A_368, %cond3A_369 : i32
        scf.if %cond3A_370 {
          %add3A_386 = arith.constant 1 : i32
          %add3A_387 = arith.addi %scan3A_267, %add3A_386 : i32
          %mul3A_388 = arith.constant 2 : i32
          %mul3A_389 = arith.muli %mul3A_388, %add3A_387 : i32
          %add3A_390 = arith.constant 1 : i32
          %add3A_391 = arith.addi %mul3A_389, %add3A_390 : i32
          %dma_start3A_392 = arith.constant 64 : i32
          %dma_start3A_393 = tpu.memref_slice %arg7[%add3A_391, %dma_start3A_392] : memref<40x128xi32, #tpu.memory_space<vmem>> -> memref<1x32xi32, #tpu.memory_space<vmem>>
          %dma_start3A_394 = tpu.memref_squeeze %dma_start3A_393 : memref<1x32xi32, #tpu.memory_space<vmem>> -> memref<32xi32, #tpu.memory_space<vmem>>
          %dma_start3A_395 = arith.constant 0 : i32
          %dma_start3A_396 = arith.constant 0 : i32
          %dma_start3A_397 = tpu.memref_slice %arg2[%dma_start3A_395, %dma_start3A_396] : memref<10000x128xf32, #tpu.memory_space<hbm>> -> memref<10000x128xf32, #tpu.memory_space<hbm>>
          tpu.enqueue_indirect_dma source(%dma_start3A_397 : memref<10000x128xf32, #tpu.memory_space<hbm>>) target(%arg15 : memref<32x128xf32, #tpu.memory_space<vmem>>) offsets(%dma_start3A_394 : memref<32xi32, #tpu.memory_space<vmem>>) semaphore(%arg24 : memref<!tpu.dma_semaphore, #tpu.memory_space<semaphore_mem>>)
        } else {
        }
        %mul3A_371 = arith.constant 2 : i32
        %mul3A_372 = arith.muli %mul3A_371, %scan3A_267 : i32
        %add3A_373 = arith.constant 1 : i32
        %add3A_374 = arith.addi %mul3A_372, %add3A_373 : i32
        %dma_wait3A_375 = arith.constant 96 : i32
        %dma_wait3A_376 = tpu.memref_slice %arg7[%add3A_374, %dma_wait3A_375] : memref<40x128xi32, #tpu.memory_space<vmem>> -> memref<1x32xi32, #tpu.memory_space<vmem>>
        %dma_wait3A_377 = tpu.memref_squeeze %dma_wait3A_376 : memref<1x32xi32, #tpu.memory_space<vmem>> -> memref<32xi32, #tpu.memory_space<vmem>>
        %dma_wait3A_378 = arith.constant 0 : i32
        %dma_wait3A_379 = arith.constant 0 : i32
        %dma_wait3A_380 = tpu.memref_slice %arg2[%dma_wait3A_378, %dma_wait3A_379] : memref<10000x128xf32, #tpu.memory_space<hbm>> -> memref<10000x128xf32, #tpu.memory_space<hbm>>
        tpu.wait_indirect_dma semaphore(%arg25 : memref<!tpu.dma_semaphore, #tpu.memory_space<semaphore_mem>>) src(%dma_wait3A_380 : memref<10000x128xf32, #tpu.memory_space<hbm>>) dst(%arg16 : memref<32x128xf32, #tpu.memory_space<vmem>>)
        "tpu.region"() ({
          %run_scoped3A = tpu.sem_alloc : memref<!tpu.dma_semaphore, #tpu.memory_space<semaphore_mem>>
          %dma_start3A_386 = arith.constant 96 : i32
          %dma_start3A_387 = tpu.memref_slice %arg8[%add3A_374, %dma_start3A_386] : memref<40x128xi32, #tpu.memory_space<vmem>> -> memref<1x32xi32, #tpu.memory_space<vmem>>
          %dma_start3A_388 = tpu.memref_squeeze %dma_start3A_387 : memref<1x32xi32, #tpu.memory_space<vmem>> -> memref<32xi32, #tpu.memory_space<vmem>>
          %dma_start3A_389 = arith.constant 0 : i32
          %dma_start3A_390 = arith.constant 0 : i32
          %dma_start3A_391 = tpu.memref_slice %arg17[%dma_start3A_389, %dma_start3A_390] : memref<10112x128xf32, #tpu.memory_space<vmem_shared>> -> memref<10112x128xf32, #tpu.memory_space<vmem_shared>>
          tpu.enqueue_indirect_dma source(%arg16 : memref<32x128xf32, #tpu.memory_space<vmem>>) target(%dma_start3A_391 : memref<10112x128xf32, #tpu.memory_space<vmem_shared>>) offsets(%dma_start3A_388 : memref<32xi32, #tpu.memory_space<vmem>>) semaphore(%run_scoped3A : memref<!tpu.dma_semaphore, #tpu.memory_space<semaphore_mem>>) {add = true}
          %dma_wait3A_392 = arith.constant 96 : i32
          %dma_wait3A_393 = tpu.memref_slice %arg8[%add3A_374, %dma_wait3A_392] : memref<40x128xi32, #tpu.memory_space<vmem>> -> memref<1x32xi32, #tpu.memory_space<vmem>>
          %dma_wait3A_394 = tpu.memref_squeeze %dma_wait3A_393 : memref<1x32xi32, #tpu.memory_space<vmem>> -> memref<32xi32, #tpu.memory_space<vmem>>
          %dma_wait3A_395 = arith.constant 0 : i32
          %dma_wait3A_396 = arith.constant 0 : i32
          %dma_wait3A_397 = tpu.memref_slice %arg17[%dma_wait3A_395, %dma_wait3A_396] : memref<10112x128xf32, #tpu.memory_space<vmem_shared>> -> memref<10112x128xf32, #tpu.memory_space<vmem_shared>>
          tpu.wait_indirect_dma semaphore(%run_scoped3A : memref<!tpu.dma_semaphore, #tpu.memory_space<semaphore_mem>>) src(%arg16 : memref<32x128xf32, #tpu.memory_space<vmem>>) dst(%dma_wait3A_397 : memref<10112x128xf32, #tpu.memory_space<vmem_shared>>)
          tpu.yield
        }) : () -> ()
        %lt3A_381 = arith.constant 15 : i32
        %lt3A_382 = arith.cmpi slt, %scan3A_267, %lt3A_381 : i32
        %convert_element_type3A_383 = arith.extui %lt3A_382 : i1 to i32
        %cond3A_384 = arith.constant 0 : i32
        %cond3A_385 = arith.cmpi ne, %convert_element_type3A_383, %cond3A_384 : i32
        scf.if %cond3A_385 {
          %add3A_386 = arith.constant 1 : i32
          %add3A_387 = arith.addi %scan3A_267, %add3A_386 : i32
          %mul3A_388 = arith.constant 2 : i32
          %mul3A_389 = arith.muli %mul3A_388, %add3A_387 : i32
          %add3A_390 = arith.constant 1 : i32
          %add3A_391 = arith.addi %mul3A_389, %add3A_390 : i32
          %dma_start3A_392 = arith.constant 96 : i32
          %dma_start3A_393 = tpu.memref_slice %arg7[%add3A_391, %dma_start3A_392] : memref<40x128xi32, #tpu.memory_space<vmem>> -> memref<1x32xi32, #tpu.memory_space<vmem>>
          %dma_start3A_394 = tpu.memref_squeeze %dma_start3A_393 : memref<1x32xi32, #tpu.memory_space<vmem>> -> memref<32xi32, #tpu.memory_space<vmem>>
          %dma_start3A_395 = arith.constant 0 : i32
          %dma_start3A_396 = arith.constant 0 : i32
          %dma_start3A_397 = tpu.memref_slice %arg2[%dma_start3A_395, %dma_start3A_396] : memref<10000x128xf32, #tpu.memory_space<hbm>> -> memref<10000x128xf32, #tpu.memory_space<hbm>>
          tpu.enqueue_indirect_dma source(%dma_start3A_397 : memref<10000x128xf32, #tpu.memory_space<hbm>>) target(%arg16 : memref<32x128xf32, #tpu.memory_space<vmem>>) offsets(%dma_start3A_394 : memref<32xi32, #tpu.memory_space<vmem>>) semaphore(%arg25 : memref<!tpu.dma_semaphore, #tpu.memory_space<semaphore_mem>>)
        } else {
        }
      }
      %scan3A_266 = arith.constant 16 : i32
    } else {
    }
    %ne3A = arith.constant 0 : i32
    %ne3A_3 = arith.cmpi ne, %arg0, %ne3A : i32
    %convert_element_type3A_4 = arith.extui %ne3A_3 : i1 to i32
    %cond3A_5 = arith.constant 0 : i32
    %cond3A_6 = arith.cmpi ne, %convert_element_type3A_4, %cond3A_5 : i32
    scf.if %cond3A_6 {
      %mul3A_8 = arith.constant 8 : i32
      %mul3A_9 = arith.muli %arg1, %mul3A_8 : i32
      %add3A = arith.constant 2432 : i32
      %add3A_10 = arith.addi %add3A, %mul3A_9 : i32
      %add3A_11 = arith.constant 0 : i32
      %add3A_12 = arith.addi %add3A_10, %add3A_11 : i32
      "tpu.region"() ({
        %run_scoped3A = tpu.sem_alloc : memref<!tpu.dma_semaphore, #tpu.memory_space<semaphore_mem>>
        %dma_start3A_74 = arith.constant 0 : i32
        %dma_start3A_75 = arith.constant 0 : i32
        %dma_start3A_76 = tpu.memref_slice %arg7[%dma_start3A_74, %dma_start3A_75] : memref<40x128xi32, #tpu.memory_space<vmem>> -> memref<8x128xi32, #tpu.memory_space<vmem>>
        %dma_start3A_77 = arith.constant 0 : i32
        %dma_start3A_78 = tpu.memref_slice %arg4[%add3A_12, %dma_start3A_77] : memref<2560x128xi32, #tpu.memory_space<hbm>> -> memref<8x128xi32, #tpu.memory_space<hbm>>
        %dma_start3A_79 = arith.constant 0 : i32
        %dma_start3A_80 = arith.constant 0 : i32
        %dma_start3A_81 = tpu.memref_slice %arg7[%dma_start3A_79, %dma_start3A_80] : memref<40x128xi32, #tpu.memory_space<vmem>> -> memref<8x128xi32, #tpu.memory_space<vmem>>
        %dma_start3A_82 = arith.constant 0 : i32
        %dma_start3A_83 = tpu.memref_slice %arg4[%add3A_12, %dma_start3A_82] : memref<2560x128xi32, #tpu.memory_space<hbm>> -> memref<8x128xi32, #tpu.memory_space<hbm>>
        tpu.enqueue_dma source(%dma_start3A_83 : memref<8x128xi32, #tpu.memory_space<hbm>>) target(%dma_start3A_81 : memref<8x128xi32, #tpu.memory_space<vmem>>) target_semaphore(%run_scoped3A : memref<!tpu.dma_semaphore, #tpu.memory_space<semaphore_mem>>)
        %dma_wait3A = arith.constant 0 : i32
        %dma_wait3A_84 = arith.constant 0 : i32
        %dma_wait3A_85 = tpu.memref_slice %arg7[%dma_wait3A, %dma_wait3A_84] : memref<40x128xi32, #tpu.memory_space<vmem>> -> memref<8x128xi32, #tpu.memory_space<vmem>>
        %dma_wait3A_86 = arith.constant 0 : i32
        %dma_wait3A_87 = tpu.memref_slice %arg4[%add3A_12, %dma_wait3A_86] : memref<2560x128xi32, #tpu.memory_space<hbm>> -> memref<8x128xi32, #tpu.memory_space<hbm>>
        %dma_wait3A_88 = arith.constant 0 : i32
        %dma_wait3A_89 = arith.constant 0 : i32
        %dma_wait3A_90 = tpu.memref_slice %arg7[%dma_wait3A_88, %dma_wait3A_89] : memref<40x128xi32, #tpu.memory_space<vmem>> -> memref<8x128xi32, #tpu.memory_space<vmem>>
        %dma_wait3A_91 = arith.constant 0 : i32
        %dma_wait3A_92 = tpu.memref_slice %arg4[%add3A_12, %dma_wait3A_91] : memref<2560x128xi32, #tpu.memory_space<hbm>> -> memref<8x128xi32, #tpu.memory_space<hbm>>
        tpu.wait_dma2 semaphore(%run_scoped3A : memref<!tpu.dma_semaphore, #tpu.memory_space<semaphore_mem>>) src(%dma_wait3A_92 : memref<8x128xi32, #tpu.memory_space<hbm>>) dst(%dma_wait3A_90 : memref<8x128xi32, #tpu.memory_space<vmem>>)
        tpu.yield
      }) : () -> ()
      %add3A_13 = arith.constant 0 : i32
      %add3A_14 = arith.addi %add3A_10, %add3A_13 : i32
      "tpu.region"() ({
        %run_scoped3A = tpu.sem_alloc : memref<!tpu.dma_semaphore, #tpu.memory_space<semaphore_mem>>
        %dma_start3A_74 = arith.constant 0 : i32
        %dma_start3A_75 = arith.constant 0 : i32
        %dma_start3A_76 = tpu.memref_slice %arg8[%dma_start3A_74, %dma_start3A_75] : memref<40x128xi32, #tpu.memory_space<vmem>> -> memref<8x128xi32, #tpu.memory_space<vmem>>
        %dma_start3A_77 = arith.constant 0 : i32
        %dma_start3A_78 = tpu.memref_slice %arg5[%add3A_14, %dma_start3A_77] : memref<2560x128xi32, #tpu.memory_space<hbm>> -> memref<8x128xi32, #tpu.memory_space<hbm>>
        %dma_start3A_79 = arith.constant 0 : i32
        %dma_start3A_80 = arith.constant 0 : i32
        %dma_start3A_81 = tpu.memref_slice %arg8[%dma_start3A_79, %dma_start3A_80] : memref<40x128xi32, #tpu.memory_space<vmem>> -> memref<8x128xi32, #tpu.memory_space<vmem>>
        %dma_start3A_82 = arith.constant 0 : i32
        %dma_start3A_83 = tpu.memref_slice %arg5[%add3A_14, %dma_start3A_82] : memref<2560x128xi32, #tpu.memory_space<hbm>> -> memref<8x128xi32, #tpu.memory_space<hbm>>
        tpu.enqueue_dma source(%dma_start3A_83 : memref<8x128xi32, #tpu.memory_space<hbm>>) target(%dma_start3A_81 : memref<8x128xi32, #tpu.memory_space<vmem>>) target_semaphore(%run_scoped3A : memref<!tpu.dma_semaphore, #tpu.memory_space<semaphore_mem>>)
        %dma_wait3A = arith.constant 0 : i32
        %dma_wait3A_84 = arith.constant 0 : i32
        %dma_wait3A_85 = tpu.memref_slice %arg8[%dma_wait3A, %dma_wait3A_84] : memref<40x128xi32, #tpu.memory_space<vmem>> -> memref<8x128xi32, #tpu.memory_space<vmem>>
        %dma_wait3A_86 = arith.constant 0 : i32
        %dma_wait3A_87 = tpu.memref_slice %arg5[%add3A_14, %dma_wait3A_86] : memref<2560x128xi32, #tpu.memory_space<hbm>> -> memref<8x128xi32, #tpu.memory_space<hbm>>
        %dma_wait3A_88 = arith.constant 0 : i32
        %dma_wait3A_89 = arith.constant 0 : i32
        %dma_wait3A_90 = tpu.memref_slice %arg8[%dma_wait3A_88, %dma_wait3A_89] : memref<40x128xi32, #tpu.memory_space<vmem>> -> memref<8x128xi32, #tpu.memory_space<vmem>>
        %dma_wait3A_91 = arith.constant 0 : i32
        %dma_wait3A_92 = tpu.memref_slice %arg5[%add3A_14, %dma_wait3A_91] : memref<2560x128xi32, #tpu.memory_space<hbm>> -> memref<8x128xi32, #tpu.memory_space<hbm>>
        tpu.wait_dma2 semaphore(%run_scoped3A : memref<!tpu.dma_semaphore, #tpu.memory_space<semaphore_mem>>) src(%dma_wait3A_92 : memref<8x128xi32, #tpu.memory_space<hbm>>) dst(%dma_wait3A_90 : memref<8x128xi32, #tpu.memory_space<vmem>>)
        tpu.yield
      }) : () -> ()
      %dma_start3A = arith.constant 0 : i32
      %dma_start3A_15 = arith.constant 0 : i32
      %dma_start3A_16 = tpu.memref_slice %arg7[%dma_start3A, %dma_start3A_15] : memref<40x128xi32, #tpu.memory_space<vmem>> -> memref<1x32xi32, #tpu.memory_space<vmem>>
      %dma_start3A_17 = tpu.memref_squeeze %dma_start3A_16 : memref<1x32xi32, #tpu.memory_space<vmem>> -> memref<32xi32, #tpu.memory_space<vmem>>
      %dma_start3A_18 = arith.constant 0 : i32
      %dma_start3A_19 = arith.constant 0 : i32
      %dma_start3A_20 = tpu.memref_slice %arg2[%dma_start3A_18, %dma_start3A_19] : memref<10000x128xf32, #tpu.memory_space<hbm>> -> memref<10000x128xf32, #tpu.memory_space<hbm>>
      tpu.enqueue_indirect_dma source(%dma_start3A_20 : memref<10000x128xf32, #tpu.memory_space<hbm>>) target(%arg9 : memref<32x128xf32, #tpu.memory_space<vmem>>) offsets(%dma_start3A_17 : memref<32xi32, #tpu.memory_space<vmem>>) semaphore(%arg18 : memref<!tpu.dma_semaphore, #tpu.memory_space<semaphore_mem>>)
      %dma_start3A_21 = arith.constant 0 : i32
      %dma_start3A_22 = arith.constant 32 : i32
      %dma_start3A_23 = tpu.memref_slice %arg7[%dma_start3A_21, %dma_start3A_22] : memref<40x128xi32, #tpu.memory_space<vmem>> -> memref<1x32xi32, #tpu.memory_space<vmem>>
      %dma_start3A_24 = tpu.memref_squeeze %dma_start3A_23 : memref<1x32xi32, #tpu.memory_space<vmem>> -> memref<32xi32, #tpu.memory_space<vmem>>
      %dma_start3A_25 = arith.constant 0 : i32
      %dma_start3A_26 = arith.constant 0 : i32
      %dma_start3A_27 = tpu.memref_slice %arg2[%dma_start3A_25, %dma_start3A_26] : memref<10000x128xf32, #tpu.memory_space<hbm>> -> memref<10000x128xf32, #tpu.memory_space<hbm>>
      tpu.enqueue_indirect_dma source(%dma_start3A_27 : memref<10000x128xf32, #tpu.memory_space<hbm>>) target(%arg10 : memref<32x128xf32, #tpu.memory_space<vmem>>) offsets(%dma_start3A_24 : memref<32xi32, #tpu.memory_space<vmem>>) semaphore(%arg19 : memref<!tpu.dma_semaphore, #tpu.memory_space<semaphore_mem>>)
      %dma_start3A_28 = arith.constant 0 : i32
      %dma_start3A_29 = arith.constant 64 : i32
      %dma_start3A_30 = tpu.memref_slice %arg7[%dma_start3A_28, %dma_start3A_29] : memref<40x128xi32, #tpu.memory_space<vmem>> -> memref<1x32xi32, #tpu.memory_space<vmem>>
      %dma_start3A_31 = tpu.memref_squeeze %dma_start3A_30 : memref<1x32xi32, #tpu.memory_space<vmem>> -> memref<32xi32, #tpu.memory_space<vmem>>
      %dma_start3A_32 = arith.constant 0 : i32
      %dma_start3A_33 = arith.constant 0 : i32
      %dma_start3A_34 = tpu.memref_slice %arg2[%dma_start3A_32, %dma_start3A_33] : memref<10000x128xf32, #tpu.memory_space<hbm>> -> memref<10000x128xf32, #tpu.memory_space<hbm>>
      tpu.enqueue_indirect_dma source(%dma_start3A_34 : memref<10000x128xf32, #tpu.memory_space<hbm>>) target(%arg11 : memref<32x128xf32, #tpu.memory_space<vmem>>) offsets(%dma_start3A_31 : memref<32xi32, #tpu.memory_space<vmem>>) semaphore(%arg20 : memref<!tpu.dma_semaphore, #tpu.memory_space<semaphore_mem>>)
      %dma_start3A_35 = arith.constant 0 : i32
      %dma_start3A_36 = arith.constant 96 : i32
      %dma_start3A_37 = tpu.memref_slice %arg7[%dma_start3A_35, %dma_start3A_36] : memref<40x128xi32, #tpu.memory_space<vmem>> -> memref<1x32xi32, #tpu.memory_space<vmem>>
      %dma_start3A_38 = tpu.memref_squeeze %dma_start3A_37 : memref<1x32xi32, #tpu.memory_space<vmem>> -> memref<32xi32, #tpu.memory_space<vmem>>
      %dma_start3A_39 = arith.constant 0 : i32
      %dma_start3A_40 = arith.constant 0 : i32
      %dma_start3A_41 = tpu.memref_slice %arg2[%dma_start3A_39, %dma_start3A_40] : memref<10000x128xf32, #tpu.memory_space<hbm>> -> memref<10000x128xf32, #tpu.memory_space<hbm>>
      tpu.enqueue_indirect_dma source(%dma_start3A_41 : memref<10000x128xf32, #tpu.memory_space<hbm>>) target(%arg12 : memref<32x128xf32, #tpu.memory_space<vmem>>) offsets(%dma_start3A_38 : memref<32xi32, #tpu.memory_space<vmem>>) semaphore(%arg21 : memref<!tpu.dma_semaphore, #tpu.memory_space<semaphore_mem>>)
      %dma_start3A_42 = arith.constant 1 : i32
      %dma_start3A_43 = arith.constant 0 : i32
      %dma_start3A_44 = tpu.memref_slice %arg7[%dma_start3A_42, %dma_start3A_43] : memref<40x128xi32, #tpu.memory_space<vmem>> -> memref<1x32xi32, #tpu.memory_space<vmem>>
      %dma_start3A_45 = tpu.memref_squeeze %dma_start3A_44 : memref<1x32xi32, #tpu.memory_space<vmem>> -> memref<32xi32, #tpu.memory_space<vmem>>
      %dma_start3A_46 = arith.constant 0 : i32
      %dma_start3A_47 = arith.constant 0 : i32
      %dma_start3A_48 = tpu.memref_slice %arg2[%dma_start3A_46, %dma_start3A_47] : memref<10000x128xf32, #tpu.memory_space<hbm>> -> memref<10000x128xf32, #tpu.memory_space<hbm>>
      tpu.enqueue_indirect_dma source(%dma_start3A_48 : memref<10000x128xf32, #tpu.memory_space<hbm>>) target(%arg13 : memref<32x128xf32, #tpu.memory_space<vmem>>) offsets(%dma_start3A_45 : memref<32xi32, #tpu.memory_space<vmem>>) semaphore(%arg22 : memref<!tpu.dma_semaphore, #tpu.memory_space<semaphore_mem>>)
      %dma_start3A_49 = arith.constant 1 : i32
      %dma_start3A_50 = arith.constant 32 : i32
      %dma_start3A_51 = tpu.memref_slice %arg7[%dma_start3A_49, %dma_start3A_50] : memref<40x128xi32, #tpu.memory_space<vmem>> -> memref<1x32xi32, #tpu.memory_space<vmem>>
      %dma_start3A_52 = tpu.memref_squeeze %dma_start3A_51 : memref<1x32xi32, #tpu.memory_space<vmem>> -> memref<32xi32, #tpu.memory_space<vmem>>
      %dma_start3A_53 = arith.constant 0 : i32
      %dma_start3A_54 = arith.constant 0 : i32
      %dma_start3A_55 = tpu.memref_slice %arg2[%dma_start3A_53, %dma_start3A_54] : memref<10000x128xf32, #tpu.memory_space<hbm>> -> memref<10000x128xf32, #tpu.memory_space<hbm>>
      tpu.enqueue_indirect_dma source(%dma_start3A_55 : memref<10000x128xf32, #tpu.memory_space<hbm>>) target(%arg14 : memref<32x128xf32, #tpu.memory_space<vmem>>) offsets(%dma_start3A_52 : memref<32xi32, #tpu.memory_space<vmem>>) semaphore(%arg23 : memref<!tpu.dma_semaphore, #tpu.memory_space<semaphore_mem>>)
      %dma_start3A_56 = arith.constant 1 : i32
      %dma_start3A_57 = arith.constant 64 : i32
      %dma_start3A_58 = tpu.memref_slice %arg7[%dma_start3A_56, %dma_start3A_57] : memref<40x128xi32, #tpu.memory_space<vmem>> -> memref<1x32xi32, #tpu.memory_space<vmem>>
      %dma_start3A_59 = tpu.memref_squeeze %dma_start3A_58 : memref<1x32xi32, #tpu.memory_space<vmem>> -> memref<32xi32, #tpu.memory_space<vmem>>
      %dma_start3A_60 = arith.constant 0 : i32
      %dma_start3A_61 = arith.constant 0 : i32
      %dma_start3A_62 = tpu.memref_slice %arg2[%dma_start3A_60, %dma_start3A_61] : memref<10000x128xf32, #tpu.memory_space<hbm>> -> memref<10000x128xf32, #tpu.memory_space<hbm>>
      tpu.enqueue_indirect_dma source(%dma_start3A_62 : memref<10000x128xf32, #tpu.memory_space<hbm>>) target(%arg15 : memref<32x128xf32, #tpu.memory_space<vmem>>) offsets(%dma_start3A_59 : memref<32xi32, #tpu.memory_space<vmem>>) semaphore(%arg24 : memref<!tpu.dma_semaphore, #tpu.memory_space<semaphore_mem>>)
      %dma_start3A_63 = arith.constant 1 : i32
      %dma_start3A_64 = arith.constant 96 : i32
      %dma_start3A_65 = tpu.memref_slice %arg7[%dma_start3A_63, %dma_start3A_64] : memref<40x128xi32, #tpu.memory_space<vmem>> -> memref<1x32xi32, #tpu.memory_space<vmem>>
      %dma_start3A_66 = tpu.memref_squeeze %dma_start3A_65 : memref<1x32xi32, #tpu.memory_space<vmem>> -> memref<32xi32, #tpu.memory_space<vmem>>
      %dma_start3A_67 = arith.constant 0 : i32
      %dma_start3A_68 = arith.constant 0 : i32
      %dma_start3A_69 = tpu.memref_slice %arg2[%dma_start3A_67, %dma_start3A_68] : memref<10000x128xf32, #tpu.memory_space<hbm>> -> memref<10000x128xf32, #tpu.memory_space<hbm>>
      tpu.enqueue_indirect_dma source(%dma_start3A_69 : memref<10000x128xf32, #tpu.memory_space<hbm>>) target(%arg16 : memref<32x128xf32, #tpu.memory_space<vmem>>) offsets(%dma_start3A_66 : memref<32xi32, #tpu.memory_space<vmem>>) semaphore(%arg25 : memref<!tpu.dma_semaphore, #tpu.memory_space<semaphore_mem>>)
      %scan3A = arith.constant 0 : i32
      %scan3A_70 = arith.constant 4 : i32
      %scan3A_71 = arith.addi %scan3A, %scan3A_70 : i32
      %scan3A_72 = arith.constant 1 : i32
      scf.for %scan3A_74 = %scan3A to %scan3A_71 step %scan3A_72  : i32 {
        %mul3A_75 = arith.constant 2 : i32
        %mul3A_76 = arith.muli %mul3A_75, %scan3A_74 : i32
        %add3A_77 = arith.constant 0 : i32
        %add3A_78 = arith.addi %mul3A_76, %add3A_77 : i32
        %dma_wait3A = arith.constant 0 : i32
        %dma_wait3A_79 = tpu.memref_slice %arg7[%add3A_78, %dma_wait3A] : memref<40x128xi32, #tpu.memory_space<vmem>> -> memref<1x32xi32, #tpu.memory_space<vmem>>
        %dma_wait3A_80 = tpu.memref_squeeze %dma_wait3A_79 : memref<1x32xi32, #tpu.memory_space<vmem>> -> memref<32xi32, #tpu.memory_space<vmem>>
        %dma_wait3A_81 = arith.constant 0 : i32
        %dma_wait3A_82 = arith.constant 0 : i32
        %dma_wait3A_83 = tpu.memref_slice %arg2[%dma_wait3A_81, %dma_wait3A_82] : memref<10000x128xf32, #tpu.memory_space<hbm>> -> memref<10000x128xf32, #tpu.memory_space<hbm>>
        tpu.wait_indirect_dma semaphore(%arg18 : memref<!tpu.dma_semaphore, #tpu.memory_space<semaphore_mem>>) src(%dma_wait3A_83 : memref<10000x128xf32, #tpu.memory_space<hbm>>) dst(%arg9 : memref<32x128xf32, #tpu.memory_space<vmem>>)
        "tpu.region"() ({
          %run_scoped3A = tpu.sem_alloc : memref<!tpu.dma_semaphore, #tpu.memory_space<semaphore_mem>>
          %dma_start3A_193 = arith.constant 0 : i32
          %dma_start3A_194 = tpu.memref_slice %arg8[%add3A_78, %dma_start3A_193] : memref<40x128xi32, #tpu.memory_space<vmem>> -> memref<1x32xi32, #tpu.memory_space<vmem>>
          %dma_start3A_195 = tpu.memref_squeeze %dma_start3A_194 : memref<1x32xi32, #tpu.memory_space<vmem>> -> memref<32xi32, #tpu.memory_space<vmem>>
          %dma_start3A_196 = arith.constant 0 : i32
          %dma_start3A_197 = arith.constant 0 : i32
          %dma_start3A_198 = tpu.memref_slice %arg17[%dma_start3A_196, %dma_start3A_197] : memref<10112x128xf32, #tpu.memory_space<vmem_shared>> -> memref<10112x128xf32, #tpu.memory_space<vmem_shared>>
          tpu.enqueue_indirect_dma source(%arg9 : memref<32x128xf32, #tpu.memory_space<vmem>>) target(%dma_start3A_198 : memref<10112x128xf32, #tpu.memory_space<vmem_shared>>) offsets(%dma_start3A_195 : memref<32xi32, #tpu.memory_space<vmem>>) semaphore(%run_scoped3A : memref<!tpu.dma_semaphore, #tpu.memory_space<semaphore_mem>>) {add = true}
          %dma_wait3A_199 = arith.constant 0 : i32
          %dma_wait3A_200 = tpu.memref_slice %arg8[%add3A_78, %dma_wait3A_199] : memref<40x128xi32, #tpu.memory_space<vmem>> -> memref<1x32xi32, #tpu.memory_space<vmem>>
          %dma_wait3A_201 = tpu.memref_squeeze %dma_wait3A_200 : memref<1x32xi32, #tpu.memory_space<vmem>> -> memref<32xi32, #tpu.memory_space<vmem>>
          %dma_wait3A_202 = arith.constant 0 : i32
          %dma_wait3A_203 = arith.constant 0 : i32
          %dma_wait3A_204 = tpu.memref_slice %arg17[%dma_wait3A_202, %dma_wait3A_203] : memref<10112x128xf32, #tpu.memory_space<vmem_shared>> -> memref<10112x128xf32, #tpu.memory_space<vmem_shared>>
          tpu.wait_indirect_dma semaphore(%run_scoped3A : memref<!tpu.dma_semaphore, #tpu.memory_space<semaphore_mem>>) src(%arg9 : memref<32x128xf32, #tpu.memory_space<vmem>>) dst(%dma_wait3A_204 : memref<10112x128xf32, #tpu.memory_space<vmem_shared>>)
          tpu.yield
        }) : () -> ()
        %lt3A = arith.constant 3 : i32
        %lt3A_84 = arith.cmpi slt, %scan3A_74, %lt3A : i32
        %convert_element_type3A_85 = arith.extui %lt3A_84 : i1 to i32
        %cond3A_86 = arith.constant 0 : i32
        %cond3A_87 = arith.cmpi ne, %convert_element_type3A_85, %cond3A_86 : i32
        scf.if %cond3A_87 {
          %add3A_193 = arith.constant 1 : i32
          %add3A_194 = arith.addi %scan3A_74, %add3A_193 : i32
          %mul3A_195 = arith.constant 2 : i32
          %mul3A_196 = arith.muli %mul3A_195, %add3A_194 : i32
          %add3A_197 = arith.constant 0 : i32
          %add3A_198 = arith.addi %mul3A_196, %add3A_197 : i32
          %dma_start3A_199 = arith.constant 0 : i32
          %dma_start3A_200 = tpu.memref_slice %arg7[%add3A_198, %dma_start3A_199] : memref<40x128xi32, #tpu.memory_space<vmem>> -> memref<1x32xi32, #tpu.memory_space<vmem>>
          %dma_start3A_201 = tpu.memref_squeeze %dma_start3A_200 : memref<1x32xi32, #tpu.memory_space<vmem>> -> memref<32xi32, #tpu.memory_space<vmem>>
          %dma_start3A_202 = arith.constant 0 : i32
          %dma_start3A_203 = arith.constant 0 : i32
          %dma_start3A_204 = tpu.memref_slice %arg2[%dma_start3A_202, %dma_start3A_203] : memref<10000x128xf32, #tpu.memory_space<hbm>> -> memref<10000x128xf32, #tpu.memory_space<hbm>>
          tpu.enqueue_indirect_dma source(%dma_start3A_204 : memref<10000x128xf32, #tpu.memory_space<hbm>>) target(%arg9 : memref<32x128xf32, #tpu.memory_space<vmem>>) offsets(%dma_start3A_201 : memref<32xi32, #tpu.memory_space<vmem>>) semaphore(%arg18 : memref<!tpu.dma_semaphore, #tpu.memory_space<semaphore_mem>>)
        } else {
        }
        %mul3A_88 = arith.constant 2 : i32
        %mul3A_89 = arith.muli %mul3A_88, %scan3A_74 : i32
        %add3A_90 = arith.constant 0 : i32
        %add3A_91 = arith.addi %mul3A_89, %add3A_90 : i32
        %dma_wait3A_92 = arith.constant 32 : i32
        %dma_wait3A_93 = tpu.memref_slice %arg7[%add3A_91, %dma_wait3A_92] : memref<40x128xi32, #tpu.memory_space<vmem>> -> memref<1x32xi32, #tpu.memory_space<vmem>>
        %dma_wait3A_94 = tpu.memref_squeeze %dma_wait3A_93 : memref<1x32xi32, #tpu.memory_space<vmem>> -> memref<32xi32, #tpu.memory_space<vmem>>
        %dma_wait3A_95 = arith.constant 0 : i32
        %dma_wait3A_96 = arith.constant 0 : i32
        %dma_wait3A_97 = tpu.memref_slice %arg2[%dma_wait3A_95, %dma_wait3A_96] : memref<10000x128xf32, #tpu.memory_space<hbm>> -> memref<10000x128xf32, #tpu.memory_space<hbm>>
        tpu.wait_indirect_dma semaphore(%arg19 : memref<!tpu.dma_semaphore, #tpu.memory_space<semaphore_mem>>) src(%dma_wait3A_97 : memref<10000x128xf32, #tpu.memory_space<hbm>>) dst(%arg10 : memref<32x128xf32, #tpu.memory_space<vmem>>)
        "tpu.region"() ({
          %run_scoped3A = tpu.sem_alloc : memref<!tpu.dma_semaphore, #tpu.memory_space<semaphore_mem>>
          %dma_start3A_193 = arith.constant 32 : i32
          %dma_start3A_194 = tpu.memref_slice %arg8[%add3A_91, %dma_start3A_193] : memref<40x128xi32, #tpu.memory_space<vmem>> -> memref<1x32xi32, #tpu.memory_space<vmem>>
          %dma_start3A_195 = tpu.memref_squeeze %dma_start3A_194 : memref<1x32xi32, #tpu.memory_space<vmem>> -> memref<32xi32, #tpu.memory_space<vmem>>
          %dma_start3A_196 = arith.constant 0 : i32
          %dma_start3A_197 = arith.constant 0 : i32
          %dma_start3A_198 = tpu.memref_slice %arg17[%dma_start3A_196, %dma_start3A_197] : memref<10112x128xf32, #tpu.memory_space<vmem_shared>> -> memref<10112x128xf32, #tpu.memory_space<vmem_shared>>
          tpu.enqueue_indirect_dma source(%arg10 : memref<32x128xf32, #tpu.memory_space<vmem>>) target(%dma_start3A_198 : memref<10112x128xf32, #tpu.memory_space<vmem_shared>>) offsets(%dma_start3A_195 : memref<32xi32, #tpu.memory_space<vmem>>) semaphore(%run_scoped3A : memref<!tpu.dma_semaphore, #tpu.memory_space<semaphore_mem>>) {add = true}
          %dma_wait3A_199 = arith.constant 32 : i32
          %dma_wait3A_200 = tpu.memref_slice %arg8[%add3A_91, %dma_wait3A_199] : memref<40x128xi32, #tpu.memory_space<vmem>> -> memref<1x32xi32, #tpu.memory_space<vmem>>
          %dma_wait3A_201 = tpu.memref_squeeze %dma_wait3A_200 : memref<1x32xi32, #tpu.memory_space<vmem>> -> memref<32xi32, #tpu.memory_space<vmem>>
          %dma_wait3A_202 = arith.constant 0 : i32
          %dma_wait3A_203 = arith.constant 0 : i32
          %dma_wait3A_204 = tpu.memref_slice %arg17[%dma_wait3A_202, %dma_wait3A_203] : memref<10112x128xf32, #tpu.memory_space<vmem_shared>> -> memref<10112x128xf32, #tpu.memory_space<vmem_shared>>
          tpu.wait_indirect_dma semaphore(%run_scoped3A : memref<!tpu.dma_semaphore, #tpu.memory_space<semaphore_mem>>) src(%arg10 : memref<32x128xf32, #tpu.memory_space<vmem>>) dst(%dma_wait3A_204 : memref<10112x128xf32, #tpu.memory_space<vmem_shared>>)
          tpu.yield
        }) : () -> ()
        %lt3A_98 = arith.constant 3 : i32
        %lt3A_99 = arith.cmpi slt, %scan3A_74, %lt3A_98 : i32
        %convert_element_type3A_100 = arith.extui %lt3A_99 : i1 to i32
        %cond3A_101 = arith.constant 0 : i32
        %cond3A_102 = arith.cmpi ne, %convert_element_type3A_100, %cond3A_101 : i32
        scf.if %cond3A_102 {
          %add3A_193 = arith.constant 1 : i32
          %add3A_194 = arith.addi %scan3A_74, %add3A_193 : i32
          %mul3A_195 = arith.constant 2 : i32
          %mul3A_196 = arith.muli %mul3A_195, %add3A_194 : i32
          %add3A_197 = arith.constant 0 : i32
          %add3A_198 = arith.addi %mul3A_196, %add3A_197 : i32
          %dma_start3A_199 = arith.constant 32 : i32
          %dma_start3A_200 = tpu.memref_slice %arg7[%add3A_198, %dma_start3A_199] : memref<40x128xi32, #tpu.memory_space<vmem>> -> memref<1x32xi32, #tpu.memory_space<vmem>>
          %dma_start3A_201 = tpu.memref_squeeze %dma_start3A_200 : memref<1x32xi32, #tpu.memory_space<vmem>> -> memref<32xi32, #tpu.memory_space<vmem>>
          %dma_start3A_202 = arith.constant 0 : i32
          %dma_start3A_203 = arith.constant 0 : i32
          %dma_start3A_204 = tpu.memref_slice %arg2[%dma_start3A_202, %dma_start3A_203] : memref<10000x128xf32, #tpu.memory_space<hbm>> -> memref<10000x128xf32, #tpu.memory_space<hbm>>
          tpu.enqueue_indirect_dma source(%dma_start3A_204 : memref<10000x128xf32, #tpu.memory_space<hbm>>) target(%arg10 : memref<32x128xf32, #tpu.memory_space<vmem>>) offsets(%dma_start3A_201 : memref<32xi32, #tpu.memory_space<vmem>>) semaphore(%arg19 : memref<!tpu.dma_semaphore, #tpu.memory_space<semaphore_mem>>)
        } else {
        }
        %mul3A_103 = arith.constant 2 : i32
        %mul3A_104 = arith.muli %mul3A_103, %scan3A_74 : i32
        %add3A_105 = arith.constant 0 : i32
        %add3A_106 = arith.addi %mul3A_104, %add3A_105 : i32
        %dma_wait3A_107 = arith.constant 64 : i32
        %dma_wait3A_108 = tpu.memref_slice %arg7[%add3A_106, %dma_wait3A_107] : memref<40x128xi32, #tpu.memory_space<vmem>> -> memref<1x32xi32, #tpu.memory_space<vmem>>
        %dma_wait3A_109 = tpu.memref_squeeze %dma_wait3A_108 : memref<1x32xi32, #tpu.memory_space<vmem>> -> memref<32xi32, #tpu.memory_space<vmem>>
        %dma_wait3A_110 = arith.constant 0 : i32
        %dma_wait3A_111 = arith.constant 0 : i32
        %dma_wait3A_112 = tpu.memref_slice %arg2[%dma_wait3A_110, %dma_wait3A_111] : memref<10000x128xf32, #tpu.memory_space<hbm>> -> memref<10000x128xf32, #tpu.memory_space<hbm>>
        tpu.wait_indirect_dma semaphore(%arg20 : memref<!tpu.dma_semaphore, #tpu.memory_space<semaphore_mem>>) src(%dma_wait3A_112 : memref<10000x128xf32, #tpu.memory_space<hbm>>) dst(%arg11 : memref<32x128xf32, #tpu.memory_space<vmem>>)
        "tpu.region"() ({
          %run_scoped3A = tpu.sem_alloc : memref<!tpu.dma_semaphore, #tpu.memory_space<semaphore_mem>>
          %dma_start3A_193 = arith.constant 64 : i32
          %dma_start3A_194 = tpu.memref_slice %arg8[%add3A_106, %dma_start3A_193] : memref<40x128xi32, #tpu.memory_space<vmem>> -> memref<1x32xi32, #tpu.memory_space<vmem>>
          %dma_start3A_195 = tpu.memref_squeeze %dma_start3A_194 : memref<1x32xi32, #tpu.memory_space<vmem>> -> memref<32xi32, #tpu.memory_space<vmem>>
          %dma_start3A_196 = arith.constant 0 : i32
          %dma_start3A_197 = arith.constant 0 : i32
          %dma_start3A_198 = tpu.memref_slice %arg17[%dma_start3A_196, %dma_start3A_197] : memref<10112x128xf32, #tpu.memory_space<vmem_shared>> -> memref<10112x128xf32, #tpu.memory_space<vmem_shared>>
          tpu.enqueue_indirect_dma source(%arg11 : memref<32x128xf32, #tpu.memory_space<vmem>>) target(%dma_start3A_198 : memref<10112x128xf32, #tpu.memory_space<vmem_shared>>) offsets(%dma_start3A_195 : memref<32xi32, #tpu.memory_space<vmem>>) semaphore(%run_scoped3A : memref<!tpu.dma_semaphore, #tpu.memory_space<semaphore_mem>>) {add = true}
          %dma_wait3A_199 = arith.constant 64 : i32
          %dma_wait3A_200 = tpu.memref_slice %arg8[%add3A_106, %dma_wait3A_199] : memref<40x128xi32, #tpu.memory_space<vmem>> -> memref<1x32xi32, #tpu.memory_space<vmem>>
          %dma_wait3A_201 = tpu.memref_squeeze %dma_wait3A_200 : memref<1x32xi32, #tpu.memory_space<vmem>> -> memref<32xi32, #tpu.memory_space<vmem>>
          %dma_wait3A_202 = arith.constant 0 : i32
          %dma_wait3A_203 = arith.constant 0 : i32
          %dma_wait3A_204 = tpu.memref_slice %arg17[%dma_wait3A_202, %dma_wait3A_203] : memref<10112x128xf32, #tpu.memory_space<vmem_shared>> -> memref<10112x128xf32, #tpu.memory_space<vmem_shared>>
          tpu.wait_indirect_dma semaphore(%run_scoped3A : memref<!tpu.dma_semaphore, #tpu.memory_space<semaphore_mem>>) src(%arg11 : memref<32x128xf32, #tpu.memory_space<vmem>>) dst(%dma_wait3A_204 : memref<10112x128xf32, #tpu.memory_space<vmem_shared>>)
          tpu.yield
        }) : () -> ()
        %lt3A_113 = arith.constant 3 : i32
        %lt3A_114 = arith.cmpi slt, %scan3A_74, %lt3A_113 : i32
        %convert_element_type3A_115 = arith.extui %lt3A_114 : i1 to i32
        %cond3A_116 = arith.constant 0 : i32
        %cond3A_117 = arith.cmpi ne, %convert_element_type3A_115, %cond3A_116 : i32
        scf.if %cond3A_117 {
          %add3A_193 = arith.constant 1 : i32
          %add3A_194 = arith.addi %scan3A_74, %add3A_193 : i32
          %mul3A_195 = arith.constant 2 : i32
          %mul3A_196 = arith.muli %mul3A_195, %add3A_194 : i32
          %add3A_197 = arith.constant 0 : i32
          %add3A_198 = arith.addi %mul3A_196, %add3A_197 : i32
          %dma_start3A_199 = arith.constant 64 : i32
          %dma_start3A_200 = tpu.memref_slice %arg7[%add3A_198, %dma_start3A_199] : memref<40x128xi32, #tpu.memory_space<vmem>> -> memref<1x32xi32, #tpu.memory_space<vmem>>
          %dma_start3A_201 = tpu.memref_squeeze %dma_start3A_200 : memref<1x32xi32, #tpu.memory_space<vmem>> -> memref<32xi32, #tpu.memory_space<vmem>>
          %dma_start3A_202 = arith.constant 0 : i32
          %dma_start3A_203 = arith.constant 0 : i32
          %dma_start3A_204 = tpu.memref_slice %arg2[%dma_start3A_202, %dma_start3A_203] : memref<10000x128xf32, #tpu.memory_space<hbm>> -> memref<10000x128xf32, #tpu.memory_space<hbm>>
          tpu.enqueue_indirect_dma source(%dma_start3A_204 : memref<10000x128xf32, #tpu.memory_space<hbm>>) target(%arg11 : memref<32x128xf32, #tpu.memory_space<vmem>>) offsets(%dma_start3A_201 : memref<32xi32, #tpu.memory_space<vmem>>) semaphore(%arg20 : memref<!tpu.dma_semaphore, #tpu.memory_space<semaphore_mem>>)
        } else {
        }
        %mul3A_118 = arith.constant 2 : i32
        %mul3A_119 = arith.muli %mul3A_118, %scan3A_74 : i32
        %add3A_120 = arith.constant 0 : i32
        %add3A_121 = arith.addi %mul3A_119, %add3A_120 : i32
        %dma_wait3A_122 = arith.constant 96 : i32
        %dma_wait3A_123 = tpu.memref_slice %arg7[%add3A_121, %dma_wait3A_122] : memref<40x128xi32, #tpu.memory_space<vmem>> -> memref<1x32xi32, #tpu.memory_space<vmem>>
        %dma_wait3A_124 = tpu.memref_squeeze %dma_wait3A_123 : memref<1x32xi32, #tpu.memory_space<vmem>> -> memref<32xi32, #tpu.memory_space<vmem>>
        %dma_wait3A_125 = arith.constant 0 : i32
        %dma_wait3A_126 = arith.constant 0 : i32
        %dma_wait3A_127 = tpu.memref_slice %arg2[%dma_wait3A_125, %dma_wait3A_126] : memref<10000x128xf32, #tpu.memory_space<hbm>> -> memref<10000x128xf32, #tpu.memory_space<hbm>>
        tpu.wait_indirect_dma semaphore(%arg21 : memref<!tpu.dma_semaphore, #tpu.memory_space<semaphore_mem>>) src(%dma_wait3A_127 : memref<10000x128xf32, #tpu.memory_space<hbm>>) dst(%arg12 : memref<32x128xf32, #tpu.memory_space<vmem>>)
        "tpu.region"() ({
          %run_scoped3A = tpu.sem_alloc : memref<!tpu.dma_semaphore, #tpu.memory_space<semaphore_mem>>
          %dma_start3A_193 = arith.constant 96 : i32
          %dma_start3A_194 = tpu.memref_slice %arg8[%add3A_121, %dma_start3A_193] : memref<40x128xi32, #tpu.memory_space<vmem>> -> memref<1x32xi32, #tpu.memory_space<vmem>>
          %dma_start3A_195 = tpu.memref_squeeze %dma_start3A_194 : memref<1x32xi32, #tpu.memory_space<vmem>> -> memref<32xi32, #tpu.memory_space<vmem>>
          %dma_start3A_196 = arith.constant 0 : i32
          %dma_start3A_197 = arith.constant 0 : i32
          %dma_start3A_198 = tpu.memref_slice %arg17[%dma_start3A_196, %dma_start3A_197] : memref<10112x128xf32, #tpu.memory_space<vmem_shared>> -> memref<10112x128xf32, #tpu.memory_space<vmem_shared>>
          tpu.enqueue_indirect_dma source(%arg12 : memref<32x128xf32, #tpu.memory_space<vmem>>) target(%dma_start3A_198 : memref<10112x128xf32, #tpu.memory_space<vmem_shared>>) offsets(%dma_start3A_195 : memref<32xi32, #tpu.memory_space<vmem>>) semaphore(%run_scoped3A : memref<!tpu.dma_semaphore, #tpu.memory_space<semaphore_mem>>) {add = true}
          %dma_wait3A_199 = arith.constant 96 : i32
          %dma_wait3A_200 = tpu.memref_slice %arg8[%add3A_121, %dma_wait3A_199] : memref<40x128xi32, #tpu.memory_space<vmem>> -> memref<1x32xi32, #tpu.memory_space<vmem>>
          %dma_wait3A_201 = tpu.memref_squeeze %dma_wait3A_200 : memref<1x32xi32, #tpu.memory_space<vmem>> -> memref<32xi32, #tpu.memory_space<vmem>>
          %dma_wait3A_202 = arith.constant 0 : i32
          %dma_wait3A_203 = arith.constant 0 : i32
          %dma_wait3A_204 = tpu.memref_slice %arg17[%dma_wait3A_202, %dma_wait3A_203] : memref<10112x128xf32, #tpu.memory_space<vmem_shared>> -> memref<10112x128xf32, #tpu.memory_space<vmem_shared>>
          tpu.wait_indirect_dma semaphore(%run_scoped3A : memref<!tpu.dma_semaphore, #tpu.memory_space<semaphore_mem>>) src(%arg12 : memref<32x128xf32, #tpu.memory_space<vmem>>) dst(%dma_wait3A_204 : memref<10112x128xf32, #tpu.memory_space<vmem_shared>>)
          tpu.yield
        }) : () -> ()
        %lt3A_128 = arith.constant 3 : i32
        %lt3A_129 = arith.cmpi slt, %scan3A_74, %lt3A_128 : i32
        %convert_element_type3A_130 = arith.extui %lt3A_129 : i1 to i32
        %cond3A_131 = arith.constant 0 : i32
        %cond3A_132 = arith.cmpi ne, %convert_element_type3A_130, %cond3A_131 : i32
        scf.if %cond3A_132 {
          %add3A_193 = arith.constant 1 : i32
          %add3A_194 = arith.addi %scan3A_74, %add3A_193 : i32
          %mul3A_195 = arith.constant 2 : i32
          %mul3A_196 = arith.muli %mul3A_195, %add3A_194 : i32
          %add3A_197 = arith.constant 0 : i32
          %add3A_198 = arith.addi %mul3A_196, %add3A_197 : i32
          %dma_start3A_199 = arith.constant 96 : i32
          %dma_start3A_200 = tpu.memref_slice %arg7[%add3A_198, %dma_start3A_199] : memref<40x128xi32, #tpu.memory_space<vmem>> -> memref<1x32xi32, #tpu.memory_space<vmem>>
          %dma_start3A_201 = tpu.memref_squeeze %dma_start3A_200 : memref<1x32xi32, #tpu.memory_space<vmem>> -> memref<32xi32, #tpu.memory_space<vmem>>
          %dma_start3A_202 = arith.constant 0 : i32
          %dma_start3A_203 = arith.constant 0 : i32
          %dma_start3A_204 = tpu.memref_slice %arg2[%dma_start3A_202, %dma_start3A_203] : memref<10000x128xf32, #tpu.memory_space<hbm>> -> memref<10000x128xf32, #tpu.memory_space<hbm>>
          tpu.enqueue_indirect_dma source(%dma_start3A_204 : memref<10000x128xf32, #tpu.memory_space<hbm>>) target(%arg12 : memref<32x128xf32, #tpu.memory_space<vmem>>) offsets(%dma_start3A_201 : memref<32xi32, #tpu.memory_space<vmem>>) semaphore(%arg21 : memref<!tpu.dma_semaphore, #tpu.memory_space<semaphore_mem>>)
        } else {
        }
        %mul3A_133 = arith.constant 2 : i32
        %mul3A_134 = arith.muli %mul3A_133, %scan3A_74 : i32
        %add3A_135 = arith.constant 1 : i32
        %add3A_136 = arith.addi %mul3A_134, %add3A_135 : i32
        %dma_wait3A_137 = arith.constant 0 : i32
        %dma_wait3A_138 = tpu.memref_slice %arg7[%add3A_136, %dma_wait3A_137] : memref<40x128xi32, #tpu.memory_space<vmem>> -> memref<1x32xi32, #tpu.memory_space<vmem>>
        %dma_wait3A_139 = tpu.memref_squeeze %dma_wait3A_138 : memref<1x32xi32, #tpu.memory_space<vmem>> -> memref<32xi32, #tpu.memory_space<vmem>>
        %dma_wait3A_140 = arith.constant 0 : i32
        %dma_wait3A_141 = arith.constant 0 : i32
        %dma_wait3A_142 = tpu.memref_slice %arg2[%dma_wait3A_140, %dma_wait3A_141] : memref<10000x128xf32, #tpu.memory_space<hbm>> -> memref<10000x128xf32, #tpu.memory_space<hbm>>
        tpu.wait_indirect_dma semaphore(%arg22 : memref<!tpu.dma_semaphore, #tpu.memory_space<semaphore_mem>>) src(%dma_wait3A_142 : memref<10000x128xf32, #tpu.memory_space<hbm>>) dst(%arg13 : memref<32x128xf32, #tpu.memory_space<vmem>>)
        "tpu.region"() ({
          %run_scoped3A = tpu.sem_alloc : memref<!tpu.dma_semaphore, #tpu.memory_space<semaphore_mem>>
          %dma_start3A_193 = arith.constant 0 : i32
          %dma_start3A_194 = tpu.memref_slice %arg8[%add3A_136, %dma_start3A_193] : memref<40x128xi32, #tpu.memory_space<vmem>> -> memref<1x32xi32, #tpu.memory_space<vmem>>
          %dma_start3A_195 = tpu.memref_squeeze %dma_start3A_194 : memref<1x32xi32, #tpu.memory_space<vmem>> -> memref<32xi32, #tpu.memory_space<vmem>>
          %dma_start3A_196 = arith.constant 0 : i32
          %dma_start3A_197 = arith.constant 0 : i32
          %dma_start3A_198 = tpu.memref_slice %arg17[%dma_start3A_196, %dma_start3A_197] : memref<10112x128xf32, #tpu.memory_space<vmem_shared>> -> memref<10112x128xf32, #tpu.memory_space<vmem_shared>>
          tpu.enqueue_indirect_dma source(%arg13 : memref<32x128xf32, #tpu.memory_space<vmem>>) target(%dma_start3A_198 : memref<10112x128xf32, #tpu.memory_space<vmem_shared>>) offsets(%dma_start3A_195 : memref<32xi32, #tpu.memory_space<vmem>>) semaphore(%run_scoped3A : memref<!tpu.dma_semaphore, #tpu.memory_space<semaphore_mem>>) {add = true}
          %dma_wait3A_199 = arith.constant 0 : i32
          %dma_wait3A_200 = tpu.memref_slice %arg8[%add3A_136, %dma_wait3A_199] : memref<40x128xi32, #tpu.memory_space<vmem>> -> memref<1x32xi32, #tpu.memory_space<vmem>>
          %dma_wait3A_201 = tpu.memref_squeeze %dma_wait3A_200 : memref<1x32xi32, #tpu.memory_space<vmem>> -> memref<32xi32, #tpu.memory_space<vmem>>
          %dma_wait3A_202 = arith.constant 0 : i32
          %dma_wait3A_203 = arith.constant 0 : i32
          %dma_wait3A_204 = tpu.memref_slice %arg17[%dma_wait3A_202, %dma_wait3A_203] : memref<10112x128xf32, #tpu.memory_space<vmem_shared>> -> memref<10112x128xf32, #tpu.memory_space<vmem_shared>>
          tpu.wait_indirect_dma semaphore(%run_scoped3A : memref<!tpu.dma_semaphore, #tpu.memory_space<semaphore_mem>>) src(%arg13 : memref<32x128xf32, #tpu.memory_space<vmem>>) dst(%dma_wait3A_204 : memref<10112x128xf32, #tpu.memory_space<vmem_shared>>)
          tpu.yield
        }) : () -> ()
        %lt3A_143 = arith.constant 3 : i32
        %lt3A_144 = arith.cmpi slt, %scan3A_74, %lt3A_143 : i32
        %convert_element_type3A_145 = arith.extui %lt3A_144 : i1 to i32
        %cond3A_146 = arith.constant 0 : i32
        %cond3A_147 = arith.cmpi ne, %convert_element_type3A_145, %cond3A_146 : i32
        scf.if %cond3A_147 {
          %add3A_193 = arith.constant 1 : i32
          %add3A_194 = arith.addi %scan3A_74, %add3A_193 : i32
          %mul3A_195 = arith.constant 2 : i32
          %mul3A_196 = arith.muli %mul3A_195, %add3A_194 : i32
          %add3A_197 = arith.constant 1 : i32
          %add3A_198 = arith.addi %mul3A_196, %add3A_197 : i32
          %dma_start3A_199 = arith.constant 0 : i32
          %dma_start3A_200 = tpu.memref_slice %arg7[%add3A_198, %dma_start3A_199] : memref<40x128xi32, #tpu.memory_space<vmem>> -> memref<1x32xi32, #tpu.memory_space<vmem>>
          %dma_start3A_201 = tpu.memref_squeeze %dma_start3A_200 : memref<1x32xi32, #tpu.memory_space<vmem>> -> memref<32xi32, #tpu.memory_space<vmem>>
          %dma_start3A_202 = arith.constant 0 : i32
          %dma_start3A_203 = arith.constant 0 : i32
          %dma_start3A_204 = tpu.memref_slice %arg2[%dma_start3A_202, %dma_start3A_203] : memref<10000x128xf32, #tpu.memory_space<hbm>> -> memref<10000x128xf32, #tpu.memory_space<hbm>>
          tpu.enqueue_indirect_dma source(%dma_start3A_204 : memref<10000x128xf32, #tpu.memory_space<hbm>>) target(%arg13 : memref<32x128xf32, #tpu.memory_space<vmem>>) offsets(%dma_start3A_201 : memref<32xi32, #tpu.memory_space<vmem>>) semaphore(%arg22 : memref<!tpu.dma_semaphore, #tpu.memory_space<semaphore_mem>>)
        } else {
        }
        %mul3A_148 = arith.constant 2 : i32
        %mul3A_149 = arith.muli %mul3A_148, %scan3A_74 : i32
        %add3A_150 = arith.constant 1 : i32
        %add3A_151 = arith.addi %mul3A_149, %add3A_150 : i32
        %dma_wait3A_152 = arith.constant 32 : i32
        %dma_wait3A_153 = tpu.memref_slice %arg7[%add3A_151, %dma_wait3A_152] : memref<40x128xi32, #tpu.memory_space<vmem>> -> memref<1x32xi32, #tpu.memory_space<vmem>>
        %dma_wait3A_154 = tpu.memref_squeeze %dma_wait3A_153 : memref<1x32xi32, #tpu.memory_space<vmem>> -> memref<32xi32, #tpu.memory_space<vmem>>
        %dma_wait3A_155 = arith.constant 0 : i32
        %dma_wait3A_156 = arith.constant 0 : i32
        %dma_wait3A_157 = tpu.memref_slice %arg2[%dma_wait3A_155, %dma_wait3A_156] : memref<10000x128xf32, #tpu.memory_space<hbm>> -> memref<10000x128xf32, #tpu.memory_space<hbm>>
        tpu.wait_indirect_dma semaphore(%arg23 : memref<!tpu.dma_semaphore, #tpu.memory_space<semaphore_mem>>) src(%dma_wait3A_157 : memref<10000x128xf32, #tpu.memory_space<hbm>>) dst(%arg14 : memref<32x128xf32, #tpu.memory_space<vmem>>)
        "tpu.region"() ({
          %run_scoped3A = tpu.sem_alloc : memref<!tpu.dma_semaphore, #tpu.memory_space<semaphore_mem>>
          %dma_start3A_193 = arith.constant 32 : i32
          %dma_start3A_194 = tpu.memref_slice %arg8[%add3A_151, %dma_start3A_193] : memref<40x128xi32, #tpu.memory_space<vmem>> -> memref<1x32xi32, #tpu.memory_space<vmem>>
          %dma_start3A_195 = tpu.memref_squeeze %dma_start3A_194 : memref<1x32xi32, #tpu.memory_space<vmem>> -> memref<32xi32, #tpu.memory_space<vmem>>
          %dma_start3A_196 = arith.constant 0 : i32
          %dma_start3A_197 = arith.constant 0 : i32
          %dma_start3A_198 = tpu.memref_slice %arg17[%dma_start3A_196, %dma_start3A_197] : memref<10112x128xf32, #tpu.memory_space<vmem_shared>> -> memref<10112x128xf32, #tpu.memory_space<vmem_shared>>
          tpu.enqueue_indirect_dma source(%arg14 : memref<32x128xf32, #tpu.memory_space<vmem>>) target(%dma_start3A_198 : memref<10112x128xf32, #tpu.memory_space<vmem_shared>>) offsets(%dma_start3A_195 : memref<32xi32, #tpu.memory_space<vmem>>) semaphore(%run_scoped3A : memref<!tpu.dma_semaphore, #tpu.memory_space<semaphore_mem>>) {add = true}
          %dma_wait3A_199 = arith.constant 32 : i32
          %dma_wait3A_200 = tpu.memref_slice %arg8[%add3A_151, %dma_wait3A_199] : memref<40x128xi32, #tpu.memory_space<vmem>> -> memref<1x32xi32, #tpu.memory_space<vmem>>
          %dma_wait3A_201 = tpu.memref_squeeze %dma_wait3A_200 : memref<1x32xi32, #tpu.memory_space<vmem>> -> memref<32xi32, #tpu.memory_space<vmem>>
          %dma_wait3A_202 = arith.constant 0 : i32
          %dma_wait3A_203 = arith.constant 0 : i32
          %dma_wait3A_204 = tpu.memref_slice %arg17[%dma_wait3A_202, %dma_wait3A_203] : memref<10112x128xf32, #tpu.memory_space<vmem_shared>> -> memref<10112x128xf32, #tpu.memory_space<vmem_shared>>
          tpu.wait_indirect_dma semaphore(%run_scoped3A : memref<!tpu.dma_semaphore, #tpu.memory_space<semaphore_mem>>) src(%arg14 : memref<32x128xf32, #tpu.memory_space<vmem>>) dst(%dma_wait3A_204 : memref<10112x128xf32, #tpu.memory_space<vmem_shared>>)
          tpu.yield
        }) : () -> ()
        %lt3A_158 = arith.constant 3 : i32
        %lt3A_159 = arith.cmpi slt, %scan3A_74, %lt3A_158 : i32
        %convert_element_type3A_160 = arith.extui %lt3A_159 : i1 to i32
        %cond3A_161 = arith.constant 0 : i32
        %cond3A_162 = arith.cmpi ne, %convert_element_type3A_160, %cond3A_161 : i32
        scf.if %cond3A_162 {
          %add3A_193 = arith.constant 1 : i32
          %add3A_194 = arith.addi %scan3A_74, %add3A_193 : i32
          %mul3A_195 = arith.constant 2 : i32
          %mul3A_196 = arith.muli %mul3A_195, %add3A_194 : i32
          %add3A_197 = arith.constant 1 : i32
          %add3A_198 = arith.addi %mul3A_196, %add3A_197 : i32
          %dma_start3A_199 = arith.constant 32 : i32
          %dma_start3A_200 = tpu.memref_slice %arg7[%add3A_198, %dma_start3A_199] : memref<40x128xi32, #tpu.memory_space<vmem>> -> memref<1x32xi32, #tpu.memory_space<vmem>>
          %dma_start3A_201 = tpu.memref_squeeze %dma_start3A_200 : memref<1x32xi32, #tpu.memory_space<vmem>> -> memref<32xi32, #tpu.memory_space<vmem>>
          %dma_start3A_202 = arith.constant 0 : i32
          %dma_start3A_203 = arith.constant 0 : i32
          %dma_start3A_204 = tpu.memref_slice %arg2[%dma_start3A_202, %dma_start3A_203] : memref<10000x128xf32, #tpu.memory_space<hbm>> -> memref<10000x128xf32, #tpu.memory_space<hbm>>
          tpu.enqueue_indirect_dma source(%dma_start3A_204 : memref<10000x128xf32, #tpu.memory_space<hbm>>) target(%arg14 : memref<32x128xf32, #tpu.memory_space<vmem>>) offsets(%dma_start3A_201 : memref<32xi32, #tpu.memory_space<vmem>>) semaphore(%arg23 : memref<!tpu.dma_semaphore, #tpu.memory_space<semaphore_mem>>)
        } else {
        }
        %mul3A_163 = arith.constant 2 : i32
        %mul3A_164 = arith.muli %mul3A_163, %scan3A_74 : i32
        %add3A_165 = arith.constant 1 : i32
        %add3A_166 = arith.addi %mul3A_164, %add3A_165 : i32
        %dma_wait3A_167 = arith.constant 64 : i32
        %dma_wait3A_168 = tpu.memref_slice %arg7[%add3A_166, %dma_wait3A_167] : memref<40x128xi32, #tpu.memory_space<vmem>> -> memref<1x32xi32, #tpu.memory_space<vmem>>
        %dma_wait3A_169 = tpu.memref_squeeze %dma_wait3A_168 : memref<1x32xi32, #tpu.memory_space<vmem>> -> memref<32xi32, #tpu.memory_space<vmem>>
        %dma_wait3A_170 = arith.constant 0 : i32
        %dma_wait3A_171 = arith.constant 0 : i32
        %dma_wait3A_172 = tpu.memref_slice %arg2[%dma_wait3A_170, %dma_wait3A_171] : memref<10000x128xf32, #tpu.memory_space<hbm>> -> memref<10000x128xf32, #tpu.memory_space<hbm>>
        tpu.wait_indirect_dma semaphore(%arg24 : memref<!tpu.dma_semaphore, #tpu.memory_space<semaphore_mem>>) src(%dma_wait3A_172 : memref<10000x128xf32, #tpu.memory_space<hbm>>) dst(%arg15 : memref<32x128xf32, #tpu.memory_space<vmem>>)
        "tpu.region"() ({
          %run_scoped3A = tpu.sem_alloc : memref<!tpu.dma_semaphore, #tpu.memory_space<semaphore_mem>>
          %dma_start3A_193 = arith.constant 64 : i32
          %dma_start3A_194 = tpu.memref_slice %arg8[%add3A_166, %dma_start3A_193] : memref<40x128xi32, #tpu.memory_space<vmem>> -> memref<1x32xi32, #tpu.memory_space<vmem>>
          %dma_start3A_195 = tpu.memref_squeeze %dma_start3A_194 : memref<1x32xi32, #tpu.memory_space<vmem>> -> memref<32xi32, #tpu.memory_space<vmem>>
          %dma_start3A_196 = arith.constant 0 : i32
          %dma_start3A_197 = arith.constant 0 : i32
          %dma_start3A_198 = tpu.memref_slice %arg17[%dma_start3A_196, %dma_start3A_197] : memref<10112x128xf32, #tpu.memory_space<vmem_shared>> -> memref<10112x128xf32, #tpu.memory_space<vmem_shared>>
          tpu.enqueue_indirect_dma source(%arg15 : memref<32x128xf32, #tpu.memory_space<vmem>>) target(%dma_start3A_198 : memref<10112x128xf32, #tpu.memory_space<vmem_shared>>) offsets(%dma_start3A_195 : memref<32xi32, #tpu.memory_space<vmem>>) semaphore(%run_scoped3A : memref<!tpu.dma_semaphore, #tpu.memory_space<semaphore_mem>>) {add = true}
          %dma_wait3A_199 = arith.constant 64 : i32
          %dma_wait3A_200 = tpu.memref_slice %arg8[%add3A_166, %dma_wait3A_199] : memref<40x128xi32, #tpu.memory_space<vmem>> -> memref<1x32xi32, #tpu.memory_space<vmem>>
          %dma_wait3A_201 = tpu.memref_squeeze %dma_wait3A_200 : memref<1x32xi32, #tpu.memory_space<vmem>> -> memref<32xi32, #tpu.memory_space<vmem>>
          %dma_wait3A_202 = arith.constant 0 : i32
          %dma_wait3A_203 = arith.constant 0 : i32
          %dma_wait3A_204 = tpu.memref_slice %arg17[%dma_wait3A_202, %dma_wait3A_203] : memref<10112x128xf32, #tpu.memory_space<vmem_shared>> -> memref<10112x128xf32, #tpu.memory_space<vmem_shared>>
          tpu.wait_indirect_dma semaphore(%run_scoped3A : memref<!tpu.dma_semaphore, #tpu.memory_space<semaphore_mem>>) src(%arg15 : memref<32x128xf32, #tpu.memory_space<vmem>>) dst(%dma_wait3A_204 : memref<10112x128xf32, #tpu.memory_space<vmem_shared>>)
          tpu.yield
        }) : () -> ()
        %lt3A_173 = arith.constant 3 : i32
        %lt3A_174 = arith.cmpi slt, %scan3A_74, %lt3A_173 : i32
        %convert_element_type3A_175 = arith.extui %lt3A_174 : i1 to i32
        %cond3A_176 = arith.constant 0 : i32
        %cond3A_177 = arith.cmpi ne, %convert_element_type3A_175, %cond3A_176 : i32
        scf.if %cond3A_177 {
          %add3A_193 = arith.constant 1 : i32
          %add3A_194 = arith.addi %scan3A_74, %add3A_193 : i32
          %mul3A_195 = arith.constant 2 : i32
          %mul3A_196 = arith.muli %mul3A_195, %add3A_194 : i32
          %add3A_197 = arith.constant 1 : i32
          %add3A_198 = arith.addi %mul3A_196, %add3A_197 : i32
          %dma_start3A_199 = arith.constant 64 : i32
          %dma_start3A_200 = tpu.memref_slice %arg7[%add3A_198, %dma_start3A_199] : memref<40x128xi32, #tpu.memory_space<vmem>> -> memref<1x32xi32, #tpu.memory_space<vmem>>
          %dma_start3A_201 = tpu.memref_squeeze %dma_start3A_200 : memref<1x32xi32, #tpu.memory_space<vmem>> -> memref<32xi32, #tpu.memory_space<vmem>>
          %dma_start3A_202 = arith.constant 0 : i32
          %dma_start3A_203 = arith.constant 0 : i32
          %dma_start3A_204 = tpu.memref_slice %arg2[%dma_start3A_202, %dma_start3A_203] : memref<10000x128xf32, #tpu.memory_space<hbm>> -> memref<10000x128xf32, #tpu.memory_space<hbm>>
          tpu.enqueue_indirect_dma source(%dma_start3A_204 : memref<10000x128xf32, #tpu.memory_space<hbm>>) target(%arg15 : memref<32x128xf32, #tpu.memory_space<vmem>>) offsets(%dma_start3A_201 : memref<32xi32, #tpu.memory_space<vmem>>) semaphore(%arg24 : memref<!tpu.dma_semaphore, #tpu.memory_space<semaphore_mem>>)
        } else {
        }
        %mul3A_178 = arith.constant 2 : i32
        %mul3A_179 = arith.muli %mul3A_178, %scan3A_74 : i32
        %add3A_180 = arith.constant 1 : i32
        %add3A_181 = arith.addi %mul3A_179, %add3A_180 : i32
        %dma_wait3A_182 = arith.constant 96 : i32
        %dma_wait3A_183 = tpu.memref_slice %arg7[%add3A_181, %dma_wait3A_182] : memref<40x128xi32, #tpu.memory_space<vmem>> -> memref<1x32xi32, #tpu.memory_space<vmem>>
        %dma_wait3A_184 = tpu.memref_squeeze %dma_wait3A_183 : memref<1x32xi32, #tpu.memory_space<vmem>> -> memref<32xi32, #tpu.memory_space<vmem>>
        %dma_wait3A_185 = arith.constant 0 : i32
        %dma_wait3A_186 = arith.constant 0 : i32
        %dma_wait3A_187 = tpu.memref_slice %arg2[%dma_wait3A_185, %dma_wait3A_186] : memref<10000x128xf32, #tpu.memory_space<hbm>> -> memref<10000x128xf32, #tpu.memory_space<hbm>>
        tpu.wait_indirect_dma semaphore(%arg25 : memref<!tpu.dma_semaphore, #tpu.memory_space<semaphore_mem>>) src(%dma_wait3A_187 : memref<10000x128xf32, #tpu.memory_space<hbm>>) dst(%arg16 : memref<32x128xf32, #tpu.memory_space<vmem>>)
        "tpu.region"() ({
          %run_scoped3A = tpu.sem_alloc : memref<!tpu.dma_semaphore, #tpu.memory_space<semaphore_mem>>
          %dma_start3A_193 = arith.constant 96 : i32
          %dma_start3A_194 = tpu.memref_slice %arg8[%add3A_181, %dma_start3A_193] : memref<40x128xi32, #tpu.memory_space<vmem>> -> memref<1x32xi32, #tpu.memory_space<vmem>>
          %dma_start3A_195 = tpu.memref_squeeze %dma_start3A_194 : memref<1x32xi32, #tpu.memory_space<vmem>> -> memref<32xi32, #tpu.memory_space<vmem>>
          %dma_start3A_196 = arith.constant 0 : i32
          %dma_start3A_197 = arith.constant 0 : i32
          %dma_start3A_198 = tpu.memref_slice %arg17[%dma_start3A_196, %dma_start3A_197] : memref<10112x128xf32, #tpu.memory_space<vmem_shared>> -> memref<10112x128xf32, #tpu.memory_space<vmem_shared>>
          tpu.enqueue_indirect_dma source(%arg16 : memref<32x128xf32, #tpu.memory_space<vmem>>) target(%dma_start3A_198 : memref<10112x128xf32, #tpu.memory_space<vmem_shared>>) offsets(%dma_start3A_195 : memref<32xi32, #tpu.memory_space<vmem>>) semaphore(%run_scoped3A : memref<!tpu.dma_semaphore, #tpu.memory_space<semaphore_mem>>) {add = true}
          %dma_wait3A_199 = arith.constant 96 : i32
          %dma_wait3A_200 = tpu.memref_slice %arg8[%add3A_181, %dma_wait3A_199] : memref<40x128xi32, #tpu.memory_space<vmem>> -> memref<1x32xi32, #tpu.memory_space<vmem>>
          %dma_wait3A_201 = tpu.memref_squeeze %dma_wait3A_200 : memref<1x32xi32, #tpu.memory_space<vmem>> -> memref<32xi32, #tpu.memory_space<vmem>>
          %dma_wait3A_202 = arith.constant 0 : i32
          %dma_wait3A_203 = arith.constant 0 : i32
          %dma_wait3A_204 = tpu.memref_slice %arg17[%dma_wait3A_202, %dma_wait3A_203] : memref<10112x128xf32, #tpu.memory_space<vmem_shared>> -> memref<10112x128xf32, #tpu.memory_space<vmem_shared>>
          tpu.wait_indirect_dma semaphore(%run_scoped3A : memref<!tpu.dma_semaphore, #tpu.memory_space<semaphore_mem>>) src(%arg16 : memref<32x128xf32, #tpu.memory_space<vmem>>) dst(%dma_wait3A_204 : memref<10112x128xf32, #tpu.memory_space<vmem_shared>>)
          tpu.yield
        }) : () -> ()
        %lt3A_188 = arith.constant 3 : i32
        %lt3A_189 = arith.cmpi slt, %scan3A_74, %lt3A_188 : i32
        %convert_element_type3A_190 = arith.extui %lt3A_189 : i1 to i32
        %cond3A_191 = arith.constant 0 : i32
        %cond3A_192 = arith.cmpi ne, %convert_element_type3A_190, %cond3A_191 : i32
        scf.if %cond3A_192 {
          %add3A_193 = arith.constant 1 : i32
          %add3A_194 = arith.addi %scan3A_74, %add3A_193 : i32
          %mul3A_195 = arith.constant 2 : i32
          %mul3A_196 = arith.muli %mul3A_195, %add3A_194 : i32
          %add3A_197 = arith.constant 1 : i32
          %add3A_198 = arith.addi %mul3A_196, %add3A_197 : i32
          %dma_start3A_199 = arith.constant 96 : i32
          %dma_start3A_200 = tpu.memref_slice %arg7[%add3A_198, %dma_start3A_199] : memref<40x128xi32, #tpu.memory_space<vmem>> -> memref<1x32xi32, #tpu.memory_space<vmem>>
          %dma_start3A_201 = tpu.memref_squeeze %dma_start3A_200 : memref<1x32xi32, #tpu.memory_space<vmem>> -> memref<32xi32, #tpu.memory_space<vmem>>
          %dma_start3A_202 = arith.constant 0 : i32
          %dma_start3A_203 = arith.constant 0 : i32
          %dma_start3A_204 = tpu.memref_slice %arg2[%dma_start3A_202, %dma_start3A_203] : memref<10000x128xf32, #tpu.memory_space<hbm>> -> memref<10000x128xf32, #tpu.memory_space<hbm>>
          tpu.enqueue_indirect_dma source(%dma_start3A_204 : memref<10000x128xf32, #tpu.memory_space<hbm>>) target(%arg16 : memref<32x128xf32, #tpu.memory_space<vmem>>) offsets(%dma_start3A_201 : memref<32xi32, #tpu.memory_space<vmem>>) semaphore(%arg25 : memref<!tpu.dma_semaphore, #tpu.memory_space<semaphore_mem>>)
        } else {
        }
      }
      %scan3A_73 = arith.constant 4 : i32
    } else {
    }
    %barrier3A_7 = arith.constant 0 : index
    tpu.barrier barrier_id(%barrier3A_7)
    "tpu.region"() ({
      %run_scoped3A = tpu.sem_alloc : memref<!tpu.dma_semaphore, #tpu.memory_space<semaphore_mem>>
      %dma_start3A = arith.constant 0 : i32
      %dma_start3A_8 = tpu.memref_slice %arg6[%arg0, %mul3A_0, %dma_start3A] : memref<2x10112x128xf32, #tpu.memory_space<hbm>> -> memref<1x632x128xf32, #tpu.memory_space<hbm>>
      %dma_start3A_9 = tpu.memref_squeeze %dma_start3A_8 : memref<1x632x128xf32, #tpu.memory_space<hbm>> -> memref<632x128xf32, #tpu.memory_space<hbm>>
      %dma_start3A_10 = arith.constant 0 : i32
      %dma_start3A_11 = tpu.memref_slice %arg17[%mul3A_0, %dma_start3A_10] : memref<10112x128xf32, #tpu.memory_space<vmem_shared>> -> memref<632x128xf32, #tpu.memory_space<vmem_shared>>
      tpu.enqueue_dma source(%dma_start3A_11 : memref<632x128xf32, #tpu.memory_space<vmem_shared>>) target(%dma_start3A_9 : memref<632x128xf32, #tpu.memory_space<hbm>>) target_semaphore(%run_scoped3A : memref<!tpu.dma_semaphore, #tpu.memory_space<semaphore_mem>>)
      %dma_wait3A = arith.constant 0 : i32
      %dma_wait3A_12 = tpu.memref_slice %arg6[%arg0, %mul3A_0, %dma_wait3A] : memref<2x10112x128xf32, #tpu.memory_space<hbm>> -> memref<1x632x128xf32, #tpu.memory_space<hbm>>
      %dma_wait3A_13 = tpu.memref_squeeze %dma_wait3A_12 : memref<1x632x128xf32, #tpu.memory_space<hbm>> -> memref<632x128xf32, #tpu.memory_space<hbm>>
      %dma_wait3A_14 = arith.constant 0 : i32
      %dma_wait3A_15 = tpu.memref_slice %arg17[%mul3A_0, %dma_wait3A_14] : memref<10112x128xf32, #tpu.memory_space<vmem_shared>> -> memref<632x128xf32, #tpu.memory_space<vmem_shared>>
      tpu.wait_dma2 semaphore(%run_scoped3A : memref<!tpu.dma_semaphore, #tpu.memory_space<semaphore_mem>>) src(%dma_wait3A_15 : memref<632x128xf32, #tpu.memory_space<vmem_shared>>) dst(%dma_wait3A_13 : memref<632x128xf32, #tpu.memory_space<hbm>>)
      tpu.yield
    }) : () -> ()
    return
  }
}

module attributes {stable_mosaic.version = 14 : i64} {
  func.func @_mlp_body(%arg0: i32, %arg1: memref<2x400x128xf32, #tpu.memory_space<vmem>>, %arg2: memref<400x128xf32, #tpu.memory_space<vmem>>, %arg3: memref<256x128xf32, #tpu.memory_space<vmem>>, %arg4: memref<1x128xf32, #tpu.memory_space<vmem>>, %arg5: memref<128x128xf32, #tpu.memory_space<vmem>>, %arg6: memref<1x128xf32, #tpu.memory_space<vmem>>, %arg7: memref<128x128xf32, #tpu.memory_space<vmem>>, %arg8: memref<1x128xf32, #tpu.memory_space<vmem>>, %arg9: memref<400x128xf32, #tpu.memory_space<vmem>>) attributes {dimension_semantics = [#tpu.dimension_semantics<arbitrary>], iteration_bounds = array<i64: 25>, scalar_prefetch = 0 : i64, scratch_operands = 0 : i64, tpu.core_type = #tpu.core_type<tc>, window_params = [{transform_indices = @transform_0, window_bounds = array<i64: 2, 400, 128>}, {transform_indices = @transform_1, window_bounds = array<i64: 400, 128>}, {pipeline_mode = #tpu.pipeline_mode<synchronous>, transform_indices = @transform_2, window_bounds = array<i64: 256, 128>}, {pipeline_mode = #tpu.pipeline_mode<synchronous>, transform_indices = @transform_3, window_bounds = array<i64: 1, 128>}, {pipeline_mode = #tpu.pipeline_mode<synchronous>, transform_indices = @transform_4, window_bounds = array<i64: 128, 128>}, {pipeline_mode = #tpu.pipeline_mode<synchronous>, transform_indices = @transform_5, window_bounds = array<i64: 1, 128>}, {pipeline_mode = #tpu.pipeline_mode<synchronous>, transform_indices = @transform_6, window_bounds = array<i64: 128, 128>}, {pipeline_mode = #tpu.pipeline_mode<synchronous>, transform_indices = @transform_7, window_bounds = array<i64: 1, 128>}, {transform_indices = @transform_8, window_bounds = array<i64: 400, 128>}]} {
    %get3A = arith.constant 0 : index
    %get3A_0 = arith.constant 0 : index
    %get3A_1 = arith.constant 0 : index
    %get3A_2 = vector.load %arg1[%get3A, %get3A_0, %get3A_1] : memref<2x400x128xf32, #tpu.memory_space<vmem>>, vector<1x400x128xf32>
    %get3A_3 = vector.shape_cast %get3A_2 : vector<1x400x128xf32> to vector<400x128xf32>
    %get3A_4 = arith.constant 1 : index
    %get3A_5 = arith.constant 0 : index
    %get3A_6 = arith.constant 0 : index
    %get3A_7 = vector.load %arg1[%get3A_4, %get3A_5, %get3A_6] : memref<2x400x128xf32, #tpu.memory_space<vmem>>, vector<1x400x128xf32>
    %get3A_8 = vector.shape_cast %get3A_7 : vector<1x400x128xf32> to vector<400x128xf32>
    %add3A = arith.addf %get3A_3, %get3A_8 : vector<400x128xf32>
    %get3A_9 = arith.constant 0 : index
    %get3A_10 = arith.constant 0 : index
    %get3A_11 = vector.load %arg2[%get3A_9, %get3A_10] : memref<400x128xf32, #tpu.memory_space<vmem>>, vector<400x128xf32>
    %get3A_12 = arith.constant 0 : index
    %get3A_13 = arith.constant 0 : index
    %get3A_14 = vector.load %arg3[%get3A_12, %get3A_13] : memref<256x128xf32, #tpu.memory_space<vmem>>, vector<128x128xf32>
    %dot_general3A = arith.constant dense<0.000000e+00> : vector<400x128xf32>
    %dot_general3A_15 = tpu.matmul %add3A, %get3A_14, %dot_general3A {dimension_numbers = #tpu.dot_dimension_numbers<[1], [0], [0], [1], [0, 0, 1, 1], [], []>, precision = #tpu.contract_precision<fp32>, transpose_lhs_hint = false} : vector<400x128xf32>, vector<128x128xf32>, vector<400x128xf32> -> vector<400x128xf32>
    %get3A_16 = arith.constant 128 : index
    %get3A_17 = arith.constant 0 : index
    %get3A_18 = vector.load %arg3[%get3A_16, %get3A_17] : memref<256x128xf32, #tpu.memory_space<vmem>>, vector<128x128xf32>
    %dot_general3A_19 = arith.constant dense<0.000000e+00> : vector<400x128xf32>
    %dot_general3A_20 = tpu.matmul %get3A_11, %get3A_18, %dot_general3A_19 {dimension_numbers = #tpu.dot_dimension_numbers<[1], [0], [0], [1], [0, 0, 1, 1], [], []>, precision = #tpu.contract_precision<fp32>, transpose_lhs_hint = false} : vector<400x128xf32>, vector<128x128xf32>, vector<400x128xf32> -> vector<400x128xf32>
    %add3A_21 = arith.addf %dot_general3A_15, %dot_general3A_20 : vector<400x128xf32>
    %get3A_22 = arith.constant 0 : index
    %get3A_23 = arith.constant 0 : index
    %get3A_24 = vector.load %arg4[%get3A_22, %get3A_23] : memref<1x128xf32, #tpu.memory_space<vmem>>, vector<1x128xf32>
    %add3A_25 = vector.broadcast %get3A_24 : vector<1x128xf32> to vector<400x128xf32>
    %add3A_26 = arith.addf %add3A_21, %add3A_25 : vector<400x128xf32>
    %max3A = arith.constant 0.000000e+00 : f32
    %max3A_27 = vector.broadcast %max3A : f32 to vector<400x128xf32>
    %max3A_28 = arith.maximumf %add3A_26, %max3A_27 : vector<400x128xf32>
    %get3A_29 = arith.constant 0 : index
    %get3A_30 = arith.constant 0 : index
    %get3A_31 = vector.load %arg5[%get3A_29, %get3A_30] : memref<128x128xf32, #tpu.memory_space<vmem>>, vector<128x128xf32>
    %dot_general3A_32 = arith.constant dense<0.000000e+00> : vector<400x128xf32>
    %dot_general3A_33 = tpu.matmul %max3A_28, %get3A_31, %dot_general3A_32 {dimension_numbers = #tpu.dot_dimension_numbers<[1], [0], [0], [1], [0, 0, 1, 1], [], []>, precision = #tpu.contract_precision<fp32>, transpose_lhs_hint = false} : vector<400x128xf32>, vector<128x128xf32>, vector<400x128xf32> -> vector<400x128xf32>
    %get3A_34 = arith.constant 0 : index
    %get3A_35 = arith.constant 0 : index
    %get3A_36 = vector.load %arg6[%get3A_34, %get3A_35] : memref<1x128xf32, #tpu.memory_space<vmem>>, vector<1x128xf32>
    %add3A_37 = vector.broadcast %get3A_36 : vector<1x128xf32> to vector<400x128xf32>
    %add3A_38 = arith.addf %dot_general3A_33, %add3A_37 : vector<400x128xf32>
    %max3A_39 = arith.constant 0.000000e+00 : f32
    %max3A_40 = vector.broadcast %max3A_39 : f32 to vector<400x128xf32>
    %max3A_41 = arith.maximumf %add3A_38, %max3A_40 : vector<400x128xf32>
    %get3A_42 = arith.constant 0 : index
    %get3A_43 = arith.constant 0 : index
    %get3A_44 = vector.load %arg7[%get3A_42, %get3A_43] : memref<128x128xf32, #tpu.memory_space<vmem>>, vector<128x128xf32>
    %dot_general3A_45 = arith.constant dense<0.000000e+00> : vector<400x128xf32>
    %dot_general3A_46 = tpu.matmul %max3A_41, %get3A_44, %dot_general3A_45 {dimension_numbers = #tpu.dot_dimension_numbers<[1], [0], [0], [1], [0, 0, 1, 1], [], []>, precision = #tpu.contract_precision<fp32>, transpose_lhs_hint = false} : vector<400x128xf32>, vector<128x128xf32>, vector<400x128xf32> -> vector<400x128xf32>
    %get3A_47 = arith.constant 0 : index
    %get3A_48 = arith.constant 0 : index
    %get3A_49 = vector.load %arg8[%get3A_47, %get3A_48] : memref<1x128xf32, #tpu.memory_space<vmem>>, vector<1x128xf32>
    %add3A_50 = vector.broadcast %get3A_49 : vector<1x128xf32> to vector<400x128xf32>
    %add3A_51 = arith.addf %dot_general3A_46, %add3A_50 : vector<400x128xf32>
    %swap3A = arith.constant 0 : index
    %swap3A_52 = arith.constant 0 : index
    %swap3A_53 = vector.load %arg9[%swap3A, %swap3A_52] : memref<400x128xf32, #tpu.memory_space<vmem>>, vector<400x128xf32>
    tpu.vector_store %arg9[%swap3A, %swap3A_52], %add3A_51 {strides = array<i32>} : memref<400x128xf32, #tpu.memory_space<vmem>>, vector<400x128xf32>,
    return
  }
  func.func @transform_0(%arg0: i32) -> (i32, i32, i32) {
    %c0_i32 = arith.constant 0 : i32
    %c0_i32_0 = arith.constant 0 : i32
    %c0_i32_1 = arith.constant 0 : i32
    return %c0_i32, %arg0, %c0_i32_0 : i32, i32, i32
  }
  func.func @transform_1(%arg0: i32) -> (i32, i32) {
    %c0_i32 = arith.constant 0 : i32
    %c0_i32_0 = arith.constant 0 : i32
    return %arg0, %c0_i32 : i32, i32
  }
  func.func @transform_2(%arg0: i32) -> (i32, i32) {
    %c0_i32 = arith.constant 0 : i32
    %c0_i32_0 = arith.constant 0 : i32
    %c0_i32_1 = arith.constant 0 : i32
    return %c0_i32, %c0_i32_0 : i32, i32
  }
  func.func @transform_3(%arg0: i32) -> (i32, i32) {
    %c0_i32 = arith.constant 0 : i32
    %c0_i32_0 = arith.constant 0 : i32
    %c0_i32_1 = arith.constant 0 : i32
    return %c0_i32, %c0_i32_0 : i32, i32
  }
  func.func @transform_4(%arg0: i32) -> (i32, i32) {
    %c0_i32 = arith.constant 0 : i32
    %c0_i32_0 = arith.constant 0 : i32
    %c0_i32_1 = arith.constant 0 : i32
    return %c0_i32, %c0_i32_0 : i32, i32
  }
  func.func @transform_5(%arg0: i32) -> (i32, i32) {
    %c0_i32 = arith.constant 0 : i32
    %c0_i32_0 = arith.constant 0 : i32
    %c0_i32_1 = arith.constant 0 : i32
    return %c0_i32, %c0_i32_0 : i32, i32
  }
  func.func @transform_6(%arg0: i32) -> (i32, i32) {
    %c0_i32 = arith.constant 0 : i32
    %c0_i32_0 = arith.constant 0 : i32
    %c0_i32_1 = arith.constant 0 : i32
    return %c0_i32, %c0_i32_0 : i32, i32
  }
  func.func @transform_7(%arg0: i32) -> (i32, i32) {
    %c0_i32 = arith.constant 0 : i32
    %c0_i32_0 = arith.constant 0 : i32
    %c0_i32_1 = arith.constant 0 : i32
    return %c0_i32, %c0_i32_0 : i32, i32
  }
  func.func @transform_8(%arg0: i32) -> (i32, i32) {
    %c0_i32 = arith.constant 0 : i32
    %c0_i32_0 = arith.constant 0 : i32
    return %arg0, %c0_i32 : i32, i32
  }
}

</mosaic_0001>

<sc_bundles>
// kernel: kernel.4.cloned.1.call-start
scs
__scs_entry_jumppad:
0x0: {  	(pc) =	sbr.rel $0x88, $3  }
0x1: {  	(tag) =	ssettag $0x0;
	lr =	simm.s32 $0x1  }
0x2: {  	[smem:$0x3F99] =	sst lr;
	_ =	strace $0xD0000000  }
0x3: {  	_ = 	snop  }
0x4: {  	_ = 	snop  }
0x5: {  	_ = 	snop  }
0x6: {  	_ = 	snop  }
0x7: {  	_ = 	snop  }
__scs_overlays_trampoline_lowered:
0x8: {  	[smem:$0x3FA8] =	sst s0  }
0x9: {  	[smem:$0x3FA9] =	sst s1  }
0xa: {  	[smem:$0x3FAA] =	sst s2  }
0xb: {  	[smem:$0x3FAB] =	sst s3  }
0xc: {  	[smem:$0x3FAC] =	sst s4  }
0xd: {  	[smem:$0x3FAD] =	sst s5  }
0xe: {  	[smem:$0x3FAE] =	sst s6  }
0xf: {  	[smem:$0x3FAF] =	sst s7  }
0x10: {  	[smem:$0x3FB0] =	sst s8  }
0x11: {  	[smem:$0x3FB1] =	sst s9;
	s0 =	simm.s32 @!p0 $0x0  }
0x12: {  	s1 =	sld [smem:$0x3F97];
	s0 =	simm.s32 @p0 $0x1  }
0x13: {  	[smem:$0x3FB2] =	sst s0;
	s0 =	simm.s32 @!p1 $0x0  }
0x14: {  	s2 =	sld [smem:$0x3F96];
	s0 =	simm.s32 @p1 $0x1  }
0x15: {  	[smem:$0x3FB3] =	sst s0;
	s0 =	simm.s32 @!p2 $0x0  }
0x16: {  	s3 =	sld [smem:$0x3FDB];
	s0 =	simm.s32 @p2 $0x1  }
0x17: {  	s4 =	simm.s32 $0x1BF5;
	[smem:$0x3FB5] =	sst s0  }
0x18: {  	s0 =	sld [smem:$0x3F98];
	_ =	swait.ge [sflag:s4], $0x0  }
0x19: {  	s7 =	sld [smem:$0x3F99]  }
0x1a: {  	s8 =	sadd.s32 $0xFFFFE003, lr  }
0x1b: {  	s9 =	sadd.s32 $0xFFFFFEF7, lr;
	s5 =	simm.s32 $0xFFFFFFFF;
	p2 =	slt.u32 s8, $0xFFFFF086  }
0x1c: {  	p1 =	slt.u32 s9, $0xF7A;
	s5 =	simm.s32 @!p2 $0x0  }
0x1d: {  	s5 =	simm.s32 @p1 $0x1;
	p0 =	seq.s32 s7, s2  }
0x1e: {  	s7 =	smul.u32 @!p0 $0xF7A, s2;
	p2 =	seq.s32 @!p0 s5, $0x0  }
0x1f: {  	s9 =	smul.u32 $0xF7A, s1;
	s8 =	simm.s32 @!p0 $0x1BF5;
	p2 =	por !p2, p0  }
0x20: {  	[sflag:s8] =	ssyncset.s32 @!p0 $0xFFFFF086;
	s6 =	sadd.s32 @!p0 s3, s7;
	s7 =	simm.s32 @!p0 $0x108  }
0x21: {  	s3 =	sadd.s32 s3, s9;
	s6 =	sadd.s32 @!p0 $0x88, s6;
	s7 =	simm.s32 @p2 $0x1082  }
0x22: {  	[simem:s7], [sflag:s8] =	dma.local @!p0 [hbm:s6], $0xF7A  }
0x23: {  	s9 =	sor.u32 $0xD0000000, s2;
	s6 =	simm.s32 $0x108;
	_ =	swait.ge @!p0 [sflag:s8], $0x0  }
0x24: {  	s3 =	sadd.s32 $0x88, s3;
	s6 =	simm.s32 @!p1 $0x1082;
	[sflag:s4] =	ssyncset.s32 $0xFFFFF086  }
0x25: {  	[simem:s6], [sflag:s4] =	dma.local [hbm:s3], $0xF7A  }
0x26: {  	[smem:$0x3F99] =	sst s1;
	(tag) =	ssettag s2;
	_ =	strace s9  }
0x27: {  	s1 =	sld [smem:$0x3FA9]  }
0x28: {  	s2 =	sld [smem:$0x3FAA]  }
0x29: {  	s4 =	sld [smem:$0x3FAC]  }
0x2a: {  	p0 =	seq.s32 s5, $0x0;
	s5 =	sld [smem:$0x3FAD]  }
0x2b: {  	s6 =	sld [smem:$0x3FAE]  }
0x2c: {  	s7 =	sld [smem:$0x3FAF]  }
0x2d: {  	s3 =	simm.s32 $0x108;
	s8 =	sld [smem:$0x3FB0]  }
0x2e: {  	s3 =	simm.s32 @!p0 $0x1082;
	s9 =	sld [smem:$0x3FB1]  }
0x2f: {  	lr =	sadd.s32 s0, s3;
	s0 =	sld [smem:$0x3FA8]  }
0x30: {  	s3 =	sld [smem:$0x3FAB]  }
0x31: {  	[smem:$0x3FB4] =	sst s10  }
0x32: {  	s10 =	sld [smem:$0x3FB2];
	_ =	sdelay $0x3  }
0x33: {  	p0 =	seq.s32 s10, $0x1;
	s10 =	sld [smem:$0x3FB4];
	_ =	sdelay $0x3  }
0x34: {  	[smem:$0x3FB4] =	sst s10  }
0x35: {  	s10 =	sld [smem:$0x3FB3];
	_ =	sdelay $0x3  }
0x36: {  	p1 =	seq.s32 s10, $0x1;
	s10 =	sld [smem:$0x3FB4];
	_ =	sdelay $0x3  }
0x37: {  	[smem:$0x3FB4] =	sst s10  }
0x38: {  	s10 =	sld [smem:$0x3FB5]  }
0x39: {  	_ = 	snop;
	(pc) =	sbr.ind lr, $3  }
0x3a: {  	_ = 	snop  }
0x3b: {  	_ = 	snop  }
0x3c: {  	p2 =	seq.s32 s10, $0x1;
	s10 =	sld [smem:$0x3FB4]  }
0x3d: {  	_ =	shalt  }
0x3e: {  	_ =	shalt  }
0x3f: {  	_ =	shalt  }
0x40: {  	_ =	shalt  }
0x41: {  	_ =	shalt  }
0x42: {  	_ =	shalt  }
0x43: {  	_ =	shalt  }
0x44: {  	_ =	shalt  }
0x45: {  	_ =	shalt  }
0x46: {  	_ =	shalt  }
0x47: {  	_ =	shalt  }
0x48: {  	_ =	shalt  }
0x49: {  	_ =	shalt  }
0x4a: {  	_ =	shalt  }
0x4b: {  	_ =	shalt  }
0x4c: {  	_ =	shalt  }
0x4d: {  	_ =	shalt  }
0x4e: {  	_ =	shalt  }
0x4f: {  	_ =	shalt  }
0x50: {  	_ =	shalt  }
0x51: {  	_ =	shalt  }
0x52: {  	_ =	shalt  }
0x53: {  	_ =	shalt  }
0x54: {  	_ =	shalt  }
0x55: {  	_ =	shalt  }
0x56: {  	_ =	shalt  }
0x57: {  	_ =	shalt  }
0x58: {  	_ =	shalt  }
0x59: {  	_ =	shalt  }
0x5a: {  	_ =	shalt  }
0x5b: {  	_ =	shalt  }
0x5c: {  	_ =	shalt  }
0x5d: {  	_ =	shalt  }
0x5e: {  	_ =	shalt  }
0x5f: {  	_ =	shalt  }
0x60: {  	_ =	shalt  }
0x61: {  	_ =	shalt  }
0x62: {  	_ =	shalt  }
0x63: {  	_ =	shalt  }
0x64: {  	_ =	shalt  }
0x65: {  	_ =	shalt  }
0x66: {  	_ =	shalt  }
0x67: {  	_ =	shalt  }
0x68: {  	_ =	shalt  }
0x69: {  	_ =	shalt  }
0x6a: {  	_ =	shalt  }
0x6b: {  	_ =	shalt  }
0x6c: {  	_ =	shalt  }
0x6d: {  	_ =	shalt  }
0x6e: {  	_ =	shalt  }
0x6f: {  	_ =	shalt  }
0x70: {  	_ =	shalt  }
0x71: {  	_ =	shalt  }
0x72: {  	_ =	shalt  }
0x73: {  	_ =	shalt  }
0x74: {  	_ =	shalt  }
0x75: {  	_ =	shalt  }
0x76: {  	_ =	shalt  }
0x77: {  	_ =	shalt  }
0x78: {  	_ =	shalt  }
0x79: {  	_ =	shalt  }
0x7a: {  	_ =	shalt  }
0x7b: {  	_ =	shalt  }
0x7c: {  	_ =	shalt  }
0x7d: {  	_ =	shalt  }
0x7e: {  	_ =	shalt  }
0x7f: {  	_ =	shalt  }
0x80: {  	_ =	shalt  }
0x81: {  	_ =	shalt  }
0x82: {  	_ =	shalt  }
0x83: {  	_ =	shalt  }
0x84: {  	_ =	shalt  }
0x85: {  	_ =	shalt  }
0x86: {  	_ =	shalt  }
0x87: {  	_ =	shalt  }
.Lfunc_end0:
.L_simem_size_0:
called_computation_lowered:
.L_overlay_start_0:
0x88: {  	s2 =	sld [smem:$0x3FD9]  }
0x89: {  	s3 =	sld [smem:$0x3FFE];
	_ =	sdelay $0x1  }
0x8a: {  	s1 =	srdreg.scid  }
0x8b: {  	s0 =	sand.u32 $0x1, s1  }
0x8c: {  	s17 =	sshll.u32 s0, $0xA;
	s2 =	sadd.s32 s3, s2  }
0x8d: {  	s2 =	sadd.s32 s2, s17  }
0x8e: {  	[smem:$0x3FC0] =	sst s2  }
0x8f: {  	_ = 	snop  }
0x90: {  	s2 =	sld [smem:$0x3FC9]  }
0x91: {  	s18 =	sld [smem:$0x3FD0];
	(tm) =	ssettm $0x1  }
0x92: {  	s4 =	sld [smem:$0x3FFB];
	_ =	sdelay $0x3  }
0x93: {  	_ =	strace s4  }
0x94: {  	s4 =	sld [smem:$0x3FFC];
	_ =	sdelay $0x3  }
0x95: {  	_ =	strace s4  }
0x96: {  	s4 =	sld [smem:$0x3FFD];
	_ =	sdelay $0x3  }
0x97: {  	_ =	strace s4  }
0x98: {  	_ =	strace $0x8FFFFFFF  }
0x99: {  	s19 =	sld [smem:$0x3FDB];
	_ =	sdelay $0x1  }
0x9a: {  	s5 =	simm.s32 $_scs_section_size  }
0x9b: {  	s6 =	simm.s32 $_size__tile_overlayer_lowered;
	s7 =	simm.s32 $_tile_overlayer_lowered  }
0x9c: {  	s22 =	simm.s32 $0x1BFF;
	s21 =	sshll.u32 s7, $0x1;
	s4 =	sadd.s32 s5, s19  }
0x9d: {  	s8 =	simm.s32 $0x0;
	s20 =	sshll.u32 s6, $0x1;
	s6 =	sadd.s32 s21, s4  }
0x9e: {  	[timem:s8], [sflag:s22] =	dma.local [hbm:s6], s20  }
0x9f: {  	_ =	swait.ge [sflag:s22], s20  }
0xa0: {  	s5 =	ssub.s32 $0x0, s20;
	[sflag:s22] =	ssyncset.done $0x0  }
0xa1: {  	[sflag:s22] =	ssyncadd.s32 s5;
	_ =	sdelay $0x1  }
0xa2: {  	s23 =	simm.s32 $0x1B8B  }
0xa3: {  	_ =	swait.ge [sflag:s23], $0x1  }
0xa4: {  	[sflag:s23] =	ssyncset.done $0x0  }
0xa5: {  	s25 =	simm.s32 $0x1B8E;
	s24 =	sld [smem:$0x3FFE];
	[sflag:s23] =	ssyncadd.s32 $0xFFFFFFFF  }
0xa6: {  	s26 =	simm.s32 $execute0_lowered;
	[smem:$0x3FD2] =	sst s25  }
0xa7: {  	s6 =	sshll.u32 s26, $0x1;
	_ =	strace $0x80000046;
	[dreg:$0x1] =	wrdreg $0xFFFFFFFF  }
0xa8: {  	s28 =	simm.s32 $_size_execute0_lowered;
	s4 =	sadd.s32 s4, s6;
	[dreg:$0x0] =	wrdreg $0x0  }
0xa9: {  	s6 =	sshll.u32 s28, $0x1;
	[dreg:$0x2] =	wrdreg s4  }
0xaa: {  	[dreg:$0x3] =	wrdreg s6  }
0xab: {  	[dreg:$0x4] =	wrdreg $0xC0  }
0xac: {  	_ =	task [dreg:s8], $0x5FFFF  }
0xad: {  	[dreg:$0x1] =	wrdreg $0xFFFFFFFF  }
0xae: {  	[dreg:$0x0] =	wrdreg $0x60  }
0xaf: {  	[dreg:$0x2] =	wrdreg s2  }
0xb0: {  	[dreg:$0x3] =	wrdreg s24  }
0xb1: {  	[dreg:$0x4] =	wrdreg s18  }
0xb2: {  	[dreg:$0x5] =	wrdreg $0xA8000  }
0xb3: {  	[dreg:$0x6] =	wrdreg $0x9  }
0xb4: {  	_ =	task.clear_ibuf [dreg:s8], $0x7FFFF;
	_ =	strace $0x90000046  }
0xb5: {  	s29 =	simm.s32 $0x9;
	_ =	strace $0x80000048  }
0xb6: {  	_ =	swait.ge [sflag:s29], $0x1  }
0xb7: {  	[sflag:s29] =	ssyncadd.s32 $0xFFFFFFFF  }
0xb8: {  	_ =	strace $0x90000048  }
0xb9: {  	_ =	sfence  }
0xba: {  	s30 =	sld [smem:$0x0];
	_ =	sdelay $0x2  }
0xbb: {  	s31 =	sshll.u32 s1, $0xD;
	s1 =	sshrl.u32 s1, $0x2  }
0xbc: {  	s3 =	sand.u32 $0x4000, s31;
	s1 =	sadd.s32 s1, s30  }
0xbd: {  	s0 =	sor.u32 s3, s0;
	s1 =	sshll.u32 s1, $0x11  }
0xbe: {  	s0 =	sor.u32 s1, s0  }
0xbf: {  	s0 =	sadd.s32 $0x8F2B, s0  }
0xc0: {  	[sflag:s0] =	ssyncadd.remote.s32 $0x1  }
0xc1: {  	_ =	sfence.sel $0xFFFF  }
0xc2: {  	[dreg:$0x0] =	wrdreg $0xFFFFFFFF;
	(pc) =	sbr.abs _section_cstart, $3  }
0xc3: {  	[dreg:$0x1] =	wrdreg $0xFFFFFFFF  }
0xc4: {  	_ =	task.clear_ibuf [dreg:s8], $0x2FFFF;
	_ =	strace $0x9FFFFFFF  }
0xc5: {  	(tm) =	ssettm $0x7FFFFFFF  }
tec
execute0_lowered:
.L_overlay_start_1:
0x0: {  	(tag) =	ssettag $0x1  }
0x1: {  	s1 =	rddreg [dreg:$0x0]  }
0x2: {  	s0 =	rddreg [dreg:$0x1]  }
0x3: {  	s2 =	rddreg [dreg:$0x2]  }
0x4: {  	s3 =	rddreg [dreg:$0x3]  }
0x5: {  	s11 =	stileid.u32;
	s5 =	srdreg.scid;
	s4 =	simm.s32 $0x0  }
0x6: {  	s31 =	simm.s32 $0x6800;
	s13 =	simm.s32 $0x3;
	s6 =	smul.u32 $0x13C00, s11  }
0x7: {  	s14 =	simm.s32 $0x5;
	s15 =	simm.s32 $0x7;
	s16 =	smul.u32 $0x4F000, s11  }
0x8: {  	s5 =	sand.u32 $0x1, s5;
	[smem:$0x7FF] =	sst s4;
	s21 =	smul.u32 $0x4C00, s11  }
0x9: {  	s19 =	sshll.u32 s11, $0x6;
	s20 =	sshll.u32 s11, $0x7;
	s11 =	smul.u32 $0x980, s11  }
0xa: {  	s9 =	sadd.s32 $0x1400, s0;
	s7 =	smul.u32 $0x13C000, s5;
	_ =	strace $0x80000047  }
0xb: {  	s10 =	ssub.s32 $0x2, s5;
	p0 =	sne.s32 s5, $0x0;
	s8 =	sshrl.u32 s6, $0x3  }
0xc: {  	s17 =	sshrl.u32 s10, $0x1;
	s22 =	sshrl.u32 s21, $0x3;
	s23 =	sadd.s32 s9, s11  }
0xd: {  	s24 =	sadd.s32 s2, s11;
	s11 =	simm.s32 $0x9800;
	s8 =	sadd.s32 s8, s0  }
0xe: {  	s6 =	sadd.s32 s6, s7;
	s7 =	sshrl.u32 s16, $0x2;
	[dreg:$0x9] =	wrdreg s23  }
0xf: {  	[dreg:$0xa] =	wrdreg s24;
	s25 =	sadd.s32 $0x280, s22;
	s28 =	sadd.s32 $0x500, s22  }
0x10: {  	s23 =	simm.s32 $0x2800;
	s16 =	simm.s32 $0x8;
	s7 =	sadd.s32 s7, s3  }
0x11: {  	s6 =	sshrl.u32 s6, $0x3;
	s18 =	sadd.s32 $0xB400, s8;
	[dreg:$0x5] =	wrdreg s7  }
0x12: {  	s8 =	sor.u32 $0x9800, s20;
	s26 =	sadd.s32 s9, s25;
	[dreg:$0x6] =	wrdreg s18  }
0x13: {  	s29 =	sadd.s32 s9, s28;
	s20 =	simm.s32 $0x9;
	[dreg:$0xb] =	wrdreg s26  }
0x14: {  	s0 =	sadd.s32 s6, s0;
	s12 =	sadd.s32 s9, s8;
	[dreg:$0xd] =	wrdreg s29  }
0x15: {  	s6 =	ssub.s32 s10, s17;
	s8 =	sadd.s32 s2, s8;
	[dreg:$0x7] =	wrdreg s12  }
0x16: {  	s7 =	sor.u32 $0x1C09, s19;
	s10 =	sadd.s32 s2, s25;
	[dreg:$0x8] =	wrdreg s8  }
0x17: {  	s26 =	simm.s32 $0x4800;
	[dreg:$0xc] =	wrdreg s10;
	s10 =	sadd.s32 s2, s28  }
0x18: {  	s8 =	sadd.s32 $0x780, s22;
	s0 =	sadd.s32 $0x32C00, s0;
	s30 =	smax.u32 s6, $0x1  }
.Ltmp0:
0x19: {  	s22 =	simm.s32 $0x20;
	[dreg:$0xe] =	wrdreg s10;
	(pc) =	sbr.rel .LBB2_1-.Ltmp0, $4  }
0x1a: {  	s12 =	simm.s32 $0x1;
	s9 =	sadd.s32 s9, s8;
	[dreg:$0x11] =	wrdreg s0  }
0x1b: {  	s2 =	sadd.s32 s2, s8;
	[dreg:$0x12] =	wrdreg s30;
	s0 =	simm.s32 $0xA0  }
0x1c: {  	s8 =	simm.s32 $0xC0;
	s10 =	simm.s32 $0xE0;
	[dreg:$0xf] =	wrdreg s9  }
0x1d: {  	[dreg:$0x10] =	wrdreg s2;
	s2 =	simm.s32 $0x7800;
	s9 =	simm.s32 $0x8800  }
.LBB2_17:
0x1e: {  	_ =	swait.ge [sflag:s16], $0x1000  }
0x1f: {  	s5 =	sshra.s32 s5, $0x2;
	[sflag:s16] =	ssyncset.done $0x0  }
0x20: {  	s5 =	sadd.s32 $0x14E0, s5;
	[sflag:s16] =	ssyncadd.s32 $0xFFFFF000  }
0x21: {  	[spmem:s3] =	stream.indirect.scatter.add.f32 [tilespmem:s11], [sflag:$0x9], $0x80, s5, s22, $0xb8;
	[tilespmem:$0x1E400] =	vst v63  }
0x22: {  	_ =	swait.ge [sflag:s20], $0x1000  }
0x23: {  	[sflag:s20] =	ssyncset.done $0x0  }
0x24: {  	[sflag:s20] =	ssyncadd.s32 $0xFFFFF000  }
0x25: {  	[bflag:$0x0] =	sbarrier.arrive $0xFFFF  }
0x26: {  	s29 =	rddreg [dreg:$0x11]  }
0x27: {  	[hbm:s29], [sflag:s7] =	dma.local [spmem:s17], $0x2780  }
0x28: {  	_ =	swait.ge [sflag:s20], $0x2780  }
0x29: {  	s4 =	sadd.s32 $0x1, s4;
	s30 =	rddreg [dreg:$0x12]  }
0x2a: {  	p1 =	sne.s32 s4, s30  }
.Ltmp1:
0x2b: {  	_ = 	snop;
	(pc) =	sbr.rel @!p1 .LBB2_18-.Ltmp1, $3  }
0x2c: {  	_ =	sdelay $0x1  }
0x2d: {  	[sflag:s20] =	ssyncset.done $0x0  }
0x2e: {  	[sflag:s20] =	ssyncadd.s32 $0xFFFFD880  }
.LBB2_1:
0x2f: {  	s5 =	rddreg [dreg:$0x5]  }
0x30: {  	s30 =	rddreg [dreg:$0x6];
	s17 =	sshrl.u32 s5, $0x3  }
0x31: {  	[spmem:s17], [sflag:s7] =	dma.local [hbm:s30], $0x2780  }
.Ltmp2:
0x32: {  	_ =	swait.ge [sflag:s20], $0x2780;
	(pc) =	sbr.rel @p0 .LBB2_14-.Ltmp2, $4  }
0x33: {  	[sflag:s20] =	ssyncset.done $0x0  }
0x34: {  	[sflag:s20] =	ssyncadd.s32 $0xFFFFD880  }
0x35: {  	[bflag:$0x0] =	sbarrier.arrive $0xFFFF  }
0x36: {  	s5 =	simm.s32 $0x0  }
0x37: {  	s6 =	rddreg [dreg:$0x9]  }
0x38: {  	[tilespmem:s5], [sflag:$0x9] =	stream.linear.gather [hbm4b:s6+s5], $0x1400, $0x38;
	[tilespmem:$0x1E400] =	vst v63  }
0x39: {  	_ =	swait.ge [sflag:s20], $0x1400  }
0x3a: {  	[sflag:s20] =	ssyncset.done $0x0  }
0x3b: {  	s18 =	simm.s32 $0x1400;
	s21 =	rddreg [dreg:$0xa];
	[sflag:s20] =	ssyncadd.s32 $0xFFFFEC00  }
0x3c: {  	[tilespmem:s18], [sflag:$0x9] =	stream.linear.gather [hbm4b:s21+s5], $0x1400, $0x38;
	[tilespmem:$0x1E400] =	vst v63  }
0x3d: {  	_ =	swait.ge [sflag:s20], $0x1400  }
0x3e: {  	[sflag:s20] =	ssyncset.done $0x0  }
0x3f: {  	[sflag:s20] =	ssyncadd.s32 $0xFFFFEC00  }
0x40: {  	[tilespmem:s23], [sflag:$0x1] =	stream.indirect.gather [hbm4b:s1+s22], $0x80, s5, s22, $0xb8;
	[tilespmem:$0x1E400] =	vst v63  }
0x41: {  	s24 =	simm.s32 $0x3800  }
0x42: {  	[tilespmem:s24], [sflag:$0x2] =	stream.indirect.gather [hbm4b:s1+s22], $0x80, s22, s22, $0xb8;
	[tilespmem:$0x1E400] =	vst v63  }
0x43: {  	s25 =	simm.s32 $0x40  }
0x44: {  	[tilespmem:s26], [sflag:$0x3] =	stream.indirect.gather [hbm4b:s1+s22], $0x80, s25, s22, $0xb8;
	[tilespmem:$0x1E400] =	vst v63  }
0x45: {  	s28 =	simm.s32 $0x60;
	s29 =	simm.s32 $0x5800  }
0x46: {  	[tilespmem:s29], [sflag:$0x4] =	stream.indirect.gather [hbm4b:s1+s22], $0x80, s28, s22, $0xb8;
	[tilespmem:$0x1E400] =	vst v63  }
0x47: {  	s30 =	simm.s32 $0x80  }
0x48: {  	[tilespmem:s31], [sflag:$0x5] =	stream.indirect.gather [hbm4b:s1+s22], $0x80, s30, s22, $0xb8;
	[tilespmem:$0x1E400] =	vst v63  }
0x49: {  	_ = 	snop  }
0x4a: {  	[tilespmem:s2], [sflag:$0x6] =	stream.indirect.gather [hbm4b:s1+s22], $0x80, s0, s22, $0xb8;
	[tilespmem:$0x1E400] =	vst v63  }
0x4b: {  	_ = 	snop  }
0x4c: {  	[tilespmem:s9], [sflag:$0x7] =	stream.indirect.gather [hbm4b:s1+s22], $0x80, s8, s22, $0xb8;
	[tilespmem:$0x1E400] =	vst v63  }
0x4d: {  	_ = 	snop  }
0x4e: {  	[tilespmem:s11], [sflag:$0x8] =	stream.indirect.gather [hbm4b:s1+s22], $0x80, s10, s22, $0xb8;
	[tilespmem:$0x1E400] =	vst v63  }
.LBB2_3:
0x4f: {  	_ =	swait.ge [sflag:s12], $0x1000  }
0x50: {  	s6 =	sshra.s32 s5, $0x2;
	[sflag:s12] =	ssyncset.done $0x0  }
0x51: {  	s18 =	sadd.s32 $0x1400, s6;
	[sflag:s12] =	ssyncadd.s32 $0xFFFFF000  }
0x52: {  	[spmem:s3] =	stream.indirect.scatter.add.f32 [tilespmem:s23], [sflag:$0x9], $0x80, s18, s22, $0xb8;
	[tilespmem:$0x1E400] =	vst v63  }
0x53: {  	_ =	swait.ge [sflag:s20], $0x1000  }
0x54: {  	p1 =	seq.s32 s5, $0x4C00;
	[sflag:s20] =	ssyncset.done $0x0  }
0x55: {  	s18 =	simm.s32 @p1 $0x2;
	[sflag:s20] =	ssyncadd.s32 $0xFFFFF000  }
0x56: {  	s21 =	sshra.s32 @p1 s5, $0x2;
	_ =	swait.ge @p1 [sflag:s18], $0x1000  }
0x57: {  	s24 =	simm.s32 @p1 $0x20;
	s19 =	simm.s32 @p1 $0x3800;
	[sflag:s18] =	ssyncset.done @p1 $0x0  }
0x58: {  	s25 =	simm.s32 @p1 $0x9;
	[sflag:s18] =	ssyncadd.s32 @p1 $0xFFFFF000;
	s18 =	sadd.s32 @p1 $0x1420, s21  }
0x59: {  	[spmem:s3] =	stream.indirect.scatter.add.f32 @p1 [tilespmem:s19], [sflag:$0x9], $0x80, s18, s24, $0xb8;
	[tilespmem:$0x1E400] =	vst v63  }
0x5a: {  	_ =	swait.ge @p1 [sflag:s25], $0x1000  }
0x5b: {  	s29 =	simm.s32 @!p1 $0x2800;
	s18 =	sshra.s32 @!p1 s5, $0x2;
	[sflag:s25] =	ssyncset.done @p1 $0x0  }
0x5c: {  	s19 =	simm.s32 @!p1 $0x20;
	s28 =	sadd.s32 @!p1 $0x100, s18;
	[sflag:s25] =	ssyncadd.s32 @p1 $0xFFFFF000  }
0x5d: {  	[tilespmem:s29], [sflag:$0x1] =	stream.indirect.gather @!p1 [hbm4b:s1+s19], $0x80, s28, s19, $0xb8;
	[tilespmem:$0x1E400] =	vst v63  }
0x5e: {  	s28 =	simm.s32 @!p1 $0x2  }
0x5f: {  	_ =	swait.ge @!p1 [sflag:s28], $0x1000  }
0x60: {  	[sflag:s28] =	ssyncset.done @!p1 $0x0  }
0x61: {  	s29 =	simm.s32 @!p1 $0x3800;
	[sflag:s28] =	ssyncadd.s32 @!p1 $0xFFFFF000;
	s28 =	sadd.s32 @!p1 $0x1420, s18  }
0x62: {  	[spmem:s3] =	stream.indirect.scatter.add.f32 @!p1 [tilespmem:s29], [sflag:$0x9], $0x80, s28, s19, $0xb8;
	[tilespmem:$0x1E400] =	vst v63  }
0x63: {  	s28 =	simm.s32 @!p1 $0x9  }
0x64: {  	_ =	swait.ge @!p1 [sflag:s28], $0x1000  }
0x65: {  	[sflag:s28] =	ssyncset.done @!p1 $0x0  }
0x66: {  	s30 =	sadd.s32 @!p1 $0x120, s18;
	[sflag:s28] =	ssyncadd.s32 @!p1 $0xFFFFF000  }
0x67: {  	[tilespmem:s29], [sflag:$0x2] =	stream.indirect.gather @!p1 [hbm4b:s1+s19], $0x80, s30, s19, $0xb8;
	[tilespmem:$0x1E400] =	vst v63  }
0x68: {  	_ =	swait.ge [sflag:s13], $0x1000  }
0x69: {  	[sflag:s13] =	ssyncset.done $0x0  }
0x6a: {  	s30 =	sadd.s32 $0x1440, s6;
	[sflag:s13] =	ssyncadd.s32 $0xFFFFF000  }
0x6b: {  	[spmem:s3] =	stream.indirect.scatter.add.f32 [tilespmem:s26], [sflag:$0x9], $0x80, s30, s22, $0xb8;
	[tilespmem:$0x1E400] =	vst v63  }
0x6c: {  	_ =	swait.ge [sflag:s20], $0x1000  }
0x6d: {  	[sflag:s20] =	ssyncset.done $0x0  }
0x6e: {  	s29 =	simm.s32 @p1 $0x4;
	[sflag:s20] =	ssyncadd.s32 $0xFFFFF000  }
0x6f: {  	_ =	swait.ge @p1 [sflag:s29], $0x1000  }
0x70: {  	[sflag:s29] =	ssyncset.done @p1 $0x0  }
0x71: {  	s30 =	simm.s32 @p1 $0x5800;
	[sflag:s29] =	ssyncadd.s32 @p1 $0xFFFFF000;
	s29 =	sadd.s32 @p1 $0x1460, s21  }
0x72: {  	[spmem:s3] =	stream.indirect.scatter.add.f32 @p1 [tilespmem:s30], [sflag:$0x9], $0x80, s29, s24, $0xb8;
	[tilespmem:$0x1E400] =	vst v63  }
0x73: {  	_ =	swait.ge @p1 [sflag:s25], $0x1000  }
0x74: {  	[sflag:s25] =	ssyncset.done @p1 $0x0  }
0x75: {  	s29 =	sadd.s32 @!p1 $0x140, s18;
	s30 =	simm.s32 @!p1 $0x4800;
	[sflag:s25] =	ssyncadd.s32 @p1 $0xFFFFF000  }
0x76: {  	[tilespmem:s30], [sflag:$0x3] =	stream.indirect.gather @!p1 [hbm4b:s1+s19], $0x80, s29, s19, $0xb8;
	[tilespmem:$0x1E400] =	vst v63  }
0x77: {  	s29 =	simm.s32 @!p1 $0x4  }
0x78: {  	_ =	swait.ge @!p1 [sflag:s29], $0x1000  }
0x79: {  	[sflag:s29] =	ssyncset.done @!p1 $0x0  }
0x7a: {  	s30 =	simm.s32 @!p1 $0x5800;
	[sflag:s29] =	ssyncadd.s32 @!p1 $0xFFFFF000;
	s29 =	sadd.s32 @!p1 $0x1460, s18  }
0x7b: {  	[spmem:s3] =	stream.indirect.scatter.add.f32 @!p1 [tilespmem:s30], [sflag:$0x9], $0x80, s29, s19, $0xb8;
	[tilespmem:$0x1E400] =	vst v63  }
0x7c: {  	_ =	swait.ge @!p1 [sflag:s28], $0x1000  }
0x7d: {  	[sflag:s28] =	ssyncset.done @!p1 $0x0  }
0x7e: {  	s29 =	sadd.s32 @!p1 $0x160, s18;
	[sflag:s28] =	ssyncadd.s32 @!p1 $0xFFFFF000  }
0x7f: {  	[tilespmem:s30], [sflag:$0x4] =	stream.indirect.gather @!p1 [hbm4b:s1+s19], $0x80, s29, s19, $0xb8;
	[tilespmem:$0x1E400] =	vst v63  }
0x80: {  	_ =	swait.ge [sflag:s14], $0x1000  }
0x81: {  	[sflag:s14] =	ssyncset.done $0x0  }
0x82: {  	s30 =	sadd.s32 $0x1480, s6;
	[sflag:s14] =	ssyncadd.s32 $0xFFFFF000  }
0x83: {  	[spmem:s3] =	stream.indirect.scatter.add.f32 [tilespmem:s31], [sflag:$0x9], $0x80, s30, s22, $0xb8;
	[tilespmem:$0x1E400] =	vst v63  }
0x84: {  	_ =	swait.ge [sflag:s20], $0x1000  }
0x85: {  	[sflag:s20] =	ssyncset.done $0x0  }
0x86: {  	s29 =	simm.s32 @p1 $0x6;
	[sflag:s20] =	ssyncadd.s32 $0xFFFFF000  }
0x87: {  	_ =	swait.ge @p1 [sflag:s29], $0x1000  }
0x88: {  	[sflag:s29] =	ssyncset.done @p1 $0x0  }
0x89: {  	s21 =	sadd.s32 @p1 $0x14A0, s21;
	[sflag:s29] =	ssyncadd.s32 @p1 $0xFFFFF000;
	s29 =	simm.s32 @p1 $0x7800  }
0x8a: {  	[spmem:s3] =	stream.indirect.scatter.add.f32 @p1 [tilespmem:s29], [sflag:$0x9], $0x80, s21, s24, $0xb8;
	[tilespmem:$0x1E400] =	vst v63  }
0x8b: {  	_ =	swait.ge @p1 [sflag:s25], $0x1000  }
0x8c: {  	[sflag:s25] =	ssyncset.done @p1 $0x0  }
0x8d: {  	s21 =	sadd.s32 @!p1 $0x180, s18;
	s24 =	simm.s32 @!p1 $0x6800;
	[sflag:s25] =	ssyncadd.s32 @p1 $0xFFFFF000  }
0x8e: {  	[tilespmem:s24], [sflag:$0x5] =	stream.indirect.gather @!p1 [hbm4b:s1+s19], $0x80, s21, s19, $0xb8;
	[tilespmem:$0x1E400] =	vst v63  }
0x8f: {  	s21 =	simm.s32 @!p1 $0x6  }
0x90: {  	_ =	swait.ge @!p1 [sflag:s21], $0x1000  }
0x91: {  	[sflag:s21] =	ssyncset.done @!p1 $0x0  }
0x92: {  	s24 =	simm.s32 @!p1 $0x7800;
	[sflag:s21] =	ssyncadd.s32 @!p1 $0xFFFFF000;
	s21 =	sadd.s32 @!p1 $0x14A0, s18  }
0x93: {  	[spmem:s3] =	stream.indirect.scatter.add.f32 @!p1 [tilespmem:s24], [sflag:$0x9], $0x80, s21, s19, $0xb8;
	[tilespmem:$0x1E400] =	vst v63  }
0x94: {  	_ =	swait.ge @!p1 [sflag:s28], $0x1000  }
0x95: {  	[sflag:s28] =	ssyncset.done @!p1 $0x0  }
0x96: {  	s18 =	sadd.s32 @!p1 $0x1A0, s18;
	[sflag:s28] =	ssyncadd.s32 @!p1 $0xFFFFF000  }
0x97: {  	[tilespmem:s24], [sflag:$0x6] =	stream.indirect.gather @!p1 [hbm4b:s1+s19], $0x80, s18, s19, $0xb8;
	[tilespmem:$0x1E400] =	vst v63  }
0x98: {  	_ =	swait.ge [sflag:s15], $0x1000  }
0x99: {  	[sflag:s15] =	ssyncset.done $0x0  }
.Ltmp3:
0x9a: {  	s30 =	sadd.s32 $0x14C0, s6;
	[sflag:s15] =	ssyncadd.s32 $0xFFFFF000;
	(pc) =	sbr.rel @p1 .LBB2_5-.Ltmp3, $4  }
0x9b: {  	[spmem:s3] =	stream.indirect.scatter.add.f32 [tilespmem:s9], [sflag:$0x9], $0x80, s30, s22, $0xb8;
	[tilespmem:$0x1E400] =	vst v63  }
0x9c: {  	_ =	swait.ge [sflag:s20], $0x1000  }
0x9d: {  	[sflag:s20] =	ssyncset.done $0x0  }
0x9e: {  	s18 =	sadd.s32 $0x14E0, s6;
	[sflag:s20] =	ssyncadd.s32 $0xFFFFF000  }
0x9f: {  	s19 =	sadd.s32 $0x1C0, s6  }
0xa0: {  	[tilespmem:s9], [sflag:$0x7] =	stream.indirect.gather [hbm4b:s1+s22], $0x80, s19, s22, $0xb8;
	[tilespmem:$0x1E400] =	vst v63  }
0xa1: {  	_ =	swait.ge [sflag:s16], $0x1000  }
0xa2: {  	[sflag:s16] =	ssyncset.done $0x0  }
0xa3: {  	[sflag:s16] =	ssyncadd.s32 $0xFFFFF000  }
0xa4: {  	[spmem:s3] =	stream.indirect.scatter.add.f32 [tilespmem:s11], [sflag:$0x9], $0x80, s18, s22, $0xb8;
	[tilespmem:$0x1E400] =	vst v63  }
.Ltmp4:
0xa5: {  	_ = 	snop;
	(pc) =	sbr.rel .LBB2_3-.Ltmp4, $4  }
0xa6: {  	_ =	swait.ge [sflag:s20], $0x1000  }
0xa7: {  	[sflag:s20] =	ssyncset.done $0x0  }
0xa8: {  	s30 =	sadd.s32 $0x1E0, s6;
	s5 =	sadd.s32 $0x400, s5;
	[sflag:s20] =	ssyncadd.s32 $0xFFFFF000  }
0xa9: {  	[tilespmem:s11], [sflag:$0x8] =	stream.indirect.gather [hbm4b:s1+s22], $0x80, s30, s22, $0xb8;
	[tilespmem:$0x1E400] =	vst v63  }
.LBB2_14:
0xaa: {  	s6 =	rddreg [dreg:$0x7]  }
0xab: {  	[tilespmem:s5], [sflag:$0x9] =	stream.linear.gather [hbm4b:s6+s5], $0x400, $0x38;
	[tilespmem:$0x1E400] =	vst v63  }
0xac: {  	_ =	swait.ge [sflag:s20], $0x400  }
0xad: {  	[sflag:s20] =	ssyncset.done $0x0  }
0xae: {  	s18 =	simm.s32 $0x1400;
	s21 =	rddreg [dreg:$0x8];
	[sflag:s20] =	ssyncadd.s32 $0xFFFFFC00  }
0xaf: {  	[tilespmem:s18], [sflag:$0x9] =	stream.linear.gather [hbm4b:s21+s5], $0x400, $0x38;
	[tilespmem:$0x1E400] =	vst v63  }
0xb0: {  	_ =	swait.ge [sflag:s20], $0x400  }
0xb1: {  	[sflag:s20] =	ssyncset.done $0x0  }
0xb2: {  	[sflag:s20] =	ssyncadd.s32 $0xFFFFFC00  }
0xb3: {  	[tilespmem:s23], [sflag:$0x1] =	stream.indirect.gather [hbm4b:s1+s22], $0x80, s5, s22, $0xb8;
	[tilespmem:$0x1E400] =	vst v63  }
0xb4: {  	s24 =	simm.s32 $0x3800  }
0xb5: {  	[tilespmem:s24], [sflag:$0x2] =	stream.indirect.gather [hbm4b:s1+s22], $0x80, s22, s22, $0xb8;
	[tilespmem:$0x1E400] =	vst v63  }
0xb6: {  	s25 =	simm.s32 $0x40  }
0xb7: {  	[tilespmem:s26], [sflag:$0x3] =	stream.indirect.gather [hbm4b:s1+s22], $0x80, s25, s22, $0xb8;
	[tilespmem:$0x1E400] =	vst v63  }
0xb8: {  	s28 =	simm.s32 $0x60;
	s29 =	simm.s32 $0x5800  }
0xb9: {  	[tilespmem:s29], [sflag:$0x4] =	stream.indirect.gather [hbm4b:s1+s22], $0x80, s28, s22, $0xb8;
	[tilespmem:$0x1E400] =	vst v63  }
0xba: {  	s30 =	simm.s32 $0x80  }
0xbb: {  	[tilespmem:s31], [sflag:$0x5] =	stream.indirect.gather [hbm4b:s1+s22], $0x80, s30, s22, $0xb8;
	[tilespmem:$0x1E400] =	vst v63  }
0xbc: {  	_ = 	snop  }
0xbd: {  	[tilespmem:s2], [sflag:$0x6] =	stream.indirect.gather [hbm4b:s1+s22], $0x80, s0, s22, $0xb8;
	[tilespmem:$0x1E400] =	vst v63  }
0xbe: {  	_ = 	snop  }
0xbf: {  	[tilespmem:s9], [sflag:$0x7] =	stream.indirect.gather [hbm4b:s1+s22], $0x80, s8, s22, $0xb8;
	[tilespmem:$0x1E400] =	vst v63  }
0xc0: {  	_ = 	snop  }
0xc1: {  	[tilespmem:s11], [sflag:$0x8] =	stream.indirect.gather [hbm4b:s1+s22], $0x80, s10, s22, $0xb8;
	[tilespmem:$0x1E400] =	vst v63  }
.LBB2_15:
0xc2: {  	_ =	swait.ge [sflag:s12], $0x1000  }
0xc3: {  	s6 =	sshra.s32 s5, $0x2;
	[sflag:s12] =	ssyncset.done $0x0  }
0xc4: {  	s18 =	sadd.s32 $0x1400, s6;
	[sflag:s12] =	ssyncadd.s32 $0xFFFFF000  }
0xc5: {  	[spmem:s3] =	stream.indirect.scatter.add.f32 [tilespmem:s23], [sflag:$0x9], $0x80, s18, s22, $0xb8;
	[tilespmem:$0x1E400] =	vst v63  }
0xc6: {  	_ =	swait.ge [sflag:s20], $0x1000  }
0xc7: {  	p1 =	seq.s32 s5, $0xC00;
	[sflag:s20] =	ssyncset.done $0x0  }
0xc8: {  	s18 =	simm.s32 @p1 $0x2;
	[sflag:s20] =	ssyncadd.s32 $0xFFFFF000  }
0xc9: {  	s21 =	sshra.s32 @p1 s5, $0x2;
	_ =	swait.ge @p1 [sflag:s18], $0x1000  }
0xca: {  	s24 =	simm.s32 @p1 $0x20;
	s19 =	simm.s32 @p1 $0x3800;
	[sflag:s18] =	ssyncset.done @p1 $0x0  }
0xcb: {  	s25 =	simm.s32 @p1 $0x9;
	[sflag:s18] =	ssyncadd.s32 @p1 $0xFFFFF000;
	s18 =	sadd.s32 @p1 $0x1420, s21  }
0xcc: {  	[spmem:s3] =	stream.indirect.scatter.add.f32 @p1 [tilespmem:s19], [sflag:$0x9], $0x80, s18, s24, $0xb8;
	[tilespmem:$0x1E400] =	vst v63  }
0xcd: {  	_ =	swait.ge @p1 [sflag:s25], $0x1000  }
0xce: {  	s29 =	simm.s32 @!p1 $0x2800;
	s18 =	sshra.s32 @!p1 s5, $0x2;
	[sflag:s25] =	ssyncset.done @p1 $0x0  }
0xcf: {  	s19 =	simm.s32 @!p1 $0x20;
	s28 =	sadd.s32 @!p1 $0x100, s18;
	[sflag:s25] =	ssyncadd.s32 @p1 $0xFFFFF000  }
0xd0: {  	[tilespmem:s29], [sflag:$0x1] =	stream.indirect.gather @!p1 [hbm4b:s1+s19], $0x80, s28, s19, $0xb8;
	[tilespmem:$0x1E400] =	vst v63  }
0xd1: {  	s28 =	simm.s32 @!p1 $0x2  }
0xd2: {  	_ =	swait.ge @!p1 [sflag:s28], $0x1000  }
0xd3: {  	[sflag:s28] =	ssyncset.done @!p1 $0x0  }
0xd4: {  	s29 =	simm.s32 @!p1 $0x3800;
	[sflag:s28] =	ssyncadd.s32 @!p1 $0xFFFFF000;
	s28 =	sadd.s32 @!p1 $0x1420, s18  }
0xd5: {  	[spmem:s3] =	stream.indirect.scatter.add.f32 @!p1 [tilespmem:s29], [sflag:$0x9], $0x80, s28, s19, $0xb8;
	[tilespmem:$0x1E400] =	vst v63  }
0xd6: {  	s28 =	simm.s32 @!p1 $0x9  }
0xd7: {  	_ =	swait.ge @!p1 [sflag:s28], $0x1000  }
0xd8: {  	[sflag:s28] =	ssyncset.done @!p1 $0x0  }
0xd9: {  	s30 =	sadd.s32 @!p1 $0x120, s18;
	[sflag:s28] =	ssyncadd.s32 @!p1 $0xFFFFF000  }
0xda: {  	[tilespmem:s29], [sflag:$0x2] =	stream.indirect.gather @!p1 [hbm4b:s1+s19], $0x80, s30, s19, $0xb8;
	[tilespmem:$0x1E400] =	vst v63  }
0xdb: {  	_ =	swait.ge [sflag:s13], $0x1000  }
0xdc: {  	[sflag:s13] =	ssyncset.done $0x0  }
0xdd: {  	s30 =	sadd.s32 $0x1440, s6;
	[sflag:s13] =	ssyncadd.s32 $0xFFFFF000  }
0xde: {  	[spmem:s3] =	stream.indirect.scatter.add.f32 [tilespmem:s26], [sflag:$0x9], $0x80, s30, s22, $0xb8;
	[tilespmem:$0x1E400] =	vst v63  }
0xdf: {  	_ =	swait.ge [sflag:s20], $0x1000  }
0xe0: {  	[sflag:s20] =	ssyncset.done $0x0  }
0xe1: {  	s29 =	simm.s32 @p1 $0x4;
	[sflag:s20] =	ssyncadd.s32 $0xFFFFF000  }
0xe2: {  	_ =	swait.ge @p1 [sflag:s29], $0x1000  }
0xe3: {  	[sflag:s29] =	ssyncset.done @p1 $0x0  }
0xe4: {  	s30 =	simm.s32 @p1 $0x5800;
	[sflag:s29] =	ssyncadd.s32 @p1 $0xFFFFF000;
	s29 =	sadd.s32 @p1 $0x1460, s21  }
0xe5: {  	[spmem:s3] =	stream.indirect.scatter.add.f32 @p1 [tilespmem:s30], [sflag:$0x9], $0x80, s29, s24, $0xb8;
	[tilespmem:$0x1E400] =	vst v63  }
0xe6: {  	_ =	swait.ge @p1 [sflag:s25], $0x1000  }
0xe7: {  	[sflag:s25] =	ssyncset.done @p1 $0x0  }
0xe8: {  	s29 =	sadd.s32 @!p1 $0x140, s18;
	s30 =	simm.s32 @!p1 $0x4800;
	[sflag:s25] =	ssyncadd.s32 @p1 $0xFFFFF000  }
0xe9: {  	[tilespmem:s30], [sflag:$0x3] =	stream.indirect.gather @!p1 [hbm4b:s1+s19], $0x80, s29, s19, $0xb8;
	[tilespmem:$0x1E400] =	vst v63  }
0xea: {  	s29 =	simm.s32 @!p1 $0x4  }
0xeb: {  	_ =	swait.ge @!p1 [sflag:s29], $0x1000  }
0xec: {  	[sflag:s29] =	ssyncset.done @!p1 $0x0  }
0xed: {  	s30 =	simm.s32 @!p1 $0x5800;
	[sflag:s29] =	ssyncadd.s32 @!p1 $0xFFFFF000;
	s29 =	sadd.s32 @!p1 $0x1460, s18  }
0xee: {  	[spmem:s3] =	stream.indirect.scatter.add.f32 @!p1 [tilespmem:s30], [sflag:$0x9], $0x80, s29, s19, $0xb8;
	[tilespmem:$0x1E400] =	vst v63  }
0xef: {  	_ =	swait.ge @!p1 [sflag:s28], $0x1000  }
0xf0: {  	[sflag:s28] =	ssyncset.done @!p1 $0x0  }
0xf1: {  	s29 =	sadd.s32 @!p1 $0x160, s18;
	[sflag:s28] =	ssyncadd.s32 @!p1 $0xFFFFF000  }
0xf2: {  	[tilespmem:s30], [sflag:$0x4] =	stream.indirect.gather @!p1 [hbm4b:s1+s19], $0x80, s29, s19, $0xb8;
	[tilespmem:$0x1E400] =	vst v63  }
0xf3: {  	_ =	swait.ge [sflag:s14], $0x1000  }
0xf4: {  	[sflag:s14] =	ssyncset.done $0x0  }
0xf5: {  	s30 =	sadd.s32 $0x1480, s6;
	[sflag:s14] =	ssyncadd.s32 $0xFFFFF000  }
0xf6: {  	[spmem:s3] =	stream.indirect.scatter.add.f32 [tilespmem:s31], [sflag:$0x9], $0x80, s30, s22, $0xb8;
	[tilespmem:$0x1E400] =	vst v63  }
0xf7: {  	_ =	swait.ge [sflag:s20], $0x1000  }
0xf8: {  	[sflag:s20] =	ssyncset.done $0x0  }
0xf9: {  	s29 =	simm.s32 @p1 $0x6;
	[sflag:s20] =	ssyncadd.s32 $0xFFFFF000  }
0xfa: {  	_ =	swait.ge @p1 [sflag:s29], $0x1000  }
0xfb: {  	[sflag:s29] =	ssyncset.done @p1 $0x0  }
0xfc: {  	s21 =	sadd.s32 @p1 $0x14A0, s21;
	[sflag:s29] =	ssyncadd.s32 @p1 $0xFFFFF000;
	s29 =	simm.s32 @p1 $0x7800  }
0xfd: {  	[spmem:s3] =	stream.indirect.scatter.add.f32 @p1 [tilespmem:s29], [sflag:$0x9], $0x80, s21, s24, $0xb8;
	[tilespmem:$0x1E400] =	vst v63  }
0xfe: {  	_ =	swait.ge @p1 [sflag:s25], $0x1000  }
0xff: {  	[sflag:s25] =	ssyncset.done @p1 $0x0  }
0x100: {  	s21 =	sadd.s32 @!p1 $0x180, s18;
	s24 =	simm.s32 @!p1 $0x6800;
	[sflag:s25] =	ssyncadd.s32 @p1 $0xFFFFF000  }
0x101: {  	[tilespmem:s24], [sflag:$0x5] =	stream.indirect.gather @!p1 [hbm4b:s1+s19], $0x80, s21, s19, $0xb8;
	[tilespmem:$0x1E400] =	vst v63  }
0x102: {  	s21 =	simm.s32 @!p1 $0x6  }
0x103: {  	_ =	swait.ge @!p1 [sflag:s21], $0x1000  }
0x104: {  	[sflag:s21] =	ssyncset.done @!p1 $0x0  }
0x105: {  	s24 =	simm.s32 @!p1 $0x7800;
	[sflag:s21] =	ssyncadd.s32 @!p1 $0xFFFFF000;
	s21 =	sadd.s32 @!p1 $0x14A0, s18  }
0x106: {  	[spmem:s3] =	stream.indirect.scatter.add.f32 @!p1 [tilespmem:s24], [sflag:$0x9], $0x80, s21, s19, $0xb8;
	[tilespmem:$0x1E400] =	vst v63  }
0x107: {  	_ =	swait.ge @!p1 [sflag:s28], $0x1000  }
0x108: {  	[sflag:s28] =	ssyncset.done @!p1 $0x0  }
0x109: {  	s18 =	sadd.s32 @!p1 $0x1A0, s18;
	[sflag:s28] =	ssyncadd.s32 @!p1 $0xFFFFF000  }
0x10a: {  	[tilespmem:s24], [sflag:$0x6] =	stream.indirect.gather @!p1 [hbm4b:s1+s19], $0x80, s18, s19, $0xb8;
	[tilespmem:$0x1E400] =	vst v63  }
0x10b: {  	_ =	swait.ge [sflag:s15], $0x1000  }
0x10c: {  	[sflag:s15] =	ssyncset.done $0x0  }
.Ltmp5:
0x10d: {  	s30 =	sadd.s32 $0x14C0, s6;
	[sflag:s15] =	ssyncadd.s32 $0xFFFFF000;
	(pc) =	sbr.rel @p1 .LBB2_17-.Ltmp5, $4  }
0x10e: {  	[spmem:s3] =	stream.indirect.scatter.add.f32 [tilespmem:s9], [sflag:$0x9], $0x80, s30, s22, $0xb8;
	[tilespmem:$0x1E400] =	vst v63  }
0x10f: {  	_ =	swait.ge [sflag:s20], $0x1000  }
0x110: {  	[sflag:s20] =	ssyncset.done $0x0  }
0x111: {  	[sflag:s20] =	ssyncadd.s32 $0xFFFFF000  }
0x112: {  	s18 =	sadd.s32 $0x1C0, s6  }
0x113: {  	[tilespmem:s9], [sflag:$0x7] =	stream.indirect.gather [hbm4b:s1+s22], $0x80, s18, s22, $0xb8;
	[tilespmem:$0x1E400] =	vst v63  }
0x114: {  	_ =	swait.ge [sflag:s16], $0x1000  }
0x115: {  	[sflag:s16] =	ssyncset.done $0x0  }
0x116: {  	s29 =	sadd.s32 $0x14E0, s6;
	[sflag:s16] =	ssyncadd.s32 $0xFFFFF000  }
0x117: {  	[spmem:s3] =	stream.indirect.scatter.add.f32 [tilespmem:s11], [sflag:$0x9], $0x80, s29, s22, $0xb8;
	[tilespmem:$0x1E400] =	vst v63  }
.Ltmp6:
0x118: {  	_ = 	snop;
	(pc) =	sbr.rel .LBB2_15-.Ltmp6, $4  }
0x119: {  	_ =	swait.ge [sflag:s20], $0x1000  }
0x11a: {  	[sflag:s20] =	ssyncset.done $0x0  }
0x11b: {  	s30 =	sadd.s32 $0x1E0, s6;
	s5 =	sadd.s32 $0x400, s5;
	[sflag:s20] =	ssyncadd.s32 $0xFFFFF000  }
0x11c: {  	[tilespmem:s11], [sflag:$0x8] =	stream.indirect.gather [hbm4b:s1+s22], $0x80, s30, s22, $0xb8;
	[tilespmem:$0x1E400] =	vst v63  }
.LBB2_5:
0x11d: {  	_ =	swait.ge [sflag:s16], $0x1000  }
0x11e: {  	[sflag:s16] =	ssyncset.done $0x0  }
0x11f: {  	[sflag:s16] =	ssyncadd.s32 $0xFFFFF000  }
0x120: {  	[spmem:s3] =	stream.indirect.scatter.add.f32 [tilespmem:s11], [sflag:$0x9], $0x80, s18, s22, $0xb8;
	[tilespmem:$0x1E400] =	vst v63  }
0x121: {  	_ =	swait.ge [sflag:s20], $0x1000  }
0x122: {  	[sflag:s20] =	ssyncset.done $0x0  }
0x123: {  	s5 =	simm.s32 $0x0;
	s6 =	rddreg [dreg:$0xb];
	[sflag:s20] =	ssyncadd.s32 $0xFFFFF000  }
0x124: {  	[tilespmem:s5], [sflag:$0x9] =	stream.linear.gather [hbm4b:s6+s5], $0x1400, $0x38;
	[tilespmem:$0x1E400] =	vst v63  }
0x125: {  	_ =	swait.ge [sflag:s20], $0x1400  }
0x126: {  	[sflag:s20] =	ssyncset.done $0x0  }
0x127: {  	s21 =	simm.s32 $0x1400;
	s19 =	rddreg [dreg:$0xc];
	[sflag:s20] =	ssyncadd.s32 $0xFFFFEC00  }
0x128: {  	[tilespmem:s21], [sflag:$0x9] =	stream.linear.gather [hbm4b:s19+s5], $0x1400, $0x38;
	[tilespmem:$0x1E400] =	vst v63  }
0x129: {  	_ =	swait.ge [sflag:s20], $0x1400  }
0x12a: {  	[sflag:s20] =	ssyncset.done $0x0  }
0x12b: {  	[sflag:s20] =	ssyncadd.s32 $0xFFFFEC00  }
0x12c: {  	[tilespmem:s23], [sflag:$0x1] =	stream.indirect.gather [hbm4b:s1+s22], $0x80, s5, s22, $0xb8;
	[tilespmem:$0x1E400] =	vst v63  }
0x12d: {  	s24 =	simm.s32 $0x3800  }
0x12e: {  	[tilespmem:s24], [sflag:$0x2] =	stream.indirect.gather [hbm4b:s1+s22], $0x80, s22, s22, $0xb8;
	[tilespmem:$0x1E400] =	vst v63  }
0x12f: {  	s25 =	simm.s32 $0x40  }
0x130: {  	[tilespmem:s26], [sflag:$0x3] =	stream.indirect.gather [hbm4b:s1+s22], $0x80, s25, s22, $0xb8;
	[tilespmem:$0x1E400] =	vst v63  }
0x131: {  	s28 =	simm.s32 $0x60;
	s29 =	simm.s32 $0x5800  }
0x132: {  	[tilespmem:s29], [sflag:$0x4] =	stream.indirect.gather [hbm4b:s1+s22], $0x80, s28, s22, $0xb8;
	[tilespmem:$0x1E400] =	vst v63  }
0x133: {  	s30 =	simm.s32 $0x80  }
0x134: {  	[tilespmem:s31], [sflag:$0x5] =	stream.indirect.gather [hbm4b:s1+s22], $0x80, s30, s22, $0xb8;
	[tilespmem:$0x1E400] =	vst v63  }
0x135: {  	_ = 	snop  }
0x136: {  	[tilespmem:s2], [sflag:$0x6] =	stream.indirect.gather [hbm4b:s1+s22], $0x80, s0, s22, $0xb8;
	[tilespmem:$0x1E400] =	vst v63  }
0x137: {  	_ = 	snop  }
0x138: {  	[tilespmem:s9], [sflag:$0x7] =	stream.indirect.gather [hbm4b:s1+s22], $0x80, s8, s22, $0xb8;
	[tilespmem:$0x1E400] =	vst v63  }
0x139: {  	_ = 	snop  }
0x13a: {  	[tilespmem:s11], [sflag:$0x8] =	stream.indirect.gather [hbm4b:s1+s22], $0x80, s10, s22, $0xb8;
	[tilespmem:$0x1E400] =	vst v63  }
.LBB2_6:
0x13b: {  	_ =	swait.ge [sflag:s12], $0x1000  }
0x13c: {  	s6 =	sshra.s32 s5, $0x2;
	[sflag:s12] =	ssyncset.done $0x0  }
0x13d: {  	s18 =	sadd.s32 $0x1400, s6;
	[sflag:s12] =	ssyncadd.s32 $0xFFFFF000  }
0x13e: {  	[spmem:s3] =	stream.indirect.scatter.add.f32 [tilespmem:s23], [sflag:$0x9], $0x80, s18, s22, $0xb8;
	[tilespmem:$0x1E400] =	vst v63  }
0x13f: {  	_ =	swait.ge [sflag:s20], $0x1000  }
0x140: {  	p1 =	seq.s32 s5, $0x4C00;
	[sflag:s20] =	ssyncset.done $0x0  }
0x141: {  	s18 =	simm.s32 @p1 $0x2;
	[sflag:s20] =	ssyncadd.s32 $0xFFFFF000  }
0x142: {  	s21 =	sshra.s32 @p1 s5, $0x2;
	_ =	swait.ge @p1 [sflag:s18], $0x1000  }
0x143: {  	s24 =	simm.s32 @p1 $0x20;
	s19 =	simm.s32 @p1 $0x3800;
	[sflag:s18] =	ssyncset.done @p1 $0x0  }
0x144: {  	s25 =	simm.s32 @p1 $0x9;
	[sflag:s18] =	ssyncadd.s32 @p1 $0xFFFFF000;
	s18 =	sadd.s32 @p1 $0x1420, s21  }
0x145: {  	[spmem:s3] =	stream.indirect.scatter.add.f32 @p1 [tilespmem:s19], [sflag:$0x9], $0x80, s18, s24, $0xb8;
	[tilespmem:$0x1E400] =	vst v63  }
0x146: {  	_ =	swait.ge @p1 [sflag:s25], $0x1000  }
0x147: {  	s29 =	simm.s32 @!p1 $0x2800;
	s18 =	sshra.s32 @!p1 s5, $0x2;
	[sflag:s25] =	ssyncset.done @p1 $0x0  }
0x148: {  	s19 =	simm.s32 @!p1 $0x20;
	s28 =	sadd.s32 @!p1 $0x100, s18;
	[sflag:s25] =	ssyncadd.s32 @p1 $0xFFFFF000  }
0x149: {  	[tilespmem:s29], [sflag:$0x1] =	stream.indirect.gather @!p1 [hbm4b:s1+s19], $0x80, s28, s19, $0xb8;
	[tilespmem:$0x1E400] =	vst v63  }
0x14a: {  	s28 =	simm.s32 @!p1 $0x2  }
0x14b: {  	_ =	swait.ge @!p1 [sflag:s28], $0x1000  }
0x14c: {  	[sflag:s28] =	ssyncset.done @!p1 $0x0  }
0x14d: {  	s29 =	simm.s32 @!p1 $0x3800;
	[sflag:s28] =	ssyncadd.s32 @!p1 $0xFFFFF000;
	s28 =	sadd.s32 @!p1 $0x1420, s18  }
0x14e: {  	[spmem:s3] =	stream.indirect.scatter.add.f32 @!p1 [tilespmem:s29], [sflag:$0x9], $0x80, s28, s19, $0xb8;
	[tilespmem:$0x1E400] =	vst v63  }
0x14f: {  	s28 =	simm.s32 @!p1 $0x9  }
0x150: {  	_ =	swait.ge @!p1 [sflag:s28], $0x1000  }
0x151: {  	[sflag:s28] =	ssyncset.done @!p1 $0x0  }
0x152: {  	s30 =	sadd.s32 @!p1 $0x120, s18;
	[sflag:s28] =	ssyncadd.s32 @!p1 $0xFFFFF000  }
0x153: {  	[tilespmem:s29], [sflag:$0x2] =	stream.indirect.gather @!p1 [hbm4b:s1+s19], $0x80, s30, s19, $0xb8;
	[tilespmem:$0x1E400] =	vst v63  }
0x154: {  	_ =	swait.ge [sflag:s13], $0x1000  }
0x155: {  	[sflag:s13] =	ssyncset.done $0x0  }
0x156: {  	s30 =	sadd.s32 $0x1440, s6;
	[sflag:s13] =	ssyncadd.s32 $0xFFFFF000  }
0x157: {  	[spmem:s3] =	stream.indirect.scatter.add.f32 [tilespmem:s26], [sflag:$0x9], $0x80, s30, s22, $0xb8;
	[tilespmem:$0x1E400] =	vst v63  }
0x158: {  	_ =	swait.ge [sflag:s20], $0x1000  }
0x159: {  	[sflag:s20] =	ssyncset.done $0x0  }
0x15a: {  	s29 =	simm.s32 @p1 $0x4;
	[sflag:s20] =	ssyncadd.s32 $0xFFFFF000  }
0x15b: {  	_ =	swait.ge @p1 [sflag:s29], $0x1000  }
0x15c: {  	[sflag:s29] =	ssyncset.done @p1 $0x0  }
0x15d: {  	s30 =	simm.s32 @p1 $0x5800;
	[sflag:s29] =	ssyncadd.s32 @p1 $0xFFFFF000;
	s29 =	sadd.s32 @p1 $0x1460, s21  }
0x15e: {  	[spmem:s3] =	stream.indirect.scatter.add.f32 @p1 [tilespmem:s30], [sflag:$0x9], $0x80, s29, s24, $0xb8;
	[tilespmem:$0x1E400] =	vst v63  }
0x15f: {  	_ =	swait.ge @p1 [sflag:s25], $0x1000  }
0x160: {  	[sflag:s25] =	ssyncset.done @p1 $0x0  }
0x161: {  	s29 =	sadd.s32 @!p1 $0x140, s18;
	s30 =	simm.s32 @!p1 $0x4800;
	[sflag:s25] =	ssyncadd.s32 @p1 $0xFFFFF000  }
0x162: {  	[tilespmem:s30], [sflag:$0x3] =	stream.indirect.gather @!p1 [hbm4b:s1+s19], $0x80, s29, s19, $0xb8;
	[tilespmem:$0x1E400] =	vst v63  }
0x163: {  	s29 =	simm.s32 @!p1 $0x4  }
0x164: {  	_ =	swait.ge @!p1 [sflag:s29], $0x1000  }
0x165: {  	[sflag:s29] =	ssyncset.done @!p1 $0x0  }
0x166: {  	s30 =	simm.s32 @!p1 $0x5800;
	[sflag:s29] =	ssyncadd.s32 @!p1 $0xFFFFF000;
	s29 =	sadd.s32 @!p1 $0x1460, s18  }
0x167: {  	[spmem:s3] =	stream.indirect.scatter.add.f32 @!p1 [tilespmem:s30], [sflag:$0x9], $0x80, s29, s19, $0xb8;
	[tilespmem:$0x1E400] =	vst v63  }
0x168: {  	_ =	swait.ge @!p1 [sflag:s28], $0x1000  }
0x169: {  	[sflag:s28] =	ssyncset.done @!p1 $0x0  }
0x16a: {  	s29 =	sadd.s32 @!p1 $0x160, s18;
	[sflag:s28] =	ssyncadd.s32 @!p1 $0xFFFFF000  }
0x16b: {  	[tilespmem:s30], [sflag:$0x4] =	stream.indirect.gather @!p1 [hbm4b:s1+s19], $0x80, s29, s19, $0xb8;
	[tilespmem:$0x1E400] =	vst v63  }
0x16c: {  	_ =	swait.ge [sflag:s14], $0x1000  }
0x16d: {  	[sflag:s14] =	ssyncset.done $0x0  }
0x16e: {  	s30 =	sadd.s32 $0x1480, s6;
	[sflag:s14] =	ssyncadd.s32 $0xFFFFF000  }
0x16f: {  	[spmem:s3] =	stream.indirect.scatter.add.f32 [tilespmem:s31], [sflag:$0x9], $0x80, s30, s22, $0xb8;
	[tilespmem:$0x1E400] =	vst v63  }
0x170: {  	_ =	swait.ge [sflag:s20], $0x1000  }
0x171: {  	[sflag:s20] =	ssyncset.done $0x0  }
0x172: {  	s29 =	simm.s32 @p1 $0x6;
	[sflag:s20] =	ssyncadd.s32 $0xFFFFF000  }
0x173: {  	_ =	swait.ge @p1 [sflag:s29], $0x1000  }
0x174: {  	[sflag:s29] =	ssyncset.done @p1 $0x0  }
0x175: {  	s21 =	sadd.s32 @p1 $0x14A0, s21;
	[sflag:s29] =	ssyncadd.s32 @p1 $0xFFFFF000;
	s29 =	simm.s32 @p1 $0x7800  }
0x176: {  	[spmem:s3] =	stream.indirect.scatter.add.f32 @p1 [tilespmem:s29], [sflag:$0x9], $0x80, s21, s24, $0xb8;
	[tilespmem:$0x1E400] =	vst v63  }
0x177: {  	_ =	swait.ge @p1 [sflag:s25], $0x1000  }
0x178: {  	[sflag:s25] =	ssyncset.done @p1 $0x0  }
0x179: {  	s21 =	sadd.s32 @!p1 $0x180, s18;
	s24 =	simm.s32 @!p1 $0x6800;
	[sflag:s25] =	ssyncadd.s32 @p1 $0xFFFFF000  }
0x17a: {  	[tilespmem:s24], [sflag:$0x5] =	stream.indirect.gather @!p1 [hbm4b:s1+s19], $0x80, s21, s19, $0xb8;
	[tilespmem:$0x1E400] =	vst v63  }
0x17b: {  	s21 =	simm.s32 @!p1 $0x6  }
0x17c: {  	_ =	swait.ge @!p1 [sflag:s21], $0x1000  }
0x17d: {  	[sflag:s21] =	ssyncset.done @!p1 $0x0  }
0x17e: {  	s24 =	simm.s32 @!p1 $0x7800;
	[sflag:s21] =	ssyncadd.s32 @!p1 $0xFFFFF000;
	s21 =	sadd.s32 @!p1 $0x14A0, s18  }
0x17f: {  	[spmem:s3] =	stream.indirect.scatter.add.f32 @!p1 [tilespmem:s24], [sflag:$0x9], $0x80, s21, s19, $0xb8;
	[tilespmem:$0x1E400] =	vst v63  }
0x180: {  	_ =	swait.ge @!p1 [sflag:s28], $0x1000  }
0x181: {  	[sflag:s28] =	ssyncset.done @!p1 $0x0  }
0x182: {  	s18 =	sadd.s32 @!p1 $0x1A0, s18;
	[sflag:s28] =	ssyncadd.s32 @!p1 $0xFFFFF000  }
0x183: {  	[tilespmem:s24], [sflag:$0x6] =	stream.indirect.gather @!p1 [hbm4b:s1+s19], $0x80, s18, s19, $0xb8;
	[tilespmem:$0x1E400] =	vst v63  }
0x184: {  	_ =	swait.ge [sflag:s15], $0x1000  }
0x185: {  	[sflag:s15] =	ssyncset.done $0x0  }
.Ltmp7:
0x186: {  	s30 =	sadd.s32 $0x14C0, s6;
	[sflag:s15] =	ssyncadd.s32 $0xFFFFF000;
	(pc) =	sbr.rel @p1 .LBB2_8-.Ltmp7, $4  }
0x187: {  	[spmem:s3] =	stream.indirect.scatter.add.f32 [tilespmem:s9], [sflag:$0x9], $0x80, s30, s22, $0xb8;
	[tilespmem:$0x1E400] =	vst v63  }
0x188: {  	_ =	swait.ge [sflag:s20], $0x1000  }
0x189: {  	[sflag:s20] =	ssyncset.done $0x0  }
0x18a: {  	s18 =	sadd.s32 $0x14E0, s6;
	[sflag:s20] =	ssyncadd.s32 $0xFFFFF000  }
0x18b: {  	s19 =	sadd.s32 $0x1C0, s6  }
0x18c: {  	[tilespmem:s9], [sflag:$0x7] =	stream.indirect.gather [hbm4b:s1+s22], $0x80, s19, s22, $0xb8;
	[tilespmem:$0x1E400] =	vst v63  }
0x18d: {  	_ =	swait.ge [sflag:s16], $0x1000  }
0x18e: {  	[sflag:s16] =	ssyncset.done $0x0  }
0x18f: {  	[sflag:s16] =	ssyncadd.s32 $0xFFFFF000  }
0x190: {  	[spmem:s3] =	stream.indirect.scatter.add.f32 [tilespmem:s11], [sflag:$0x9], $0x80, s18, s22, $0xb8;
	[tilespmem:$0x1E400] =	vst v63  }
.Ltmp8:
0x191: {  	_ = 	snop;
	(pc) =	sbr.rel .LBB2_6-.Ltmp8, $4  }
0x192: {  	_ =	swait.ge [sflag:s20], $0x1000  }
0x193: {  	[sflag:s20] =	ssyncset.done $0x0  }
0x194: {  	s30 =	sadd.s32 $0x1E0, s6;
	s5 =	sadd.s32 $0x400, s5;
	[sflag:s20] =	ssyncadd.s32 $0xFFFFF000  }
0x195: {  	[tilespmem:s11], [sflag:$0x8] =	stream.indirect.gather [hbm4b:s1+s22], $0x80, s30, s22, $0xb8;
	[tilespmem:$0x1E400] =	vst v63  }
.LBB2_8:
0x196: {  	_ =	swait.ge [sflag:s16], $0x1000  }
0x197: {  	[sflag:s16] =	ssyncset.done $0x0  }
0x198: {  	[sflag:s16] =	ssyncadd.s32 $0xFFFFF000  }
0x199: {  	[spmem:s3] =	stream.indirect.scatter.add.f32 [tilespmem:s11], [sflag:$0x9], $0x80, s18, s22, $0xb8;
	[tilespmem:$0x1E400] =	vst v63  }
0x19a: {  	_ =	swait.ge [sflag:s20], $0x1000  }
0x19b: {  	[sflag:s20] =	ssyncset.done $0x0  }
0x19c: {  	s5 =	simm.s32 $0x0;
	s6 =	rddreg [dreg:$0xd];
	[sflag:s20] =	ssyncadd.s32 $0xFFFFF000  }
0x19d: {  	[tilespmem:s5], [sflag:$0x9] =	stream.linear.gather [hbm4b:s6+s5], $0x1400, $0x38;
	[tilespmem:$0x1E400] =	vst v63  }
0x19e: {  	_ =	swait.ge [sflag:s20], $0x1400  }
0x19f: {  	[sflag:s20] =	ssyncset.done $0x0  }
0x1a0: {  	s21 =	simm.s32 $0x1400;
	s19 =	rddreg [dreg:$0xe];
	[sflag:s20] =	ssyncadd.s32 $0xFFFFEC00  }
0x1a1: {  	[tilespmem:s21], [sflag:$0x9] =	stream.linear.gather [hbm4b:s19+s5], $0x1400, $0x38;
	[tilespmem:$0x1E400] =	vst v63  }
0x1a2: {  	_ =	swait.ge [sflag:s20], $0x1400  }
0x1a3: {  	[sflag:s20] =	ssyncset.done $0x0  }
0x1a4: {  	[sflag:s20] =	ssyncadd.s32 $0xFFFFEC00  }
0x1a5: {  	[tilespmem:s23], [sflag:$0x1] =	stream.indirect.gather [hbm4b:s1+s22], $0x80, s5, s22, $0xb8;
	[tilespmem:$0x1E400] =	vst v63  }
0x1a6: {  	s24 =	simm.s32 $0x3800  }
0x1a7: {  	[tilespmem:s24], [sflag:$0x2] =	stream.indirect.gather [hbm4b:s1+s22], $0x80, s22, s22, $0xb8;
	[tilespmem:$0x1E400] =	vst v63  }
0x1a8: {  	s25 =	simm.s32 $0x40  }
0x1a9: {  	[tilespmem:s26], [sflag:$0x3] =	stream.indirect.gather [hbm4b:s1+s22], $0x80, s25, s22, $0xb8;
	[tilespmem:$0x1E400] =	vst v63  }
0x1aa: {  	s28 =	simm.s32 $0x60;
	s29 =	simm.s32 $0x5800  }
0x1ab: {  	[tilespmem:s29], [sflag:$0x4] =	stream.indirect.gather [hbm4b:s1+s22], $0x80, s28, s22, $0xb8;
	[tilespmem:$0x1E400] =	vst v63  }
0x1ac: {  	s30 =	simm.s32 $0x80  }
0x1ad: {  	[tilespmem:s31], [sflag:$0x5] =	stream.indirect.gather [hbm4b:s1+s22], $0x80, s30, s22, $0xb8;
	[tilespmem:$0x1E400] =	vst v63  }
0x1ae: {  	_ = 	snop  }
0x1af: {  	[tilespmem:s2], [sflag:$0x6] =	stream.indirect.gather [hbm4b:s1+s22], $0x80, s0, s22, $0xb8;
	[tilespmem:$0x1E400] =	vst v63  }
0x1b0: {  	_ = 	snop  }
0x1b1: {  	[tilespmem:s9], [sflag:$0x7] =	stream.indirect.gather [hbm4b:s1+s22], $0x80, s8, s22, $0xb8;
	[tilespmem:$0x1E400] =	vst v63  }
0x1b2: {  	_ = 	snop  }
0x1b3: {  	[tilespmem:s11], [sflag:$0x8] =	stream.indirect.gather [hbm4b:s1+s22], $0x80, s10, s22, $0xb8;
	[tilespmem:$0x1E400] =	vst v63  }
.LBB2_9:
0x1b4: {  	_ =	swait.ge [sflag:s12], $0x1000  }
0x1b5: {  	s6 =	sshra.s32 s5, $0x2;
	[sflag:s12] =	ssyncset.done $0x0  }
0x1b6: {  	s18 =	sadd.s32 $0x1400, s6;
	[sflag:s12] =	ssyncadd.s32 $0xFFFFF000  }
0x1b7: {  	[spmem:s3] =	stream.indirect.scatter.add.f32 [tilespmem:s23], [sflag:$0x9], $0x80, s18, s22, $0xb8;
	[tilespmem:$0x1E400] =	vst v63  }
0x1b8: {  	_ =	swait.ge [sflag:s20], $0x1000  }
0x1b9: {  	p1 =	seq.s32 s5, $0x4C00;
	[sflag:s20] =	ssyncset.done $0x0  }
0x1ba: {  	s18 =	simm.s32 @p1 $0x2;
	[sflag:s20] =	ssyncadd.s32 $0xFFFFF000  }
0x1bb: {  	s21 =	sshra.s32 @p1 s5, $0x2;
	_ =	swait.ge @p1 [sflag:s18], $0x1000  }
0x1bc: {  	s24 =	simm.s32 @p1 $0x20;
	s19 =	simm.s32 @p1 $0x3800;
	[sflag:s18] =	ssyncset.done @p1 $0x0  }
0x1bd: {  	s25 =	simm.s32 @p1 $0x9;
	[sflag:s18] =	ssyncadd.s32 @p1 $0xFFFFF000;
	s18 =	sadd.s32 @p1 $0x1420, s21  }
0x1be: {  	[spmem:s3] =	stream.indirect.scatter.add.f32 @p1 [tilespmem:s19], [sflag:$0x9], $0x80, s18, s24, $0xb8;
	[tilespmem:$0x1E400] =	vst v63  }
0x1bf: {  	_ =	swait.ge @p1 [sflag:s25], $0x1000  }
0x1c0: {  	s29 =	simm.s32 @!p1 $0x2800;
	s18 =	sshra.s32 @!p1 s5, $0x2;
	[sflag:s25] =	ssyncset.done @p1 $0x0  }
0x1c1: {  	s19 =	simm.s32 @!p1 $0x20;
	s28 =	sadd.s32 @!p1 $0x100, s18;
	[sflag:s25] =	ssyncadd.s32 @p1 $0xFFFFF000  }
0x1c2: {  	[tilespmem:s29], [sflag:$0x1] =	stream.indirect.gather @!p1 [hbm4b:s1+s19], $0x80, s28, s19, $0xb8;
	[tilespmem:$0x1E400] =	vst v63  }
0x1c3: {  	s28 =	simm.s32 @!p1 $0x2  }
0x1c4: {  	_ =	swait.ge @!p1 [sflag:s28], $0x1000  }
0x1c5: {  	[sflag:s28] =	ssyncset.done @!p1 $0x0  }
0x1c6: {  	s29 =	simm.s32 @!p1 $0x3800;
	[sflag:s28] =	ssyncadd.s32 @!p1 $0xFFFFF000;
	s28 =	sadd.s32 @!p1 $0x1420, s18  }
0x1c7: {  	[spmem:s3] =	stream.indirect.scatter.add.f32 @!p1 [tilespmem:s29], [sflag:$0x9], $0x80, s28, s19, $0xb8;
	[tilespmem:$0x1E400] =	vst v63  }
0x1c8: {  	s28 =	simm.s32 @!p1 $0x9  }
0x1c9: {  	_ =	swait.ge @!p1 [sflag:s28], $0x1000  }
0x1ca: {  	[sflag:s28] =	ssyncset.done @!p1 $0x0  }
0x1cb: {  	s30 =	sadd.s32 @!p1 $0x120, s18;
	[sflag:s28] =	ssyncadd.s32 @!p1 $0xFFFFF000  }
0x1cc: {  	[tilespmem:s29], [sflag:$0x2] =	stream.indirect.gather @!p1 [hbm4b:s1+s19], $0x80, s30, s19, $0xb8;
	[tilespmem:$0x1E400] =	vst v63  }
0x1cd: {  	_ =	swait.ge [sflag:s13], $0x1000  }
0x1ce: {  	[sflag:s13] =	ssyncset.done $0x0  }
0x1cf: {  	s30 =	sadd.s32 $0x1440, s6;
	[sflag:s13] =	ssyncadd.s32 $0xFFFFF000  }
0x1d0: {  	[spmem:s3] =	stream.indirect.scatter.add.f32 [tilespmem:s26], [sflag:$0x9], $0x80, s30, s22, $0xb8;
	[tilespmem:$0x1E400] =	vst v63  }
0x1d1: {  	_ =	swait.ge [sflag:s20], $0x1000  }
0x1d2: {  	[sflag:s20] =	ssyncset.done $0x0  }
0x1d3: {  	s29 =	simm.s32 @p1 $0x4;
	[sflag:s20] =	ssyncadd.s32 $0xFFFFF000  }
0x1d4: {  	_ =	swait.ge @p1 [sflag:s29], $0x1000  }
0x1d5: {  	[sflag:s29] =	ssyncset.done @p1 $0x0  }
0x1d6: {  	s30 =	simm.s32 @p1 $0x5800;
	[sflag:s29] =	ssyncadd.s32 @p1 $0xFFFFF000;
	s29 =	sadd.s32 @p1 $0x1460, s21  }
0x1d7: {  	[spmem:s3] =	stream.indirect.scatter.add.f32 @p1 [tilespmem:s30], [sflag:$0x9], $0x80, s29, s24, $0xb8;
	[tilespmem:$0x1E400] =	vst v63  }
0x1d8: {  	_ =	swait.ge @p1 [sflag:s25], $0x1000  }
0x1d9: {  	[sflag:s25] =	ssyncset.done @p1 $0x0  }
0x1da: {  	s29 =	sadd.s32 @!p1 $0x140, s18;
	s30 =	simm.s32 @!p1 $0x4800;
	[sflag:s25] =	ssyncadd.s32 @p1 $0xFFFFF000  }
0x1db: {  	[tilespmem:s30], [sflag:$0x3] =	stream.indirect.gather @!p1 [hbm4b:s1+s19], $0x80, s29, s19, $0xb8;
	[tilespmem:$0x1E400] =	vst v63  }
0x1dc: {  	s29 =	simm.s32 @!p1 $0x4  }
0x1dd: {  	_ =	swait.ge @!p1 [sflag:s29], $0x1000  }
0x1de: {  	[sflag:s29] =	ssyncset.done @!p1 $0x0  }
0x1df: {  	s30 =	simm.s32 @!p1 $0x5800;
	[sflag:s29] =	ssyncadd.s32 @!p1 $0xFFFFF000;
	s29 =	sadd.s32 @!p1 $0x1460, s18  }
0x1e0: {  	[spmem:s3] =	stream.indirect.scatter.add.f32 @!p1 [tilespmem:s30], [sflag:$0x9], $0x80, s29, s19, $0xb8;
	[tilespmem:$0x1E400] =	vst v63  }
0x1e1: {  	_ =	swait.ge @!p1 [sflag:s28], $0x1000  }
0x1e2: {  	[sflag:s28] =	ssyncset.done @!p1 $0x0  }
0x1e3: {  	s29 =	sadd.s32 @!p1 $0x160, s18;
	[sflag:s28] =	ssyncadd.s32 @!p1 $0xFFFFF000  }
0x1e4: {  	[tilespmem:s30], [sflag:$0x4] =	stream.indirect.gather @!p1 [hbm4b:s1+s19], $0x80, s29, s19, $0xb8;
	[tilespmem:$0x1E400] =	vst v63  }
0x1e5: {  	_ =	swait.ge [sflag:s14], $0x1000  }
0x1e6: {  	[sflag:s14] =	ssyncset.done $0x0  }
0x1e7: {  	s30 =	sadd.s32 $0x1480, s6;
	[sflag:s14] =	ssyncadd.s32 $0xFFFFF000  }
0x1e8: {  	[spmem:s3] =	stream.indirect.scatter.add.f32 [tilespmem:s31], [sflag:$0x9], $0x80, s30, s22, $0xb8;
	[tilespmem:$0x1E400] =	vst v63  }
0x1e9: {  	_ =	swait.ge [sflag:s20], $0x1000  }
0x1ea: {  	[sflag:s20] =	ssyncset.done $0x0  }
0x1eb: {  	s29 =	simm.s32 @p1 $0x6;
	[sflag:s20] =	ssyncadd.s32 $0xFFFFF000  }
0x1ec: {  	_ =	swait.ge @p1 [sflag:s29], $0x1000  }
0x1ed: {  	[sflag:s29] =	ssyncset.done @p1 $0x0  }
0x1ee: {  	s21 =	sadd.s32 @p1 $0x14A0, s21;
	[sflag:s29] =	ssyncadd.s32 @p1 $0xFFFFF000;
	s29 =	simm.s32 @p1 $0x7800  }
0x1ef: {  	[spmem:s3] =	stream.indirect.scatter.add.f32 @p1 [tilespmem:s29], [sflag:$0x9], $0x80, s21, s24, $0xb8;
	[tilespmem:$0x1E400] =	vst v63  }
0x1f0: {  	_ =	swait.ge @p1 [sflag:s25], $0x1000  }
0x1f1: {  	[sflag:s25] =	ssyncset.done @p1 $0x0  }
0x1f2: {  	s21 =	sadd.s32 @!p1 $0x180, s18;
	s24 =	simm.s32 @!p1 $0x6800;
	[sflag:s25] =	ssyncadd.s32 @p1 $0xFFFFF000  }
0x1f3: {  	[tilespmem:s24], [sflag:$0x5] =	stream.indirect.gather @!p1 [hbm4b:s1+s19], $0x80, s21, s19, $0xb8;
	[tilespmem:$0x1E400] =	vst v63  }
0x1f4: {  	s21 =	simm.s32 @!p1 $0x6  }
0x1f5: {  	_ =	swait.ge @!p1 [sflag:s21], $0x1000  }
0x1f6: {  	[sflag:s21] =	ssyncset.done @!p1 $0x0  }
0x1f7: {  	s24 =	simm.s32 @!p1 $0x7800;
	[sflag:s21] =	ssyncadd.s32 @!p1 $0xFFFFF000;
	s21 =	sadd.s32 @!p1 $0x14A0, s18  }
0x1f8: {  	[spmem:s3] =	stream.indirect.scatter.add.f32 @!p1 [tilespmem:s24], [sflag:$0x9], $0x80, s21, s19, $0xb8;
	[tilespmem:$0x1E400] =	vst v63  }
0x1f9: {  	_ =	swait.ge @!p1 [sflag:s28], $0x1000  }
0x1fa: {  	[sflag:s28] =	ssyncset.done @!p1 $0x0  }
0x1fb: {  	s18 =	sadd.s32 @!p1 $0x1A0, s18;
	[sflag:s28] =	ssyncadd.s32 @!p1 $0xFFFFF000  }
0x1fc: {  	[tilespmem:s24], [sflag:$0x6] =	stream.indirect.gather @!p1 [hbm4b:s1+s19], $0x80, s18, s19, $0xb8;
	[tilespmem:$0x1E400] =	vst v63  }
0x1fd: {  	_ =	swait.ge [sflag:s15], $0x1000  }
0x1fe: {  	[sflag:s15] =	ssyncset.done $0x0  }
.Ltmp9:
0x1ff: {  	s30 =	sadd.s32 $0x14C0, s6;
	[sflag:s15] =	ssyncadd.s32 $0xFFFFF000;
	(pc) =	sbr.rel @p1 .LBB2_11-.Ltmp9, $4  }
0x200: {  	[spmem:s3] =	stream.indirect.scatter.add.f32 [tilespmem:s9], [sflag:$0x9], $0x80, s30, s22, $0xb8;
	[tilespmem:$0x1E400] =	vst v63  }
0x201: {  	_ =	swait.ge [sflag:s20], $0x1000  }
0x202: {  	[sflag:s20] =	ssyncset.done $0x0  }
0x203: {  	s18 =	sadd.s32 $0x14E0, s6;
	[sflag:s20] =	ssyncadd.s32 $0xFFFFF000  }
0x204: {  	s19 =	sadd.s32 $0x1C0, s6  }
0x205: {  	[tilespmem:s9], [sflag:$0x7] =	stream.indirect.gather [hbm4b:s1+s22], $0x80, s19, s22, $0xb8;
	[tilespmem:$0x1E400] =	vst v63  }
0x206: {  	_ =	swait.ge [sflag:s16], $0x1000  }
0x207: {  	[sflag:s16] =	ssyncset.done $0x0  }
0x208: {  	[sflag:s16] =	ssyncadd.s32 $0xFFFFF000  }
0x209: {  	[spmem:s3] =	stream.indirect.scatter.add.f32 [tilespmem:s11], [sflag:$0x9], $0x80, s18, s22, $0xb8;
	[tilespmem:$0x1E400] =	vst v63  }
.Ltmp10:
0x20a: {  	_ = 	snop;
	(pc) =	sbr.rel .LBB2_9-.Ltmp10, $4  }
0x20b: {  	_ =	swait.ge [sflag:s20], $0x1000  }
0x20c: {  	[sflag:s20] =	ssyncset.done $0x0  }
0x20d: {  	s30 =	sadd.s32 $0x1E0, s6;
	s5 =	sadd.s32 $0x400, s5;
	[sflag:s20] =	ssyncadd.s32 $0xFFFFF000  }
0x20e: {  	[tilespmem:s11], [sflag:$0x8] =	stream.indirect.gather [hbm4b:s1+s22], $0x80, s30, s22, $0xb8;
	[tilespmem:$0x1E400] =	vst v63  }
.LBB2_11:
0x20f: {  	_ =	swait.ge [sflag:s16], $0x1000  }
0x210: {  	[sflag:s16] =	ssyncset.done $0x0  }
0x211: {  	[sflag:s16] =	ssyncadd.s32 $0xFFFFF000  }
0x212: {  	[spmem:s3] =	stream.indirect.scatter.add.f32 [tilespmem:s11], [sflag:$0x9], $0x80, s18, s22, $0xb8;
	[tilespmem:$0x1E400] =	vst v63  }
0x213: {  	_ =	swait.ge [sflag:s20], $0x1000  }
0x214: {  	[sflag:s20] =	ssyncset.done $0x0  }
0x215: {  	s5 =	simm.s32 $0x0;
	s6 =	rddreg [dreg:$0xf];
	[sflag:s20] =	ssyncadd.s32 $0xFFFFF000  }
0x216: {  	[tilespmem:s5], [sflag:$0x9] =	stream.linear.gather [hbm4b:s6+s5], $0x1000, $0x38;
	[tilespmem:$0x1E400] =	vst v63  }
0x217: {  	_ =	swait.ge [sflag:s20], $0x1000  }
0x218: {  	[sflag:s20] =	ssyncset.done $0x0  }
0x219: {  	s21 =	simm.s32 $0x1400;
	s19 =	rddreg [dreg:$0x10];
	[sflag:s20] =	ssyncadd.s32 $0xFFFFF000  }
0x21a: {  	[tilespmem:s21], [sflag:$0x9] =	stream.linear.gather [hbm4b:s19+s5], $0x1000, $0x38;
	[tilespmem:$0x1E400] =	vst v63  }
0x21b: {  	_ =	swait.ge [sflag:s20], $0x1000  }
0x21c: {  	[sflag:s20] =	ssyncset.done $0x0  }
0x21d: {  	[sflag:s20] =	ssyncadd.s32 $0xFFFFF000  }
0x21e: {  	[tilespmem:s23], [sflag:$0x1] =	stream.indirect.gather [hbm4b:s1+s22], $0x80, s5, s22, $0xb8;
	[tilespmem:$0x1E400] =	vst v63  }
0x21f: {  	s24 =	simm.s32 $0x3800  }
0x220: {  	[tilespmem:s24], [sflag:$0x2] =	stream.indirect.gather [hbm4b:s1+s22], $0x80, s22, s22, $0xb8;
	[tilespmem:$0x1E400] =	vst v63  }
0x221: {  	s25 =	simm.s32 $0x40  }
0x222: {  	[tilespmem:s26], [sflag:$0x3] =	stream.indirect.gather [hbm4b:s1+s22], $0x80, s25, s22, $0xb8;
	[tilespmem:$0x1E400] =	vst v63  }
0x223: {  	s28 =	simm.s32 $0x60;
	s29 =	simm.s32 $0x5800  }
0x224: {  	[tilespmem:s29], [sflag:$0x4] =	stream.indirect.gather [hbm4b:s1+s22], $0x80, s28, s22, $0xb8;
	[tilespmem:$0x1E400] =	vst v63  }
0x225: {  	s30 =	simm.s32 $0x80  }
0x226: {  	[tilespmem:s31], [sflag:$0x5] =	stream.indirect.gather [hbm4b:s1+s22], $0x80, s30, s22, $0xb8;
	[tilespmem:$0x1E400] =	vst v63  }
0x227: {  	_ = 	snop  }
0x228: {  	[tilespmem:s2], [sflag:$0x6] =	stream.indirect.gather [hbm4b:s1+s22], $0x80, s0, s22, $0xb8;
	[tilespmem:$0x1E400] =	vst v63  }
0x229: {  	_ = 	snop  }
0x22a: {  	[tilespmem:s9], [sflag:$0x7] =	stream.indirect.gather [hbm4b:s1+s22], $0x80, s8, s22, $0xb8;
	[tilespmem:$0x1E400] =	vst v63  }
0x22b: {  	_ = 	snop  }
0x22c: {  	[tilespmem:s11], [sflag:$0x8] =	stream.indirect.gather [hbm4b:s1+s22], $0x80, s10, s22, $0xb8;
	[tilespmem:$0x1E400] =	vst v63  }
.LBB2_12:
0x22d: {  	_ =	swait.ge [sflag:s12], $0x1000  }
0x22e: {  	s6 =	sshra.s32 s5, $0x2;
	[sflag:s12] =	ssyncset.done $0x0  }
0x22f: {  	s18 =	sadd.s32 $0x1400, s6;
	[sflag:s12] =	ssyncadd.s32 $0xFFFFF000  }
0x230: {  	[spmem:s3] =	stream.indirect.scatter.add.f32 [tilespmem:s23], [sflag:$0x9], $0x80, s18, s22, $0xb8;
	[tilespmem:$0x1E400] =	vst v63  }
0x231: {  	_ =	swait.ge [sflag:s20], $0x1000  }
0x232: {  	p1 =	seq.s32 s5, $0x3C00;
	[sflag:s20] =	ssyncset.done $0x0  }
0x233: {  	s18 =	simm.s32 @p1 $0x2;
	[sflag:s20] =	ssyncadd.s32 $0xFFFFF000  }
0x234: {  	s21 =	sshra.s32 @p1 s5, $0x2;
	_ =	swait.ge @p1 [sflag:s18], $0x1000  }
0x235: {  	s24 =	simm.s32 @p1 $0x20;
	s19 =	simm.s32 @p1 $0x3800;
	[sflag:s18] =	ssyncset.done @p1 $0x0  }
0x236: {  	s25 =	simm.s32 @p1 $0x9;
	[sflag:s18] =	ssyncadd.s32 @p1 $0xFFFFF000;
	s18 =	sadd.s32 @p1 $0x1420, s21  }
0x237: {  	[spmem:s3] =	stream.indirect.scatter.add.f32 @p1 [tilespmem:s19], [sflag:$0x9], $0x80, s18, s24, $0xb8;
	[tilespmem:$0x1E400] =	vst v63  }
0x238: {  	_ =	swait.ge @p1 [sflag:s25], $0x1000  }
0x239: {  	s29 =	simm.s32 @!p1 $0x2800;
	s18 =	sshra.s32 @!p1 s5, $0x2;
	[sflag:s25] =	ssyncset.done @p1 $0x0  }
0x23a: {  	s19 =	simm.s32 @!p1 $0x20;
	s28 =	sadd.s32 @!p1 $0x100, s18;
	[sflag:s25] =	ssyncadd.s32 @p1 $0xFFFFF000  }
0x23b: {  	[tilespmem:s29], [sflag:$0x1] =	stream.indirect.gather @!p1 [hbm4b:s1+s19], $0x80, s28, s19, $0xb8;
	[tilespmem:$0x1E400] =	vst v63  }
0x23c: {  	s28 =	simm.s32 @!p1 $0x2  }
0x23d: {  	_ =	swait.ge @!p1 [sflag:s28], $0x1000  }
0x23e: {  	[sflag:s28] =	ssyncset.done @!p1 $0x0  }
0x23f: {  	s29 =	simm.s32 @!p1 $0x3800;
	[sflag:s28] =	ssyncadd.s32 @!p1 $0xFFFFF000;
	s28 =	sadd.s32 @!p1 $0x1420, s18  }
0x240: {  	[spmem:s3] =	stream.indirect.scatter.add.f32 @!p1 [tilespmem:s29], [sflag:$0x9], $0x80, s28, s19, $0xb8;
	[tilespmem:$0x1E400] =	vst v63  }
0x241: {  	s28 =	simm.s32 @!p1 $0x9  }
0x242: {  	_ =	swait.ge @!p1 [sflag:s28], $0x1000  }
0x243: {  	[sflag:s28] =	ssyncset.done @!p1 $0x0  }
0x244: {  	s30 =	sadd.s32 @!p1 $0x120, s18;
	[sflag:s28] =	ssyncadd.s32 @!p1 $0xFFFFF000  }
0x245: {  	[tilespmem:s29], [sflag:$0x2] =	stream.indirect.gather @!p1 [hbm4b:s1+s19], $0x80, s30, s19, $0xb8;
	[tilespmem:$0x1E400] =	vst v63  }
0x246: {  	_ =	swait.ge [sflag:s13], $0x1000  }
0x247: {  	[sflag:s13] =	ssyncset.done $0x0  }
0x248: {  	s30 =	sadd.s32 $0x1440, s6;
	[sflag:s13] =	ssyncadd.s32 $0xFFFFF000  }
0x249: {  	[spmem:s3] =	stream.indirect.scatter.add.f32 [tilespmem:s26], [sflag:$0x9], $0x80, s30, s22, $0xb8;
	[tilespmem:$0x1E400] =	vst v63  }
0x24a: {  	_ =	swait.ge [sflag:s20], $0x1000  }
0x24b: {  	[sflag:s20] =	ssyncset.done $0x0  }
0x24c: {  	s29 =	simm.s32 @p1 $0x4;
	[sflag:s20] =	ssyncadd.s32 $0xFFFFF000  }
0x24d: {  	_ =	swait.ge @p1 [sflag:s29], $0x1000  }
0x24e: {  	[sflag:s29] =	ssyncset.done @p1 $0x0  }
0x24f: {  	s30 =	simm.s32 @p1 $0x5800;
	[sflag:s29] =	ssyncadd.s32 @p1 $0xFFFFF000;
	s29 =	sadd.s32 @p1 $0x1460, s21  }
0x250: {  	[spmem:s3] =	stream.indirect.scatter.add.f32 @p1 [tilespmem:s30], [sflag:$0x9], $0x80, s29, s24, $0xb8;
	[tilespmem:$0x1E400] =	vst v63  }
0x251: {  	_ =	swait.ge @p1 [sflag:s25], $0x1000  }
0x252: {  	[sflag:s25] =	ssyncset.done @p1 $0x0  }
0x253: {  	s29 =	sadd.s32 @!p1 $0x140, s18;
	s30 =	simm.s32 @!p1 $0x4800;
	[sflag:s25] =	ssyncadd.s32 @p1 $0xFFFFF000  }
0x254: {  	[tilespmem:s30], [sflag:$0x3] =	stream.indirect.gather @!p1 [hbm4b:s1+s19], $0x80, s29, s19, $0xb8;
	[tilespmem:$0x1E400] =	vst v63  }
0x255: {  	s29 =	simm.s32 @!p1 $0x4  }
0x256: {  	_ =	swait.ge @!p1 [sflag:s29], $0x1000  }
0x257: {  	[sflag:s29] =	ssyncset.done @!p1 $0x0  }
0x258: {  	s30 =	simm.s32 @!p1 $0x5800;
	[sflag:s29] =	ssyncadd.s32 @!p1 $0xFFFFF000;
	s29 =	sadd.s32 @!p1 $0x1460, s18  }
0x259: {  	[spmem:s3] =	stream.indirect.scatter.add.f32 @!p1 [tilespmem:s30], [sflag:$0x9], $0x80, s29, s19, $0xb8;
	[tilespmem:$0x1E400] =	vst v63  }
0x25a: {  	_ =	swait.ge @!p1 [sflag:s28], $0x1000  }
0x25b: {  	[sflag:s28] =	ssyncset.done @!p1 $0x0  }
0x25c: {  	s29 =	sadd.s32 @!p1 $0x160, s18;
	[sflag:s28] =	ssyncadd.s32 @!p1 $0xFFFFF000  }
0x25d: {  	[tilespmem:s30], [sflag:$0x4] =	stream.indirect.gather @!p1 [hbm4b:s1+s19], $0x80, s29, s19, $0xb8;
	[tilespmem:$0x1E400] =	vst v63  }
0x25e: {  	_ =	swait.ge [sflag:s14], $0x1000  }
0x25f: {  	[sflag:s14] =	ssyncset.done $0x0  }
0x260: {  	s30 =	sadd.s32 $0x1480, s6;
	[sflag:s14] =	ssyncadd.s32 $0xFFFFF000  }
0x261: {  	[spmem:s3] =	stream.indirect.scatter.add.f32 [tilespmem:s31], [sflag:$0x9], $0x80, s30, s22, $0xb8;
	[tilespmem:$0x1E400] =	vst v63  }
0x262: {  	_ =	swait.ge [sflag:s20], $0x1000  }
0x263: {  	[sflag:s20] =	ssyncset.done $0x0  }
0x264: {  	s29 =	simm.s32 @p1 $0x6;
	[sflag:s20] =	ssyncadd.s32 $0xFFFFF000  }
0x265: {  	_ =	swait.ge @p1 [sflag:s29], $0x1000  }
0x266: {  	[sflag:s29] =	ssyncset.done @p1 $0x0  }
0x267: {  	s21 =	sadd.s32 @p1 $0x14A0, s21;
	[sflag:s29] =	ssyncadd.s32 @p1 $0xFFFFF000;
	s29 =	simm.s32 @p1 $0x7800  }
0x268: {  	[spmem:s3] =	stream.indirect.scatter.add.f32 @p1 [tilespmem:s29], [sflag:$0x9], $0x80, s21, s24, $0xb8;
	[tilespmem:$0x1E400] =	vst v63  }
0x269: {  	_ =	swait.ge @p1 [sflag:s25], $0x1000  }
0x26a: {  	[sflag:s25] =	ssyncset.done @p1 $0x0  }
0x26b: {  	s21 =	sadd.s32 @!p1 $0x180, s18;
	s24 =	simm.s32 @!p1 $0x6800;
	[sflag:s25] =	ssyncadd.s32 @p1 $0xFFFFF000  }
0x26c: {  	[tilespmem:s24], [sflag:$0x5] =	stream.indirect.gather @!p1 [hbm4b:s1+s19], $0x80, s21, s19, $0xb8;
	[tilespmem:$0x1E400] =	vst v63  }
0x26d: {  	s21 =	simm.s32 @!p1 $0x6  }
0x26e: {  	_ =	swait.ge @!p1 [sflag:s21], $0x1000  }
0x26f: {  	[sflag:s21] =	ssyncset.done @!p1 $0x0  }
0x270: {  	s24 =	simm.s32 @!p1 $0x7800;
	[sflag:s21] =	ssyncadd.s32 @!p1 $0xFFFFF000;
	s21 =	sadd.s32 @!p1 $0x14A0, s18  }
0x271: {  	[spmem:s3] =	stream.indirect.scatter.add.f32 @!p1 [tilespmem:s24], [sflag:$0x9], $0x80, s21, s19, $0xb8;
	[tilespmem:$0x1E400] =	vst v63  }
0x272: {  	_ =	swait.ge @!p1 [sflag:s28], $0x1000  }
0x273: {  	[sflag:s28] =	ssyncset.done @!p1 $0x0  }
0x274: {  	s18 =	sadd.s32 @!p1 $0x1A0, s18;
	[sflag:s28] =	ssyncadd.s32 @!p1 $0xFFFFF000  }
0x275: {  	[tilespmem:s24], [sflag:$0x6] =	stream.indirect.gather @!p1 [hbm4b:s1+s19], $0x80, s18, s19, $0xb8;
	[tilespmem:$0x1E400] =	vst v63  }
0x276: {  	_ =	swait.ge [sflag:s15], $0x1000  }
0x277: {  	[sflag:s15] =	ssyncset.done $0x0  }
.Ltmp11:
0x278: {  	s30 =	sadd.s32 $0x14C0, s6;
	[sflag:s15] =	ssyncadd.s32 $0xFFFFF000;
	(pc) =	sbr.rel @p1 .LBB2_17-.Ltmp11, $4  }
0x279: {  	[spmem:s3] =	stream.indirect.scatter.add.f32 [tilespmem:s9], [sflag:$0x9], $0x80, s30, s22, $0xb8;
	[tilespmem:$0x1E400] =	vst v63  }
0x27a: {  	_ =	swait.ge [sflag:s20], $0x1000  }
0x27b: {  	[sflag:s20] =	ssyncset.done $0x0  }
0x27c: {  	[sflag:s20] =	ssyncadd.s32 $0xFFFFF000  }
0x27d: {  	s18 =	sadd.s32 $0x1C0, s6  }
0x27e: {  	[tilespmem:s9], [sflag:$0x7] =	stream.indirect.gather [hbm4b:s1+s22], $0x80, s18, s22, $0xb8;
	[tilespmem:$0x1E400] =	vst v63  }
0x27f: {  	_ =	swait.ge [sflag:s16], $0x1000  }
0x280: {  	[sflag:s16] =	ssyncset.done $0x0  }
0x281: {  	s29 =	sadd.s32 $0x14E0, s6;
	[sflag:s16] =	ssyncadd.s32 $0xFFFFF000  }
0x282: {  	[spmem:s3] =	stream.indirect.scatter.add.f32 [tilespmem:s11], [sflag:$0x9], $0x80, s29, s22, $0xb8;
	[tilespmem:$0x1E400] =	vst v63  }
.Ltmp12:
0x283: {  	_ = 	snop;
	(pc) =	sbr.rel .LBB2_12-.Ltmp12, $4  }
0x284: {  	_ =	swait.ge [sflag:s20], $0x1000  }
0x285: {  	[sflag:s20] =	ssyncset.done $0x0  }
0x286: {  	s30 =	sadd.s32 $0x1E0, s6;
	s5 =	sadd.s32 $0x400, s5;
	[sflag:s20] =	ssyncadd.s32 $0xFFFFF000  }
0x287: {  	[tilespmem:s11], [sflag:$0x8] =	stream.indirect.gather [hbm4b:s1+s22], $0x80, s30, s22, $0xb8;
	[tilespmem:$0x1E400] =	vst v63  }
.LBB2_18:
0x288: {  	_ =	sfence.sel $0x180000  }
0x289: {  	[bflag:$0x0] =	sbarrier.arrive $0xFFFF  }
0x28a: {  	_ =	strace $0x90000047  }
0x28b: {  	s0 =	stileid.u32;
	[bflag:$0x2] =	sbarrier.arrive $0xFFFF  }
0x28c: {  	p0 =	sne.s32 s0, $0x0;
	s0 =	rddreg [dreg:$0x4]  }
0x28d: {  	s0 =	sadd.s32 @!p0 $0x100000, s0  }
0x28e: {  	[sflag:s0] =	ssyncadd.tile.s32 @!p0 $0x1;
	_ =	shalt  }
.Lfunc_end2:
_tile_overlayer_lowered:
.L_overlay_start_2:
0x28f: {  	(tag) =	ssettag $0x2  }
0x290: {  	s0 =	rddreg [dreg:$0x0];
	s2 =	stileid.u32  }
0x291: {  	s1 =	rddreg [dreg:$0x1];
	p0 =	sne.s32 s2, $0x0  }
0x292: {  	s3 =	rddreg [dreg:$0x2];
	[bflag:$0x3] =	sbarrier.arrive $0xFFFF;
	s2 =	simm.s32 @!p0 $0x1C09  }
0x293: {  	[timem:s3], [sflag:s2] =	dma.local @!p0 [hbm:s0], s1  }
0x294: {  	s0 =	simm.s32 @!p0 $0x9  }
0x295: {  	_ =	swait.ge @!p0 [sflag:s0], s1  }
0x296: {  	s1 =	ssub.s32 @!p0 $0x0, s1;
	[sflag:s0] =	ssyncset.done @!p0 $0x0  }
0x297: {  	[sflag:s0] =	ssyncadd.s32 @!p0 s1  }
0x298: {  	[bflag:$0x3] =	sbarrier.arrive $0xFFFF  }
0x299: {  	_ =	shalt  }

</sc_bundles>
